<compile_context>
chip_gen: v7x
topology: tpu7x:2x2x1
jax: 0.10.2.dev20260603
libtpu: 0.0.44.dev20260713+nightly
codegen_flags: <defaults>
</compile_context>

<pallas_src>
import functools

import jax
import jax.numpy as jnp
from jax import lax
from jax.experimental import pallas as pl
from jax.experimental.pallas import tpu as pltpu
from jax.experimental.pallas import tpu_sc as plsc

C = 16
H = 512
W = 512
B = 65536
D_FEAT = 16
HW = H * W
CHW = C * HW

_ROWS = 512
_LANES = 128

_NC = 2
_NS = 16
_NW = _NC * _NS
_BPW = B // _NW

_HB = 8



def _proj_body(m_ref, homo_ref, idx_ref, mask_ref):
    uvw = lax.dot_general(m_ref[...], homo_ref[...], (((1,), (0,)), ((), ())))
    for c in range(C):
        u = uvw[3 * c]
        v = uvw[3 * c + 1]
        w = uvw[3 * c + 2]
        x = u / w
        y = v / w
        ix = x.astype(jnp.int32)
        iy = y.astype(jnp.int32)
        mk = (ix >= 0) & (iy >= 0) & (iy < W) & (ix < H)
        idx_ref[c] = (jnp.where(mk, ix * W + iy, 0) + c * HW).reshape(_ROWS, _LANES)
        mask_ref[c] = mk.astype(jnp.int32).reshape(_ROWS, _LANES)


def _project(positions, M):
    homo = jnp.concatenate(
        [positions.T, jnp.ones((1, B), positions.dtype)], axis=0)
    m48 = M.reshape(C * 3, 4)
    idx, mask = pl.pallas_call(
        _proj_body,
        out_shape=(
            jax.ShapeDtypeStruct((C, _ROWS, _LANES), jnp.int32),
            jax.ShapeDtypeStruct((C, _ROWS, _LANES), jnp.int32),
        ),
        in_specs=[
            pl.BlockSpec(memory_space=pltpu.VMEM),
            pl.BlockSpec(memory_space=pltpu.VMEM),
        ],
    )(m48, homo)
    return idx.reshape(C * B), mask.reshape(C, B)



def _repack_body(feat_ref, img_ref, tabf_ref, tabi_ref):
    f = feat_ref[0]
    m = img_ref[0]
    tabf_ref[...] = jnp.transpose(f, (0, 2, 1)).reshape(_HB * W, D_FEAT)
    tabi_ref[:, 0:3] = jnp.transpose(m.reshape(3, _HB * W), (1, 0))


def _repack(features, images):
    featv = jnp.transpose(features, (0, 1, 3, 2))
    imgv = jnp.transpose(images, (0, 3, 1, 2))
    return pl.pallas_call(
        _repack_body,
        grid=(C, H // _HB),
        out_shape=(
            jax.ShapeDtypeStruct((CHW, D_FEAT), jnp.float32),
            jax.ShapeDtypeStruct((CHW, 8), jnp.float32),
        ),
        in_specs=[
            pl.BlockSpec((1, _HB, D_FEAT, W), lambda c, h: (c, h, 0, 0)),
            pl.BlockSpec((1, 3, _HB, W), lambda c, h: (c, 0, h, 0)),
        ],
        out_specs=(
            pl.BlockSpec((_HB * W, D_FEAT), lambda c, h: (c * (H // _HB) + h, 0)),
            pl.BlockSpec((_HB * W, 8), lambda c, h: (c * (H // _HB) + h, 0)),
        ),
    )(featv, imgv)



def _gather_body(idx_hbm, tabf_hbm, tabi_hbm, outf_cm, outimg_p,
                 idx_v, buff, bufi, bufp, sem_f, sem_i):
    wid = lax.axis_index("s") * _NC + lax.axis_index("c")
    b0 = wid * _BPW
    lanes = lax.iota(jnp.int32, 16)
    for c in range(C):
        pltpu.sync_copy(idx_hbm.at[pl.ds(c * B + b0, _BPW)], idx_v)
        cp_f = pltpu.async_copy(tabf_hbm.at[idx_v], buff, sem_f)
        cp_i = pltpu.async_copy(tabi_hbm.at[idx_v], bufi, sem_i)
        cp_f.wait()
        pltpu.sync_copy(buff, outf_cm.at[c, pl.ds(b0, _BPW)])
        cp_i.wait()

        def extract(j, _):
            rows = j * 16 + lanes
            for ch in range(3):
                vals = plsc.load_gather(bufi, [rows, jnp.full((16,), ch, jnp.int32)])
                bufp[ch, pl.ds(j * 16, 16)] = vals
            return 0

        lax.fori_loop(0, _BPW // 16, extract, 0)
        for ch in range(3):
            pltpu.sync_copy(bufp.at[ch], outimg_p.at[ch, c, pl.ds(b0, _BPW)])


@functools.cache
def _gather():
    return pl.kernel(
        _gather_body,
        out_type=(
            jax.ShapeDtypeStruct((C, B, D_FEAT), jnp.float32),
            jax.ShapeDtypeStruct((3, C, B), jnp.float32),
        ),
        mesh=plsc.VectorSubcoreMesh(core_axis_name="c", subcore_axis_name="s"),
        compiler_params=pltpu.CompilerParams(
            use_tc_tiling_on_sc=False, needs_layout_passes=False),
        scratch_types=[
            pltpu.VMEM((_BPW,), jnp.int32),
            pltpu.VMEM((_BPW, D_FEAT), jnp.float32),
            pltpu.VMEM((_BPW, 8), jnp.float32),
            pltpu.VMEM((3, _BPW), jnp.float32),
            pltpu.SemaphoreType.DMA,
            pltpu.SemaphoreType.DMA,
        ],
    )



def _tr_body(in_ref, out_ref):
    out_ref[0] = in_ref[0].T


def _feat_transpose(outf_cm):
    nb = 4096
    return pl.pallas_call(
        _tr_body,
        grid=(C, B // nb),
        out_shape=jax.ShapeDtypeStruct((C, D_FEAT, B), jnp.float32),
        in_specs=[pl.BlockSpec((1, nb, D_FEAT), lambda c, b: (c, b, 0))],
        out_specs=pl.BlockSpec((1, D_FEAT, nb), lambda c, b: (c, 0, b)),
    )(outf_cm)


def kernel(positions, images, features, M):
    idx, mask = _project(positions, M)
    tabf, tabi = _repack(features, images)
    outf_cm, outimg_p = _gather()(idx, tabf, tabi)
    outf_t = _feat_transpose(outf_cm)
    out_feat = jnp.transpose(outf_t, (2, 0, 1))
    out_img = jnp.transpose(outimg_p, (2, 1, 0))
    masks_t = mask.T != 0
    return out_img, out_feat, masks_t

# --- scband reference (transcript-rebuilt; emitter-appended) ---
"""Pipeline reference for scband-projector-44212393345207 (READ-ONLY COPY).

The authoritative reference and input builder live on the scoring server;
editing this copy changes nothing except your own understanding.
"""

import jax, jax.numpy as jnp
import numpy as np

N_CAMS = 16
H = 512
W = 512
B = 65536
D_FEAT = 16
FX = 500.0
FY = 500.0
CX = 256.0
CY = 256.0


def _build_M():
    # Mirrors Projector.__init__: c2ws -> w2cs -> M = intrinsic @ w2c
    rng = np.random.RandomState(0)
    Ms = []
    for i in range(N_CAMS):
        A = rng.randn(3, 3)
        Q, _ = np.linalg.qr(A)
        t = rng.randn(3) * 2.0
        c2w = np.eye(4)
        c2w[:3, :3] = Q
        c2w[:3, 3] = t
        w2c = np.linalg.inv(c2w)
        K = np.zeros((3, 4))
        K[0, 0] = -FX
        K[1, 1] = FY
        K[2, 2] = 1.0
        K[0, 2] = CX
        K[1, 2] = CY
        Ms.append(K @ w2c)
    return np.stack(Ms, axis=0).astype(np.float32)


def setup_inputs(seed: int = 0) -> dict:
    key = jax.random.key(seed)
    k1, k2, k3 = jax.random.split(key, 3)
    positions = jax.random.normal(k1, (B, 3), dtype=jnp.float32) * 2.0
    images = jax.random.uniform(k2, (N_CAMS, H, W, 3), dtype=jnp.float32)
    features = jax.random.normal(k3, (N_CAMS, H, W, D_FEAT), dtype=jnp.float32)
    M = jnp.asarray(_build_M())
    return {"positions": positions, "images": images, "features": features, "M": M}


def reference(positions, images, features, M):
    # positions_world_to_imaging_plane
    homo = jnp.concatenate([positions, jnp.ones((positions.shape[0], 1), dtype=positions.dtype)], axis=1)
    image_coord = jnp.einsum('cij,bj->cbi', M, homo)  # [C, B, 3]
    image_coord = image_coord / image_coord[..., -1:]
    ic = image_coord.astype(jnp.int32)
    masks = jnp.logical_and(
        jnp.logical_and(ic[..., 0] >= 0, ic[..., 1] >= 0),
        jnp.logical_and(ic[..., 1] < W, ic[..., 0] < H),
    )  # [C, B]
    ic2 = jnp.where(masks[..., None], ic[..., :2], 0)  # invalid coords -> 0, all in-range

    # fetch_corresponding_pixels: per-camera gather (memory-bound lookup)
    def gather_one(img, feat, idx):
        return img[idx[:, 0], idx[:, 1], :], feat[idx[:, 0], idx[:, 1], :]

    fetched, feats = jax.vmap(gather_one)(images, features, ic2)  # [C, B, 3], [C, B, D_FEAT]
    fetched = jnp.transpose(fetched, (1, 0, 2))  # stack(dim=1) -> [B, C, 3]
    feats = jnp.transpose(feats, (1, 0, 2))      # [B, C, D_FEAT]
    masks_t = masks.T                             # [B, C]
    return fetched, feats, masks_t

if __name__ == "__main__":
    import jax
    _d = setup_inputs()
    print(jax.jit(kernel)(*tuple(_d.values())))

</pallas_src>

<mosaic_0001>
#map = affine_map<(d0, d1) -> (0)>
#map1 = affine_map<(d0, d1) -> (0, 0)>
#map2 = affine_map<(d0, d1) -> (0, 0, 0)>
module attributes {stable_mosaic.version = 14 : i64} {
  func.func @_gather_body(%arg0: i32, %arg1: i32, %arg2: memref<1048576xi32, #tpu.memory_space<hbm>>, %arg3: memref<4194304x16xf32, #tpu.memory_space<hbm>>, %arg4: memref<4194304x8xf32, #tpu.memory_space<hbm>>, %arg5: memref<16x65536x16xf32, #tpu.memory_space<hbm>>, %arg6: memref<3x16x65536xf32, #tpu.memory_space<hbm>>, %arg7: memref<2048xi32, #tpu.memory_space<vmem>>, %arg8: memref<2048x16xf32, #tpu.memory_space<vmem>>, %arg9: memref<2048x8xf32, #tpu.memory_space<vmem>>, %arg10: memref<3x2048xf32, #tpu.memory_space<vmem>>, %arg11: memref<!tpu.dma_semaphore, #tpu.memory_space<semaphore_mem>>, %arg12: memref<!tpu.dma_semaphore, #tpu.memory_space<semaphore_mem>>) attributes {dimension_semantics = [#tpu.dimension_semantics<core_parallel>, #tpu.dimension_semantics<subcore_parallel>], iteration_bounds = array<i64: 2, 16>, scalar_prefetch = 0 : i64, scratch_operands = 6 : i64, tpu.core_type = #tpu.core_type<sc_vector_subcore>, window_params = [{transform_indices = #map}, {transform_indices = #map1}, {transform_indices = #map1}, {transform_indices = #map2}, {transform_indices = #map2}]} {
    %mul3A = arith.constant 2 : i32
    %mul3A_0 = arith.muli %arg1, %mul3A : i32
    %add3A = arith.addi %mul3A_0, %arg0 : i32
    %mul3A_1 = arith.constant 2048 : i32
    %mul3A_2 = arith.muli %add3A, %mul3A_1 : i32
    %iota3A = tpu.iota {dimensions = array<i32: 0>} : vector<16xi32>
    %add3A_3 = arith.constant 0 : i32
    %add3A_4 = arith.addi %add3A_3, %mul3A_2 : i32
    "tpu.region"() ({
      %run_scoped3A_495 = tpu.sem_alloc : memref<!tpu.dma_semaphore, #tpu.memory_space<semaphore_mem>>
      %dma_start3A_496 = tpu.memref_slice %arg2[%add3A_4] : memref<1048576xi32, #tpu.memory_space<hbm>> -> memref<2048xi32, #tpu.memory_space<hbm>>
      %dma_start3A_497 = tpu.memref_slice %arg2[%add3A_4] : memref<1048576xi32, #tpu.memory_space<hbm>> -> memref<2048xi32, #tpu.memory_space<hbm>>
      tpu.enqueue_dma source(%dma_start3A_497 : memref<2048xi32, #tpu.memory_space<hbm>>) target(%arg7 : memref<2048xi32, #tpu.memory_space<vmem>>) target_semaphore(%run_scoped3A_495 : memref<!tpu.dma_semaphore, #tpu.memory_space<semaphore_mem>>)
      %dma_wait3A_498 = tpu.memref_slice %arg2[%add3A_4] : memref<1048576xi32, #tpu.memory_space<hbm>> -> memref<2048xi32, #tpu.memory_space<hbm>>
      %dma_wait3A_499 = tpu.memref_slice %arg2[%add3A_4] : memref<1048576xi32, #tpu.memory_space<hbm>> -> memref<2048xi32, #tpu.memory_space<hbm>>
      tpu.wait_dma2 semaphore(%run_scoped3A_495 : memref<!tpu.dma_semaphore, #tpu.memory_space<semaphore_mem>>) src(%dma_wait3A_499 : memref<2048xi32, #tpu.memory_space<hbm>>) dst(%arg7 : memref<2048xi32, #tpu.memory_space<vmem>>)
      tpu.yield
    }) : () -> ()
    %dma_start3A = arith.constant 0 : i32
    %dma_start3A_5 = arith.constant 0 : i32
    %dma_start3A_6 = tpu.memref_slice %arg3[%dma_start3A, %dma_start3A_5] : memref<4194304x16xf32, #tpu.memory_space<hbm>> -> memref<4194304x16xf32, #tpu.memory_space<hbm>>
    tpu.enqueue_indirect_dma source(%dma_start3A_6 : memref<4194304x16xf32, #tpu.memory_space<hbm>>) target(%arg8 : memref<2048x16xf32, #tpu.memory_space<vmem>>) offsets(%arg7 : memref<2048xi32, #tpu.memory_space<vmem>>) semaphore(%arg11 : memref<!tpu.dma_semaphore, #tpu.memory_space<semaphore_mem>>)
    %dma_start3A_7 = arith.constant 0 : i32
    %dma_start3A_8 = arith.constant 0 : i32
    %dma_start3A_9 = tpu.memref_slice %arg4[%dma_start3A_7, %dma_start3A_8] : memref<4194304x8xf32, #tpu.memory_space<hbm>> -> memref<4194304x8xf32, #tpu.memory_space<hbm>>
    tpu.enqueue_indirect_dma source(%dma_start3A_9 : memref<4194304x8xf32, #tpu.memory_space<hbm>>) target(%arg9 : memref<2048x8xf32, #tpu.memory_space<vmem>>) offsets(%arg7 : memref<2048xi32, #tpu.memory_space<vmem>>) semaphore(%arg12 : memref<!tpu.dma_semaphore, #tpu.memory_space<semaphore_mem>>)
    %dma_wait3A = arith.constant 0 : i32
    %dma_wait3A_10 = arith.constant 0 : i32
    %dma_wait3A_11 = tpu.memref_slice %arg3[%dma_wait3A, %dma_wait3A_10] : memref<4194304x16xf32, #tpu.memory_space<hbm>> -> memref<4194304x16xf32, #tpu.memory_space<hbm>>
    tpu.wait_indirect_dma semaphore(%arg11 : memref<!tpu.dma_semaphore, #tpu.memory_space<semaphore_mem>>) src(%dma_wait3A_11 : memref<4194304x16xf32, #tpu.memory_space<hbm>>) dst(%arg8 : memref<2048x16xf32, #tpu.memory_space<vmem>>)
    %run_scoped3A = arith.constant 0 : i32
    "tpu.region"() ({
      %run_scoped3A_495 = tpu.sem_alloc : memref<!tpu.dma_semaphore, #tpu.memory_space<semaphore_mem>>
      %dma_start3A_496 = arith.constant 0 : i32
      %dma_start3A_497 = tpu.memref_slice %arg5[%run_scoped3A, %mul3A_2, %dma_start3A_496] : memref<16x65536x16xf32, #tpu.memory_space<hbm>> -> memref<1x2048x16xf32, #tpu.memory_space<hbm>>
      %dma_start3A_498 = tpu.memref_squeeze %dma_start3A_497 : memref<1x2048x16xf32, #tpu.memory_space<hbm>> -> memref<2048x16xf32, #tpu.memory_space<hbm>>
      %dma_start3A_499 = arith.constant 0 : i32
      %dma_start3A_500 = tpu.memref_slice %arg5[%run_scoped3A, %mul3A_2, %dma_start3A_499] : memref<16x65536x16xf32, #tpu.memory_space<hbm>> -> memref<1x2048x16xf32, #tpu.memory_space<hbm>>
      %dma_start3A_501 = tpu.memref_squeeze %dma_start3A_500 : memref<1x2048x16xf32, #tpu.memory_space<hbm>> -> memref<2048x16xf32, #tpu.memory_space<hbm>>
      tpu.enqueue_dma source(%arg8 : memref<2048x16xf32, #tpu.memory_space<vmem>>) target(%dma_start3A_501 : memref<2048x16xf32, #tpu.memory_space<hbm>>) target_semaphore(%run_scoped3A_495 : memref<!tpu.dma_semaphore, #tpu.memory_space<semaphore_mem>>)
      %dma_wait3A_502 = arith.constant 0 : i32
      %dma_wait3A_503 = tpu.memref_slice %arg5[%run_scoped3A, %mul3A_2, %dma_wait3A_502] : memref<16x65536x16xf32, #tpu.memory_space<hbm>> -> memref<1x2048x16xf32, #tpu.memory_space<hbm>>
      %dma_wait3A_504 = tpu.memref_squeeze %dma_wait3A_503 : memref<1x2048x16xf32, #tpu.memory_space<hbm>> -> memref<2048x16xf32, #tpu.memory_space<hbm>>
      %dma_wait3A_505 = arith.constant 0 : i32
      %dma_wait3A_506 = tpu.memref_slice %arg5[%run_scoped3A, %mul3A_2, %dma_wait3A_505] : memref<16x65536x16xf32, #tpu.memory_space<hbm>> -> memref<1x2048x16xf32, #tpu.memory_space<hbm>>
      %dma_wait3A_507 = tpu.memref_squeeze %dma_wait3A_506 : memref<1x2048x16xf32, #tpu.memory_space<hbm>> -> memref<2048x16xf32, #tpu.memory_space<hbm>>
      tpu.wait_dma2 semaphore(%run_scoped3A_495 : memref<!tpu.dma_semaphore, #tpu.memory_space<semaphore_mem>>) src(%arg8 : memref<2048x16xf32, #tpu.memory_space<vmem>>) dst(%dma_wait3A_507 : memref<2048x16xf32, #tpu.memory_space<hbm>>)
      tpu.yield
    }) : () -> ()
    %dma_wait3A_12 = arith.constant 0 : i32
    %dma_wait3A_13 = arith.constant 0 : i32
    %dma_wait3A_14 = tpu.memref_slice %arg4[%dma_wait3A_12, %dma_wait3A_13] : memref<4194304x8xf32, #tpu.memory_space<hbm>> -> memref<4194304x8xf32, #tpu.memory_space<hbm>>
    tpu.wait_indirect_dma semaphore(%arg12 : memref<!tpu.dma_semaphore, #tpu.memory_space<semaphore_mem>>) src(%dma_wait3A_14 : memref<4194304x8xf32, #tpu.memory_space<hbm>>) dst(%arg9 : memref<2048x8xf32, #tpu.memory_space<vmem>>)
    %scan3A = arith.constant 0 : i32
    %scan3A_15 = arith.constant 0 : i32
    %scan3A_16 = arith.constant 128 : i32
    %scan3A_17 = arith.addi %scan3A_15, %scan3A_16 : i32
    %scan3A_18 = arith.constant 1 : i32
    %scan3A_19 = scf.for %scan3A_495 = %scan3A_15 to %scan3A_17 step %scan3A_18 iter_args(%scan3A_496 = %scan3A) -> (i32)  : i32 {
      %mul3A_497 = arith.constant 16 : i32
      %mul3A_498 = arith.muli %scan3A_495, %mul3A_497 : i32
      %add3A_499 = vector.broadcast %mul3A_498 : i32 to vector<16xi32>
      %add3A_500 = arith.addi %add3A_499, %iota3A : vector<16xi32>
      %broadcast_in_dim3A = arith.constant 0 : i32
      %broadcast_in_dim3A_501 = vector.broadcast %broadcast_in_dim3A : i32 to vector<16xi32>
      %gather3A = tpu.vector_load_idx %arg9[%add3A_500, %broadcast_in_dim3A_501] : memref<2048x8xf32, #tpu.memory_space<vmem>>[vector<16xi32>, vector<16xi32>], vector<16xf32>,
      %mul3A_502 = arith.constant 16 : i32
      %mul3A_503 = arith.muli %scan3A_495, %mul3A_502 : i32
      %swap3A = arith.constant 0 : i32
      %swap3A_504 = arith.index_cast %swap3A : i32 to index
      %swap3A_505 = arith.index_cast %mul3A_503 : i32 to index
      %swap3A_506 = tpu.vector_load %arg10[%swap3A_504, %swap3A_505] {strides = array<i32>} : memref<3x2048xf32, #tpu.memory_space<vmem>>, vector<16xf32>,
      tpu.vector_store %arg10[%swap3A_504, %swap3A_505], %gather3A {strides = array<i32>} : memref<3x2048xf32, #tpu.memory_space<vmem>>, vector<16xf32>,
      %broadcast_in_dim3A_507 = arith.constant 1 : i32
      %broadcast_in_dim3A_508 = vector.broadcast %broadcast_in_dim3A_507 : i32 to vector<16xi32>
      %gather3A_509 = tpu.vector_load_idx %arg9[%add3A_500, %broadcast_in_dim3A_508] : memref<2048x8xf32, #tpu.memory_space<vmem>>[vector<16xi32>, vector<16xi32>], vector<16xf32>,
      %mul3A_510 = arith.constant 16 : i32
      %mul3A_511 = arith.muli %scan3A_495, %mul3A_510 : i32
      %swap3A_512 = arith.constant 1 : i32
      %swap3A_513 = arith.index_cast %swap3A_512 : i32 to index
      %swap3A_514 = arith.index_cast %mul3A_511 : i32 to index
      %swap3A_515 = tpu.vector_load %arg10[%swap3A_513, %swap3A_514] {strides = array<i32>} : memref<3x2048xf32, #tpu.memory_space<vmem>>, vector<16xf32>,
      tpu.vector_store %arg10[%swap3A_513, %swap3A_514], %gather3A_509 {strides = array<i32>} : memref<3x2048xf32, #tpu.memory_space<vmem>>, vector<16xf32>,
      %broadcast_in_dim3A_516 = arith.constant 2 : i32
      %broadcast_in_dim3A_517 = vector.broadcast %broadcast_in_dim3A_516 : i32 to vector<16xi32>
      %gather3A_518 = tpu.vector_load_idx %arg9[%add3A_500, %broadcast_in_dim3A_517] : memref<2048x8xf32, #tpu.memory_space<vmem>>[vector<16xi32>, vector<16xi32>], vector<16xf32>,
      %mul3A_519 = arith.constant 16 : i32
      %mul3A_520 = arith.muli %scan3A_495, %mul3A_519 : i32
      %swap3A_521 = arith.constant 2 : i32
      %swap3A_522 = arith.index_cast %swap3A_521 : i32 to index
      %swap3A_523 = arith.index_cast %mul3A_520 : i32 to index
      %swap3A_524 = tpu.vector_load %arg10[%swap3A_522, %swap3A_523] {strides = array<i32>} : memref<3x2048xf32, #tpu.memory_space<vmem>>, vector<16xf32>,
      tpu.vector_store %arg10[%swap3A_522, %swap3A_523], %gather3A_518 {strides = array<i32>} : memref<3x2048xf32, #tpu.memory_space<vmem>>, vector<16xf32>,
      %scan3A_525 = arith.constant 0 : i32
      scf.yield %scan3A_525 : i32
    }
    %scan3A_20 = arith.constant 128 : i32
    %run_scoped3A_21 = arith.constant 0 : i32
    %run_scoped3A_22 = arith.constant 0 : i32
    %run_scoped3A_23 = arith.constant 0 : i32
    "tpu.region"() ({
      %run_scoped3A_495 = tpu.sem_alloc : memref<!tpu.dma_semaphore, #tpu.memory_space<semaphore_mem>>
      %dma_start3A_496 = arith.constant 0 : i32
      %dma_start3A_497 = tpu.memref_slice %arg10[%run_scoped3A_21, %dma_start3A_496] : memref<3x2048xf32, #tpu.memory_space<vmem>> -> memref<1x2048xf32, #tpu.memory_space<vmem>>
      %dma_start3A_498 = tpu.memref_squeeze %dma_start3A_497 : memref<1x2048xf32, #tpu.memory_space<vmem>> -> memref<2048xf32, #tpu.memory_space<vmem>>
      %dma_start3A_499 = tpu.memref_slice %arg6[%run_scoped3A_22, %run_scoped3A_23, %mul3A_2] : memref<3x16x65536xf32, #tpu.memory_space<hbm>> -> memref<1x1x2048xf32, #tpu.memory_space<hbm>>
      %dma_start3A_500 = tpu.memref_squeeze %dma_start3A_499 : memref<1x1x2048xf32, #tpu.memory_space<hbm>> -> memref<2048xf32, #tpu.memory_space<hbm>>
      %dma_start3A_501 = tpu.memref_slice %arg6[%run_scoped3A_22, %run_scoped3A_23, %mul3A_2] : memref<3x16x65536xf32, #tpu.memory_space<hbm>> -> memref<1x1x2048xf32, #tpu.memory_space<hbm>>
      %dma_start3A_502 = tpu.memref_squeeze %dma_start3A_501 : memref<1x1x2048xf32, #tpu.memory_space<hbm>> -> memref<2048xf32, #tpu.memory_space<hbm>>
      %dma_start3A_503 = arith.constant 0 : i32
      %dma_start3A_504 = tpu.memref_slice %arg10[%run_scoped3A_21, %dma_start3A_503] : memref<3x2048xf32, #tpu.memory_space<vmem>> -> memref<1x2048xf32, #tpu.memory_space<vmem>>
      %dma_start3A_505 = tpu.memref_squeeze %dma_start3A_504 : memref<1x2048xf32, #tpu.memory_space<vmem>> -> memref<2048xf32, #tpu.memory_space<vmem>>
      tpu.enqueue_dma source(%dma_start3A_505 : memref<2048xf32, #tpu.memory_space<vmem>>) target(%dma_start3A_502 : memref<2048xf32, #tpu.memory_space<hbm>>) target_semaphore(%run_scoped3A_495 : memref<!tpu.dma_semaphore, #tpu.memory_space<semaphore_mem>>)
      %dma_wait3A_506 = arith.constant 0 : i32
      %dma_wait3A_507 = tpu.memref_slice %arg10[%run_scoped3A_21, %dma_wait3A_506] : memref<3x2048xf32, #tpu.memory_space<vmem>> -> memref<1x2048xf32, #tpu.memory_space<vmem>>
      %dma_wait3A_508 = tpu.memref_squeeze %dma_wait3A_507 : memref<1x2048xf32, #tpu.memory_space<vmem>> -> memref<2048xf32, #tpu.memory_space<vmem>>
      %dma_wait3A_509 = tpu.memref_slice %arg6[%run_scoped3A_22, %run_scoped3A_23, %mul3A_2] : memref<3x16x65536xf32, #tpu.memory_space<hbm>> -> memref<1x1x2048xf32, #tpu.memory_space<hbm>>
      %dma_wait3A_510 = tpu.memref_squeeze %dma_wait3A_509 : memref<1x1x2048xf32, #tpu.memory_space<hbm>> -> memref<2048xf32, #tpu.memory_space<hbm>>
      %dma_wait3A_511 = tpu.memref_slice %arg6[%run_scoped3A_22, %run_scoped3A_23, %mul3A_2] : memref<3x16x65536xf32, #tpu.memory_space<hbm>> -> memref<1x1x2048xf32, #tpu.memory_space<hbm>>
      %dma_wait3A_512 = tpu.memref_squeeze %dma_wait3A_511 : memref<1x1x2048xf32, #tpu.memory_space<hbm>> -> memref<2048xf32, #tpu.memory_space<hbm>>
      %dma_wait3A_513 = arith.constant 0 : i32
      %dma_wait3A_514 = tpu.memref_slice %arg10[%run_scoped3A_21, %dma_wait3A_513] : memref<3x2048xf32, #tpu.memory_space<vmem>> -> memref<1x2048xf32, #tpu.memory_space<vmem>>
      %dma_wait3A_515 = tpu.memref_squeeze %dma_wait3A_514 : memref<1x2048xf32, #tpu.memory_space<vmem>> -> memref<2048xf32, #tpu.memory_space<vmem>>
      tpu.wait_dma2 semaphore(%run_scoped3A_495 : memref<!tpu.dma_semaphore, #tpu.memory_space<semaphore_mem>>) src(%dma_wait3A_515 : memref<2048xf32, #tpu.memory_space<vmem>>) dst(%dma_wait3A_512 : memref<2048xf32, #tpu.memory_space<hbm>>)
      tpu.yield
    }) : () -> ()
    %run_scoped3A_24 = arith.constant 1 : i32
    %run_scoped3A_25 = arith.constant 1 : i32
    %run_scoped3A_26 = arith.constant 0 : i32
    "tpu.region"() ({
      %run_scoped3A_495 = tpu.sem_alloc : memref<!tpu.dma_semaphore, #tpu.memory_space<semaphore_mem>>
      %dma_start3A_496 = arith.constant 0 : i32
      %dma_start3A_497 = tpu.memref_slice %arg10[%run_scoped3A_24, %dma_start3A_496] : memref<3x2048xf32, #tpu.memory_space<vmem>> -> memref<1x2048xf32, #tpu.memory_space<vmem>>
      %dma_start3A_498 = tpu.memref_squeeze %dma_start3A_497 : memref<1x2048xf32, #tpu.memory_space<vmem>> -> memref<2048xf32, #tpu.memory_space<vmem>>
      %dma_start3A_499 = tpu.memref_slice %arg6[%run_scoped3A_25, %run_scoped3A_26, %mul3A_2] : memref<3x16x65536xf32, #tpu.memory_space<hbm>> -> memref<1x1x2048xf32, #tpu.memory_space<hbm>>
      %dma_start3A_500 = tpu.memref_squeeze %dma_start3A_499 : memref<1x1x2048xf32, #tpu.memory_space<hbm>> -> memref<2048xf32, #tpu.memory_space<hbm>>
      %dma_start3A_501 = tpu.memref_slice %arg6[%run_scoped3A_25, %run_scoped3A_26, %mul3A_2] : memref<3x16x65536xf32, #tpu.memory_space<hbm>> -> memref<1x1x2048xf32, #tpu.memory_space<hbm>>
      %dma_start3A_502 = tpu.memref_squeeze %dma_start3A_501 : memref<1x1x2048xf32, #tpu.memory_space<hbm>> -> memref<2048xf32, #tpu.memory_space<hbm>>
      %dma_start3A_503 = arith.constant 0 : i32
      %dma_start3A_504 = tpu.memref_slice %arg10[%run_scoped3A_24, %dma_start3A_503] : memref<3x2048xf32, #tpu.memory_space<vmem>> -> memref<1x2048xf32, #tpu.memory_space<vmem>>
      %dma_start3A_505 = tpu.memref_squeeze %dma_start3A_504 : memref<1x2048xf32, #tpu.memory_space<vmem>> -> memref<2048xf32, #tpu.memory_space<vmem>>
      tpu.enqueue_dma source(%dma_start3A_505 : memref<2048xf32, #tpu.memory_space<vmem>>) target(%dma_start3A_502 : memref<2048xf32, #tpu.memory_space<hbm>>) target_semaphore(%run_scoped3A_495 : memref<!tpu.dma_semaphore, #tpu.memory_space<semaphore_mem>>)
      %dma_wait3A_506 = arith.constant 0 : i32
      %dma_wait3A_507 = tpu.memref_slice %arg10[%run_scoped3A_24, %dma_wait3A_506] : memref<3x2048xf32, #tpu.memory_space<vmem>> -> memref<1x2048xf32, #tpu.memory_space<vmem>>
      %dma_wait3A_508 = tpu.memref_squeeze %dma_wait3A_507 : memref<1x2048xf32, #tpu.memory_space<vmem>> -> memref<2048xf32, #tpu.memory_space<vmem>>
      %dma_wait3A_509 = tpu.memref_slice %arg6[%run_scoped3A_25, %run_scoped3A_26, %mul3A_2] : memref<3x16x65536xf32, #tpu.memory_space<hbm>> -> memref<1x1x2048xf32, #tpu.memory_space<hbm>>
      %dma_wait3A_510 = tpu.memref_squeeze %dma_wait3A_509 : memref<1x1x2048xf32, #tpu.memory_space<hbm>> -> memref<2048xf32, #tpu.memory_space<hbm>>
      %dma_wait3A_511 = tpu.memref_slice %arg6[%run_scoped3A_25, %run_scoped3A_26, %mul3A_2] : memref<3x16x65536xf32, #tpu.memory_space<hbm>> -> memref<1x1x2048xf32, #tpu.memory_space<hbm>>
      %dma_wait3A_512 = tpu.memref_squeeze %dma_wait3A_511 : memref<1x1x2048xf32, #tpu.memory_space<hbm>> -> memref<2048xf32, #tpu.memory_space<hbm>>
      %dma_wait3A_513 = arith.constant 0 : i32
      %dma_wait3A_514 = tpu.memref_slice %arg10[%run_scoped3A_24, %dma_wait3A_513] : memref<3x2048xf32, #tpu.memory_space<vmem>> -> memref<1x2048xf32, #tpu.memory_space<vmem>>
      %dma_wait3A_515 = tpu.memref_squeeze %dma_wait3A_514 : memref<1x2048xf32, #tpu.memory_space<vmem>> -> memref<2048xf32, #tpu.memory_space<vmem>>
      tpu.wait_dma2 semaphore(%run_scoped3A_495 : memref<!tpu.dma_semaphore, #tpu.memory_space<semaphore_mem>>) src(%dma_wait3A_515 : memref<2048xf32, #tpu.memory_space<vmem>>) dst(%dma_wait3A_512 : memref<2048xf32, #tpu.memory_space<hbm>>)
      tpu.yield
    }) : () -> ()
    %run_scoped3A_27 = arith.constant 2 : i32
    %run_scoped3A_28 = arith.constant 2 : i32
    %run_scoped3A_29 = arith.constant 0 : i32
    "tpu.region"() ({
      %run_scoped3A_495 = tpu.sem_alloc : memref<!tpu.dma_semaphore, #tpu.memory_space<semaphore_mem>>
      %dma_start3A_496 = arith.constant 0 : i32
      %dma_start3A_497 = tpu.memref_slice %arg10[%run_scoped3A_27, %dma_start3A_496] : memref<3x2048xf32, #tpu.memory_space<vmem>> -> memref<1x2048xf32, #tpu.memory_space<vmem>>
      %dma_start3A_498 = tpu.memref_squeeze %dma_start3A_497 : memref<1x2048xf32, #tpu.memory_space<vmem>> -> memref<2048xf32, #tpu.memory_space<vmem>>
      %dma_start3A_499 = tpu.memref_slice %arg6[%run_scoped3A_28, %run_scoped3A_29, %mul3A_2] : memref<3x16x65536xf32, #tpu.memory_space<hbm>> -> memref<1x1x2048xf32, #tpu.memory_space<hbm>>
      %dma_start3A_500 = tpu.memref_squeeze %dma_start3A_499 : memref<1x1x2048xf32, #tpu.memory_space<hbm>> -> memref<2048xf32, #tpu.memory_space<hbm>>
      %dma_start3A_501 = tpu.memref_slice %arg6[%run_scoped3A_28, %run_scoped3A_29, %mul3A_2] : memref<3x16x65536xf32, #tpu.memory_space<hbm>> -> memref<1x1x2048xf32, #tpu.memory_space<hbm>>
      %dma_start3A_502 = tpu.memref_squeeze %dma_start3A_501 : memref<1x1x2048xf32, #tpu.memory_space<hbm>> -> memref<2048xf32, #tpu.memory_space<hbm>>
      %dma_start3A_503 = arith.constant 0 : i32
      %dma_start3A_504 = tpu.memref_slice %arg10[%run_scoped3A_27, %dma_start3A_503] : memref<3x2048xf32, #tpu.memory_space<vmem>> -> memref<1x2048xf32, #tpu.memory_space<vmem>>
      %dma_start3A_505 = tpu.memref_squeeze %dma_start3A_504 : memref<1x2048xf32, #tpu.memory_space<vmem>> -> memref<2048xf32, #tpu.memory_space<vmem>>
      tpu.enqueue_dma source(%dma_start3A_505 : memref<2048xf32, #tpu.memory_space<vmem>>) target(%dma_start3A_502 : memref<2048xf32, #tpu.memory_space<hbm>>) target_semaphore(%run_scoped3A_495 : memref<!tpu.dma_semaphore, #tpu.memory_space<semaphore_mem>>)
      %dma_wait3A_506 = arith.constant 0 : i32
      %dma_wait3A_507 = tpu.memref_slice %arg10[%run_scoped3A_27, %dma_wait3A_506] : memref<3x2048xf32, #tpu.memory_space<vmem>> -> memref<1x2048xf32, #tpu.memory_space<vmem>>
      %dma_wait3A_508 = tpu.memref_squeeze %dma_wait3A_507 : memref<1x2048xf32, #tpu.memory_space<vmem>> -> memref<2048xf32, #tpu.memory_space<vmem>>
      %dma_wait3A_509 = tpu.memref_slice %arg6[%run_scoped3A_28, %run_scoped3A_29, %mul3A_2] : memref<3x16x65536xf32, #tpu.memory_space<hbm>> -> memref<1x1x2048xf32, #tpu.memory_space<hbm>>
      %dma_wait3A_510 = tpu.memref_squeeze %dma_wait3A_509 : memref<1x1x2048xf32, #tpu.memory_space<hbm>> -> memref<2048xf32, #tpu.memory_space<hbm>>
      %dma_wait3A_511 = tpu.memref_slice %arg6[%run_scoped3A_28, %run_scoped3A_29, %mul3A_2] : memref<3x16x65536xf32, #tpu.memory_space<hbm>> -> memref<1x1x2048xf32, #tpu.memory_space<hbm>>
      %dma_wait3A_512 = tpu.memref_squeeze %dma_wait3A_511 : memref<1x1x2048xf32, #tpu.memory_space<hbm>> -> memref<2048xf32, #tpu.memory_space<hbm>>
      %dma_wait3A_513 = arith.constant 0 : i32
      %dma_wait3A_514 = tpu.memref_slice %arg10[%run_scoped3A_27, %dma_wait3A_513] : memref<3x2048xf32, #tpu.memory_space<vmem>> -> memref<1x2048xf32, #tpu.memory_space<vmem>>
      %dma_wait3A_515 = tpu.memref_squeeze %dma_wait3A_514 : memref<1x2048xf32, #tpu.memory_space<vmem>> -> memref<2048xf32, #tpu.memory_space<vmem>>
      tpu.wait_dma2 semaphore(%run_scoped3A_495 : memref<!tpu.dma_semaphore, #tpu.memory_space<semaphore_mem>>) src(%dma_wait3A_515 : memref<2048xf32, #tpu.memory_space<vmem>>) dst(%dma_wait3A_512 : memref<2048xf32, #tpu.memory_space<hbm>>)
      tpu.yield
    }) : () -> ()
    %add3A_30 = arith.constant 65536 : i32
    %add3A_31 = arith.addi %add3A_30, %mul3A_2 : i32
    "tpu.region"() ({
      %run_scoped3A_495 = tpu.sem_alloc : memref<!tpu.dma_semaphore, #tpu.memory_space<semaphore_mem>>
      %dma_start3A_496 = tpu.memref_slice %arg2[%add3A_31] : memref<1048576xi32, #tpu.memory_space<hbm>> -> memref<2048xi32, #tpu.memory_space<hbm>>
      %dma_start3A_497 = tpu.memref_slice %arg2[%add3A_31] : memref<1048576xi32, #tpu.memory_space<hbm>> -> memref<2048xi32, #tpu.memory_space<hbm>>
      tpu.enqueue_dma source(%dma_start3A_497 : memref<2048xi32, #tpu.memory_space<hbm>>) target(%arg7 : memref<2048xi32, #tpu.memory_space<vmem>>) target_semaphore(%run_scoped3A_495 : memref<!tpu.dma_semaphore, #tpu.memory_space<semaphore_mem>>)
      %dma_wait3A_498 = tpu.memref_slice %arg2[%add3A_31] : memref<1048576xi32, #tpu.memory_space<hbm>> -> memref<2048xi32, #tpu.memory_space<hbm>>
      %dma_wait3A_499 = tpu.memref_slice %arg2[%add3A_31] : memref<1048576xi32, #tpu.memory_space<hbm>> -> memref<2048xi32, #tpu.memory_space<hbm>>
      tpu.wait_dma2 semaphore(%run_scoped3A_495 : memref<!tpu.dma_semaphore, #tpu.memory_space<semaphore_mem>>) src(%dma_wait3A_499 : memref<2048xi32, #tpu.memory_space<hbm>>) dst(%arg7 : memref<2048xi32, #tpu.memory_space<vmem>>)
      tpu.yield
    }) : () -> ()
    %dma_start3A_32 = arith.constant 0 : i32
    %dma_start3A_33 = arith.constant 0 : i32
    %dma_start3A_34 = tpu.memref_slice %arg3[%dma_start3A_32, %dma_start3A_33] : memref<4194304x16xf32, #tpu.memory_space<hbm>> -> memref<4194304x16xf32, #tpu.memory_space<hbm>>
    tpu.enqueue_indirect_dma source(%dma_start3A_34 : memref<4194304x16xf32, #tpu.memory_space<hbm>>) target(%arg8 : memref<2048x16xf32, #tpu.memory_space<vmem>>) offsets(%arg7 : memref<2048xi32, #tpu.memory_space<vmem>>) semaphore(%arg11 : memref<!tpu.dma_semaphore, #tpu.memory_space<semaphore_mem>>)
    %dma_start3A_35 = arith.constant 0 : i32
    %dma_start3A_36 = arith.constant 0 : i32
    %dma_start3A_37 = tpu.memref_slice %arg4[%dma_start3A_35, %dma_start3A_36] : memref<4194304x8xf32, #tpu.memory_space<hbm>> -> memref<4194304x8xf32, #tpu.memory_space<hbm>>
    tpu.enqueue_indirect_dma source(%dma_start3A_37 : memref<4194304x8xf32, #tpu.memory_space<hbm>>) target(%arg9 : memref<2048x8xf32, #tpu.memory_space<vmem>>) offsets(%arg7 : memref<2048xi32, #tpu.memory_space<vmem>>) semaphore(%arg12 : memref<!tpu.dma_semaphore, #tpu.memory_space<semaphore_mem>>)
    %dma_wait3A_38 = arith.constant 0 : i32
    %dma_wait3A_39 = arith.constant 0 : i32
    %dma_wait3A_40 = tpu.memref_slice %arg3[%dma_wait3A_38, %dma_wait3A_39] : memref<4194304x16xf32, #tpu.memory_space<hbm>> -> memref<4194304x16xf32, #tpu.memory_space<hbm>>
    tpu.wait_indirect_dma semaphore(%arg11 : memref<!tpu.dma_semaphore, #tpu.memory_space<semaphore_mem>>) src(%dma_wait3A_40 : memref<4194304x16xf32, #tpu.memory_space<hbm>>) dst(%arg8 : memref<2048x16xf32, #tpu.memory_space<vmem>>)
    %run_scoped3A_41 = arith.constant 1 : i32
    "tpu.region"() ({
      %run_scoped3A_495 = tpu.sem_alloc : memref<!tpu.dma_semaphore, #tpu.memory_space<semaphore_mem>>
      %dma_start3A_496 = arith.constant 0 : i32
      %dma_start3A_497 = tpu.memref_slice %arg5[%run_scoped3A_41, %mul3A_2, %dma_start3A_496] : memref<16x65536x16xf32, #tpu.memory_space<hbm>> -> memref<1x2048x16xf32, #tpu.memory_space<hbm>>
      %dma_start3A_498 = tpu.memref_squeeze %dma_start3A_497 : memref<1x2048x16xf32, #tpu.memory_space<hbm>> -> memref<2048x16xf32, #tpu.memory_space<hbm>>
      %dma_start3A_499 = arith.constant 0 : i32
      %dma_start3A_500 = tpu.memref_slice %arg5[%run_scoped3A_41, %mul3A_2, %dma_start3A_499] : memref<16x65536x16xf32, #tpu.memory_space<hbm>> -> memref<1x2048x16xf32, #tpu.memory_space<hbm>>
      %dma_start3A_501 = tpu.memref_squeeze %dma_start3A_500 : memref<1x2048x16xf32, #tpu.memory_space<hbm>> -> memref<2048x16xf32, #tpu.memory_space<hbm>>
      tpu.enqueue_dma source(%arg8 : memref<2048x16xf32, #tpu.memory_space<vmem>>) target(%dma_start3A_501 : memref<2048x16xf32, #tpu.memory_space<hbm>>) target_semaphore(%run_scoped3A_495 : memref<!tpu.dma_semaphore, #tpu.memory_space<semaphore_mem>>)
      %dma_wait3A_502 = arith.constant 0 : i32
      %dma_wait3A_503 = tpu.memref_slice %arg5[%run_scoped3A_41, %mul3A_2, %dma_wait3A_502] : memref<16x65536x16xf32, #tpu.memory_space<hbm>> -> memref<1x2048x16xf32, #tpu.memory_space<hbm>>
      %dma_wait3A_504 = tpu.memref_squeeze %dma_wait3A_503 : memref<1x2048x16xf32, #tpu.memory_space<hbm>> -> memref<2048x16xf32, #tpu.memory_space<hbm>>
      %dma_wait3A_505 = arith.constant 0 : i32
      %dma_wait3A_506 = tpu.memref_slice %arg5[%run_scoped3A_41, %mul3A_2, %dma_wait3A_505] : memref<16x65536x16xf32, #tpu.memory_space<hbm>> -> memref<1x2048x16xf32, #tpu.memory_space<hbm>>
      %dma_wait3A_507 = tpu.memref_squeeze %dma_wait3A_506 : memref<1x2048x16xf32, #tpu.memory_space<hbm>> -> memref<2048x16xf32, #tpu.memory_space<hbm>>
      tpu.wait_dma2 semaphore(%run_scoped3A_495 : memref<!tpu.dma_semaphore, #tpu.memory_space<semaphore_mem>>) src(%arg8 : memref<2048x16xf32, #tpu.memory_space<vmem>>) dst(%dma_wait3A_507 : memref<2048x16xf32, #tpu.memory_space<hbm>>)
      tpu.yield
    }) : () -> ()
    %dma_wait3A_42 = arith.constant 0 : i32
    %dma_wait3A_43 = arith.constant 0 : i32
    %dma_wait3A_44 = tpu.memref_slice %arg4[%dma_wait3A_42, %dma_wait3A_43] : memref<4194304x8xf32, #tpu.memory_space<hbm>> -> memref<4194304x8xf32, #tpu.memory_space<hbm>>
    tpu.wait_indirect_dma semaphore(%arg12 : memref<!tpu.dma_semaphore, #tpu.memory_space<semaphore_mem>>) src(%dma_wait3A_44 : memref<4194304x8xf32, #tpu.memory_space<hbm>>) dst(%arg9 : memref<2048x8xf32, #tpu.memory_space<vmem>>)
    %scan3A_45 = arith.constant 0 : i32
    %scan3A_46 = arith.constant 0 : i32
    %scan3A_47 = arith.constant 128 : i32
    %scan3A_48 = arith.addi %scan3A_46, %scan3A_47 : i32
    %scan3A_49 = arith.constant 1 : i32
    %scan3A_50 = scf.for %scan3A_495 = %scan3A_46 to %scan3A_48 step %scan3A_49 iter_args(%scan3A_496 = %scan3A_45) -> (i32)  : i32 {
      %mul3A_497 = arith.constant 16 : i32
      %mul3A_498 = arith.muli %scan3A_495, %mul3A_497 : i32
      %add3A_499 = vector.broadcast %mul3A_498 : i32 to vector<16xi32>
      %add3A_500 = arith.addi %add3A_499, %iota3A : vector<16xi32>
      %broadcast_in_dim3A = arith.constant 0 : i32
      %broadcast_in_dim3A_501 = vector.broadcast %broadcast_in_dim3A : i32 to vector<16xi32>
      %gather3A = tpu.vector_load_idx %arg9[%add3A_500, %broadcast_in_dim3A_501] : memref<2048x8xf32, #tpu.memory_space<vmem>>[vector<16xi32>, vector<16xi32>], vector<16xf32>,
      %mul3A_502 = arith.constant 16 : i32
      %mul3A_503 = arith.muli %scan3A_495, %mul3A_502 : i32
      %swap3A = arith.constant 0 : i32
      %swap3A_504 = arith.index_cast %swap3A : i32 to index
      %swap3A_505 = arith.index_cast %mul3A_503 : i32 to index
      %swap3A_506 = tpu.vector_load %arg10[%swap3A_504, %swap3A_505] {strides = array<i32>} : memref<3x2048xf32, #tpu.memory_space<vmem>>, vector<16xf32>,
      tpu.vector_store %arg10[%swap3A_504, %swap3A_505], %gather3A {strides = array<i32>} : memref<3x2048xf32, #tpu.memory_space<vmem>>, vector<16xf32>,
      %broadcast_in_dim3A_507 = arith.constant 1 : i32
      %broadcast_in_dim3A_508 = vector.broadcast %broadcast_in_dim3A_507 : i32 to vector<16xi32>
      %gather3A_509 = tpu.vector_load_idx %arg9[%add3A_500, %broadcast_in_dim3A_508] : memref<2048x8xf32, #tpu.memory_space<vmem>>[vector<16xi32>, vector<16xi32>], vector<16xf32>,
      %mul3A_510 = arith.constant 16 : i32
      %mul3A_511 = arith.muli %scan3A_495, %mul3A_510 : i32
      %swap3A_512 = arith.constant 1 : i32
      %swap3A_513 = arith.index_cast %swap3A_512 : i32 to index
      %swap3A_514 = arith.index_cast %mul3A_511 : i32 to index
      %swap3A_515 = tpu.vector_load %arg10[%swap3A_513, %swap3A_514] {strides = array<i32>} : memref<3x2048xf32, #tpu.memory_space<vmem>>, vector<16xf32>,
      tpu.vector_store %arg10[%swap3A_513, %swap3A_514], %gather3A_509 {strides = array<i32>} : memref<3x2048xf32, #tpu.memory_space<vmem>>, vector<16xf32>,
      %broadcast_in_dim3A_516 = arith.constant 2 : i32
      %broadcast_in_dim3A_517 = vector.broadcast %broadcast_in_dim3A_516 : i32 to vector<16xi32>
      %gather3A_518 = tpu.vector_load_idx %arg9[%add3A_500, %broadcast_in_dim3A_517] : memref<2048x8xf32, #tpu.memory_space<vmem>>[vector<16xi32>, vector<16xi32>], vector<16xf32>,
      %mul3A_519 = arith.constant 16 : i32
      %mul3A_520 = arith.muli %scan3A_495, %mul3A_519 : i32
      %swap3A_521 = arith.constant 2 : i32
      %swap3A_522 = arith.index_cast %swap3A_521 : i32 to index
      %swap3A_523 = arith.index_cast %mul3A_520 : i32 to index
      %swap3A_524 = tpu.vector_load %arg10[%swap3A_522, %swap3A_523] {strides = array<i32>} : memref<3x2048xf32, #tpu.memory_space<vmem>>, vector<16xf32>,
      tpu.vector_store %arg10[%swap3A_522, %swap3A_523], %gather3A_518 {strides = array<i32>} : memref<3x2048xf32, #tpu.memory_space<vmem>>, vector<16xf32>,
      %scan3A_525 = arith.constant 0 : i32
      scf.yield %scan3A_525 : i32
    }
    %scan3A_51 = arith.constant 128 : i32
    %run_scoped3A_52 = arith.constant 0 : i32
    %run_scoped3A_53 = arith.constant 0 : i32
    %run_scoped3A_54 = arith.constant 1 : i32
    "tpu.region"() ({
      %run_scoped3A_495 = tpu.sem_alloc : memref<!tpu.dma_semaphore, #tpu.memory_space<semaphore_mem>>
      %dma_start3A_496 = arith.constant 0 : i32
      %dma_start3A_497 = tpu.memref_slice %arg10[%run_scoped3A_52, %dma_start3A_496] : memref<3x2048xf32, #tpu.memory_space<vmem>> -> memref<1x2048xf32, #tpu.memory_space<vmem>>
      %dma_start3A_498 = tpu.memref_squeeze %dma_start3A_497 : memref<1x2048xf32, #tpu.memory_space<vmem>> -> memref<2048xf32, #tpu.memory_space<vmem>>
      %dma_start3A_499 = tpu.memref_slice %arg6[%run_scoped3A_53, %run_scoped3A_54, %mul3A_2] : memref<3x16x65536xf32, #tpu.memory_space<hbm>> -> memref<1x1x2048xf32, #tpu.memory_space<hbm>>
      %dma_start3A_500 = tpu.memref_squeeze %dma_start3A_499 : memref<1x1x2048xf32, #tpu.memory_space<hbm>> -> memref<2048xf32, #tpu.memory_space<hbm>>
      %dma_start3A_501 = tpu.memref_slice %arg6[%run_scoped3A_53, %run_scoped3A_54, %mul3A_2] : memref<3x16x65536xf32, #tpu.memory_space<hbm>> -> memref<1x1x2048xf32, #tpu.memory_space<hbm>>
      %dma_start3A_502 = tpu.memref_squeeze %dma_start3A_501 : memref<1x1x2048xf32, #tpu.memory_space<hbm>> -> memref<2048xf32, #tpu.memory_space<hbm>>
      %dma_start3A_503 = arith.constant 0 : i32
      %dma_start3A_504 = tpu.memref_slice %arg10[%run_scoped3A_52, %dma_start3A_503] : memref<3x2048xf32, #tpu.memory_space<vmem>> -> memref<1x2048xf32, #tpu.memory_space<vmem>>
      %dma_start3A_505 = tpu.memref_squeeze %dma_start3A_504 : memref<1x2048xf32, #tpu.memory_space<vmem>> -> memref<2048xf32, #tpu.memory_space<vmem>>
      tpu.enqueue_dma source(%dma_start3A_505 : memref<2048xf32, #tpu.memory_space<vmem>>) target(%dma_start3A_502 : memref<2048xf32, #tpu.memory_space<hbm>>) target_semaphore(%run_scoped3A_495 : memref<!tpu.dma_semaphore, #tpu.memory_space<semaphore_mem>>)
      %dma_wait3A_506 = arith.constant 0 : i32
      %dma_wait3A_507 = tpu.memref_slice %arg10[%run_scoped3A_52, %dma_wait3A_506] : memref<3x2048xf32, #tpu.memory_space<vmem>> -> memref<1x2048xf32, #tpu.memory_space<vmem>>
      %dma_wait3A_508 = tpu.memref_squeeze %dma_wait3A_507 : memref<1x2048xf32, #tpu.memory_space<vmem>> -> memref<2048xf32, #tpu.memory_space<vmem>>
      %dma_wait3A_509 = tpu.memref_slice %arg6[%run_scoped3A_53, %run_scoped3A_54, %mul3A_2] : memref<3x16x65536xf32, #tpu.memory_space<hbm>> -> memref<1x1x2048xf32, #tpu.memory_space<hbm>>
      %dma_wait3A_510 = tpu.memref_squeeze %dma_wait3A_509 : memref<1x1x2048xf32, #tpu.memory_space<hbm>> -> memref<2048xf32, #tpu.memory_space<hbm>>
      %dma_wait3A_511 = tpu.memref_slice %arg6[%run_scoped3A_53, %run_scoped3A_54, %mul3A_2] : memref<3x16x65536xf32, #tpu.memory_space<hbm>> -> memref<1x1x2048xf32, #tpu.memory_space<hbm>>
      %dma_wait3A_512 = tpu.memref_squeeze %dma_wait3A_511 : memref<1x1x2048xf32, #tpu.memory_space<hbm>> -> memref<2048xf32, #tpu.memory_space<hbm>>
      %dma_wait3A_513 = arith.constant 0 : i32
      %dma_wait3A_514 = tpu.memref_slice %arg10[%run_scoped3A_52, %dma_wait3A_513] : memref<3x2048xf32, #tpu.memory_space<vmem>> -> memref<1x2048xf32, #tpu.memory_space<vmem>>
      %dma_wait3A_515 = tpu.memref_squeeze %dma_wait3A_514 : memref<1x2048xf32, #tpu.memory_space<vmem>> -> memref<2048xf32, #tpu.memory_space<vmem>>
      tpu.wait_dma2 semaphore(%run_scoped3A_495 : memref<!tpu.dma_semaphore, #tpu.memory_space<semaphore_mem>>) src(%dma_wait3A_515 : memref<2048xf32, #tpu.memory_space<vmem>>) dst(%dma_wait3A_512 : memref<2048xf32, #tpu.memory_space<hbm>>)
      tpu.yield
    }) : () -> ()
    %run_scoped3A_55 = arith.constant 1 : i32
    %run_scoped3A_56 = arith.constant 1 : i32
    %run_scoped3A_57 = arith.constant 1 : i32
    "tpu.region"() ({
      %run_scoped3A_495 = tpu.sem_alloc : memref<!tpu.dma_semaphore, #tpu.memory_space<semaphore_mem>>
      %dma_start3A_496 = arith.constant 0 : i32
      %dma_start3A_497 = tpu.memref_slice %arg10[%run_scoped3A_55, %dma_start3A_496] : memref<3x2048xf32, #tpu.memory_space<vmem>> -> memref<1x2048xf32, #tpu.memory_space<vmem>>
      %dma_start3A_498 = tpu.memref_squeeze %dma_start3A_497 : memref<1x2048xf32, #tpu.memory_space<vmem>> -> memref<2048xf32, #tpu.memory_space<vmem>>
      %dma_start3A_499 = tpu.memref_slice %arg6[%run_scoped3A_56, %run_scoped3A_57, %mul3A_2] : memref<3x16x65536xf32, #tpu.memory_space<hbm>> -> memref<1x1x2048xf32, #tpu.memory_space<hbm>>
      %dma_start3A_500 = tpu.memref_squeeze %dma_start3A_499 : memref<1x1x2048xf32, #tpu.memory_space<hbm>> -> memref<2048xf32, #tpu.memory_space<hbm>>
      %dma_start3A_501 = tpu.memref_slice %arg6[%run_scoped3A_56, %run_scoped3A_57, %mul3A_2] : memref<3x16x65536xf32, #tpu.memory_space<hbm>> -> memref<1x1x2048xf32, #tpu.memory_space<hbm>>
      %dma_start3A_502 = tpu.memref_squeeze %dma_start3A_501 : memref<1x1x2048xf32, #tpu.memory_space<hbm>> -> memref<2048xf32, #tpu.memory_space<hbm>>
      %dma_start3A_503 = arith.constant 0 : i32
      %dma_start3A_504 = tpu.memref_slice %arg10[%run_scoped3A_55, %dma_start3A_503] : memref<3x2048xf32, #tpu.memory_space<vmem>> -> memref<1x2048xf32, #tpu.memory_space<vmem>>
      %dma_start3A_505 = tpu.memref_squeeze %dma_start3A_504 : memref<1x2048xf32, #tpu.memory_space<vmem>> -> memref<2048xf32, #tpu.memory_space<vmem>>
      tpu.enqueue_dma source(%dma_start3A_505 : memref<2048xf32, #tpu.memory_space<vmem>>) target(%dma_start3A_502 : memref<2048xf32, #tpu.memory_space<hbm>>) target_semaphore(%run_scoped3A_495 : memref<!tpu.dma_semaphore, #tpu.memory_space<semaphore_mem>>)
      %dma_wait3A_506 = arith.constant 0 : i32
      %dma_wait3A_507 = tpu.memref_slice %arg10[%run_scoped3A_55, %dma_wait3A_506] : memref<3x2048xf32, #tpu.memory_space<vmem>> -> memref<1x2048xf32, #tpu.memory_space<vmem>>
      %dma_wait3A_508 = tpu.memref_squeeze %dma_wait3A_507 : memref<1x2048xf32, #tpu.memory_space<vmem>> -> memref<2048xf32, #tpu.memory_space<vmem>>
      %dma_wait3A_509 = tpu.memref_slice %arg6[%run_scoped3A_56, %run_scoped3A_57, %mul3A_2] : memref<3x16x65536xf32, #tpu.memory_space<hbm>> -> memref<1x1x2048xf32, #tpu.memory_space<hbm>>
      %dma_wait3A_510 = tpu.memref_squeeze %dma_wait3A_509 : memref<1x1x2048xf32, #tpu.memory_space<hbm>> -> memref<2048xf32, #tpu.memory_space<hbm>>
      %dma_wait3A_511 = tpu.memref_slice %arg6[%run_scoped3A_56, %run_scoped3A_57, %mul3A_2] : memref<3x16x65536xf32, #tpu.memory_space<hbm>> -> memref<1x1x2048xf32, #tpu.memory_space<hbm>>
      %dma_wait3A_512 = tpu.memref_squeeze %dma_wait3A_511 : memref<1x1x2048xf32, #tpu.memory_space<hbm>> -> memref<2048xf32, #tpu.memory_space<hbm>>
      %dma_wait3A_513 = arith.constant 0 : i32
      %dma_wait3A_514 = tpu.memref_slice %arg10[%run_scoped3A_55, %dma_wait3A_513] : memref<3x2048xf32, #tpu.memory_space<vmem>> -> memref<1x2048xf32, #tpu.memory_space<vmem>>
      %dma_wait3A_515 = tpu.memref_squeeze %dma_wait3A_514 : memref<1x2048xf32, #tpu.memory_space<vmem>> -> memref<2048xf32, #tpu.memory_space<vmem>>
      tpu.wait_dma2 semaphore(%run_scoped3A_495 : memref<!tpu.dma_semaphore, #tpu.memory_space<semaphore_mem>>) src(%dma_wait3A_515 : memref<2048xf32, #tpu.memory_space<vmem>>) dst(%dma_wait3A_512 : memref<2048xf32, #tpu.memory_space<hbm>>)
      tpu.yield
    }) : () -> ()
    %run_scoped3A_58 = arith.constant 2 : i32
    %run_scoped3A_59 = arith.constant 2 : i32
    %run_scoped3A_60 = arith.constant 1 : i32
    "tpu.region"() ({
      %run_scoped3A_495 = tpu.sem_alloc : memref<!tpu.dma_semaphore, #tpu.memory_space<semaphore_mem>>
      %dma_start3A_496 = arith.constant 0 : i32
      %dma_start3A_497 = tpu.memref_slice %arg10[%run_scoped3A_58, %dma_start3A_496] : memref<3x2048xf32, #tpu.memory_space<vmem>> -> memref<1x2048xf32, #tpu.memory_space<vmem>>
      %dma_start3A_498 = tpu.memref_squeeze %dma_start3A_497 : memref<1x2048xf32, #tpu.memory_space<vmem>> -> memref<2048xf32, #tpu.memory_space<vmem>>
      %dma_start3A_499 = tpu.memref_slice %arg6[%run_scoped3A_59, %run_scoped3A_60, %mul3A_2] : memref<3x16x65536xf32, #tpu.memory_space<hbm>> -> memref<1x1x2048xf32, #tpu.memory_space<hbm>>
      %dma_start3A_500 = tpu.memref_squeeze %dma_start3A_499 : memref<1x1x2048xf32, #tpu.memory_space<hbm>> -> memref<2048xf32, #tpu.memory_space<hbm>>
      %dma_start3A_501 = tpu.memref_slice %arg6[%run_scoped3A_59, %run_scoped3A_60, %mul3A_2] : memref<3x16x65536xf32, #tpu.memory_space<hbm>> -> memref<1x1x2048xf32, #tpu.memory_space<hbm>>
      %dma_start3A_502 = tpu.memref_squeeze %dma_start3A_501 : memref<1x1x2048xf32, #tpu.memory_space<hbm>> -> memref<2048xf32, #tpu.memory_space<hbm>>
      %dma_start3A_503 = arith.constant 0 : i32
      %dma_start3A_504 = tpu.memref_slice %arg10[%run_scoped3A_58, %dma_start3A_503] : memref<3x2048xf32, #tpu.memory_space<vmem>> -> memref<1x2048xf32, #tpu.memory_space<vmem>>
      %dma_start3A_505 = tpu.memref_squeeze %dma_start3A_504 : memref<1x2048xf32, #tpu.memory_space<vmem>> -> memref<2048xf32, #tpu.memory_space<vmem>>
      tpu.enqueue_dma source(%dma_start3A_505 : memref<2048xf32, #tpu.memory_space<vmem>>) target(%dma_start3A_502 : memref<2048xf32, #tpu.memory_space<hbm>>) target_semaphore(%run_scoped3A_495 : memref<!tpu.dma_semaphore, #tpu.memory_space<semaphore_mem>>)
      %dma_wait3A_506 = arith.constant 0 : i32
      %dma_wait3A_507 = tpu.memref_slice %arg10[%run_scoped3A_58, %dma_wait3A_506] : memref<3x2048xf32, #tpu.memory_space<vmem>> -> memref<1x2048xf32, #tpu.memory_space<vmem>>
      %dma_wait3A_508 = tpu.memref_squeeze %dma_wait3A_507 : memref<1x2048xf32, #tpu.memory_space<vmem>> -> memref<2048xf32, #tpu.memory_space<vmem>>
      %dma_wait3A_509 = tpu.memref_slice %arg6[%run_scoped3A_59, %run_scoped3A_60, %mul3A_2] : memref<3x16x65536xf32, #tpu.memory_space<hbm>> -> memref<1x1x2048xf32, #tpu.memory_space<hbm>>
      %dma_wait3A_510 = tpu.memref_squeeze %dma_wait3A_509 : memref<1x1x2048xf32, #tpu.memory_space<hbm>> -> memref<2048xf32, #tpu.memory_space<hbm>>
      %dma_wait3A_511 = tpu.memref_slice %arg6[%run_scoped3A_59, %run_scoped3A_60, %mul3A_2] : memref<3x16x65536xf32, #tpu.memory_space<hbm>> -> memref<1x1x2048xf32, #tpu.memory_space<hbm>>
      %dma_wait3A_512 = tpu.memref_squeeze %dma_wait3A_511 : memref<1x1x2048xf32, #tpu.memory_space<hbm>> -> memref<2048xf32, #tpu.memory_space<hbm>>
      %dma_wait3A_513 = arith.constant 0 : i32
      %dma_wait3A_514 = tpu.memref_slice %arg10[%run_scoped3A_58, %dma_wait3A_513] : memref<3x2048xf32, #tpu.memory_space<vmem>> -> memref<1x2048xf32, #tpu.memory_space<vmem>>
      %dma_wait3A_515 = tpu.memref_squeeze %dma_wait3A_514 : memref<1x2048xf32, #tpu.memory_space<vmem>> -> memref<2048xf32, #tpu.memory_space<vmem>>
      tpu.wait_dma2 semaphore(%run_scoped3A_495 : memref<!tpu.dma_semaphore, #tpu.memory_space<semaphore_mem>>) src(%dma_wait3A_515 : memref<2048xf32, #tpu.memory_space<vmem>>) dst(%dma_wait3A_512 : memref<2048xf32, #tpu.memory_space<hbm>>)
      tpu.yield
    }) : () -> ()
    %add3A_61 = arith.constant 131072 : i32
    %add3A_62 = arith.addi %add3A_61, %mul3A_2 : i32
    "tpu.region"() ({
      %run_scoped3A_495 = tpu.sem_alloc : memref<!tpu.dma_semaphore, #tpu.memory_space<semaphore_mem>>
      %dma_start3A_496 = tpu.memref_slice %arg2[%add3A_62] : memref<1048576xi32, #tpu.memory_space<hbm>> -> memref<2048xi32, #tpu.memory_space<hbm>>
      %dma_start3A_497 = tpu.memref_slice %arg2[%add3A_62] : memref<1048576xi32, #tpu.memory_space<hbm>> -> memref<2048xi32, #tpu.memory_space<hbm>>
      tpu.enqueue_dma source(%dma_start3A_497 : memref<2048xi32, #tpu.memory_space<hbm>>) target(%arg7 : memref<2048xi32, #tpu.memory_space<vmem>>) target_semaphore(%run_scoped3A_495 : memref<!tpu.dma_semaphore, #tpu.memory_space<semaphore_mem>>)
      %dma_wait3A_498 = tpu.memref_slice %arg2[%add3A_62] : memref<1048576xi32, #tpu.memory_space<hbm>> -> memref<2048xi32, #tpu.memory_space<hbm>>
      %dma_wait3A_499 = tpu.memref_slice %arg2[%add3A_62] : memref<1048576xi32, #tpu.memory_space<hbm>> -> memref<2048xi32, #tpu.memory_space<hbm>>
      tpu.wait_dma2 semaphore(%run_scoped3A_495 : memref<!tpu.dma_semaphore, #tpu.memory_space<semaphore_mem>>) src(%dma_wait3A_499 : memref<2048xi32, #tpu.memory_space<hbm>>) dst(%arg7 : memref<2048xi32, #tpu.memory_space<vmem>>)
      tpu.yield
    }) : () -> ()
    %dma_start3A_63 = arith.constant 0 : i32
    %dma_start3A_64 = arith.constant 0 : i32
    %dma_start3A_65 = tpu.memref_slice %arg3[%dma_start3A_63, %dma_start3A_64] : memref<4194304x16xf32, #tpu.memory_space<hbm>> -> memref<4194304x16xf32, #tpu.memory_space<hbm>>
    tpu.enqueue_indirect_dma source(%dma_start3A_65 : memref<4194304x16xf32, #tpu.memory_space<hbm>>) target(%arg8 : memref<2048x16xf32, #tpu.memory_space<vmem>>) offsets(%arg7 : memref<2048xi32, #tpu.memory_space<vmem>>) semaphore(%arg11 : memref<!tpu.dma_semaphore, #tpu.memory_space<semaphore_mem>>)
    %dma_start3A_66 = arith.constant 0 : i32
    %dma_start3A_67 = arith.constant 0 : i32
    %dma_start3A_68 = tpu.memref_slice %arg4[%dma_start3A_66, %dma_start3A_67] : memref<4194304x8xf32, #tpu.memory_space<hbm>> -> memref<4194304x8xf32, #tpu.memory_space<hbm>>
    tpu.enqueue_indirect_dma source(%dma_start3A_68 : memref<4194304x8xf32, #tpu.memory_space<hbm>>) target(%arg9 : memref<2048x8xf32, #tpu.memory_space<vmem>>) offsets(%arg7 : memref<2048xi32, #tpu.memory_space<vmem>>) semaphore(%arg12 : memref<!tpu.dma_semaphore, #tpu.memory_space<semaphore_mem>>)
    %dma_wait3A_69 = arith.constant 0 : i32
    %dma_wait3A_70 = arith.constant 0 : i32
    %dma_wait3A_71 = tpu.memref_slice %arg3[%dma_wait3A_69, %dma_wait3A_70] : memref<4194304x16xf32, #tpu.memory_space<hbm>> -> memref<4194304x16xf32, #tpu.memory_space<hbm>>
    tpu.wait_indirect_dma semaphore(%arg11 : memref<!tpu.dma_semaphore, #tpu.memory_space<semaphore_mem>>) src(%dma_wait3A_71 : memref<4194304x16xf32, #tpu.memory_space<hbm>>) dst(%arg8 : memref<2048x16xf32, #tpu.memory_space<vmem>>)
    %run_scoped3A_72 = arith.constant 2 : i32
    "tpu.region"() ({
      %run_scoped3A_495 = tpu.sem_alloc : memref<!tpu.dma_semaphore, #tpu.memory_space<semaphore_mem>>
      %dma_start3A_496 = arith.constant 0 : i32
      %dma_start3A_497 = tpu.memref_slice %arg5[%run_scoped3A_72, %mul3A_2, %dma_start3A_496] : memref<16x65536x16xf32, #tpu.memory_space<hbm>> -> memref<1x2048x16xf32, #tpu.memory_space<hbm>>
      %dma_start3A_498 = tpu.memref_squeeze %dma_start3A_497 : memref<1x2048x16xf32, #tpu.memory_space<hbm>> -> memref<2048x16xf32, #tpu.memory_space<hbm>>
      %dma_start3A_499 = arith.constant 0 : i32
      %dma_start3A_500 = tpu.memref_slice %arg5[%run_scoped3A_72, %mul3A_2, %dma_start3A_499] : memref<16x65536x16xf32, #tpu.memory_space<hbm>> -> memref<1x2048x16xf32, #tpu.memory_space<hbm>>
      %dma_start3A_501 = tpu.memref_squeeze %dma_start3A_500 : memref<1x2048x16xf32, #tpu.memory_space<hbm>> -> memref<2048x16xf32, #tpu.memory_space<hbm>>
      tpu.enqueue_dma source(%arg8 : memref<2048x16xf32, #tpu.memory_space<vmem>>) target(%dma_start3A_501 : memref<2048x16xf32, #tpu.memory_space<hbm>>) target_semaphore(%run_scoped3A_495 : memref<!tpu.dma_semaphore, #tpu.memory_space<semaphore_mem>>)
      %dma_wait3A_502 = arith.constant 0 : i32
      %dma_wait3A_503 = tpu.memref_slice %arg5[%run_scoped3A_72, %mul3A_2, %dma_wait3A_502] : memref<16x65536x16xf32, #tpu.memory_space<hbm>> -> memref<1x2048x16xf32, #tpu.memory_space<hbm>>
      %dma_wait3A_504 = tpu.memref_squeeze %dma_wait3A_503 : memref<1x2048x16xf32, #tpu.memory_space<hbm>> -> memref<2048x16xf32, #tpu.memory_space<hbm>>
      %dma_wait3A_505 = arith.constant 0 : i32
      %dma_wait3A_506 = tpu.memref_slice %arg5[%run_scoped3A_72, %mul3A_2, %dma_wait3A_505] : memref<16x65536x16xf32, #tpu.memory_space<hbm>> -> memref<1x2048x16xf32, #tpu.memory_space<hbm>>
      %dma_wait3A_507 = tpu.memref_squeeze %dma_wait3A_506 : memref<1x2048x16xf32, #tpu.memory_space<hbm>> -> memref<2048x16xf32, #tpu.memory_space<hbm>>
      tpu.wait_dma2 semaphore(%run_scoped3A_495 : memref<!tpu.dma_semaphore, #tpu.memory_space<semaphore_mem>>) src(%arg8 : memref<2048x16xf32, #tpu.memory_space<vmem>>) dst(%dma_wait3A_507 : memref<2048x16xf32, #tpu.memory_space<hbm>>)
      tpu.yield
    }) : () -> ()
    %dma_wait3A_73 = arith.constant 0 : i32
    %dma_wait3A_74 = arith.constant 0 : i32
    %dma_wait3A_75 = tpu.memref_slice %arg4[%dma_wait3A_73, %dma_wait3A_74] : memref<4194304x8xf32, #tpu.memory_space<hbm>> -> memref<4194304x8xf32, #tpu.memory_space<hbm>>
    tpu.wait_indirect_dma semaphore(%arg12 : memref<!tpu.dma_semaphore, #tpu.memory_space<semaphore_mem>>) src(%dma_wait3A_75 : memref<4194304x8xf32, #tpu.memory_space<hbm>>) dst(%arg9 : memref<2048x8xf32, #tpu.memory_space<vmem>>)
    %scan3A_76 = arith.constant 0 : i32
    %scan3A_77 = arith.constant 0 : i32
    %scan3A_78 = arith.constant 128 : i32
    %scan3A_79 = arith.addi %scan3A_77, %scan3A_78 : i32
    %scan3A_80 = arith.constant 1 : i32
    %scan3A_81 = scf.for %scan3A_495 = %scan3A_77 to %scan3A_79 step %scan3A_80 iter_args(%scan3A_496 = %scan3A_76) -> (i32)  : i32 {
      %mul3A_497 = arith.constant 16 : i32
      %mul3A_498 = arith.muli %scan3A_495, %mul3A_497 : i32
      %add3A_499 = vector.broadcast %mul3A_498 : i32 to vector<16xi32>
      %add3A_500 = arith.addi %add3A_499, %iota3A : vector<16xi32>
      %broadcast_in_dim3A = arith.constant 0 : i32
      %broadcast_in_dim3A_501 = vector.broadcast %broadcast_in_dim3A : i32 to vector<16xi32>
      %gather3A = tpu.vector_load_idx %arg9[%add3A_500, %broadcast_in_dim3A_501] : memref<2048x8xf32, #tpu.memory_space<vmem>>[vector<16xi32>, vector<16xi32>], vector<16xf32>,
      %mul3A_502 = arith.constant 16 : i32
      %mul3A_503 = arith.muli %scan3A_495, %mul3A_502 : i32
      %swap3A = arith.constant 0 : i32
      %swap3A_504 = arith.index_cast %swap3A : i32 to index
      %swap3A_505 = arith.index_cast %mul3A_503 : i32 to index
      %swap3A_506 = tpu.vector_load %arg10[%swap3A_504, %swap3A_505] {strides = array<i32>} : memref<3x2048xf32, #tpu.memory_space<vmem>>, vector<16xf32>,
      tpu.vector_store %arg10[%swap3A_504, %swap3A_505], %gather3A {strides = array<i32>} : memref<3x2048xf32, #tpu.memory_space<vmem>>, vector<16xf32>,
      %broadcast_in_dim3A_507 = arith.constant 1 : i32
      %broadcast_in_dim3A_508 = vector.broadcast %broadcast_in_dim3A_507 : i32 to vector<16xi32>
      %gather3A_509 = tpu.vector_load_idx %arg9[%add3A_500, %broadcast_in_dim3A_508] : memref<2048x8xf32, #tpu.memory_space<vmem>>[vector<16xi32>, vector<16xi32>], vector<16xf32>,
      %mul3A_510 = arith.constant 16 : i32
      %mul3A_511 = arith.muli %scan3A_495, %mul3A_510 : i32
      %swap3A_512 = arith.constant 1 : i32
      %swap3A_513 = arith.index_cast %swap3A_512 : i32 to index
      %swap3A_514 = arith.index_cast %mul3A_511 : i32 to index
      %swap3A_515 = tpu.vector_load %arg10[%swap3A_513, %swap3A_514] {strides = array<i32>} : memref<3x2048xf32, #tpu.memory_space<vmem>>, vector<16xf32>,
      tpu.vector_store %arg10[%swap3A_513, %swap3A_514], %gather3A_509 {strides = array<i32>} : memref<3x2048xf32, #tpu.memory_space<vmem>>, vector<16xf32>,
      %broadcast_in_dim3A_516 = arith.constant 2 : i32
      %broadcast_in_dim3A_517 = vector.broadcast %broadcast_in_dim3A_516 : i32 to vector<16xi32>
      %gather3A_518 = tpu.vector_load_idx %arg9[%add3A_500, %broadcast_in_dim3A_517] : memref<2048x8xf32, #tpu.memory_space<vmem>>[vector<16xi32>, vector<16xi32>], vector<16xf32>,
      %mul3A_519 = arith.constant 16 : i32
      %mul3A_520 = arith.muli %scan3A_495, %mul3A_519 : i32
      %swap3A_521 = arith.constant 2 : i32
      %swap3A_522 = arith.index_cast %swap3A_521 : i32 to index
      %swap3A_523 = arith.index_cast %mul3A_520 : i32 to index
      %swap3A_524 = tpu.vector_load %arg10[%swap3A_522, %swap3A_523] {strides = array<i32>} : memref<3x2048xf32, #tpu.memory_space<vmem>>, vector<16xf32>,
      tpu.vector_store %arg10[%swap3A_522, %swap3A_523], %gather3A_518 {strides = array<i32>} : memref<3x2048xf32, #tpu.memory_space<vmem>>, vector<16xf32>,
      %scan3A_525 = arith.constant 0 : i32
      scf.yield %scan3A_525 : i32
    }
    %scan3A_82 = arith.constant 128 : i32
    %run_scoped3A_83 = arith.constant 0 : i32
    %run_scoped3A_84 = arith.constant 0 : i32
    %run_scoped3A_85 = arith.constant 2 : i32
    "tpu.region"() ({
      %run_scoped3A_495 = tpu.sem_alloc : memref<!tpu.dma_semaphore, #tpu.memory_space<semaphore_mem>>
      %dma_start3A_496 = arith.constant 0 : i32
      %dma_start3A_497 = tpu.memref_slice %arg10[%run_scoped3A_83, %dma_start3A_496] : memref<3x2048xf32, #tpu.memory_space<vmem>> -> memref<1x2048xf32, #tpu.memory_space<vmem>>
      %dma_start3A_498 = tpu.memref_squeeze %dma_start3A_497 : memref<1x2048xf32, #tpu.memory_space<vmem>> -> memref<2048xf32, #tpu.memory_space<vmem>>
      %dma_start3A_499 = tpu.memref_slice %arg6[%run_scoped3A_84, %run_scoped3A_85, %mul3A_2] : memref<3x16x65536xf32, #tpu.memory_space<hbm>> -> memref<1x1x2048xf32, #tpu.memory_space<hbm>>
      %dma_start3A_500 = tpu.memref_squeeze %dma_start3A_499 : memref<1x1x2048xf32, #tpu.memory_space<hbm>> -> memref<2048xf32, #tpu.memory_space<hbm>>
      %dma_start3A_501 = tpu.memref_slice %arg6[%run_scoped3A_84, %run_scoped3A_85, %mul3A_2] : memref<3x16x65536xf32, #tpu.memory_space<hbm>> -> memref<1x1x2048xf32, #tpu.memory_space<hbm>>
      %dma_start3A_502 = tpu.memref_squeeze %dma_start3A_501 : memref<1x1x2048xf32, #tpu.memory_space<hbm>> -> memref<2048xf32, #tpu.memory_space<hbm>>
      %dma_start3A_503 = arith.constant 0 : i32
      %dma_start3A_504 = tpu.memref_slice %arg10[%run_scoped3A_83, %dma_start3A_503] : memref<3x2048xf32, #tpu.memory_space<vmem>> -> memref<1x2048xf32, #tpu.memory_space<vmem>>
      %dma_start3A_505 = tpu.memref_squeeze %dma_start3A_504 : memref<1x2048xf32, #tpu.memory_space<vmem>> -> memref<2048xf32, #tpu.memory_space<vmem>>
      tpu.enqueue_dma source(%dma_start3A_505 : memref<2048xf32, #tpu.memory_space<vmem>>) target(%dma_start3A_502 : memref<2048xf32, #tpu.memory_space<hbm>>) target_semaphore(%run_scoped3A_495 : memref<!tpu.dma_semaphore, #tpu.memory_space<semaphore_mem>>)
      %dma_wait3A_506 = arith.constant 0 : i32
      %dma_wait3A_507 = tpu.memref_slice %arg10[%run_scoped3A_83, %dma_wait3A_506] : memref<3x2048xf32, #tpu.memory_space<vmem>> -> memref<1x2048xf32, #tpu.memory_space<vmem>>
      %dma_wait3A_508 = tpu.memref_squeeze %dma_wait3A_507 : memref<1x2048xf32, #tpu.memory_space<vmem>> -> memref<2048xf32, #tpu.memory_space<vmem>>
      %dma_wait3A_509 = tpu.memref_slice %arg6[%run_scoped3A_84, %run_scoped3A_85, %mul3A_2] : memref<3x16x65536xf32, #tpu.memory_space<hbm>> -> memref<1x1x2048xf32, #tpu.memory_space<hbm>>
      %dma_wait3A_510 = tpu.memref_squeeze %dma_wait3A_509 : memref<1x1x2048xf32, #tpu.memory_space<hbm>> -> memref<2048xf32, #tpu.memory_space<hbm>>
      %dma_wait3A_511 = tpu.memref_slice %arg6[%run_scoped3A_84, %run_scoped3A_85, %mul3A_2] : memref<3x16x65536xf32, #tpu.memory_space<hbm>> -> memref<1x1x2048xf32, #tpu.memory_space<hbm>>
      %dma_wait3A_512 = tpu.memref_squeeze %dma_wait3A_511 : memref<1x1x2048xf32, #tpu.memory_space<hbm>> -> memref<2048xf32, #tpu.memory_space<hbm>>
      %dma_wait3A_513 = arith.constant 0 : i32
      %dma_wait3A_514 = tpu.memref_slice %arg10[%run_scoped3A_83, %dma_wait3A_513] : memref<3x2048xf32, #tpu.memory_space<vmem>> -> memref<1x2048xf32, #tpu.memory_space<vmem>>
      %dma_wait3A_515 = tpu.memref_squeeze %dma_wait3A_514 : memref<1x2048xf32, #tpu.memory_space<vmem>> -> memref<2048xf32, #tpu.memory_space<vmem>>
      tpu.wait_dma2 semaphore(%run_scoped3A_495 : memref<!tpu.dma_semaphore, #tpu.memory_space<semaphore_mem>>) src(%dma_wait3A_515 : memref<2048xf32, #tpu.memory_space<vmem>>) dst(%dma_wait3A_512 : memref<2048xf32, #tpu.memory_space<hbm>>)
      tpu.yield
    }) : () -> ()
    %run_scoped3A_86 = arith.constant 1 : i32
    %run_scoped3A_87 = arith.constant 1 : i32
    %run_scoped3A_88 = arith.constant 2 : i32
    "tpu.region"() ({
      %run_scoped3A_495 = tpu.sem_alloc : memref<!tpu.dma_semaphore, #tpu.memory_space<semaphore_mem>>
      %dma_start3A_496 = arith.constant 0 : i32
      %dma_start3A_497 = tpu.memref_slice %arg10[%run_scoped3A_86, %dma_start3A_496] : memref<3x2048xf32, #tpu.memory_space<vmem>> -> memref<1x2048xf32, #tpu.memory_space<vmem>>
      %dma_start3A_498 = tpu.memref_squeeze %dma_start3A_497 : memref<1x2048xf32, #tpu.memory_space<vmem>> -> memref<2048xf32, #tpu.memory_space<vmem>>
      %dma_start3A_499 = tpu.memref_slice %arg6[%run_scoped3A_87, %run_scoped3A_88, %mul3A_2] : memref<3x16x65536xf32, #tpu.memory_space<hbm>> -> memref<1x1x2048xf32, #tpu.memory_space<hbm>>
      %dma_start3A_500 = tpu.memref_squeeze %dma_start3A_499 : memref<1x1x2048xf32, #tpu.memory_space<hbm>> -> memref<2048xf32, #tpu.memory_space<hbm>>
      %dma_start3A_501 = tpu.memref_slice %arg6[%run_scoped3A_87, %run_scoped3A_88, %mul3A_2] : memref<3x16x65536xf32, #tpu.memory_space<hbm>> -> memref<1x1x2048xf32, #tpu.memory_space<hbm>>
      %dma_start3A_502 = tpu.memref_squeeze %dma_start3A_501 : memref<1x1x2048xf32, #tpu.memory_space<hbm>> -> memref<2048xf32, #tpu.memory_space<hbm>>
      %dma_start3A_503 = arith.constant 0 : i32
      %dma_start3A_504 = tpu.memref_slice %arg10[%run_scoped3A_86, %dma_start3A_503] : memref<3x2048xf32, #tpu.memory_space<vmem>> -> memref<1x2048xf32, #tpu.memory_space<vmem>>
      %dma_start3A_505 = tpu.memref_squeeze %dma_start3A_504 : memref<1x2048xf32, #tpu.memory_space<vmem>> -> memref<2048xf32, #tpu.memory_space<vmem>>
      tpu.enqueue_dma source(%dma_start3A_505 : memref<2048xf32, #tpu.memory_space<vmem>>) target(%dma_start3A_502 : memref<2048xf32, #tpu.memory_space<hbm>>) target_semaphore(%run_scoped3A_495 : memref<!tpu.dma_semaphore, #tpu.memory_space<semaphore_mem>>)
      %dma_wait3A_506 = arith.constant 0 : i32
      %dma_wait3A_507 = tpu.memref_slice %arg10[%run_scoped3A_86, %dma_wait3A_506] : memref<3x2048xf32, #tpu.memory_space<vmem>> -> memref<1x2048xf32, #tpu.memory_space<vmem>>
      %dma_wait3A_508 = tpu.memref_squeeze %dma_wait3A_507 : memref<1x2048xf32, #tpu.memory_space<vmem>> -> memref<2048xf32, #tpu.memory_space<vmem>>
      %dma_wait3A_509 = tpu.memref_slice %arg6[%run_scoped3A_87, %run_scoped3A_88, %mul3A_2] : memref<3x16x65536xf32, #tpu.memory_space<hbm>> -> memref<1x1x2048xf32, #tpu.memory_space<hbm>>
      %dma_wait3A_510 = tpu.memref_squeeze %dma_wait3A_509 : memref<1x1x2048xf32, #tpu.memory_space<hbm>> -> memref<2048xf32, #tpu.memory_space<hbm>>
      %dma_wait3A_511 = tpu.memref_slice %arg6[%run_scoped3A_87, %run_scoped3A_88, %mul3A_2] : memref<3x16x65536xf32, #tpu.memory_space<hbm>> -> memref<1x1x2048xf32, #tpu.memory_space<hbm>>
      %dma_wait3A_512 = tpu.memref_squeeze %dma_wait3A_511 : memref<1x1x2048xf32, #tpu.memory_space<hbm>> -> memref<2048xf32, #tpu.memory_space<hbm>>
      %dma_wait3A_513 = arith.constant 0 : i32
      %dma_wait3A_514 = tpu.memref_slice %arg10[%run_scoped3A_86, %dma_wait3A_513] : memref<3x2048xf32, #tpu.memory_space<vmem>> -> memref<1x2048xf32, #tpu.memory_space<vmem>>
      %dma_wait3A_515 = tpu.memref_squeeze %dma_wait3A_514 : memref<1x2048xf32, #tpu.memory_space<vmem>> -> memref<2048xf32, #tpu.memory_space<vmem>>
      tpu.wait_dma2 semaphore(%run_scoped3A_495 : memref<!tpu.dma_semaphore, #tpu.memory_space<semaphore_mem>>) src(%dma_wait3A_515 : memref<2048xf32, #tpu.memory_space<vmem>>) dst(%dma_wait3A_512 : memref<2048xf32, #tpu.memory_space<hbm>>)
      tpu.yield
    }) : () -> ()
    %run_scoped3A_89 = arith.constant 2 : i32
    %run_scoped3A_90 = arith.constant 2 : i32
    %run_scoped3A_91 = arith.constant 2 : i32
    "tpu.region"() ({
      %run_scoped3A_495 = tpu.sem_alloc : memref<!tpu.dma_semaphore, #tpu.memory_space<semaphore_mem>>
      %dma_start3A_496 = arith.constant 0 : i32
      %dma_start3A_497 = tpu.memref_slice %arg10[%run_scoped3A_89, %dma_start3A_496] : memref<3x2048xf32, #tpu.memory_space<vmem>> -> memref<1x2048xf32, #tpu.memory_space<vmem>>
      %dma_start3A_498 = tpu.memref_squeeze %dma_start3A_497 : memref<1x2048xf32, #tpu.memory_space<vmem>> -> memref<2048xf32, #tpu.memory_space<vmem>>
      %dma_start3A_499 = tpu.memref_slice %arg6[%run_scoped3A_90, %run_scoped3A_91, %mul3A_2] : memref<3x16x65536xf32, #tpu.memory_space<hbm>> -> memref<1x1x2048xf32, #tpu.memory_space<hbm>>
      %dma_start3A_500 = tpu.memref_squeeze %dma_start3A_499 : memref<1x1x2048xf32, #tpu.memory_space<hbm>> -> memref<2048xf32, #tpu.memory_space<hbm>>
      %dma_start3A_501 = tpu.memref_slice %arg6[%run_scoped3A_90, %run_scoped3A_91, %mul3A_2] : memref<3x16x65536xf32, #tpu.memory_space<hbm>> -> memref<1x1x2048xf32, #tpu.memory_space<hbm>>
      %dma_start3A_502 = tpu.memref_squeeze %dma_start3A_501 : memref<1x1x2048xf32, #tpu.memory_space<hbm>> -> memref<2048xf32, #tpu.memory_space<hbm>>
      %dma_start3A_503 = arith.constant 0 : i32
      %dma_start3A_504 = tpu.memref_slice %arg10[%run_scoped3A_89, %dma_start3A_503] : memref<3x2048xf32, #tpu.memory_space<vmem>> -> memref<1x2048xf32, #tpu.memory_space<vmem>>
      %dma_start3A_505 = tpu.memref_squeeze %dma_start3A_504 : memref<1x2048xf32, #tpu.memory_space<vmem>> -> memref<2048xf32, #tpu.memory_space<vmem>>
      tpu.enqueue_dma source(%dma_start3A_505 : memref<2048xf32, #tpu.memory_space<vmem>>) target(%dma_start3A_502 : memref<2048xf32, #tpu.memory_space<hbm>>) target_semaphore(%run_scoped3A_495 : memref<!tpu.dma_semaphore, #tpu.memory_space<semaphore_mem>>)
      %dma_wait3A_506 = arith.constant 0 : i32
      %dma_wait3A_507 = tpu.memref_slice %arg10[%run_scoped3A_89, %dma_wait3A_506] : memref<3x2048xf32, #tpu.memory_space<vmem>> -> memref<1x2048xf32, #tpu.memory_space<vmem>>
      %dma_wait3A_508 = tpu.memref_squeeze %dma_wait3A_507 : memref<1x2048xf32, #tpu.memory_space<vmem>> -> memref<2048xf32, #tpu.memory_space<vmem>>
      %dma_wait3A_509 = tpu.memref_slice %arg6[%run_scoped3A_90, %run_scoped3A_91, %mul3A_2] : memref<3x16x65536xf32, #tpu.memory_space<hbm>> -> memref<1x1x2048xf32, #tpu.memory_space<hbm>>
      %dma_wait3A_510 = tpu.memref_squeeze %dma_wait3A_509 : memref<1x1x2048xf32, #tpu.memory_space<hbm>> -> memref<2048xf32, #tpu.memory_space<hbm>>
      %dma_wait3A_511 = tpu.memref_slice %arg6[%run_scoped3A_90, %run_scoped3A_91, %mul3A_2] : memref<3x16x65536xf32, #tpu.memory_space<hbm>> -> memref<1x1x2048xf32, #tpu.memory_space<hbm>>
      %dma_wait3A_512 = tpu.memref_squeeze %dma_wait3A_511 : memref<1x1x2048xf32, #tpu.memory_space<hbm>> -> memref<2048xf32, #tpu.memory_space<hbm>>
      %dma_wait3A_513 = arith.constant 0 : i32
      %dma_wait3A_514 = tpu.memref_slice %arg10[%run_scoped3A_89, %dma_wait3A_513] : memref<3x2048xf32, #tpu.memory_space<vmem>> -> memref<1x2048xf32, #tpu.memory_space<vmem>>
      %dma_wait3A_515 = tpu.memref_squeeze %dma_wait3A_514 : memref<1x2048xf32, #tpu.memory_space<vmem>> -> memref<2048xf32, #tpu.memory_space<vmem>>
      tpu.wait_dma2 semaphore(%run_scoped3A_495 : memref<!tpu.dma_semaphore, #tpu.memory_space<semaphore_mem>>) src(%dma_wait3A_515 : memref<2048xf32, #tpu.memory_space<vmem>>) dst(%dma_wait3A_512 : memref<2048xf32, #tpu.memory_space<hbm>>)
      tpu.yield
    }) : () -> ()
    %add3A_92 = arith.constant 196608 : i32
    %add3A_93 = arith.addi %add3A_92, %mul3A_2 : i32
    "tpu.region"() ({
      %run_scoped3A_495 = tpu.sem_alloc : memref<!tpu.dma_semaphore, #tpu.memory_space<semaphore_mem>>
      %dma_start3A_496 = tpu.memref_slice %arg2[%add3A_93] : memref<1048576xi32, #tpu.memory_space<hbm>> -> memref<2048xi32, #tpu.memory_space<hbm>>
      %dma_start3A_497 = tpu.memref_slice %arg2[%add3A_93] : memref<1048576xi32, #tpu.memory_space<hbm>> -> memref<2048xi32, #tpu.memory_space<hbm>>
      tpu.enqueue_dma source(%dma_start3A_497 : memref<2048xi32, #tpu.memory_space<hbm>>) target(%arg7 : memref<2048xi32, #tpu.memory_space<vmem>>) target_semaphore(%run_scoped3A_495 : memref<!tpu.dma_semaphore, #tpu.memory_space<semaphore_mem>>)
      %dma_wait3A_498 = tpu.memref_slice %arg2[%add3A_93] : memref<1048576xi32, #tpu.memory_space<hbm>> -> memref<2048xi32, #tpu.memory_space<hbm>>
      %dma_wait3A_499 = tpu.memref_slice %arg2[%add3A_93] : memref<1048576xi32, #tpu.memory_space<hbm>> -> memref<2048xi32, #tpu.memory_space<hbm>>
      tpu.wait_dma2 semaphore(%run_scoped3A_495 : memref<!tpu.dma_semaphore, #tpu.memory_space<semaphore_mem>>) src(%dma_wait3A_499 : memref<2048xi32, #tpu.memory_space<hbm>>) dst(%arg7 : memref<2048xi32, #tpu.memory_space<vmem>>)
      tpu.yield
    }) : () -> ()
    %dma_start3A_94 = arith.constant 0 : i32
    %dma_start3A_95 = arith.constant 0 : i32
    %dma_start3A_96 = tpu.memref_slice %arg3[%dma_start3A_94, %dma_start3A_95] : memref<4194304x16xf32, #tpu.memory_space<hbm>> -> memref<4194304x16xf32, #tpu.memory_space<hbm>>
    tpu.enqueue_indirect_dma source(%dma_start3A_96 : memref<4194304x16xf32, #tpu.memory_space<hbm>>) target(%arg8 : memref<2048x16xf32, #tpu.memory_space<vmem>>) offsets(%arg7 : memref<2048xi32, #tpu.memory_space<vmem>>) semaphore(%arg11 : memref<!tpu.dma_semaphore, #tpu.memory_space<semaphore_mem>>)
    %dma_start3A_97 = arith.constant 0 : i32
    %dma_start3A_98 = arith.constant 0 : i32
    %dma_start3A_99 = tpu.memref_slice %arg4[%dma_start3A_97, %dma_start3A_98] : memref<4194304x8xf32, #tpu.memory_space<hbm>> -> memref<4194304x8xf32, #tpu.memory_space<hbm>>
    tpu.enqueue_indirect_dma source(%dma_start3A_99 : memref<4194304x8xf32, #tpu.memory_space<hbm>>) target(%arg9 : memref<2048x8xf32, #tpu.memory_space<vmem>>) offsets(%arg7 : memref<2048xi32, #tpu.memory_space<vmem>>) semaphore(%arg12 : memref<!tpu.dma_semaphore, #tpu.memory_space<semaphore_mem>>)
    %dma_wait3A_100 = arith.constant 0 : i32
    %dma_wait3A_101 = arith.constant 0 : i32
    %dma_wait3A_102 = tpu.memref_slice %arg3[%dma_wait3A_100, %dma_wait3A_101] : memref<4194304x16xf32, #tpu.memory_space<hbm>> -> memref<4194304x16xf32, #tpu.memory_space<hbm>>
    tpu.wait_indirect_dma semaphore(%arg11 : memref<!tpu.dma_semaphore, #tpu.memory_space<semaphore_mem>>) src(%dma_wait3A_102 : memref<4194304x16xf32, #tpu.memory_space<hbm>>) dst(%arg8 : memref<2048x16xf32, #tpu.memory_space<vmem>>)
    %run_scoped3A_103 = arith.constant 3 : i32
    "tpu.region"() ({
      %run_scoped3A_495 = tpu.sem_alloc : memref<!tpu.dma_semaphore, #tpu.memory_space<semaphore_mem>>
      %dma_start3A_496 = arith.constant 0 : i32
      %dma_start3A_497 = tpu.memref_slice %arg5[%run_scoped3A_103, %mul3A_2, %dma_start3A_496] : memref<16x65536x16xf32, #tpu.memory_space<hbm>> -> memref<1x2048x16xf32, #tpu.memory_space<hbm>>
      %dma_start3A_498 = tpu.memref_squeeze %dma_start3A_497 : memref<1x2048x16xf32, #tpu.memory_space<hbm>> -> memref<2048x16xf32, #tpu.memory_space<hbm>>
      %dma_start3A_499 = arith.constant 0 : i32
      %dma_start3A_500 = tpu.memref_slice %arg5[%run_scoped3A_103, %mul3A_2, %dma_start3A_499] : memref<16x65536x16xf32, #tpu.memory_space<hbm>> -> memref<1x2048x16xf32, #tpu.memory_space<hbm>>
      %dma_start3A_501 = tpu.memref_squeeze %dma_start3A_500 : memref<1x2048x16xf32, #tpu.memory_space<hbm>> -> memref<2048x16xf32, #tpu.memory_space<hbm>>
      tpu.enqueue_dma source(%arg8 : memref<2048x16xf32, #tpu.memory_space<vmem>>) target(%dma_start3A_501 : memref<2048x16xf32, #tpu.memory_space<hbm>>) target_semaphore(%run_scoped3A_495 : memref<!tpu.dma_semaphore, #tpu.memory_space<semaphore_mem>>)
      %dma_wait3A_502 = arith.constant 0 : i32
      %dma_wait3A_503 = tpu.memref_slice %arg5[%run_scoped3A_103, %mul3A_2, %dma_wait3A_502] : memref<16x65536x16xf32, #tpu.memory_space<hbm>> -> memref<1x2048x16xf32, #tpu.memory_space<hbm>>
      %dma_wait3A_504 = tpu.memref_squeeze %dma_wait3A_503 : memref<1x2048x16xf32, #tpu.memory_space<hbm>> -> memref<2048x16xf32, #tpu.memory_space<hbm>>
      %dma_wait3A_505 = arith.constant 0 : i32
      %dma_wait3A_506 = tpu.memref_slice %arg5[%run_scoped3A_103, %mul3A_2, %dma_wait3A_505] : memref<16x65536x16xf32, #tpu.memory_space<hbm>> -> memref<1x2048x16xf32, #tpu.memory_space<hbm>>
      %dma_wait3A_507 = tpu.memref_squeeze %dma_wait3A_506 : memref<1x2048x16xf32, #tpu.memory_space<hbm>> -> memref<2048x16xf32, #tpu.memory_space<hbm>>
      tpu.wait_dma2 semaphore(%run_scoped3A_495 : memref<!tpu.dma_semaphore, #tpu.memory_space<semaphore_mem>>) src(%arg8 : memref<2048x16xf32, #tpu.memory_space<vmem>>) dst(%dma_wait3A_507 : memref<2048x16xf32, #tpu.memory_space<hbm>>)
      tpu.yield
    }) : () -> ()
    %dma_wait3A_104 = arith.constant 0 : i32
    %dma_wait3A_105 = arith.constant 0 : i32
    %dma_wait3A_106 = tpu.memref_slice %arg4[%dma_wait3A_104, %dma_wait3A_105] : memref<4194304x8xf32, #tpu.memory_space<hbm>> -> memref<4194304x8xf32, #tpu.memory_space<hbm>>
    tpu.wait_indirect_dma semaphore(%arg12 : memref<!tpu.dma_semaphore, #tpu.memory_space<semaphore_mem>>) src(%dma_wait3A_106 : memref<4194304x8xf32, #tpu.memory_space<hbm>>) dst(%arg9 : memref<2048x8xf32, #tpu.memory_space<vmem>>)
    %scan3A_107 = arith.constant 0 : i32
    %scan3A_108 = arith.constant 0 : i32
    %scan3A_109 = arith.constant 128 : i32
    %scan3A_110 = arith.addi %scan3A_108, %scan3A_109 : i32
    %scan3A_111 = arith.constant 1 : i32
    %scan3A_112 = scf.for %scan3A_495 = %scan3A_108 to %scan3A_110 step %scan3A_111 iter_args(%scan3A_496 = %scan3A_107) -> (i32)  : i32 {
      %mul3A_497 = arith.constant 16 : i32
      %mul3A_498 = arith.muli %scan3A_495, %mul3A_497 : i32
      %add3A_499 = vector.broadcast %mul3A_498 : i32 to vector<16xi32>
      %add3A_500 = arith.addi %add3A_499, %iota3A : vector<16xi32>
      %broadcast_in_dim3A = arith.constant 0 : i32
      %broadcast_in_dim3A_501 = vector.broadcast %broadcast_in_dim3A : i32 to vector<16xi32>
      %gather3A = tpu.vector_load_idx %arg9[%add3A_500, %broadcast_in_dim3A_501] : memref<2048x8xf32, #tpu.memory_space<vmem>>[vector<16xi32>, vector<16xi32>], vector<16xf32>,
      %mul3A_502 = arith.constant 16 : i32
      %mul3A_503 = arith.muli %scan3A_495, %mul3A_502 : i32
      %swap3A = arith.constant 0 : i32
      %swap3A_504 = arith.index_cast %swap3A : i32 to index
      %swap3A_505 = arith.index_cast %mul3A_503 : i32 to index
      %swap3A_506 = tpu.vector_load %arg10[%swap3A_504, %swap3A_505] {strides = array<i32>} : memref<3x2048xf32, #tpu.memory_space<vmem>>, vector<16xf32>,
      tpu.vector_store %arg10[%swap3A_504, %swap3A_505], %gather3A {strides = array<i32>} : memref<3x2048xf32, #tpu.memory_space<vmem>>, vector<16xf32>,
      %broadcast_in_dim3A_507 = arith.constant 1 : i32
      %broadcast_in_dim3A_508 = vector.broadcast %broadcast_in_dim3A_507 : i32 to vector<16xi32>
      %gather3A_509 = tpu.vector_load_idx %arg9[%add3A_500, %broadcast_in_dim3A_508] : memref<2048x8xf32, #tpu.memory_space<vmem>>[vector<16xi32>, vector<16xi32>], vector<16xf32>,
      %mul3A_510 = arith.constant 16 : i32
      %mul3A_511 = arith.muli %scan3A_495, %mul3A_510 : i32
      %swap3A_512 = arith.constant 1 : i32
      %swap3A_513 = arith.index_cast %swap3A_512 : i32 to index
      %swap3A_514 = arith.index_cast %mul3A_511 : i32 to index
      %swap3A_515 = tpu.vector_load %arg10[%swap3A_513, %swap3A_514] {strides = array<i32>} : memref<3x2048xf32, #tpu.memory_space<vmem>>, vector<16xf32>,
      tpu.vector_store %arg10[%swap3A_513, %swap3A_514], %gather3A_509 {strides = array<i32>} : memref<3x2048xf32, #tpu.memory_space<vmem>>, vector<16xf32>,
      %broadcast_in_dim3A_516 = arith.constant 2 : i32
      %broadcast_in_dim3A_517 = vector.broadcast %broadcast_in_dim3A_516 : i32 to vector<16xi32>
      %gather3A_518 = tpu.vector_load_idx %arg9[%add3A_500, %broadcast_in_dim3A_517] : memref<2048x8xf32, #tpu.memory_space<vmem>>[vector<16xi32>, vector<16xi32>], vector<16xf32>,
      %mul3A_519 = arith.constant 16 : i32
      %mul3A_520 = arith.muli %scan3A_495, %mul3A_519 : i32
      %swap3A_521 = arith.constant 2 : i32
      %swap3A_522 = arith.index_cast %swap3A_521 : i32 to index
      %swap3A_523 = arith.index_cast %mul3A_520 : i32 to index
      %swap3A_524 = tpu.vector_load %arg10[%swap3A_522, %swap3A_523] {strides = array<i32>} : memref<3x2048xf32, #tpu.memory_space<vmem>>, vector<16xf32>,
      tpu.vector_store %arg10[%swap3A_522, %swap3A_523], %gather3A_518 {strides = array<i32>} : memref<3x2048xf32, #tpu.memory_space<vmem>>, vector<16xf32>,
      %scan3A_525 = arith.constant 0 : i32
      scf.yield %scan3A_525 : i32
    }
    %scan3A_113 = arith.constant 128 : i32
    %run_scoped3A_114 = arith.constant 0 : i32
    %run_scoped3A_115 = arith.constant 0 : i32
    %run_scoped3A_116 = arith.constant 3 : i32
    "tpu.region"() ({
      %run_scoped3A_495 = tpu.sem_alloc : memref<!tpu.dma_semaphore, #tpu.memory_space<semaphore_mem>>
      %dma_start3A_496 = arith.constant 0 : i32
      %dma_start3A_497 = tpu.memref_slice %arg10[%run_scoped3A_114, %dma_start3A_496] : memref<3x2048xf32, #tpu.memory_space<vmem>> -> memref<1x2048xf32, #tpu.memory_space<vmem>>
      %dma_start3A_498 = tpu.memref_squeeze %dma_start3A_497 : memref<1x2048xf32, #tpu.memory_space<vmem>> -> memref<2048xf32, #tpu.memory_space<vmem>>
      %dma_start3A_499 = tpu.memref_slice %arg6[%run_scoped3A_115, %run_scoped3A_116, %mul3A_2] : memref<3x16x65536xf32, #tpu.memory_space<hbm>> -> memref<1x1x2048xf32, #tpu.memory_space<hbm>>
      %dma_start3A_500 = tpu.memref_squeeze %dma_start3A_499 : memref<1x1x2048xf32, #tpu.memory_space<hbm>> -> memref<2048xf32, #tpu.memory_space<hbm>>
      %dma_start3A_501 = tpu.memref_slice %arg6[%run_scoped3A_115, %run_scoped3A_116, %mul3A_2] : memref<3x16x65536xf32, #tpu.memory_space<hbm>> -> memref<1x1x2048xf32, #tpu.memory_space<hbm>>
      %dma_start3A_502 = tpu.memref_squeeze %dma_start3A_501 : memref<1x1x2048xf32, #tpu.memory_space<hbm>> -> memref<2048xf32, #tpu.memory_space<hbm>>
      %dma_start3A_503 = arith.constant 0 : i32
      %dma_start3A_504 = tpu.memref_slice %arg10[%run_scoped3A_114, %dma_start3A_503] : memref<3x2048xf32, #tpu.memory_space<vmem>> -> memref<1x2048xf32, #tpu.memory_space<vmem>>
      %dma_start3A_505 = tpu.memref_squeeze %dma_start3A_504 : memref<1x2048xf32, #tpu.memory_space<vmem>> -> memref<2048xf32, #tpu.memory_space<vmem>>
      tpu.enqueue_dma source(%dma_start3A_505 : memref<2048xf32, #tpu.memory_space<vmem>>) target(%dma_start3A_502 : memref<2048xf32, #tpu.memory_space<hbm>>) target_semaphore(%run_scoped3A_495 : memref<!tpu.dma_semaphore, #tpu.memory_space<semaphore_mem>>)
      %dma_wait3A_506 = arith.constant 0 : i32
      %dma_wait3A_507 = tpu.memref_slice %arg10[%run_scoped3A_114, %dma_wait3A_506] : memref<3x2048xf32, #tpu.memory_space<vmem>> -> memref<1x2048xf32, #tpu.memory_space<vmem>>
      %dma_wait3A_508 = tpu.memref_squeeze %dma_wait3A_507 : memref<1x2048xf32, #tpu.memory_space<vmem>> -> memref<2048xf32, #tpu.memory_space<vmem>>
      %dma_wait3A_509 = tpu.memref_slice %arg6[%run_scoped3A_115, %run_scoped3A_116, %mul3A_2] : memref<3x16x65536xf32, #tpu.memory_space<hbm>> -> memref<1x1x2048xf32, #tpu.memory_space<hbm>>
      %dma_wait3A_510 = tpu.memref_squeeze %dma_wait3A_509 : memref<1x1x2048xf32, #tpu.memory_space<hbm>> -> memref<2048xf32, #tpu.memory_space<hbm>>
      %dma_wait3A_511 = tpu.memref_slice %arg6[%run_scoped3A_115, %run_scoped3A_116, %mul3A_2] : memref<3x16x65536xf32, #tpu.memory_space<hbm>> -> memref<1x1x2048xf32, #tpu.memory_space<hbm>>
      %dma_wait3A_512 = tpu.memref_squeeze %dma_wait3A_511 : memref<1x1x2048xf32, #tpu.memory_space<hbm>> -> memref<2048xf32, #tpu.memory_space<hbm>>
      %dma_wait3A_513 = arith.constant 0 : i32
      %dma_wait3A_514 = tpu.memref_slice %arg10[%run_scoped3A_114, %dma_wait3A_513] : memref<3x2048xf32, #tpu.memory_space<vmem>> -> memref<1x2048xf32, #tpu.memory_space<vmem>>
      %dma_wait3A_515 = tpu.memref_squeeze %dma_wait3A_514 : memref<1x2048xf32, #tpu.memory_space<vmem>> -> memref<2048xf32, #tpu.memory_space<vmem>>
      tpu.wait_dma2 semaphore(%run_scoped3A_495 : memref<!tpu.dma_semaphore, #tpu.memory_space<semaphore_mem>>) src(%dma_wait3A_515 : memref<2048xf32, #tpu.memory_space<vmem>>) dst(%dma_wait3A_512 : memref<2048xf32, #tpu.memory_space<hbm>>)
      tpu.yield
    }) : () -> ()
    %run_scoped3A_117 = arith.constant 1 : i32
    %run_scoped3A_118 = arith.constant 1 : i32
    %run_scoped3A_119 = arith.constant 3 : i32
    "tpu.region"() ({
      %run_scoped3A_495 = tpu.sem_alloc : memref<!tpu.dma_semaphore, #tpu.memory_space<semaphore_mem>>
      %dma_start3A_496 = arith.constant 0 : i32
      %dma_start3A_497 = tpu.memref_slice %arg10[%run_scoped3A_117, %dma_start3A_496] : memref<3x2048xf32, #tpu.memory_space<vmem>> -> memref<1x2048xf32, #tpu.memory_space<vmem>>
      %dma_start3A_498 = tpu.memref_squeeze %dma_start3A_497 : memref<1x2048xf32, #tpu.memory_space<vmem>> -> memref<2048xf32, #tpu.memory_space<vmem>>
      %dma_start3A_499 = tpu.memref_slice %arg6[%run_scoped3A_118, %run_scoped3A_119, %mul3A_2] : memref<3x16x65536xf32, #tpu.memory_space<hbm>> -> memref<1x1x2048xf32, #tpu.memory_space<hbm>>
      %dma_start3A_500 = tpu.memref_squeeze %dma_start3A_499 : memref<1x1x2048xf32, #tpu.memory_space<hbm>> -> memref<2048xf32, #tpu.memory_space<hbm>>
      %dma_start3A_501 = tpu.memref_slice %arg6[%run_scoped3A_118, %run_scoped3A_119, %mul3A_2] : memref<3x16x65536xf32, #tpu.memory_space<hbm>> -> memref<1x1x2048xf32, #tpu.memory_space<hbm>>
      %dma_start3A_502 = tpu.memref_squeeze %dma_start3A_501 : memref<1x1x2048xf32, #tpu.memory_space<hbm>> -> memref<2048xf32, #tpu.memory_space<hbm>>
      %dma_start3A_503 = arith.constant 0 : i32
      %dma_start3A_504 = tpu.memref_slice %arg10[%run_scoped3A_117, %dma_start3A_503] : memref<3x2048xf32, #tpu.memory_space<vmem>> -> memref<1x2048xf32, #tpu.memory_space<vmem>>
      %dma_start3A_505 = tpu.memref_squeeze %dma_start3A_504 : memref<1x2048xf32, #tpu.memory_space<vmem>> -> memref<2048xf32, #tpu.memory_space<vmem>>
      tpu.enqueue_dma source(%dma_start3A_505 : memref<2048xf32, #tpu.memory_space<vmem>>) target(%dma_start3A_502 : memref<2048xf32, #tpu.memory_space<hbm>>) target_semaphore(%run_scoped3A_495 : memref<!tpu.dma_semaphore, #tpu.memory_space<semaphore_mem>>)
      %dma_wait3A_506 = arith.constant 0 : i32
      %dma_wait3A_507 = tpu.memref_slice %arg10[%run_scoped3A_117, %dma_wait3A_506] : memref<3x2048xf32, #tpu.memory_space<vmem>> -> memref<1x2048xf32, #tpu.memory_space<vmem>>
      %dma_wait3A_508 = tpu.memref_squeeze %dma_wait3A_507 : memref<1x2048xf32, #tpu.memory_space<vmem>> -> memref<2048xf32, #tpu.memory_space<vmem>>
      %dma_wait3A_509 = tpu.memref_slice %arg6[%run_scoped3A_118, %run_scoped3A_119, %mul3A_2] : memref<3x16x65536xf32, #tpu.memory_space<hbm>> -> memref<1x1x2048xf32, #tpu.memory_space<hbm>>
      %dma_wait3A_510 = tpu.memref_squeeze %dma_wait3A_509 : memref<1x1x2048xf32, #tpu.memory_space<hbm>> -> memref<2048xf32, #tpu.memory_space<hbm>>
      %dma_wait3A_511 = tpu.memref_slice %arg6[%run_scoped3A_118, %run_scoped3A_119, %mul3A_2] : memref<3x16x65536xf32, #tpu.memory_space<hbm>> -> memref<1x1x2048xf32, #tpu.memory_space<hbm>>
      %dma_wait3A_512 = tpu.memref_squeeze %dma_wait3A_511 : memref<1x1x2048xf32, #tpu.memory_space<hbm>> -> memref<2048xf32, #tpu.memory_space<hbm>>
      %dma_wait3A_513 = arith.constant 0 : i32
      %dma_wait3A_514 = tpu.memref_slice %arg10[%run_scoped3A_117, %dma_wait3A_513] : memref<3x2048xf32, #tpu.memory_space<vmem>> -> memref<1x2048xf32, #tpu.memory_space<vmem>>
      %dma_wait3A_515 = tpu.memref_squeeze %dma_wait3A_514 : memref<1x2048xf32, #tpu.memory_space<vmem>> -> memref<2048xf32, #tpu.memory_space<vmem>>
      tpu.wait_dma2 semaphore(%run_scoped3A_495 : memref<!tpu.dma_semaphore, #tpu.memory_space<semaphore_mem>>) src(%dma_wait3A_515 : memref<2048xf32, #tpu.memory_space<vmem>>) dst(%dma_wait3A_512 : memref<2048xf32, #tpu.memory_space<hbm>>)
      tpu.yield
    }) : () -> ()
    %run_scoped3A_120 = arith.constant 2 : i32
    %run_scoped3A_121 = arith.constant 2 : i32
    %run_scoped3A_122 = arith.constant 3 : i32
    "tpu.region"() ({
      %run_scoped3A_495 = tpu.sem_alloc : memref<!tpu.dma_semaphore, #tpu.memory_space<semaphore_mem>>
      %dma_start3A_496 = arith.constant 0 : i32
      %dma_start3A_497 = tpu.memref_slice %arg10[%run_scoped3A_120, %dma_start3A_496] : memref<3x2048xf32, #tpu.memory_space<vmem>> -> memref<1x2048xf32, #tpu.memory_space<vmem>>
      %dma_start3A_498 = tpu.memref_squeeze %dma_start3A_497 : memref<1x2048xf32, #tpu.memory_space<vmem>> -> memref<2048xf32, #tpu.memory_space<vmem>>
      %dma_start3A_499 = tpu.memref_slice %arg6[%run_scoped3A_121, %run_scoped3A_122, %mul3A_2] : memref<3x16x65536xf32, #tpu.memory_space<hbm>> -> memref<1x1x2048xf32, #tpu.memory_space<hbm>>
      %dma_start3A_500 = tpu.memref_squeeze %dma_start3A_499 : memref<1x1x2048xf32, #tpu.memory_space<hbm>> -> memref<2048xf32, #tpu.memory_space<hbm>>
      %dma_start3A_501 = tpu.memref_slice %arg6[%run_scoped3A_121, %run_scoped3A_122, %mul3A_2] : memref<3x16x65536xf32, #tpu.memory_space<hbm>> -> memref<1x1x2048xf32, #tpu.memory_space<hbm>>
      %dma_start3A_502 = tpu.memref_squeeze %dma_start3A_501 : memref<1x1x2048xf32, #tpu.memory_space<hbm>> -> memref<2048xf32, #tpu.memory_space<hbm>>
      %dma_start3A_503 = arith.constant 0 : i32
      %dma_start3A_504 = tpu.memref_slice %arg10[%run_scoped3A_120, %dma_start3A_503] : memref<3x2048xf32, #tpu.memory_space<vmem>> -> memref<1x2048xf32, #tpu.memory_space<vmem>>
      %dma_start3A_505 = tpu.memref_squeeze %dma_start3A_504 : memref<1x2048xf32, #tpu.memory_space<vmem>> -> memref<2048xf32, #tpu.memory_space<vmem>>
      tpu.enqueue_dma source(%dma_start3A_505 : memref<2048xf32, #tpu.memory_space<vmem>>) target(%dma_start3A_502 : memref<2048xf32, #tpu.memory_space<hbm>>) target_semaphore(%run_scoped3A_495 : memref<!tpu.dma_semaphore, #tpu.memory_space<semaphore_mem>>)
      %dma_wait3A_506 = arith.constant 0 : i32
      %dma_wait3A_507 = tpu.memref_slice %arg10[%run_scoped3A_120, %dma_wait3A_506] : memref<3x2048xf32, #tpu.memory_space<vmem>> -> memref<1x2048xf32, #tpu.memory_space<vmem>>
      %dma_wait3A_508 = tpu.memref_squeeze %dma_wait3A_507 : memref<1x2048xf32, #tpu.memory_space<vmem>> -> memref<2048xf32, #tpu.memory_space<vmem>>
      %dma_wait3A_509 = tpu.memref_slice %arg6[%run_scoped3A_121, %run_scoped3A_122, %mul3A_2] : memref<3x16x65536xf32, #tpu.memory_space<hbm>> -> memref<1x1x2048xf32, #tpu.memory_space<hbm>>
      %dma_wait3A_510 = tpu.memref_squeeze %dma_wait3A_509 : memref<1x1x2048xf32, #tpu.memory_space<hbm>> -> memref<2048xf32, #tpu.memory_space<hbm>>
      %dma_wait3A_511 = tpu.memref_slice %arg6[%run_scoped3A_121, %run_scoped3A_122, %mul3A_2] : memref<3x16x65536xf32, #tpu.memory_space<hbm>> -> memref<1x1x2048xf32, #tpu.memory_space<hbm>>
      %dma_wait3A_512 = tpu.memref_squeeze %dma_wait3A_511 : memref<1x1x2048xf32, #tpu.memory_space<hbm>> -> memref<2048xf32, #tpu.memory_space<hbm>>
      %dma_wait3A_513 = arith.constant 0 : i32
      %dma_wait3A_514 = tpu.memref_slice %arg10[%run_scoped3A_120, %dma_wait3A_513] : memref<3x2048xf32, #tpu.memory_space<vmem>> -> memref<1x2048xf32, #tpu.memory_space<vmem>>
      %dma_wait3A_515 = tpu.memref_squeeze %dma_wait3A_514 : memref<1x2048xf32, #tpu.memory_space<vmem>> -> memref<2048xf32, #tpu.memory_space<vmem>>
      tpu.wait_dma2 semaphore(%run_scoped3A_495 : memref<!tpu.dma_semaphore, #tpu.memory_space<semaphore_mem>>) src(%dma_wait3A_515 : memref<2048xf32, #tpu.memory_space<vmem>>) dst(%dma_wait3A_512 : memref<2048xf32, #tpu.memory_space<hbm>>)
      tpu.yield
    }) : () -> ()
    %add3A_123 = arith.constant 262144 : i32
    %add3A_124 = arith.addi %add3A_123, %mul3A_2 : i32
    "tpu.region"() ({
      %run_scoped3A_495 = tpu.sem_alloc : memref<!tpu.dma_semaphore, #tpu.memory_space<semaphore_mem>>
      %dma_start3A_496 = tpu.memref_slice %arg2[%add3A_124] : memref<1048576xi32, #tpu.memory_space<hbm>> -> memref<2048xi32, #tpu.memory_space<hbm>>
      %dma_start3A_497 = tpu.memref_slice %arg2[%add3A_124] : memref<1048576xi32, #tpu.memory_space<hbm>> -> memref<2048xi32, #tpu.memory_space<hbm>>
      tpu.enqueue_dma source(%dma_start3A_497 : memref<2048xi32, #tpu.memory_space<hbm>>) target(%arg7 : memref<2048xi32, #tpu.memory_space<vmem>>) target_semaphore(%run_scoped3A_495 : memref<!tpu.dma_semaphore, #tpu.memory_space<semaphore_mem>>)
      %dma_wait3A_498 = tpu.memref_slice %arg2[%add3A_124] : memref<1048576xi32, #tpu.memory_space<hbm>> -> memref<2048xi32, #tpu.memory_space<hbm>>
      %dma_wait3A_499 = tpu.memref_slice %arg2[%add3A_124] : memref<1048576xi32, #tpu.memory_space<hbm>> -> memref<2048xi32, #tpu.memory_space<hbm>>
      tpu.wait_dma2 semaphore(%run_scoped3A_495 : memref<!tpu.dma_semaphore, #tpu.memory_space<semaphore_mem>>) src(%dma_wait3A_499 : memref<2048xi32, #tpu.memory_space<hbm>>) dst(%arg7 : memref<2048xi32, #tpu.memory_space<vmem>>)
      tpu.yield
    }) : () -> ()
    %dma_start3A_125 = arith.constant 0 : i32
    %dma_start3A_126 = arith.constant 0 : i32
    %dma_start3A_127 = tpu.memref_slice %arg3[%dma_start3A_125, %dma_start3A_126] : memref<4194304x16xf32, #tpu.memory_space<hbm>> -> memref<4194304x16xf32, #tpu.memory_space<hbm>>
    tpu.enqueue_indirect_dma source(%dma_start3A_127 : memref<4194304x16xf32, #tpu.memory_space<hbm>>) target(%arg8 : memref<2048x16xf32, #tpu.memory_space<vmem>>) offsets(%arg7 : memref<2048xi32, #tpu.memory_space<vmem>>) semaphore(%arg11 : memref<!tpu.dma_semaphore, #tpu.memory_space<semaphore_mem>>)
    %dma_start3A_128 = arith.constant 0 : i32
    %dma_start3A_129 = arith.constant 0 : i32
    %dma_start3A_130 = tpu.memref_slice %arg4[%dma_start3A_128, %dma_start3A_129] : memref<4194304x8xf32, #tpu.memory_space<hbm>> -> memref<4194304x8xf32, #tpu.memory_space<hbm>>
    tpu.enqueue_indirect_dma source(%dma_start3A_130 : memref<4194304x8xf32, #tpu.memory_space<hbm>>) target(%arg9 : memref<2048x8xf32, #tpu.memory_space<vmem>>) offsets(%arg7 : memref<2048xi32, #tpu.memory_space<vmem>>) semaphore(%arg12 : memref<!tpu.dma_semaphore, #tpu.memory_space<semaphore_mem>>)
    %dma_wait3A_131 = arith.constant 0 : i32
    %dma_wait3A_132 = arith.constant 0 : i32
    %dma_wait3A_133 = tpu.memref_slice %arg3[%dma_wait3A_131, %dma_wait3A_132] : memref<4194304x16xf32, #tpu.memory_space<hbm>> -> memref<4194304x16xf32, #tpu.memory_space<hbm>>
    tpu.wait_indirect_dma semaphore(%arg11 : memref<!tpu.dma_semaphore, #tpu.memory_space<semaphore_mem>>) src(%dma_wait3A_133 : memref<4194304x16xf32, #tpu.memory_space<hbm>>) dst(%arg8 : memref<2048x16xf32, #tpu.memory_space<vmem>>)
    %run_scoped3A_134 = arith.constant 4 : i32
    "tpu.region"() ({
      %run_scoped3A_495 = tpu.sem_alloc : memref<!tpu.dma_semaphore, #tpu.memory_space<semaphore_mem>>
      %dma_start3A_496 = arith.constant 0 : i32
      %dma_start3A_497 = tpu.memref_slice %arg5[%run_scoped3A_134, %mul3A_2, %dma_start3A_496] : memref<16x65536x16xf32, #tpu.memory_space<hbm>> -> memref<1x2048x16xf32, #tpu.memory_space<hbm>>
      %dma_start3A_498 = tpu.memref_squeeze %dma_start3A_497 : memref<1x2048x16xf32, #tpu.memory_space<hbm>> -> memref<2048x16xf32, #tpu.memory_space<hbm>>
      %dma_start3A_499 = arith.constant 0 : i32
      %dma_start3A_500 = tpu.memref_slice %arg5[%run_scoped3A_134, %mul3A_2, %dma_start3A_499] : memref<16x65536x16xf32, #tpu.memory_space<hbm>> -> memref<1x2048x16xf32, #tpu.memory_space<hbm>>
      %dma_start3A_501 = tpu.memref_squeeze %dma_start3A_500 : memref<1x2048x16xf32, #tpu.memory_space<hbm>> -> memref<2048x16xf32, #tpu.memory_space<hbm>>
      tpu.enqueue_dma source(%arg8 : memref<2048x16xf32, #tpu.memory_space<vmem>>) target(%dma_start3A_501 : memref<2048x16xf32, #tpu.memory_space<hbm>>) target_semaphore(%run_scoped3A_495 : memref<!tpu.dma_semaphore, #tpu.memory_space<semaphore_mem>>)
      %dma_wait3A_502 = arith.constant 0 : i32
      %dma_wait3A_503 = tpu.memref_slice %arg5[%run_scoped3A_134, %mul3A_2, %dma_wait3A_502] : memref<16x65536x16xf32, #tpu.memory_space<hbm>> -> memref<1x2048x16xf32, #tpu.memory_space<hbm>>
      %dma_wait3A_504 = tpu.memref_squeeze %dma_wait3A_503 : memref<1x2048x16xf32, #tpu.memory_space<hbm>> -> memref<2048x16xf32, #tpu.memory_space<hbm>>
      %dma_wait3A_505 = arith.constant 0 : i32
      %dma_wait3A_506 = tpu.memref_slice %arg5[%run_scoped3A_134, %mul3A_2, %dma_wait3A_505] : memref<16x65536x16xf32, #tpu.memory_space<hbm>> -> memref<1x2048x16xf32, #tpu.memory_space<hbm>>
      %dma_wait3A_507 = tpu.memref_squeeze %dma_wait3A_506 : memref<1x2048x16xf32, #tpu.memory_space<hbm>> -> memref<2048x16xf32, #tpu.memory_space<hbm>>
      tpu.wait_dma2 semaphore(%run_scoped3A_495 : memref<!tpu.dma_semaphore, #tpu.memory_space<semaphore_mem>>) src(%arg8 : memref<2048x16xf32, #tpu.memory_space<vmem>>) dst(%dma_wait3A_507 : memref<2048x16xf32, #tpu.memory_space<hbm>>)
      tpu.yield
    }) : () -> ()
    %dma_wait3A_135 = arith.constant 0 : i32
    %dma_wait3A_136 = arith.constant 0 : i32
    %dma_wait3A_137 = tpu.memref_slice %arg4[%dma_wait3A_135, %dma_wait3A_136] : memref<4194304x8xf32, #tpu.memory_space<hbm>> -> memref<4194304x8xf32, #tpu.memory_space<hbm>>
    tpu.wait_indirect_dma semaphore(%arg12 : memref<!tpu.dma_semaphore, #tpu.memory_space<semaphore_mem>>) src(%dma_wait3A_137 : memref<4194304x8xf32, #tpu.memory_space<hbm>>) dst(%arg9 : memref<2048x8xf32, #tpu.memory_space<vmem>>)
    %scan3A_138 = arith.constant 0 : i32
    %scan3A_139 = arith.constant 0 : i32
    %scan3A_140 = arith.constant 128 : i32
    %scan3A_141 = arith.addi %scan3A_139, %scan3A_140 : i32
    %scan3A_142 = arith.constant 1 : i32
    %scan3A_143 = scf.for %scan3A_495 = %scan3A_139 to %scan3A_141 step %scan3A_142 iter_args(%scan3A_496 = %scan3A_138) -> (i32)  : i32 {
      %mul3A_497 = arith.constant 16 : i32
      %mul3A_498 = arith.muli %scan3A_495, %mul3A_497 : i32
      %add3A_499 = vector.broadcast %mul3A_498 : i32 to vector<16xi32>
      %add3A_500 = arith.addi %add3A_499, %iota3A : vector<16xi32>
      %broadcast_in_dim3A = arith.constant 0 : i32
      %broadcast_in_dim3A_501 = vector.broadcast %broadcast_in_dim3A : i32 to vector<16xi32>
      %gather3A = tpu.vector_load_idx %arg9[%add3A_500, %broadcast_in_dim3A_501] : memref<2048x8xf32, #tpu.memory_space<vmem>>[vector<16xi32>, vector<16xi32>], vector<16xf32>,
      %mul3A_502 = arith.constant 16 : i32
      %mul3A_503 = arith.muli %scan3A_495, %mul3A_502 : i32
      %swap3A = arith.constant 0 : i32
      %swap3A_504 = arith.index_cast %swap3A : i32 to index
      %swap3A_505 = arith.index_cast %mul3A_503 : i32 to index
      %swap3A_506 = tpu.vector_load %arg10[%swap3A_504, %swap3A_505] {strides = array<i32>} : memref<3x2048xf32, #tpu.memory_space<vmem>>, vector<16xf32>,
      tpu.vector_store %arg10[%swap3A_504, %swap3A_505], %gather3A {strides = array<i32>} : memref<3x2048xf32, #tpu.memory_space<vmem>>, vector<16xf32>,
      %broadcast_in_dim3A_507 = arith.constant 1 : i32
      %broadcast_in_dim3A_508 = vector.broadcast %broadcast_in_dim3A_507 : i32 to vector<16xi32>
      %gather3A_509 = tpu.vector_load_idx %arg9[%add3A_500, %broadcast_in_dim3A_508] : memref<2048x8xf32, #tpu.memory_space<vmem>>[vector<16xi32>, vector<16xi32>], vector<16xf32>,
      %mul3A_510 = arith.constant 16 : i32
      %mul3A_511 = arith.muli %scan3A_495, %mul3A_510 : i32
      %swap3A_512 = arith.constant 1 : i32
      %swap3A_513 = arith.index_cast %swap3A_512 : i32 to index
      %swap3A_514 = arith.index_cast %mul3A_511 : i32 to index
      %swap3A_515 = tpu.vector_load %arg10[%swap3A_513, %swap3A_514] {strides = array<i32>} : memref<3x2048xf32, #tpu.memory_space<vmem>>, vector<16xf32>,
      tpu.vector_store %arg10[%swap3A_513, %swap3A_514], %gather3A_509 {strides = array<i32>} : memref<3x2048xf32, #tpu.memory_space<vmem>>, vector<16xf32>,
      %broadcast_in_dim3A_516 = arith.constant 2 : i32
      %broadcast_in_dim3A_517 = vector.broadcast %broadcast_in_dim3A_516 : i32 to vector<16xi32>
      %gather3A_518 = tpu.vector_load_idx %arg9[%add3A_500, %broadcast_in_dim3A_517] : memref<2048x8xf32, #tpu.memory_space<vmem>>[vector<16xi32>, vector<16xi32>], vector<16xf32>,
      %mul3A_519 = arith.constant 16 : i32
      %mul3A_520 = arith.muli %scan3A_495, %mul3A_519 : i32
      %swap3A_521 = arith.constant 2 : i32
      %swap3A_522 = arith.index_cast %swap3A_521 : i32 to index
      %swap3A_523 = arith.index_cast %mul3A_520 : i32 to index
      %swap3A_524 = tpu.vector_load %arg10[%swap3A_522, %swap3A_523] {strides = array<i32>} : memref<3x2048xf32, #tpu.memory_space<vmem>>, vector<16xf32>,
      tpu.vector_store %arg10[%swap3A_522, %swap3A_523], %gather3A_518 {strides = array<i32>} : memref<3x2048xf32, #tpu.memory_space<vmem>>, vector<16xf32>,
      %scan3A_525 = arith.constant 0 : i32
      scf.yield %scan3A_525 : i32
    }
    %scan3A_144 = arith.constant 128 : i32
    %run_scoped3A_145 = arith.constant 0 : i32
    %run_scoped3A_146 = arith.constant 0 : i32
    %run_scoped3A_147 = arith.constant 4 : i32
    "tpu.region"() ({
      %run_scoped3A_495 = tpu.sem_alloc : memref<!tpu.dma_semaphore, #tpu.memory_space<semaphore_mem>>
      %dma_start3A_496 = arith.constant 0 : i32
      %dma_start3A_497 = tpu.memref_slice %arg10[%run_scoped3A_145, %dma_start3A_496] : memref<3x2048xf32, #tpu.memory_space<vmem>> -> memref<1x2048xf32, #tpu.memory_space<vmem>>
      %dma_start3A_498 = tpu.memref_squeeze %dma_start3A_497 : memref<1x2048xf32, #tpu.memory_space<vmem>> -> memref<2048xf32, #tpu.memory_space<vmem>>
      %dma_start3A_499 = tpu.memref_slice %arg6[%run_scoped3A_146, %run_scoped3A_147, %mul3A_2] : memref<3x16x65536xf32, #tpu.memory_space<hbm>> -> memref<1x1x2048xf32, #tpu.memory_space<hbm>>
      %dma_start3A_500 = tpu.memref_squeeze %dma_start3A_499 : memref<1x1x2048xf32, #tpu.memory_space<hbm>> -> memref<2048xf32, #tpu.memory_space<hbm>>
      %dma_start3A_501 = tpu.memref_slice %arg6[%run_scoped3A_146, %run_scoped3A_147, %mul3A_2] : memref<3x16x65536xf32, #tpu.memory_space<hbm>> -> memref<1x1x2048xf32, #tpu.memory_space<hbm>>
      %dma_start3A_502 = tpu.memref_squeeze %dma_start3A_501 : memref<1x1x2048xf32, #tpu.memory_space<hbm>> -> memref<2048xf32, #tpu.memory_space<hbm>>
      %dma_start3A_503 = arith.constant 0 : i32
      %dma_start3A_504 = tpu.memref_slice %arg10[%run_scoped3A_145, %dma_start3A_503] : memref<3x2048xf32, #tpu.memory_space<vmem>> -> memref<1x2048xf32, #tpu.memory_space<vmem>>
      %dma_start3A_505 = tpu.memref_squeeze %dma_start3A_504 : memref<1x2048xf32, #tpu.memory_space<vmem>> -> memref<2048xf32, #tpu.memory_space<vmem>>
      tpu.enqueue_dma source(%dma_start3A_505 : memref<2048xf32, #tpu.memory_space<vmem>>) target(%dma_start3A_502 : memref<2048xf32, #tpu.memory_space<hbm>>) target_semaphore(%run_scoped3A_495 : memref<!tpu.dma_semaphore, #tpu.memory_space<semaphore_mem>>)
      %dma_wait3A_506 = arith.constant 0 : i32
      %dma_wait3A_507 = tpu.memref_slice %arg10[%run_scoped3A_145, %dma_wait3A_506] : memref<3x2048xf32, #tpu.memory_space<vmem>> -> memref<1x2048xf32, #tpu.memory_space<vmem>>
      %dma_wait3A_508 = tpu.memref_squeeze %dma_wait3A_507 : memref<1x2048xf32, #tpu.memory_space<vmem>> -> memref<2048xf32, #tpu.memory_space<vmem>>
      %dma_wait3A_509 = tpu.memref_slice %arg6[%run_scoped3A_146, %run_scoped3A_147, %mul3A_2] : memref<3x16x65536xf32, #tpu.memory_space<hbm>> -> memref<1x1x2048xf32, #tpu.memory_space<hbm>>
      %dma_wait3A_510 = tpu.memref_squeeze %dma_wait3A_509 : memref<1x1x2048xf32, #tpu.memory_space<hbm>> -> memref<2048xf32, #tpu.memory_space<hbm>>
      %dma_wait3A_511 = tpu.memref_slice %arg6[%run_scoped3A_146, %run_scoped3A_147, %mul3A_2] : memref<3x16x65536xf32, #tpu.memory_space<hbm>> -> memref<1x1x2048xf32, #tpu.memory_space<hbm>>
      %dma_wait3A_512 = tpu.memref_squeeze %dma_wait3A_511 : memref<1x1x2048xf32, #tpu.memory_space<hbm>> -> memref<2048xf32, #tpu.memory_space<hbm>>
      %dma_wait3A_513 = arith.constant 0 : i32
      %dma_wait3A_514 = tpu.memref_slice %arg10[%run_scoped3A_145, %dma_wait3A_513] : memref<3x2048xf32, #tpu.memory_space<vmem>> -> memref<1x2048xf32, #tpu.memory_space<vmem>>
      %dma_wait3A_515 = tpu.memref_squeeze %dma_wait3A_514 : memref<1x2048xf32, #tpu.memory_space<vmem>> -> memref<2048xf32, #tpu.memory_space<vmem>>
      tpu.wait_dma2 semaphore(%run_scoped3A_495 : memref<!tpu.dma_semaphore, #tpu.memory_space<semaphore_mem>>) src(%dma_wait3A_515 : memref<2048xf32, #tpu.memory_space<vmem>>) dst(%dma_wait3A_512 : memref<2048xf32, #tpu.memory_space<hbm>>)
      tpu.yield
    }) : () -> ()
    %run_scoped3A_148 = arith.constant 1 : i32
    %run_scoped3A_149 = arith.constant 1 : i32
    %run_scoped3A_150 = arith.constant 4 : i32
    "tpu.region"() ({
      %run_scoped3A_495 = tpu.sem_alloc : memref<!tpu.dma_semaphore, #tpu.memory_space<semaphore_mem>>
      %dma_start3A_496 = arith.constant 0 : i32
      %dma_start3A_497 = tpu.memref_slice %arg10[%run_scoped3A_148, %dma_start3A_496] : memref<3x2048xf32, #tpu.memory_space<vmem>> -> memref<1x2048xf32, #tpu.memory_space<vmem>>
      %dma_start3A_498 = tpu.memref_squeeze %dma_start3A_497 : memref<1x2048xf32, #tpu.memory_space<vmem>> -> memref<2048xf32, #tpu.memory_space<vmem>>
      %dma_start3A_499 = tpu.memref_slice %arg6[%run_scoped3A_149, %run_scoped3A_150, %mul3A_2] : memref<3x16x65536xf32, #tpu.memory_space<hbm>> -> memref<1x1x2048xf32, #tpu.memory_space<hbm>>
      %dma_start3A_500 = tpu.memref_squeeze %dma_start3A_499 : memref<1x1x2048xf32, #tpu.memory_space<hbm>> -> memref<2048xf32, #tpu.memory_space<hbm>>
      %dma_start3A_501 = tpu.memref_slice %arg6[%run_scoped3A_149, %run_scoped3A_150, %mul3A_2] : memref<3x16x65536xf32, #tpu.memory_space<hbm>> -> memref<1x1x2048xf32, #tpu.memory_space<hbm>>
      %dma_start3A_502 = tpu.memref_squeeze %dma_start3A_501 : memref<1x1x2048xf32, #tpu.memory_space<hbm>> -> memref<2048xf32, #tpu.memory_space<hbm>>
      %dma_start3A_503 = arith.constant 0 : i32
      %dma_start3A_504 = tpu.memref_slice %arg10[%run_scoped3A_148, %dma_start3A_503] : memref<3x2048xf32, #tpu.memory_space<vmem>> -> memref<1x2048xf32, #tpu.memory_space<vmem>>
      %dma_start3A_505 = tpu.memref_squeeze %dma_start3A_504 : memref<1x2048xf32, #tpu.memory_space<vmem>> -> memref<2048xf32, #tpu.memory_space<vmem>>
      tpu.enqueue_dma source(%dma_start3A_505 : memref<2048xf32, #tpu.memory_space<vmem>>) target(%dma_start3A_502 : memref<2048xf32, #tpu.memory_space<hbm>>) target_semaphore(%run_scoped3A_495 : memref<!tpu.dma_semaphore, #tpu.memory_space<semaphore_mem>>)
      %dma_wait3A_506 = arith.constant 0 : i32
      %dma_wait3A_507 = tpu.memref_slice %arg10[%run_scoped3A_148, %dma_wait3A_506] : memref<3x2048xf32, #tpu.memory_space<vmem>> -> memref<1x2048xf32, #tpu.memory_space<vmem>>
      %dma_wait3A_508 = tpu.memref_squeeze %dma_wait3A_507 : memref<1x2048xf32, #tpu.memory_space<vmem>> -> memref<2048xf32, #tpu.memory_space<vmem>>
      %dma_wait3A_509 = tpu.memref_slice %arg6[%run_scoped3A_149, %run_scoped3A_150, %mul3A_2] : memref<3x16x65536xf32, #tpu.memory_space<hbm>> -> memref<1x1x2048xf32, #tpu.memory_space<hbm>>
      %dma_wait3A_510 = tpu.memref_squeeze %dma_wait3A_509 : memref<1x1x2048xf32, #tpu.memory_space<hbm>> -> memref<2048xf32, #tpu.memory_space<hbm>>
      %dma_wait3A_511 = tpu.memref_slice %arg6[%run_scoped3A_149, %run_scoped3A_150, %mul3A_2] : memref<3x16x65536xf32, #tpu.memory_space<hbm>> -> memref<1x1x2048xf32, #tpu.memory_space<hbm>>
      %dma_wait3A_512 = tpu.memref_squeeze %dma_wait3A_511 : memref<1x1x2048xf32, #tpu.memory_space<hbm>> -> memref<2048xf32, #tpu.memory_space<hbm>>
      %dma_wait3A_513 = arith.constant 0 : i32
      %dma_wait3A_514 = tpu.memref_slice %arg10[%run_scoped3A_148, %dma_wait3A_513] : memref<3x2048xf32, #tpu.memory_space<vmem>> -> memref<1x2048xf32, #tpu.memory_space<vmem>>
      %dma_wait3A_515 = tpu.memref_squeeze %dma_wait3A_514 : memref<1x2048xf32, #tpu.memory_space<vmem>> -> memref<2048xf32, #tpu.memory_space<vmem>>
      tpu.wait_dma2 semaphore(%run_scoped3A_495 : memref<!tpu.dma_semaphore, #tpu.memory_space<semaphore_mem>>) src(%dma_wait3A_515 : memref<2048xf32, #tpu.memory_space<vmem>>) dst(%dma_wait3A_512 : memref<2048xf32, #tpu.memory_space<hbm>>)
      tpu.yield
    }) : () -> ()
    %run_scoped3A_151 = arith.constant 2 : i32
    %run_scoped3A_152 = arith.constant 2 : i32
    %run_scoped3A_153 = arith.constant 4 : i32
    "tpu.region"() ({
      %run_scoped3A_495 = tpu.sem_alloc : memref<!tpu.dma_semaphore, #tpu.memory_space<semaphore_mem>>
      %dma_start3A_496 = arith.constant 0 : i32
      %dma_start3A_497 = tpu.memref_slice %arg10[%run_scoped3A_151, %dma_start3A_496] : memref<3x2048xf32, #tpu.memory_space<vmem>> -> memref<1x2048xf32, #tpu.memory_space<vmem>>
      %dma_start3A_498 = tpu.memref_squeeze %dma_start3A_497 : memref<1x2048xf32, #tpu.memory_space<vmem>> -> memref<2048xf32, #tpu.memory_space<vmem>>
      %dma_start3A_499 = tpu.memref_slice %arg6[%run_scoped3A_152, %run_scoped3A_153, %mul3A_2] : memref<3x16x65536xf32, #tpu.memory_space<hbm>> -> memref<1x1x2048xf32, #tpu.memory_space<hbm>>
      %dma_start3A_500 = tpu.memref_squeeze %dma_start3A_499 : memref<1x1x2048xf32, #tpu.memory_space<hbm>> -> memref<2048xf32, #tpu.memory_space<hbm>>
      %dma_start3A_501 = tpu.memref_slice %arg6[%run_scoped3A_152, %run_scoped3A_153, %mul3A_2] : memref<3x16x65536xf32, #tpu.memory_space<hbm>> -> memref<1x1x2048xf32, #tpu.memory_space<hbm>>
      %dma_start3A_502 = tpu.memref_squeeze %dma_start3A_501 : memref<1x1x2048xf32, #tpu.memory_space<hbm>> -> memref<2048xf32, #tpu.memory_space<hbm>>
      %dma_start3A_503 = arith.constant 0 : i32
      %dma_start3A_504 = tpu.memref_slice %arg10[%run_scoped3A_151, %dma_start3A_503] : memref<3x2048xf32, #tpu.memory_space<vmem>> -> memref<1x2048xf32, #tpu.memory_space<vmem>>
      %dma_start3A_505 = tpu.memref_squeeze %dma_start3A_504 : memref<1x2048xf32, #tpu.memory_space<vmem>> -> memref<2048xf32, #tpu.memory_space<vmem>>
      tpu.enqueue_dma source(%dma_start3A_505 : memref<2048xf32, #tpu.memory_space<vmem>>) target(%dma_start3A_502 : memref<2048xf32, #tpu.memory_space<hbm>>) target_semaphore(%run_scoped3A_495 : memref<!tpu.dma_semaphore, #tpu.memory_space<semaphore_mem>>)
      %dma_wait3A_506 = arith.constant 0 : i32
      %dma_wait3A_507 = tpu.memref_slice %arg10[%run_scoped3A_151, %dma_wait3A_506] : memref<3x2048xf32, #tpu.memory_space<vmem>> -> memref<1x2048xf32, #tpu.memory_space<vmem>>
      %dma_wait3A_508 = tpu.memref_squeeze %dma_wait3A_507 : memref<1x2048xf32, #tpu.memory_space<vmem>> -> memref<2048xf32, #tpu.memory_space<vmem>>
      %dma_wait3A_509 = tpu.memref_slice %arg6[%run_scoped3A_152, %run_scoped3A_153, %mul3A_2] : memref<3x16x65536xf32, #tpu.memory_space<hbm>> -> memref<1x1x2048xf32, #tpu.memory_space<hbm>>
      %dma_wait3A_510 = tpu.memref_squeeze %dma_wait3A_509 : memref<1x1x2048xf32, #tpu.memory_space<hbm>> -> memref<2048xf32, #tpu.memory_space<hbm>>
      %dma_wait3A_511 = tpu.memref_slice %arg6[%run_scoped3A_152, %run_scoped3A_153, %mul3A_2] : memref<3x16x65536xf32, #tpu.memory_space<hbm>> -> memref<1x1x2048xf32, #tpu.memory_space<hbm>>
      %dma_wait3A_512 = tpu.memref_squeeze %dma_wait3A_511 : memref<1x1x2048xf32, #tpu.memory_space<hbm>> -> memref<2048xf32, #tpu.memory_space<hbm>>
      %dma_wait3A_513 = arith.constant 0 : i32
      %dma_wait3A_514 = tpu.memref_slice %arg10[%run_scoped3A_151, %dma_wait3A_513] : memref<3x2048xf32, #tpu.memory_space<vmem>> -> memref<1x2048xf32, #tpu.memory_space<vmem>>
      %dma_wait3A_515 = tpu.memref_squeeze %dma_wait3A_514 : memref<1x2048xf32, #tpu.memory_space<vmem>> -> memref<2048xf32, #tpu.memory_space<vmem>>
      tpu.wait_dma2 semaphore(%run_scoped3A_495 : memref<!tpu.dma_semaphore, #tpu.memory_space<semaphore_mem>>) src(%dma_wait3A_515 : memref<2048xf32, #tpu.memory_space<vmem>>) dst(%dma_wait3A_512 : memref<2048xf32, #tpu.memory_space<hbm>>)
      tpu.yield
    }) : () -> ()
    %add3A_154 = arith.constant 327680 : i32
    %add3A_155 = arith.addi %add3A_154, %mul3A_2 : i32
    "tpu.region"() ({
      %run_scoped3A_495 = tpu.sem_alloc : memref<!tpu.dma_semaphore, #tpu.memory_space<semaphore_mem>>
      %dma_start3A_496 = tpu.memref_slice %arg2[%add3A_155] : memref<1048576xi32, #tpu.memory_space<hbm>> -> memref<2048xi32, #tpu.memory_space<hbm>>
      %dma_start3A_497 = tpu.memref_slice %arg2[%add3A_155] : memref<1048576xi32, #tpu.memory_space<hbm>> -> memref<2048xi32, #tpu.memory_space<hbm>>
      tpu.enqueue_dma source(%dma_start3A_497 : memref<2048xi32, #tpu.memory_space<hbm>>) target(%arg7 : memref<2048xi32, #tpu.memory_space<vmem>>) target_semaphore(%run_scoped3A_495 : memref<!tpu.dma_semaphore, #tpu.memory_space<semaphore_mem>>)
      %dma_wait3A_498 = tpu.memref_slice %arg2[%add3A_155] : memref<1048576xi32, #tpu.memory_space<hbm>> -> memref<2048xi32, #tpu.memory_space<hbm>>
      %dma_wait3A_499 = tpu.memref_slice %arg2[%add3A_155] : memref<1048576xi32, #tpu.memory_space<hbm>> -> memref<2048xi32, #tpu.memory_space<hbm>>
      tpu.wait_dma2 semaphore(%run_scoped3A_495 : memref<!tpu.dma_semaphore, #tpu.memory_space<semaphore_mem>>) src(%dma_wait3A_499 : memref<2048xi32, #tpu.memory_space<hbm>>) dst(%arg7 : memref<2048xi32, #tpu.memory_space<vmem>>)
      tpu.yield
    }) : () -> ()
    %dma_start3A_156 = arith.constant 0 : i32
    %dma_start3A_157 = arith.constant 0 : i32
    %dma_start3A_158 = tpu.memref_slice %arg3[%dma_start3A_156, %dma_start3A_157] : memref<4194304x16xf32, #tpu.memory_space<hbm>> -> memref<4194304x16xf32, #tpu.memory_space<hbm>>
    tpu.enqueue_indirect_dma source(%dma_start3A_158 : memref<4194304x16xf32, #tpu.memory_space<hbm>>) target(%arg8 : memref<2048x16xf32, #tpu.memory_space<vmem>>) offsets(%arg7 : memref<2048xi32, #tpu.memory_space<vmem>>) semaphore(%arg11 : memref<!tpu.dma_semaphore, #tpu.memory_space<semaphore_mem>>)
    %dma_start3A_159 = arith.constant 0 : i32
    %dma_start3A_160 = arith.constant 0 : i32
    %dma_start3A_161 = tpu.memref_slice %arg4[%dma_start3A_159, %dma_start3A_160] : memref<4194304x8xf32, #tpu.memory_space<hbm>> -> memref<4194304x8xf32, #tpu.memory_space<hbm>>
    tpu.enqueue_indirect_dma source(%dma_start3A_161 : memref<4194304x8xf32, #tpu.memory_space<hbm>>) target(%arg9 : memref<2048x8xf32, #tpu.memory_space<vmem>>) offsets(%arg7 : memref<2048xi32, #tpu.memory_space<vmem>>) semaphore(%arg12 : memref<!tpu.dma_semaphore, #tpu.memory_space<semaphore_mem>>)
    %dma_wait3A_162 = arith.constant 0 : i32
    %dma_wait3A_163 = arith.constant 0 : i32
    %dma_wait3A_164 = tpu.memref_slice %arg3[%dma_wait3A_162, %dma_wait3A_163] : memref<4194304x16xf32, #tpu.memory_space<hbm>> -> memref<4194304x16xf32, #tpu.memory_space<hbm>>
    tpu.wait_indirect_dma semaphore(%arg11 : memref<!tpu.dma_semaphore, #tpu.memory_space<semaphore_mem>>) src(%dma_wait3A_164 : memref<4194304x16xf32, #tpu.memory_space<hbm>>) dst(%arg8 : memref<2048x16xf32, #tpu.memory_space<vmem>>)
    %run_scoped3A_165 = arith.constant 5 : i32
    "tpu.region"() ({
      %run_scoped3A_495 = tpu.sem_alloc : memref<!tpu.dma_semaphore, #tpu.memory_space<semaphore_mem>>
      %dma_start3A_496 = arith.constant 0 : i32
      %dma_start3A_497 = tpu.memref_slice %arg5[%run_scoped3A_165, %mul3A_2, %dma_start3A_496] : memref<16x65536x16xf32, #tpu.memory_space<hbm>> -> memref<1x2048x16xf32, #tpu.memory_space<hbm>>
      %dma_start3A_498 = tpu.memref_squeeze %dma_start3A_497 : memref<1x2048x16xf32, #tpu.memory_space<hbm>> -> memref<2048x16xf32, #tpu.memory_space<hbm>>
      %dma_start3A_499 = arith.constant 0 : i32
      %dma_start3A_500 = tpu.memref_slice %arg5[%run_scoped3A_165, %mul3A_2, %dma_start3A_499] : memref<16x65536x16xf32, #tpu.memory_space<hbm>> -> memref<1x2048x16xf32, #tpu.memory_space<hbm>>
      %dma_start3A_501 = tpu.memref_squeeze %dma_start3A_500 : memref<1x2048x16xf32, #tpu.memory_space<hbm>> -> memref<2048x16xf32, #tpu.memory_space<hbm>>
      tpu.enqueue_dma source(%arg8 : memref<2048x16xf32, #tpu.memory_space<vmem>>) target(%dma_start3A_501 : memref<2048x16xf32, #tpu.memory_space<hbm>>) target_semaphore(%run_scoped3A_495 : memref<!tpu.dma_semaphore, #tpu.memory_space<semaphore_mem>>)
      %dma_wait3A_502 = arith.constant 0 : i32
      %dma_wait3A_503 = tpu.memref_slice %arg5[%run_scoped3A_165, %mul3A_2, %dma_wait3A_502] : memref<16x65536x16xf32, #tpu.memory_space<hbm>> -> memref<1x2048x16xf32, #tpu.memory_space<hbm>>
      %dma_wait3A_504 = tpu.memref_squeeze %dma_wait3A_503 : memref<1x2048x16xf32, #tpu.memory_space<hbm>> -> memref<2048x16xf32, #tpu.memory_space<hbm>>
      %dma_wait3A_505 = arith.constant 0 : i32
      %dma_wait3A_506 = tpu.memref_slice %arg5[%run_scoped3A_165, %mul3A_2, %dma_wait3A_505] : memref<16x65536x16xf32, #tpu.memory_space<hbm>> -> memref<1x2048x16xf32, #tpu.memory_space<hbm>>
      %dma_wait3A_507 = tpu.memref_squeeze %dma_wait3A_506 : memref<1x2048x16xf32, #tpu.memory_space<hbm>> -> memref<2048x16xf32, #tpu.memory_space<hbm>>
      tpu.wait_dma2 semaphore(%run_scoped3A_495 : memref<!tpu.dma_semaphore, #tpu.memory_space<semaphore_mem>>) src(%arg8 : memref<2048x16xf32, #tpu.memory_space<vmem>>) dst(%dma_wait3A_507 : memref<2048x16xf32, #tpu.memory_space<hbm>>)
      tpu.yield
    }) : () -> ()
    %dma_wait3A_166 = arith.constant 0 : i32
    %dma_wait3A_167 = arith.constant 0 : i32
    %dma_wait3A_168 = tpu.memref_slice %arg4[%dma_wait3A_166, %dma_wait3A_167] : memref<4194304x8xf32, #tpu.memory_space<hbm>> -> memref<4194304x8xf32, #tpu.memory_space<hbm>>
    tpu.wait_indirect_dma semaphore(%arg12 : memref<!tpu.dma_semaphore, #tpu.memory_space<semaphore_mem>>) src(%dma_wait3A_168 : memref<4194304x8xf32, #tpu.memory_space<hbm>>) dst(%arg9 : memref<2048x8xf32, #tpu.memory_space<vmem>>)
    %scan3A_169 = arith.constant 0 : i32
    %scan3A_170 = arith.constant 0 : i32
    %scan3A_171 = arith.constant 128 : i32
    %scan3A_172 = arith.addi %scan3A_170, %scan3A_171 : i32
    %scan3A_173 = arith.constant 1 : i32
    %scan3A_174 = scf.for %scan3A_495 = %scan3A_170 to %scan3A_172 step %scan3A_173 iter_args(%scan3A_496 = %scan3A_169) -> (i32)  : i32 {
      %mul3A_497 = arith.constant 16 : i32
      %mul3A_498 = arith.muli %scan3A_495, %mul3A_497 : i32
      %add3A_499 = vector.broadcast %mul3A_498 : i32 to vector<16xi32>
      %add3A_500 = arith.addi %add3A_499, %iota3A : vector<16xi32>
      %broadcast_in_dim3A = arith.constant 0 : i32
      %broadcast_in_dim3A_501 = vector.broadcast %broadcast_in_dim3A : i32 to vector<16xi32>
      %gather3A = tpu.vector_load_idx %arg9[%add3A_500, %broadcast_in_dim3A_501] : memref<2048x8xf32, #tpu.memory_space<vmem>>[vector<16xi32>, vector<16xi32>], vector<16xf32>,
      %mul3A_502 = arith.constant 16 : i32
      %mul3A_503 = arith.muli %scan3A_495, %mul3A_502 : i32
      %swap3A = arith.constant 0 : i32
      %swap3A_504 = arith.index_cast %swap3A : i32 to index
      %swap3A_505 = arith.index_cast %mul3A_503 : i32 to index
      %swap3A_506 = tpu.vector_load %arg10[%swap3A_504, %swap3A_505] {strides = array<i32>} : memref<3x2048xf32, #tpu.memory_space<vmem>>, vector<16xf32>,
      tpu.vector_store %arg10[%swap3A_504, %swap3A_505], %gather3A {strides = array<i32>} : memref<3x2048xf32, #tpu.memory_space<vmem>>, vector<16xf32>,
      %broadcast_in_dim3A_507 = arith.constant 1 : i32
      %broadcast_in_dim3A_508 = vector.broadcast %broadcast_in_dim3A_507 : i32 to vector<16xi32>
      %gather3A_509 = tpu.vector_load_idx %arg9[%add3A_500, %broadcast_in_dim3A_508] : memref<2048x8xf32, #tpu.memory_space<vmem>>[vector<16xi32>, vector<16xi32>], vector<16xf32>,
      %mul3A_510 = arith.constant 16 : i32
      %mul3A_511 = arith.muli %scan3A_495, %mul3A_510 : i32
      %swap3A_512 = arith.constant 1 : i32
      %swap3A_513 = arith.index_cast %swap3A_512 : i32 to index
      %swap3A_514 = arith.index_cast %mul3A_511 : i32 to index
      %swap3A_515 = tpu.vector_load %arg10[%swap3A_513, %swap3A_514] {strides = array<i32>} : memref<3x2048xf32, #tpu.memory_space<vmem>>, vector<16xf32>,
      tpu.vector_store %arg10[%swap3A_513, %swap3A_514], %gather3A_509 {strides = array<i32>} : memref<3x2048xf32, #tpu.memory_space<vmem>>, vector<16xf32>,
      %broadcast_in_dim3A_516 = arith.constant 2 : i32
      %broadcast_in_dim3A_517 = vector.broadcast %broadcast_in_dim3A_516 : i32 to vector<16xi32>
      %gather3A_518 = tpu.vector_load_idx %arg9[%add3A_500, %broadcast_in_dim3A_517] : memref<2048x8xf32, #tpu.memory_space<vmem>>[vector<16xi32>, vector<16xi32>], vector<16xf32>,
      %mul3A_519 = arith.constant 16 : i32
      %mul3A_520 = arith.muli %scan3A_495, %mul3A_519 : i32
      %swap3A_521 = arith.constant 2 : i32
      %swap3A_522 = arith.index_cast %swap3A_521 : i32 to index
      %swap3A_523 = arith.index_cast %mul3A_520 : i32 to index
      %swap3A_524 = tpu.vector_load %arg10[%swap3A_522, %swap3A_523] {strides = array<i32>} : memref<3x2048xf32, #tpu.memory_space<vmem>>, vector<16xf32>,
      tpu.vector_store %arg10[%swap3A_522, %swap3A_523], %gather3A_518 {strides = array<i32>} : memref<3x2048xf32, #tpu.memory_space<vmem>>, vector<16xf32>,
      %scan3A_525 = arith.constant 0 : i32
      scf.yield %scan3A_525 : i32
    }
    %scan3A_175 = arith.constant 128 : i32
    %run_scoped3A_176 = arith.constant 0 : i32
    %run_scoped3A_177 = arith.constant 0 : i32
    %run_scoped3A_178 = arith.constant 5 : i32
    "tpu.region"() ({
      %run_scoped3A_495 = tpu.sem_alloc : memref<!tpu.dma_semaphore, #tpu.memory_space<semaphore_mem>>
      %dma_start3A_496 = arith.constant 0 : i32
      %dma_start3A_497 = tpu.memref_slice %arg10[%run_scoped3A_176, %dma_start3A_496] : memref<3x2048xf32, #tpu.memory_space<vmem>> -> memref<1x2048xf32, #tpu.memory_space<vmem>>
      %dma_start3A_498 = tpu.memref_squeeze %dma_start3A_497 : memref<1x2048xf32, #tpu.memory_space<vmem>> -> memref<2048xf32, #tpu.memory_space<vmem>>
      %dma_start3A_499 = tpu.memref_slice %arg6[%run_scoped3A_177, %run_scoped3A_178, %mul3A_2] : memref<3x16x65536xf32, #tpu.memory_space<hbm>> -> memref<1x1x2048xf32, #tpu.memory_space<hbm>>
      %dma_start3A_500 = tpu.memref_squeeze %dma_start3A_499 : memref<1x1x2048xf32, #tpu.memory_space<hbm>> -> memref<2048xf32, #tpu.memory_space<hbm>>
      %dma_start3A_501 = tpu.memref_slice %arg6[%run_scoped3A_177, %run_scoped3A_178, %mul3A_2] : memref<3x16x65536xf32, #tpu.memory_space<hbm>> -> memref<1x1x2048xf32, #tpu.memory_space<hbm>>
      %dma_start3A_502 = tpu.memref_squeeze %dma_start3A_501 : memref<1x1x2048xf32, #tpu.memory_space<hbm>> -> memref<2048xf32, #tpu.memory_space<hbm>>
      %dma_start3A_503 = arith.constant 0 : i32
      %dma_start3A_504 = tpu.memref_slice %arg10[%run_scoped3A_176, %dma_start3A_503] : memref<3x2048xf32, #tpu.memory_space<vmem>> -> memref<1x2048xf32, #tpu.memory_space<vmem>>
      %dma_start3A_505 = tpu.memref_squeeze %dma_start3A_504 : memref<1x2048xf32, #tpu.memory_space<vmem>> -> memref<2048xf32, #tpu.memory_space<vmem>>
      tpu.enqueue_dma source(%dma_start3A_505 : memref<2048xf32, #tpu.memory_space<vmem>>) target(%dma_start3A_502 : memref<2048xf32, #tpu.memory_space<hbm>>) target_semaphore(%run_scoped3A_495 : memref<!tpu.dma_semaphore, #tpu.memory_space<semaphore_mem>>)
      %dma_wait3A_506 = arith.constant 0 : i32
      %dma_wait3A_507 = tpu.memref_slice %arg10[%run_scoped3A_176, %dma_wait3A_506] : memref<3x2048xf32, #tpu.memory_space<vmem>> -> memref<1x2048xf32, #tpu.memory_space<vmem>>
      %dma_wait3A_508 = tpu.memref_squeeze %dma_wait3A_507 : memref<1x2048xf32, #tpu.memory_space<vmem>> -> memref<2048xf32, #tpu.memory_space<vmem>>
      %dma_wait3A_509 = tpu.memref_slice %arg6[%run_scoped3A_177, %run_scoped3A_178, %mul3A_2] : memref<3x16x65536xf32, #tpu.memory_space<hbm>> -> memref<1x1x2048xf32, #tpu.memory_space<hbm>>
      %dma_wait3A_510 = tpu.memref_squeeze %dma_wait3A_509 : memref<1x1x2048xf32, #tpu.memory_space<hbm>> -> memref<2048xf32, #tpu.memory_space<hbm>>
      %dma_wait3A_511 = tpu.memref_slice %arg6[%run_scoped3A_177, %run_scoped3A_178, %mul3A_2] : memref<3x16x65536xf32, #tpu.memory_space<hbm>> -> memref<1x1x2048xf32, #tpu.memory_space<hbm>>
      %dma_wait3A_512 = tpu.memref_squeeze %dma_wait3A_511 : memref<1x1x2048xf32, #tpu.memory_space<hbm>> -> memref<2048xf32, #tpu.memory_space<hbm>>
      %dma_wait3A_513 = arith.constant 0 : i32
      %dma_wait3A_514 = tpu.memref_slice %arg10[%run_scoped3A_176, %dma_wait3A_513] : memref<3x2048xf32, #tpu.memory_space<vmem>> -> memref<1x2048xf32, #tpu.memory_space<vmem>>
      %dma_wait3A_515 = tpu.memref_squeeze %dma_wait3A_514 : memref<1x2048xf32, #tpu.memory_space<vmem>> -> memref<2048xf32, #tpu.memory_space<vmem>>
      tpu.wait_dma2 semaphore(%run_scoped3A_495 : memref<!tpu.dma_semaphore, #tpu.memory_space<semaphore_mem>>) src(%dma_wait3A_515 : memref<2048xf32, #tpu.memory_space<vmem>>) dst(%dma_wait3A_512 : memref<2048xf32, #tpu.memory_space<hbm>>)
      tpu.yield
    }) : () -> ()
    %run_scoped3A_179 = arith.constant 1 : i32
    %run_scoped3A_180 = arith.constant 1 : i32
    %run_scoped3A_181 = arith.constant 5 : i32
    "tpu.region"() ({
      %run_scoped3A_495 = tpu.sem_alloc : memref<!tpu.dma_semaphore, #tpu.memory_space<semaphore_mem>>
      %dma_start3A_496 = arith.constant 0 : i32
      %dma_start3A_497 = tpu.memref_slice %arg10[%run_scoped3A_179, %dma_start3A_496] : memref<3x2048xf32, #tpu.memory_space<vmem>> -> memref<1x2048xf32, #tpu.memory_space<vmem>>
      %dma_start3A_498 = tpu.memref_squeeze %dma_start3A_497 : memref<1x2048xf32, #tpu.memory_space<vmem>> -> memref<2048xf32, #tpu.memory_space<vmem>>
      %dma_start3A_499 = tpu.memref_slice %arg6[%run_scoped3A_180, %run_scoped3A_181, %mul3A_2] : memref<3x16x65536xf32, #tpu.memory_space<hbm>> -> memref<1x1x2048xf32, #tpu.memory_space<hbm>>
      %dma_start3A_500 = tpu.memref_squeeze %dma_start3A_499 : memref<1x1x2048xf32, #tpu.memory_space<hbm>> -> memref<2048xf32, #tpu.memory_space<hbm>>
      %dma_start3A_501 = tpu.memref_slice %arg6[%run_scoped3A_180, %run_scoped3A_181, %mul3A_2] : memref<3x16x65536xf32, #tpu.memory_space<hbm>> -> memref<1x1x2048xf32, #tpu.memory_space<hbm>>
      %dma_start3A_502 = tpu.memref_squeeze %dma_start3A_501 : memref<1x1x2048xf32, #tpu.memory_space<hbm>> -> memref<2048xf32, #tpu.memory_space<hbm>>
      %dma_start3A_503 = arith.constant 0 : i32
      %dma_start3A_504 = tpu.memref_slice %arg10[%run_scoped3A_179, %dma_start3A_503] : memref<3x2048xf32, #tpu.memory_space<vmem>> -> memref<1x2048xf32, #tpu.memory_space<vmem>>
      %dma_start3A_505 = tpu.memref_squeeze %dma_start3A_504 : memref<1x2048xf32, #tpu.memory_space<vmem>> -> memref<2048xf32, #tpu.memory_space<vmem>>
      tpu.enqueue_dma source(%dma_start3A_505 : memref<2048xf32, #tpu.memory_space<vmem>>) target(%dma_start3A_502 : memref<2048xf32, #tpu.memory_space<hbm>>) target_semaphore(%run_scoped3A_495 : memref<!tpu.dma_semaphore, #tpu.memory_space<semaphore_mem>>)
      %dma_wait3A_506 = arith.constant 0 : i32
      %dma_wait3A_507 = tpu.memref_slice %arg10[%run_scoped3A_179, %dma_wait3A_506] : memref<3x2048xf32, #tpu.memory_space<vmem>> -> memref<1x2048xf32, #tpu.memory_space<vmem>>
      %dma_wait3A_508 = tpu.memref_squeeze %dma_wait3A_507 : memref<1x2048xf32, #tpu.memory_space<vmem>> -> memref<2048xf32, #tpu.memory_space<vmem>>
      %dma_wait3A_509 = tpu.memref_slice %arg6[%run_scoped3A_180, %run_scoped3A_181, %mul3A_2] : memref<3x16x65536xf32, #tpu.memory_space<hbm>> -> memref<1x1x2048xf32, #tpu.memory_space<hbm>>
      %dma_wait3A_510 = tpu.memref_squeeze %dma_wait3A_509 : memref<1x1x2048xf32, #tpu.memory_space<hbm>> -> memref<2048xf32, #tpu.memory_space<hbm>>
      %dma_wait3A_511 = tpu.memref_slice %arg6[%run_scoped3A_180, %run_scoped3A_181, %mul3A_2] : memref<3x16x65536xf32, #tpu.memory_space<hbm>> -> memref<1x1x2048xf32, #tpu.memory_space<hbm>>
      %dma_wait3A_512 = tpu.memref_squeeze %dma_wait3A_511 : memref<1x1x2048xf32, #tpu.memory_space<hbm>> -> memref<2048xf32, #tpu.memory_space<hbm>>
      %dma_wait3A_513 = arith.constant 0 : i32
      %dma_wait3A_514 = tpu.memref_slice %arg10[%run_scoped3A_179, %dma_wait3A_513] : memref<3x2048xf32, #tpu.memory_space<vmem>> -> memref<1x2048xf32, #tpu.memory_space<vmem>>
      %dma_wait3A_515 = tpu.memref_squeeze %dma_wait3A_514 : memref<1x2048xf32, #tpu.memory_space<vmem>> -> memref<2048xf32, #tpu.memory_space<vmem>>
      tpu.wait_dma2 semaphore(%run_scoped3A_495 : memref<!tpu.dma_semaphore, #tpu.memory_space<semaphore_mem>>) src(%dma_wait3A_515 : memref<2048xf32, #tpu.memory_space<vmem>>) dst(%dma_wait3A_512 : memref<2048xf32, #tpu.memory_space<hbm>>)
      tpu.yield
    }) : () -> ()
    %run_scoped3A_182 = arith.constant 2 : i32
    %run_scoped3A_183 = arith.constant 2 : i32
    %run_scoped3A_184 = arith.constant 5 : i32
    "tpu.region"() ({
      %run_scoped3A_495 = tpu.sem_alloc : memref<!tpu.dma_semaphore, #tpu.memory_space<semaphore_mem>>
      %dma_start3A_496 = arith.constant 0 : i32
      %dma_start3A_497 = tpu.memref_slice %arg10[%run_scoped3A_182, %dma_start3A_496] : memref<3x2048xf32, #tpu.memory_space<vmem>> -> memref<1x2048xf32, #tpu.memory_space<vmem>>
      %dma_start3A_498 = tpu.memref_squeeze %dma_start3A_497 : memref<1x2048xf32, #tpu.memory_space<vmem>> -> memref<2048xf32, #tpu.memory_space<vmem>>
      %dma_start3A_499 = tpu.memref_slice %arg6[%run_scoped3A_183, %run_scoped3A_184, %mul3A_2] : memref<3x16x65536xf32, #tpu.memory_space<hbm>> -> memref<1x1x2048xf32, #tpu.memory_space<hbm>>
      %dma_start3A_500 = tpu.memref_squeeze %dma_start3A_499 : memref<1x1x2048xf32, #tpu.memory_space<hbm>> -> memref<2048xf32, #tpu.memory_space<hbm>>
      %dma_start3A_501 = tpu.memref_slice %arg6[%run_scoped3A_183, %run_scoped3A_184, %mul3A_2] : memref<3x16x65536xf32, #tpu.memory_space<hbm>> -> memref<1x1x2048xf32, #tpu.memory_space<hbm>>
      %dma_start3A_502 = tpu.memref_squeeze %dma_start3A_501 : memref<1x1x2048xf32, #tpu.memory_space<hbm>> -> memref<2048xf32, #tpu.memory_space<hbm>>
      %dma_start3A_503 = arith.constant 0 : i32
      %dma_start3A_504 = tpu.memref_slice %arg10[%run_scoped3A_182, %dma_start3A_503] : memref<3x2048xf32, #tpu.memory_space<vmem>> -> memref<1x2048xf32, #tpu.memory_space<vmem>>
      %dma_start3A_505 = tpu.memref_squeeze %dma_start3A_504 : memref<1x2048xf32, #tpu.memory_space<vmem>> -> memref<2048xf32, #tpu.memory_space<vmem>>
      tpu.enqueue_dma source(%dma_start3A_505 : memref<2048xf32, #tpu.memory_space<vmem>>) target(%dma_start3A_502 : memref<2048xf32, #tpu.memory_space<hbm>>) target_semaphore(%run_scoped3A_495 : memref<!tpu.dma_semaphore, #tpu.memory_space<semaphore_mem>>)
      %dma_wait3A_506 = arith.constant 0 : i32
      %dma_wait3A_507 = tpu.memref_slice %arg10[%run_scoped3A_182, %dma_wait3A_506] : memref<3x2048xf32, #tpu.memory_space<vmem>> -> memref<1x2048xf32, #tpu.memory_space<vmem>>
      %dma_wait3A_508 = tpu.memref_squeeze %dma_wait3A_507 : memref<1x2048xf32, #tpu.memory_space<vmem>> -> memref<2048xf32, #tpu.memory_space<vmem>>
      %dma_wait3A_509 = tpu.memref_slice %arg6[%run_scoped3A_183, %run_scoped3A_184, %mul3A_2] : memref<3x16x65536xf32, #tpu.memory_space<hbm>> -> memref<1x1x2048xf32, #tpu.memory_space<hbm>>
      %dma_wait3A_510 = tpu.memref_squeeze %dma_wait3A_509 : memref<1x1x2048xf32, #tpu.memory_space<hbm>> -> memref<2048xf32, #tpu.memory_space<hbm>>
      %dma_wait3A_511 = tpu.memref_slice %arg6[%run_scoped3A_183, %run_scoped3A_184, %mul3A_2] : memref<3x16x65536xf32, #tpu.memory_space<hbm>> -> memref<1x1x2048xf32, #tpu.memory_space<hbm>>
      %dma_wait3A_512 = tpu.memref_squeeze %dma_wait3A_511 : memref<1x1x2048xf32, #tpu.memory_space<hbm>> -> memref<2048xf32, #tpu.memory_space<hbm>>
      %dma_wait3A_513 = arith.constant 0 : i32
      %dma_wait3A_514 = tpu.memref_slice %arg10[%run_scoped3A_182, %dma_wait3A_513] : memref<3x2048xf32, #tpu.memory_space<vmem>> -> memref<1x2048xf32, #tpu.memory_space<vmem>>
      %dma_wait3A_515 = tpu.memref_squeeze %dma_wait3A_514 : memref<1x2048xf32, #tpu.memory_space<vmem>> -> memref<2048xf32, #tpu.memory_space<vmem>>
      tpu.wait_dma2 semaphore(%run_scoped3A_495 : memref<!tpu.dma_semaphore, #tpu.memory_space<semaphore_mem>>) src(%dma_wait3A_515 : memref<2048xf32, #tpu.memory_space<vmem>>) dst(%dma_wait3A_512 : memref<2048xf32, #tpu.memory_space<hbm>>)
      tpu.yield
    }) : () -> ()
    %add3A_185 = arith.constant 393216 : i32
    %add3A_186 = arith.addi %add3A_185, %mul3A_2 : i32
    "tpu.region"() ({
      %run_scoped3A_495 = tpu.sem_alloc : memref<!tpu.dma_semaphore, #tpu.memory_space<semaphore_mem>>
      %dma_start3A_496 = tpu.memref_slice %arg2[%add3A_186] : memref<1048576xi32, #tpu.memory_space<hbm>> -> memref<2048xi32, #tpu.memory_space<hbm>>
      %dma_start3A_497 = tpu.memref_slice %arg2[%add3A_186] : memref<1048576xi32, #tpu.memory_space<hbm>> -> memref<2048xi32, #tpu.memory_space<hbm>>
      tpu.enqueue_dma source(%dma_start3A_497 : memref<2048xi32, #tpu.memory_space<hbm>>) target(%arg7 : memref<2048xi32, #tpu.memory_space<vmem>>) target_semaphore(%run_scoped3A_495 : memref<!tpu.dma_semaphore, #tpu.memory_space<semaphore_mem>>)
      %dma_wait3A_498 = tpu.memref_slice %arg2[%add3A_186] : memref<1048576xi32, #tpu.memory_space<hbm>> -> memref<2048xi32, #tpu.memory_space<hbm>>
      %dma_wait3A_499 = tpu.memref_slice %arg2[%add3A_186] : memref<1048576xi32, #tpu.memory_space<hbm>> -> memref<2048xi32, #tpu.memory_space<hbm>>
      tpu.wait_dma2 semaphore(%run_scoped3A_495 : memref<!tpu.dma_semaphore, #tpu.memory_space<semaphore_mem>>) src(%dma_wait3A_499 : memref<2048xi32, #tpu.memory_space<hbm>>) dst(%arg7 : memref<2048xi32, #tpu.memory_space<vmem>>)
      tpu.yield
    }) : () -> ()
    %dma_start3A_187 = arith.constant 0 : i32
    %dma_start3A_188 = arith.constant 0 : i32
    %dma_start3A_189 = tpu.memref_slice %arg3[%dma_start3A_187, %dma_start3A_188] : memref<4194304x16xf32, #tpu.memory_space<hbm>> -> memref<4194304x16xf32, #tpu.memory_space<hbm>>
    tpu.enqueue_indirect_dma source(%dma_start3A_189 : memref<4194304x16xf32, #tpu.memory_space<hbm>>) target(%arg8 : memref<2048x16xf32, #tpu.memory_space<vmem>>) offsets(%arg7 : memref<2048xi32, #tpu.memory_space<vmem>>) semaphore(%arg11 : memref<!tpu.dma_semaphore, #tpu.memory_space<semaphore_mem>>)
    %dma_start3A_190 = arith.constant 0 : i32
    %dma_start3A_191 = arith.constant 0 : i32
    %dma_start3A_192 = tpu.memref_slice %arg4[%dma_start3A_190, %dma_start3A_191] : memref<4194304x8xf32, #tpu.memory_space<hbm>> -> memref<4194304x8xf32, #tpu.memory_space<hbm>>
    tpu.enqueue_indirect_dma source(%dma_start3A_192 : memref<4194304x8xf32, #tpu.memory_space<hbm>>) target(%arg9 : memref<2048x8xf32, #tpu.memory_space<vmem>>) offsets(%arg7 : memref<2048xi32, #tpu.memory_space<vmem>>) semaphore(%arg12 : memref<!tpu.dma_semaphore, #tpu.memory_space<semaphore_mem>>)
    %dma_wait3A_193 = arith.constant 0 : i32
    %dma_wait3A_194 = arith.constant 0 : i32
    %dma_wait3A_195 = tpu.memref_slice %arg3[%dma_wait3A_193, %dma_wait3A_194] : memref<4194304x16xf32, #tpu.memory_space<hbm>> -> memref<4194304x16xf32, #tpu.memory_space<hbm>>
    tpu.wait_indirect_dma semaphore(%arg11 : memref<!tpu.dma_semaphore, #tpu.memory_space<semaphore_mem>>) src(%dma_wait3A_195 : memref<4194304x16xf32, #tpu.memory_space<hbm>>) dst(%arg8 : memref<2048x16xf32, #tpu.memory_space<vmem>>)
    %run_scoped3A_196 = arith.constant 6 : i32
    "tpu.region"() ({
      %run_scoped3A_495 = tpu.sem_alloc : memref<!tpu.dma_semaphore, #tpu.memory_space<semaphore_mem>>
      %dma_start3A_496 = arith.constant 0 : i32
      %dma_start3A_497 = tpu.memref_slice %arg5[%run_scoped3A_196, %mul3A_2, %dma_start3A_496] : memref<16x65536x16xf32, #tpu.memory_space<hbm>> -> memref<1x2048x16xf32, #tpu.memory_space<hbm>>
      %dma_start3A_498 = tpu.memref_squeeze %dma_start3A_497 : memref<1x2048x16xf32, #tpu.memory_space<hbm>> -> memref<2048x16xf32, #tpu.memory_space<hbm>>
      %dma_start3A_499 = arith.constant 0 : i32
      %dma_start3A_500 = tpu.memref_slice %arg5[%run_scoped3A_196, %mul3A_2, %dma_start3A_499] : memref<16x65536x16xf32, #tpu.memory_space<hbm>> -> memref<1x2048x16xf32, #tpu.memory_space<hbm>>
      %dma_start3A_501 = tpu.memref_squeeze %dma_start3A_500 : memref<1x2048x16xf32, #tpu.memory_space<hbm>> -> memref<2048x16xf32, #tpu.memory_space<hbm>>
      tpu.enqueue_dma source(%arg8 : memref<2048x16xf32, #tpu.memory_space<vmem>>) target(%dma_start3A_501 : memref<2048x16xf32, #tpu.memory_space<hbm>>) target_semaphore(%run_scoped3A_495 : memref<!tpu.dma_semaphore, #tpu.memory_space<semaphore_mem>>)
      %dma_wait3A_502 = arith.constant 0 : i32
      %dma_wait3A_503 = tpu.memref_slice %arg5[%run_scoped3A_196, %mul3A_2, %dma_wait3A_502] : memref<16x65536x16xf32, #tpu.memory_space<hbm>> -> memref<1x2048x16xf32, #tpu.memory_space<hbm>>
      %dma_wait3A_504 = tpu.memref_squeeze %dma_wait3A_503 : memref<1x2048x16xf32, #tpu.memory_space<hbm>> -> memref<2048x16xf32, #tpu.memory_space<hbm>>
      %dma_wait3A_505 = arith.constant 0 : i32
      %dma_wait3A_506 = tpu.memref_slice %arg5[%run_scoped3A_196, %mul3A_2, %dma_wait3A_505] : memref<16x65536x16xf32, #tpu.memory_space<hbm>> -> memref<1x2048x16xf32, #tpu.memory_space<hbm>>
      %dma_wait3A_507 = tpu.memref_squeeze %dma_wait3A_506 : memref<1x2048x16xf32, #tpu.memory_space<hbm>> -> memref<2048x16xf32, #tpu.memory_space<hbm>>
      tpu.wait_dma2 semaphore(%run_scoped3A_495 : memref<!tpu.dma_semaphore, #tpu.memory_space<semaphore_mem>>) src(%arg8 : memref<2048x16xf32, #tpu.memory_space<vmem>>) dst(%dma_wait3A_507 : memref<2048x16xf32, #tpu.memory_space<hbm>>)
      tpu.yield
    }) : () -> ()
    %dma_wait3A_197 = arith.constant 0 : i32
    %dma_wait3A_198 = arith.constant 0 : i32
    %dma_wait3A_199 = tpu.memref_slice %arg4[%dma_wait3A_197, %dma_wait3A_198] : memref<4194304x8xf32, #tpu.memory_space<hbm>> -> memref<4194304x8xf32, #tpu.memory_space<hbm>>
    tpu.wait_indirect_dma semaphore(%arg12 : memref<!tpu.dma_semaphore, #tpu.memory_space<semaphore_mem>>) src(%dma_wait3A_199 : memref<4194304x8xf32, #tpu.memory_space<hbm>>) dst(%arg9 : memref<2048x8xf32, #tpu.memory_space<vmem>>)
    %scan3A_200 = arith.constant 0 : i32
    %scan3A_201 = arith.constant 0 : i32
    %scan3A_202 = arith.constant 128 : i32
    %scan3A_203 = arith.addi %scan3A_201, %scan3A_202 : i32
    %scan3A_204 = arith.constant 1 : i32
    %scan3A_205 = scf.for %scan3A_495 = %scan3A_201 to %scan3A_203 step %scan3A_204 iter_args(%scan3A_496 = %scan3A_200) -> (i32)  : i32 {
      %mul3A_497 = arith.constant 16 : i32
      %mul3A_498 = arith.muli %scan3A_495, %mul3A_497 : i32
      %add3A_499 = vector.broadcast %mul3A_498 : i32 to vector<16xi32>
      %add3A_500 = arith.addi %add3A_499, %iota3A : vector<16xi32>
      %broadcast_in_dim3A = arith.constant 0 : i32
      %broadcast_in_dim3A_501 = vector.broadcast %broadcast_in_dim3A : i32 to vector<16xi32>
      %gather3A = tpu.vector_load_idx %arg9[%add3A_500, %broadcast_in_dim3A_501] : memref<2048x8xf32, #tpu.memory_space<vmem>>[vector<16xi32>, vector<16xi32>], vector<16xf32>,
      %mul3A_502 = arith.constant 16 : i32
      %mul3A_503 = arith.muli %scan3A_495, %mul3A_502 : i32
      %swap3A = arith.constant 0 : i32
      %swap3A_504 = arith.index_cast %swap3A : i32 to index
      %swap3A_505 = arith.index_cast %mul3A_503 : i32 to index
      %swap3A_506 = tpu.vector_load %arg10[%swap3A_504, %swap3A_505] {strides = array<i32>} : memref<3x2048xf32, #tpu.memory_space<vmem>>, vector<16xf32>,
      tpu.vector_store %arg10[%swap3A_504, %swap3A_505], %gather3A {strides = array<i32>} : memref<3x2048xf32, #tpu.memory_space<vmem>>, vector<16xf32>,
      %broadcast_in_dim3A_507 = arith.constant 1 : i32
      %broadcast_in_dim3A_508 = vector.broadcast %broadcast_in_dim3A_507 : i32 to vector<16xi32>
      %gather3A_509 = tpu.vector_load_idx %arg9[%add3A_500, %broadcast_in_dim3A_508] : memref<2048x8xf32, #tpu.memory_space<vmem>>[vector<16xi32>, vector<16xi32>], vector<16xf32>,
      %mul3A_510 = arith.constant 16 : i32
      %mul3A_511 = arith.muli %scan3A_495, %mul3A_510 : i32
      %swap3A_512 = arith.constant 1 : i32
      %swap3A_513 = arith.index_cast %swap3A_512 : i32 to index
      %swap3A_514 = arith.index_cast %mul3A_511 : i32 to index
      %swap3A_515 = tpu.vector_load %arg10[%swap3A_513, %swap3A_514] {strides = array<i32>} : memref<3x2048xf32, #tpu.memory_space<vmem>>, vector<16xf32>,
      tpu.vector_store %arg10[%swap3A_513, %swap3A_514], %gather3A_509 {strides = array<i32>} : memref<3x2048xf32, #tpu.memory_space<vmem>>, vector<16xf32>,
      %broadcast_in_dim3A_516 = arith.constant 2 : i32
      %broadcast_in_dim3A_517 = vector.broadcast %broadcast_in_dim3A_516 : i32 to vector<16xi32>
      %gather3A_518 = tpu.vector_load_idx %arg9[%add3A_500, %broadcast_in_dim3A_517] : memref<2048x8xf32, #tpu.memory_space<vmem>>[vector<16xi32>, vector<16xi32>], vector<16xf32>,
      %mul3A_519 = arith.constant 16 : i32
      %mul3A_520 = arith.muli %scan3A_495, %mul3A_519 : i32
      %swap3A_521 = arith.constant 2 : i32
      %swap3A_522 = arith.index_cast %swap3A_521 : i32 to index
      %swap3A_523 = arith.index_cast %mul3A_520 : i32 to index
      %swap3A_524 = tpu.vector_load %arg10[%swap3A_522, %swap3A_523] {strides = array<i32>} : memref<3x2048xf32, #tpu.memory_space<vmem>>, vector<16xf32>,
      tpu.vector_store %arg10[%swap3A_522, %swap3A_523], %gather3A_518 {strides = array<i32>} : memref<3x2048xf32, #tpu.memory_space<vmem>>, vector<16xf32>,
      %scan3A_525 = arith.constant 0 : i32
      scf.yield %scan3A_525 : i32
    }
    %scan3A_206 = arith.constant 128 : i32
    %run_scoped3A_207 = arith.constant 0 : i32
    %run_scoped3A_208 = arith.constant 0 : i32
    %run_scoped3A_209 = arith.constant 6 : i32
    "tpu.region"() ({
      %run_scoped3A_495 = tpu.sem_alloc : memref<!tpu.dma_semaphore, #tpu.memory_space<semaphore_mem>>
      %dma_start3A_496 = arith.constant 0 : i32
      %dma_start3A_497 = tpu.memref_slice %arg10[%run_scoped3A_207, %dma_start3A_496] : memref<3x2048xf32, #tpu.memory_space<vmem>> -> memref<1x2048xf32, #tpu.memory_space<vmem>>
      %dma_start3A_498 = tpu.memref_squeeze %dma_start3A_497 : memref<1x2048xf32, #tpu.memory_space<vmem>> -> memref<2048xf32, #tpu.memory_space<vmem>>
      %dma_start3A_499 = tpu.memref_slice %arg6[%run_scoped3A_208, %run_scoped3A_209, %mul3A_2] : memref<3x16x65536xf32, #tpu.memory_space<hbm>> -> memref<1x1x2048xf32, #tpu.memory_space<hbm>>
      %dma_start3A_500 = tpu.memref_squeeze %dma_start3A_499 : memref<1x1x2048xf32, #tpu.memory_space<hbm>> -> memref<2048xf32, #tpu.memory_space<hbm>>
      %dma_start3A_501 = tpu.memref_slice %arg6[%run_scoped3A_208, %run_scoped3A_209, %mul3A_2] : memref<3x16x65536xf32, #tpu.memory_space<hbm>> -> memref<1x1x2048xf32, #tpu.memory_space<hbm>>
      %dma_start3A_502 = tpu.memref_squeeze %dma_start3A_501 : memref<1x1x2048xf32, #tpu.memory_space<hbm>> -> memref<2048xf32, #tpu.memory_space<hbm>>
      %dma_start3A_503 = arith.constant 0 : i32
      %dma_start3A_504 = tpu.memref_slice %arg10[%run_scoped3A_207, %dma_start3A_503] : memref<3x2048xf32, #tpu.memory_space<vmem>> -> memref<1x2048xf32, #tpu.memory_space<vmem>>
      %dma_start3A_505 = tpu.memref_squeeze %dma_start3A_504 : memref<1x2048xf32, #tpu.memory_space<vmem>> -> memref<2048xf32, #tpu.memory_space<vmem>>
      tpu.enqueue_dma source(%dma_start3A_505 : memref<2048xf32, #tpu.memory_space<vmem>>) target(%dma_start3A_502 : memref<2048xf32, #tpu.memory_space<hbm>>) target_semaphore(%run_scoped3A_495 : memref<!tpu.dma_semaphore, #tpu.memory_space<semaphore_mem>>)
      %dma_wait3A_506 = arith.constant 0 : i32
      %dma_wait3A_507 = tpu.memref_slice %arg10[%run_scoped3A_207, %dma_wait3A_506] : memref<3x2048xf32, #tpu.memory_space<vmem>> -> memref<1x2048xf32, #tpu.memory_space<vmem>>
      %dma_wait3A_508 = tpu.memref_squeeze %dma_wait3A_507 : memref<1x2048xf32, #tpu.memory_space<vmem>> -> memref<2048xf32, #tpu.memory_space<vmem>>
      %dma_wait3A_509 = tpu.memref_slice %arg6[%run_scoped3A_208, %run_scoped3A_209, %mul3A_2] : memref<3x16x65536xf32, #tpu.memory_space<hbm>> -> memref<1x1x2048xf32, #tpu.memory_space<hbm>>
      %dma_wait3A_510 = tpu.memref_squeeze %dma_wait3A_509 : memref<1x1x2048xf32, #tpu.memory_space<hbm>> -> memref<2048xf32, #tpu.memory_space<hbm>>
      %dma_wait3A_511 = tpu.memref_slice %arg6[%run_scoped3A_208, %run_scoped3A_209, %mul3A_2] : memref<3x16x65536xf32, #tpu.memory_space<hbm>> -> memref<1x1x2048xf32, #tpu.memory_space<hbm>>
      %dma_wait3A_512 = tpu.memref_squeeze %dma_wait3A_511 : memref<1x1x2048xf32, #tpu.memory_space<hbm>> -> memref<2048xf32, #tpu.memory_space<hbm>>
      %dma_wait3A_513 = arith.constant 0 : i32
      %dma_wait3A_514 = tpu.memref_slice %arg10[%run_scoped3A_207, %dma_wait3A_513] : memref<3x2048xf32, #tpu.memory_space<vmem>> -> memref<1x2048xf32, #tpu.memory_space<vmem>>
      %dma_wait3A_515 = tpu.memref_squeeze %dma_wait3A_514 : memref<1x2048xf32, #tpu.memory_space<vmem>> -> memref<2048xf32, #tpu.memory_space<vmem>>
      tpu.wait_dma2 semaphore(%run_scoped3A_495 : memref<!tpu.dma_semaphore, #tpu.memory_space<semaphore_mem>>) src(%dma_wait3A_515 : memref<2048xf32, #tpu.memory_space<vmem>>) dst(%dma_wait3A_512 : memref<2048xf32, #tpu.memory_space<hbm>>)
      tpu.yield
    }) : () -> ()
    %run_scoped3A_210 = arith.constant 1 : i32
    %run_scoped3A_211 = arith.constant 1 : i32
    %run_scoped3A_212 = arith.constant 6 : i32
    "tpu.region"() ({
      %run_scoped3A_495 = tpu.sem_alloc : memref<!tpu.dma_semaphore, #tpu.memory_space<semaphore_mem>>
      %dma_start3A_496 = arith.constant 0 : i32
      %dma_start3A_497 = tpu.memref_slice %arg10[%run_scoped3A_210, %dma_start3A_496] : memref<3x2048xf32, #tpu.memory_space<vmem>> -> memref<1x2048xf32, #tpu.memory_space<vmem>>
      %dma_start3A_498 = tpu.memref_squeeze %dma_start3A_497 : memref<1x2048xf32, #tpu.memory_space<vmem>> -> memref<2048xf32, #tpu.memory_space<vmem>>
      %dma_start3A_499 = tpu.memref_slice %arg6[%run_scoped3A_211, %run_scoped3A_212, %mul3A_2] : memref<3x16x65536xf32, #tpu.memory_space<hbm>> -> memref<1x1x2048xf32, #tpu.memory_space<hbm>>
      %dma_start3A_500 = tpu.memref_squeeze %dma_start3A_499 : memref<1x1x2048xf32, #tpu.memory_space<hbm>> -> memref<2048xf32, #tpu.memory_space<hbm>>
      %dma_start3A_501 = tpu.memref_slice %arg6[%run_scoped3A_211, %run_scoped3A_212, %mul3A_2] : memref<3x16x65536xf32, #tpu.memory_space<hbm>> -> memref<1x1x2048xf32, #tpu.memory_space<hbm>>
      %dma_start3A_502 = tpu.memref_squeeze %dma_start3A_501 : memref<1x1x2048xf32, #tpu.memory_space<hbm>> -> memref<2048xf32, #tpu.memory_space<hbm>>
      %dma_start3A_503 = arith.constant 0 : i32
      %dma_start3A_504 = tpu.memref_slice %arg10[%run_scoped3A_210, %dma_start3A_503] : memref<3x2048xf32, #tpu.memory_space<vmem>> -> memref<1x2048xf32, #tpu.memory_space<vmem>>
      %dma_start3A_505 = tpu.memref_squeeze %dma_start3A_504 : memref<1x2048xf32, #tpu.memory_space<vmem>> -> memref<2048xf32, #tpu.memory_space<vmem>>
      tpu.enqueue_dma source(%dma_start3A_505 : memref<2048xf32, #tpu.memory_space<vmem>>) target(%dma_start3A_502 : memref<2048xf32, #tpu.memory_space<hbm>>) target_semaphore(%run_scoped3A_495 : memref<!tpu.dma_semaphore, #tpu.memory_space<semaphore_mem>>)
      %dma_wait3A_506 = arith.constant 0 : i32
      %dma_wait3A_507 = tpu.memref_slice %arg10[%run_scoped3A_210, %dma_wait3A_506] : memref<3x2048xf32, #tpu.memory_space<vmem>> -> memref<1x2048xf32, #tpu.memory_space<vmem>>
      %dma_wait3A_508 = tpu.memref_squeeze %dma_wait3A_507 : memref<1x2048xf32, #tpu.memory_space<vmem>> -> memref<2048xf32, #tpu.memory_space<vmem>>
      %dma_wait3A_509 = tpu.memref_slice %arg6[%run_scoped3A_211, %run_scoped3A_212, %mul3A_2] : memref<3x16x65536xf32, #tpu.memory_space<hbm>> -> memref<1x1x2048xf32, #tpu.memory_space<hbm>>
      %dma_wait3A_510 = tpu.memref_squeeze %dma_wait3A_509 : memref<1x1x2048xf32, #tpu.memory_space<hbm>> -> memref<2048xf32, #tpu.memory_space<hbm>>
      %dma_wait3A_511 = tpu.memref_slice %arg6[%run_scoped3A_211, %run_scoped3A_212, %mul3A_2] : memref<3x16x65536xf32, #tpu.memory_space<hbm>> -> memref<1x1x2048xf32, #tpu.memory_space<hbm>>
      %dma_wait3A_512 = tpu.memref_squeeze %dma_wait3A_511 : memref<1x1x2048xf32, #tpu.memory_space<hbm>> -> memref<2048xf32, #tpu.memory_space<hbm>>
      %dma_wait3A_513 = arith.constant 0 : i32
      %dma_wait3A_514 = tpu.memref_slice %arg10[%run_scoped3A_210, %dma_wait3A_513] : memref<3x2048xf32, #tpu.memory_space<vmem>> -> memref<1x2048xf32, #tpu.memory_space<vmem>>
      %dma_wait3A_515 = tpu.memref_squeeze %dma_wait3A_514 : memref<1x2048xf32, #tpu.memory_space<vmem>> -> memref<2048xf32, #tpu.memory_space<vmem>>
      tpu.wait_dma2 semaphore(%run_scoped3A_495 : memref<!tpu.dma_semaphore, #tpu.memory_space<semaphore_mem>>) src(%dma_wait3A_515 : memref<2048xf32, #tpu.memory_space<vmem>>) dst(%dma_wait3A_512 : memref<2048xf32, #tpu.memory_space<hbm>>)
      tpu.yield
    }) : () -> ()
    %run_scoped3A_213 = arith.constant 2 : i32
    %run_scoped3A_214 = arith.constant 2 : i32
    %run_scoped3A_215 = arith.constant 6 : i32
    "tpu.region"() ({
      %run_scoped3A_495 = tpu.sem_alloc : memref<!tpu.dma_semaphore, #tpu.memory_space<semaphore_mem>>
      %dma_start3A_496 = arith.constant 0 : i32
      %dma_start3A_497 = tpu.memref_slice %arg10[%run_scoped3A_213, %dma_start3A_496] : memref<3x2048xf32, #tpu.memory_space<vmem>> -> memref<1x2048xf32, #tpu.memory_space<vmem>>
      %dma_start3A_498 = tpu.memref_squeeze %dma_start3A_497 : memref<1x2048xf32, #tpu.memory_space<vmem>> -> memref<2048xf32, #tpu.memory_space<vmem>>
      %dma_start3A_499 = tpu.memref_slice %arg6[%run_scoped3A_214, %run_scoped3A_215, %mul3A_2] : memref<3x16x65536xf32, #tpu.memory_space<hbm>> -> memref<1x1x2048xf32, #tpu.memory_space<hbm>>
      %dma_start3A_500 = tpu.memref_squeeze %dma_start3A_499 : memref<1x1x2048xf32, #tpu.memory_space<hbm>> -> memref<2048xf32, #tpu.memory_space<hbm>>
      %dma_start3A_501 = tpu.memref_slice %arg6[%run_scoped3A_214, %run_scoped3A_215, %mul3A_2] : memref<3x16x65536xf32, #tpu.memory_space<hbm>> -> memref<1x1x2048xf32, #tpu.memory_space<hbm>>
      %dma_start3A_502 = tpu.memref_squeeze %dma_start3A_501 : memref<1x1x2048xf32, #tpu.memory_space<hbm>> -> memref<2048xf32, #tpu.memory_space<hbm>>
      %dma_start3A_503 = arith.constant 0 : i32
      %dma_start3A_504 = tpu.memref_slice %arg10[%run_scoped3A_213, %dma_start3A_503] : memref<3x2048xf32, #tpu.memory_space<vmem>> -> memref<1x2048xf32, #tpu.memory_space<vmem>>
      %dma_start3A_505 = tpu.memref_squeeze %dma_start3A_504 : memref<1x2048xf32, #tpu.memory_space<vmem>> -> memref<2048xf32, #tpu.memory_space<vmem>>
      tpu.enqueue_dma source(%dma_start3A_505 : memref<2048xf32, #tpu.memory_space<vmem>>) target(%dma_start3A_502 : memref<2048xf32, #tpu.memory_space<hbm>>) target_semaphore(%run_scoped3A_495 : memref<!tpu.dma_semaphore, #tpu.memory_space<semaphore_mem>>)
      %dma_wait3A_506 = arith.constant 0 : i32
      %dma_wait3A_507 = tpu.memref_slice %arg10[%run_scoped3A_213, %dma_wait3A_506] : memref<3x2048xf32, #tpu.memory_space<vmem>> -> memref<1x2048xf32, #tpu.memory_space<vmem>>
      %dma_wait3A_508 = tpu.memref_squeeze %dma_wait3A_507 : memref<1x2048xf32, #tpu.memory_space<vmem>> -> memref<2048xf32, #tpu.memory_space<vmem>>
      %dma_wait3A_509 = tpu.memref_slice %arg6[%run_scoped3A_214, %run_scoped3A_215, %mul3A_2] : memref<3x16x65536xf32, #tpu.memory_space<hbm>> -> memref<1x1x2048xf32, #tpu.memory_space<hbm>>
      %dma_wait3A_510 = tpu.memref_squeeze %dma_wait3A_509 : memref<1x1x2048xf32, #tpu.memory_space<hbm>> -> memref<2048xf32, #tpu.memory_space<hbm>>
      %dma_wait3A_511 = tpu.memref_slice %arg6[%run_scoped3A_214, %run_scoped3A_215, %mul3A_2] : memref<3x16x65536xf32, #tpu.memory_space<hbm>> -> memref<1x1x2048xf32, #tpu.memory_space<hbm>>
      %dma_wait3A_512 = tpu.memref_squeeze %dma_wait3A_511 : memref<1x1x2048xf32, #tpu.memory_space<hbm>> -> memref<2048xf32, #tpu.memory_space<hbm>>
      %dma_wait3A_513 = arith.constant 0 : i32
      %dma_wait3A_514 = tpu.memref_slice %arg10[%run_scoped3A_213, %dma_wait3A_513] : memref<3x2048xf32, #tpu.memory_space<vmem>> -> memref<1x2048xf32, #tpu.memory_space<vmem>>
      %dma_wait3A_515 = tpu.memref_squeeze %dma_wait3A_514 : memref<1x2048xf32, #tpu.memory_space<vmem>> -> memref<2048xf32, #tpu.memory_space<vmem>>
      tpu.wait_dma2 semaphore(%run_scoped3A_495 : memref<!tpu.dma_semaphore, #tpu.memory_space<semaphore_mem>>) src(%dma_wait3A_515 : memref<2048xf32, #tpu.memory_space<vmem>>) dst(%dma_wait3A_512 : memref<2048xf32, #tpu.memory_space<hbm>>)
      tpu.yield
    }) : () -> ()
    %add3A_216 = arith.constant 458752 : i32
    %add3A_217 = arith.addi %add3A_216, %mul3A_2 : i32
    "tpu.region"() ({
      %run_scoped3A_495 = tpu.sem_alloc : memref<!tpu.dma_semaphore, #tpu.memory_space<semaphore_mem>>
      %dma_start3A_496 = tpu.memref_slice %arg2[%add3A_217] : memref<1048576xi32, #tpu.memory_space<hbm>> -> memref<2048xi32, #tpu.memory_space<hbm>>
      %dma_start3A_497 = tpu.memref_slice %arg2[%add3A_217] : memref<1048576xi32, #tpu.memory_space<hbm>> -> memref<2048xi32, #tpu.memory_space<hbm>>
      tpu.enqueue_dma source(%dma_start3A_497 : memref<2048xi32, #tpu.memory_space<hbm>>) target(%arg7 : memref<2048xi32, #tpu.memory_space<vmem>>) target_semaphore(%run_scoped3A_495 : memref<!tpu.dma_semaphore, #tpu.memory_space<semaphore_mem>>)
      %dma_wait3A_498 = tpu.memref_slice %arg2[%add3A_217] : memref<1048576xi32, #tpu.memory_space<hbm>> -> memref<2048xi32, #tpu.memory_space<hbm>>
      %dma_wait3A_499 = tpu.memref_slice %arg2[%add3A_217] : memref<1048576xi32, #tpu.memory_space<hbm>> -> memref<2048xi32, #tpu.memory_space<hbm>>
      tpu.wait_dma2 semaphore(%run_scoped3A_495 : memref<!tpu.dma_semaphore, #tpu.memory_space<semaphore_mem>>) src(%dma_wait3A_499 : memref<2048xi32, #tpu.memory_space<hbm>>) dst(%arg7 : memref<2048xi32, #tpu.memory_space<vmem>>)
      tpu.yield
    }) : () -> ()
    %dma_start3A_218 = arith.constant 0 : i32
    %dma_start3A_219 = arith.constant 0 : i32
    %dma_start3A_220 = tpu.memref_slice %arg3[%dma_start3A_218, %dma_start3A_219] : memref<4194304x16xf32, #tpu.memory_space<hbm>> -> memref<4194304x16xf32, #tpu.memory_space<hbm>>
    tpu.enqueue_indirect_dma source(%dma_start3A_220 : memref<4194304x16xf32, #tpu.memory_space<hbm>>) target(%arg8 : memref<2048x16xf32, #tpu.memory_space<vmem>>) offsets(%arg7 : memref<2048xi32, #tpu.memory_space<vmem>>) semaphore(%arg11 : memref<!tpu.dma_semaphore, #tpu.memory_space<semaphore_mem>>)
    %dma_start3A_221 = arith.constant 0 : i32
    %dma_start3A_222 = arith.constant 0 : i32
    %dma_start3A_223 = tpu.memref_slice %arg4[%dma_start3A_221, %dma_start3A_222] : memref<4194304x8xf32, #tpu.memory_space<hbm>> -> memref<4194304x8xf32, #tpu.memory_space<hbm>>
    tpu.enqueue_indirect_dma source(%dma_start3A_223 : memref<4194304x8xf32, #tpu.memory_space<hbm>>) target(%arg9 : memref<2048x8xf32, #tpu.memory_space<vmem>>) offsets(%arg7 : memref<2048xi32, #tpu.memory_space<vmem>>) semaphore(%arg12 : memref<!tpu.dma_semaphore, #tpu.memory_space<semaphore_mem>>)
    %dma_wait3A_224 = arith.constant 0 : i32
    %dma_wait3A_225 = arith.constant 0 : i32
    %dma_wait3A_226 = tpu.memref_slice %arg3[%dma_wait3A_224, %dma_wait3A_225] : memref<4194304x16xf32, #tpu.memory_space<hbm>> -> memref<4194304x16xf32, #tpu.memory_space<hbm>>
    tpu.wait_indirect_dma semaphore(%arg11 : memref<!tpu.dma_semaphore, #tpu.memory_space<semaphore_mem>>) src(%dma_wait3A_226 : memref<4194304x16xf32, #tpu.memory_space<hbm>>) dst(%arg8 : memref<2048x16xf32, #tpu.memory_space<vmem>>)
    %run_scoped3A_227 = arith.constant 7 : i32
    "tpu.region"() ({
      %run_scoped3A_495 = tpu.sem_alloc : memref<!tpu.dma_semaphore, #tpu.memory_space<semaphore_mem>>
      %dma_start3A_496 = arith.constant 0 : i32
      %dma_start3A_497 = tpu.memref_slice %arg5[%run_scoped3A_227, %mul3A_2, %dma_start3A_496] : memref<16x65536x16xf32, #tpu.memory_space<hbm>> -> memref<1x2048x16xf32, #tpu.memory_space<hbm>>
      %dma_start3A_498 = tpu.memref_squeeze %dma_start3A_497 : memref<1x2048x16xf32, #tpu.memory_space<hbm>> -> memref<2048x16xf32, #tpu.memory_space<hbm>>
      %dma_start3A_499 = arith.constant 0 : i32
      %dma_start3A_500 = tpu.memref_slice %arg5[%run_scoped3A_227, %mul3A_2, %dma_start3A_499] : memref<16x65536x16xf32, #tpu.memory_space<hbm>> -> memref<1x2048x16xf32, #tpu.memory_space<hbm>>
      %dma_start3A_501 = tpu.memref_squeeze %dma_start3A_500 : memref<1x2048x16xf32, #tpu.memory_space<hbm>> -> memref<2048x16xf32, #tpu.memory_space<hbm>>
      tpu.enqueue_dma source(%arg8 : memref<2048x16xf32, #tpu.memory_space<vmem>>) target(%dma_start3A_501 : memref<2048x16xf32, #tpu.memory_space<hbm>>) target_semaphore(%run_scoped3A_495 : memref<!tpu.dma_semaphore, #tpu.memory_space<semaphore_mem>>)
      %dma_wait3A_502 = arith.constant 0 : i32
      %dma_wait3A_503 = tpu.memref_slice %arg5[%run_scoped3A_227, %mul3A_2, %dma_wait3A_502] : memref<16x65536x16xf32, #tpu.memory_space<hbm>> -> memref<1x2048x16xf32, #tpu.memory_space<hbm>>
      %dma_wait3A_504 = tpu.memref_squeeze %dma_wait3A_503 : memref<1x2048x16xf32, #tpu.memory_space<hbm>> -> memref<2048x16xf32, #tpu.memory_space<hbm>>
      %dma_wait3A_505 = arith.constant 0 : i32
      %dma_wait3A_506 = tpu.memref_slice %arg5[%run_scoped3A_227, %mul3A_2, %dma_wait3A_505] : memref<16x65536x16xf32, #tpu.memory_space<hbm>> -> memref<1x2048x16xf32, #tpu.memory_space<hbm>>
      %dma_wait3A_507 = tpu.memref_squeeze %dma_wait3A_506 : memref<1x2048x16xf32, #tpu.memory_space<hbm>> -> memref<2048x16xf32, #tpu.memory_space<hbm>>
      tpu.wait_dma2 semaphore(%run_scoped3A_495 : memref<!tpu.dma_semaphore, #tpu.memory_space<semaphore_mem>>) src(%arg8 : memref<2048x16xf32, #tpu.memory_space<vmem>>) dst(%dma_wait3A_507 : memref<2048x16xf32, #tpu.memory_space<hbm>>)
      tpu.yield
    }) : () -> ()
    %dma_wait3A_228 = arith.constant 0 : i32
    %dma_wait3A_229 = arith.constant 0 : i32
    %dma_wait3A_230 = tpu.memref_slice %arg4[%dma_wait3A_228, %dma_wait3A_229] : memref<4194304x8xf32, #tpu.memory_space<hbm>> -> memref<4194304x8xf32, #tpu.memory_space<hbm>>
    tpu.wait_indirect_dma semaphore(%arg12 : memref<!tpu.dma_semaphore, #tpu.memory_space<semaphore_mem>>) src(%dma_wait3A_230 : memref<4194304x8xf32, #tpu.memory_space<hbm>>) dst(%arg9 : memref<2048x8xf32, #tpu.memory_space<vmem>>)
    %scan3A_231 = arith.constant 0 : i32
    %scan3A_232 = arith.constant 0 : i32
    %scan3A_233 = arith.constant 128 : i32
    %scan3A_234 = arith.addi %scan3A_232, %scan3A_233 : i32
    %scan3A_235 = arith.constant 1 : i32
    %scan3A_236 = scf.for %scan3A_495 = %scan3A_232 to %scan3A_234 step %scan3A_235 iter_args(%scan3A_496 = %scan3A_231) -> (i32)  : i32 {
      %mul3A_497 = arith.constant 16 : i32
      %mul3A_498 = arith.muli %scan3A_495, %mul3A_497 : i32
      %add3A_499 = vector.broadcast %mul3A_498 : i32 to vector<16xi32>
      %add3A_500 = arith.addi %add3A_499, %iota3A : vector<16xi32>
      %broadcast_in_dim3A = arith.constant 0 : i32
      %broadcast_in_dim3A_501 = vector.broadcast %broadcast_in_dim3A : i32 to vector<16xi32>
      %gather3A = tpu.vector_load_idx %arg9[%add3A_500, %broadcast_in_dim3A_501] : memref<2048x8xf32, #tpu.memory_space<vmem>>[vector<16xi32>, vector<16xi32>], vector<16xf32>,
      %mul3A_502 = arith.constant 16 : i32
      %mul3A_503 = arith.muli %scan3A_495, %mul3A_502 : i32
      %swap3A = arith.constant 0 : i32
      %swap3A_504 = arith.index_cast %swap3A : i32 to index
      %swap3A_505 = arith.index_cast %mul3A_503 : i32 to index
      %swap3A_506 = tpu.vector_load %arg10[%swap3A_504, %swap3A_505] {strides = array<i32>} : memref<3x2048xf32, #tpu.memory_space<vmem>>, vector<16xf32>,
      tpu.vector_store %arg10[%swap3A_504, %swap3A_505], %gather3A {strides = array<i32>} : memref<3x2048xf32, #tpu.memory_space<vmem>>, vector<16xf32>,
      %broadcast_in_dim3A_507 = arith.constant 1 : i32
      %broadcast_in_dim3A_508 = vector.broadcast %broadcast_in_dim3A_507 : i32 to vector<16xi32>
      %gather3A_509 = tpu.vector_load_idx %arg9[%add3A_500, %broadcast_in_dim3A_508] : memref<2048x8xf32, #tpu.memory_space<vmem>>[vector<16xi32>, vector<16xi32>], vector<16xf32>,
      %mul3A_510 = arith.constant 16 : i32
      %mul3A_511 = arith.muli %scan3A_495, %mul3A_510 : i32
      %swap3A_512 = arith.constant 1 : i32
      %swap3A_513 = arith.index_cast %swap3A_512 : i32 to index
      %swap3A_514 = arith.index_cast %mul3A_511 : i32 to index
      %swap3A_515 = tpu.vector_load %arg10[%swap3A_513, %swap3A_514] {strides = array<i32>} : memref<3x2048xf32, #tpu.memory_space<vmem>>, vector<16xf32>,
      tpu.vector_store %arg10[%swap3A_513, %swap3A_514], %gather3A_509 {strides = array<i32>} : memref<3x2048xf32, #tpu.memory_space<vmem>>, vector<16xf32>,
      %broadcast_in_dim3A_516 = arith.constant 2 : i32
      %broadcast_in_dim3A_517 = vector.broadcast %broadcast_in_dim3A_516 : i32 to vector<16xi32>
      %gather3A_518 = tpu.vector_load_idx %arg9[%add3A_500, %broadcast_in_dim3A_517] : memref<2048x8xf32, #tpu.memory_space<vmem>>[vector<16xi32>, vector<16xi32>], vector<16xf32>,
      %mul3A_519 = arith.constant 16 : i32
      %mul3A_520 = arith.muli %scan3A_495, %mul3A_519 : i32
      %swap3A_521 = arith.constant 2 : i32
      %swap3A_522 = arith.index_cast %swap3A_521 : i32 to index
      %swap3A_523 = arith.index_cast %mul3A_520 : i32 to index
      %swap3A_524 = tpu.vector_load %arg10[%swap3A_522, %swap3A_523] {strides = array<i32>} : memref<3x2048xf32, #tpu.memory_space<vmem>>, vector<16xf32>,
      tpu.vector_store %arg10[%swap3A_522, %swap3A_523], %gather3A_518 {strides = array<i32>} : memref<3x2048xf32, #tpu.memory_space<vmem>>, vector<16xf32>,
      %scan3A_525 = arith.constant 0 : i32
      scf.yield %scan3A_525 : i32
    }
    %scan3A_237 = arith.constant 128 : i32
    %run_scoped3A_238 = arith.constant 0 : i32
    %run_scoped3A_239 = arith.constant 0 : i32
    %run_scoped3A_240 = arith.constant 7 : i32
    "tpu.region"() ({
      %run_scoped3A_495 = tpu.sem_alloc : memref<!tpu.dma_semaphore, #tpu.memory_space<semaphore_mem>>
      %dma_start3A_496 = arith.constant 0 : i32
      %dma_start3A_497 = tpu.memref_slice %arg10[%run_scoped3A_238, %dma_start3A_496] : memref<3x2048xf32, #tpu.memory_space<vmem>> -> memref<1x2048xf32, #tpu.memory_space<vmem>>
      %dma_start3A_498 = tpu.memref_squeeze %dma_start3A_497 : memref<1x2048xf32, #tpu.memory_space<vmem>> -> memref<2048xf32, #tpu.memory_space<vmem>>
      %dma_start3A_499 = tpu.memref_slice %arg6[%run_scoped3A_239, %run_scoped3A_240, %mul3A_2] : memref<3x16x65536xf32, #tpu.memory_space<hbm>> -> memref<1x1x2048xf32, #tpu.memory_space<hbm>>
      %dma_start3A_500 = tpu.memref_squeeze %dma_start3A_499 : memref<1x1x2048xf32, #tpu.memory_space<hbm>> -> memref<2048xf32, #tpu.memory_space<hbm>>
      %dma_start3A_501 = tpu.memref_slice %arg6[%run_scoped3A_239, %run_scoped3A_240, %mul3A_2] : memref<3x16x65536xf32, #tpu.memory_space<hbm>> -> memref<1x1x2048xf32, #tpu.memory_space<hbm>>
      %dma_start3A_502 = tpu.memref_squeeze %dma_start3A_501 : memref<1x1x2048xf32, #tpu.memory_space<hbm>> -> memref<2048xf32, #tpu.memory_space<hbm>>
      %dma_start3A_503 = arith.constant 0 : i32
      %dma_start3A_504 = tpu.memref_slice %arg10[%run_scoped3A_238, %dma_start3A_503] : memref<3x2048xf32, #tpu.memory_space<vmem>> -> memref<1x2048xf32, #tpu.memory_space<vmem>>
      %dma_start3A_505 = tpu.memref_squeeze %dma_start3A_504 : memref<1x2048xf32, #tpu.memory_space<vmem>> -> memref<2048xf32, #tpu.memory_space<vmem>>
      tpu.enqueue_dma source(%dma_start3A_505 : memref<2048xf32, #tpu.memory_space<vmem>>) target(%dma_start3A_502 : memref<2048xf32, #tpu.memory_space<hbm>>) target_semaphore(%run_scoped3A_495 : memref<!tpu.dma_semaphore, #tpu.memory_space<semaphore_mem>>)
      %dma_wait3A_506 = arith.constant 0 : i32
      %dma_wait3A_507 = tpu.memref_slice %arg10[%run_scoped3A_238, %dma_wait3A_506] : memref<3x2048xf32, #tpu.memory_space<vmem>> -> memref<1x2048xf32, #tpu.memory_space<vmem>>
      %dma_wait3A_508 = tpu.memref_squeeze %dma_wait3A_507 : memref<1x2048xf32, #tpu.memory_space<vmem>> -> memref<2048xf32, #tpu.memory_space<vmem>>
      %dma_wait3A_509 = tpu.memref_slice %arg6[%run_scoped3A_239, %run_scoped3A_240, %mul3A_2] : memref<3x16x65536xf32, #tpu.memory_space<hbm>> -> memref<1x1x2048xf32, #tpu.memory_space<hbm>>
      %dma_wait3A_510 = tpu.memref_squeeze %dma_wait3A_509 : memref<1x1x2048xf32, #tpu.memory_space<hbm>> -> memref<2048xf32, #tpu.memory_space<hbm>>
      %dma_wait3A_511 = tpu.memref_slice %arg6[%run_scoped3A_239, %run_scoped3A_240, %mul3A_2] : memref<3x16x65536xf32, #tpu.memory_space<hbm>> -> memref<1x1x2048xf32, #tpu.memory_space<hbm>>
      %dma_wait3A_512 = tpu.memref_squeeze %dma_wait3A_511 : memref<1x1x2048xf32, #tpu.memory_space<hbm>> -> memref<2048xf32, #tpu.memory_space<hbm>>
      %dma_wait3A_513 = arith.constant 0 : i32
      %dma_wait3A_514 = tpu.memref_slice %arg10[%run_scoped3A_238, %dma_wait3A_513] : memref<3x2048xf32, #tpu.memory_space<vmem>> -> memref<1x2048xf32, #tpu.memory_space<vmem>>
      %dma_wait3A_515 = tpu.memref_squeeze %dma_wait3A_514 : memref<1x2048xf32, #tpu.memory_space<vmem>> -> memref<2048xf32, #tpu.memory_space<vmem>>
      tpu.wait_dma2 semaphore(%run_scoped3A_495 : memref<!tpu.dma_semaphore, #tpu.memory_space<semaphore_mem>>) src(%dma_wait3A_515 : memref<2048xf32, #tpu.memory_space<vmem>>) dst(%dma_wait3A_512 : memref<2048xf32, #tpu.memory_space<hbm>>)
      tpu.yield
    }) : () -> ()
    %run_scoped3A_241 = arith.constant 1 : i32
    %run_scoped3A_242 = arith.constant 1 : i32
    %run_scoped3A_243 = arith.constant 7 : i32
    "tpu.region"() ({
      %run_scoped3A_495 = tpu.sem_alloc : memref<!tpu.dma_semaphore, #tpu.memory_space<semaphore_mem>>
      %dma_start3A_496 = arith.constant 0 : i32
      %dma_start3A_497 = tpu.memref_slice %arg10[%run_scoped3A_241, %dma_start3A_496] : memref<3x2048xf32, #tpu.memory_space<vmem>> -> memref<1x2048xf32, #tpu.memory_space<vmem>>
      %dma_start3A_498 = tpu.memref_squeeze %dma_start3A_497 : memref<1x2048xf32, #tpu.memory_space<vmem>> -> memref<2048xf32, #tpu.memory_space<vmem>>
      %dma_start3A_499 = tpu.memref_slice %arg6[%run_scoped3A_242, %run_scoped3A_243, %mul3A_2] : memref<3x16x65536xf32, #tpu.memory_space<hbm>> -> memref<1x1x2048xf32, #tpu.memory_space<hbm>>
      %dma_start3A_500 = tpu.memref_squeeze %dma_start3A_499 : memref<1x1x2048xf32, #tpu.memory_space<hbm>> -> memref<2048xf32, #tpu.memory_space<hbm>>
      %dma_start3A_501 = tpu.memref_slice %arg6[%run_scoped3A_242, %run_scoped3A_243, %mul3A_2] : memref<3x16x65536xf32, #tpu.memory_space<hbm>> -> memref<1x1x2048xf32, #tpu.memory_space<hbm>>
      %dma_start3A_502 = tpu.memref_squeeze %dma_start3A_501 : memref<1x1x2048xf32, #tpu.memory_space<hbm>> -> memref<2048xf32, #tpu.memory_space<hbm>>
      %dma_start3A_503 = arith.constant 0 : i32
      %dma_start3A_504 = tpu.memref_slice %arg10[%run_scoped3A_241, %dma_start3A_503] : memref<3x2048xf32, #tpu.memory_space<vmem>> -> memref<1x2048xf32, #tpu.memory_space<vmem>>
      %dma_start3A_505 = tpu.memref_squeeze %dma_start3A_504 : memref<1x2048xf32, #tpu.memory_space<vmem>> -> memref<2048xf32, #tpu.memory_space<vmem>>
      tpu.enqueue_dma source(%dma_start3A_505 : memref<2048xf32, #tpu.memory_space<vmem>>) target(%dma_start3A_502 : memref<2048xf32, #tpu.memory_space<hbm>>) target_semaphore(%run_scoped3A_495 : memref<!tpu.dma_semaphore, #tpu.memory_space<semaphore_mem>>)
      %dma_wait3A_506 = arith.constant 0 : i32
      %dma_wait3A_507 = tpu.memref_slice %arg10[%run_scoped3A_241, %dma_wait3A_506] : memref<3x2048xf32, #tpu.memory_space<vmem>> -> memref<1x2048xf32, #tpu.memory_space<vmem>>
      %dma_wait3A_508 = tpu.memref_squeeze %dma_wait3A_507 : memref<1x2048xf32, #tpu.memory_space<vmem>> -> memref<2048xf32, #tpu.memory_space<vmem>>
      %dma_wait3A_509 = tpu.memref_slice %arg6[%run_scoped3A_242, %run_scoped3A_243, %mul3A_2] : memref<3x16x65536xf32, #tpu.memory_space<hbm>> -> memref<1x1x2048xf32, #tpu.memory_space<hbm>>
      %dma_wait3A_510 = tpu.memref_squeeze %dma_wait3A_509 : memref<1x1x2048xf32, #tpu.memory_space<hbm>> -> memref<2048xf32, #tpu.memory_space<hbm>>
      %dma_wait3A_511 = tpu.memref_slice %arg6[%run_scoped3A_242, %run_scoped3A_243, %mul3A_2] : memref<3x16x65536xf32, #tpu.memory_space<hbm>> -> memref<1x1x2048xf32, #tpu.memory_space<hbm>>
      %dma_wait3A_512 = tpu.memref_squeeze %dma_wait3A_511 : memref<1x1x2048xf32, #tpu.memory_space<hbm>> -> memref<2048xf32, #tpu.memory_space<hbm>>
      %dma_wait3A_513 = arith.constant 0 : i32
      %dma_wait3A_514 = tpu.memref_slice %arg10[%run_scoped3A_241, %dma_wait3A_513] : memref<3x2048xf32, #tpu.memory_space<vmem>> -> memref<1x2048xf32, #tpu.memory_space<vmem>>
      %dma_wait3A_515 = tpu.memref_squeeze %dma_wait3A_514 : memref<1x2048xf32, #tpu.memory_space<vmem>> -> memref<2048xf32, #tpu.memory_space<vmem>>
      tpu.wait_dma2 semaphore(%run_scoped3A_495 : memref<!tpu.dma_semaphore, #tpu.memory_space<semaphore_mem>>) src(%dma_wait3A_515 : memref<2048xf32, #tpu.memory_space<vmem>>) dst(%dma_wait3A_512 : memref<2048xf32, #tpu.memory_space<hbm>>)
      tpu.yield
    }) : () -> ()
    %run_scoped3A_244 = arith.constant 2 : i32
    %run_scoped3A_245 = arith.constant 2 : i32
    %run_scoped3A_246 = arith.constant 7 : i32
    "tpu.region"() ({
      %run_scoped3A_495 = tpu.sem_alloc : memref<!tpu.dma_semaphore, #tpu.memory_space<semaphore_mem>>
      %dma_start3A_496 = arith.constant 0 : i32
      %dma_start3A_497 = tpu.memref_slice %arg10[%run_scoped3A_244, %dma_start3A_496] : memref<3x2048xf32, #tpu.memory_space<vmem>> -> memref<1x2048xf32, #tpu.memory_space<vmem>>
      %dma_start3A_498 = tpu.memref_squeeze %dma_start3A_497 : memref<1x2048xf32, #tpu.memory_space<vmem>> -> memref<2048xf32, #tpu.memory_space<vmem>>
      %dma_start3A_499 = tpu.memref_slice %arg6[%run_scoped3A_245, %run_scoped3A_246, %mul3A_2] : memref<3x16x65536xf32, #tpu.memory_space<hbm>> -> memref<1x1x2048xf32, #tpu.memory_space<hbm>>
      %dma_start3A_500 = tpu.memref_squeeze %dma_start3A_499 : memref<1x1x2048xf32, #tpu.memory_space<hbm>> -> memref<2048xf32, #tpu.memory_space<hbm>>
      %dma_start3A_501 = tpu.memref_slice %arg6[%run_scoped3A_245, %run_scoped3A_246, %mul3A_2] : memref<3x16x65536xf32, #tpu.memory_space<hbm>> -> memref<1x1x2048xf32, #tpu.memory_space<hbm>>
      %dma_start3A_502 = tpu.memref_squeeze %dma_start3A_501 : memref<1x1x2048xf32, #tpu.memory_space<hbm>> -> memref<2048xf32, #tpu.memory_space<hbm>>
      %dma_start3A_503 = arith.constant 0 : i32
      %dma_start3A_504 = tpu.memref_slice %arg10[%run_scoped3A_244, %dma_start3A_503] : memref<3x2048xf32, #tpu.memory_space<vmem>> -> memref<1x2048xf32, #tpu.memory_space<vmem>>
      %dma_start3A_505 = tpu.memref_squeeze %dma_start3A_504 : memref<1x2048xf32, #tpu.memory_space<vmem>> -> memref<2048xf32, #tpu.memory_space<vmem>>
      tpu.enqueue_dma source(%dma_start3A_505 : memref<2048xf32, #tpu.memory_space<vmem>>) target(%dma_start3A_502 : memref<2048xf32, #tpu.memory_space<hbm>>) target_semaphore(%run_scoped3A_495 : memref<!tpu.dma_semaphore, #tpu.memory_space<semaphore_mem>>)
      %dma_wait3A_506 = arith.constant 0 : i32
      %dma_wait3A_507 = tpu.memref_slice %arg10[%run_scoped3A_244, %dma_wait3A_506] : memref<3x2048xf32, #tpu.memory_space<vmem>> -> memref<1x2048xf32, #tpu.memory_space<vmem>>
      %dma_wait3A_508 = tpu.memref_squeeze %dma_wait3A_507 : memref<1x2048xf32, #tpu.memory_space<vmem>> -> memref<2048xf32, #tpu.memory_space<vmem>>
      %dma_wait3A_509 = tpu.memref_slice %arg6[%run_scoped3A_245, %run_scoped3A_246, %mul3A_2] : memref<3x16x65536xf32, #tpu.memory_space<hbm>> -> memref<1x1x2048xf32, #tpu.memory_space<hbm>>
      %dma_wait3A_510 = tpu.memref_squeeze %dma_wait3A_509 : memref<1x1x2048xf32, #tpu.memory_space<hbm>> -> memref<2048xf32, #tpu.memory_space<hbm>>
      %dma_wait3A_511 = tpu.memref_slice %arg6[%run_scoped3A_245, %run_scoped3A_246, %mul3A_2] : memref<3x16x65536xf32, #tpu.memory_space<hbm>> -> memref<1x1x2048xf32, #tpu.memory_space<hbm>>
      %dma_wait3A_512 = tpu.memref_squeeze %dma_wait3A_511 : memref<1x1x2048xf32, #tpu.memory_space<hbm>> -> memref<2048xf32, #tpu.memory_space<hbm>>
      %dma_wait3A_513 = arith.constant 0 : i32
      %dma_wait3A_514 = tpu.memref_slice %arg10[%run_scoped3A_244, %dma_wait3A_513] : memref<3x2048xf32, #tpu.memory_space<vmem>> -> memref<1x2048xf32, #tpu.memory_space<vmem>>
      %dma_wait3A_515 = tpu.memref_squeeze %dma_wait3A_514 : memref<1x2048xf32, #tpu.memory_space<vmem>> -> memref<2048xf32, #tpu.memory_space<vmem>>
      tpu.wait_dma2 semaphore(%run_scoped3A_495 : memref<!tpu.dma_semaphore, #tpu.memory_space<semaphore_mem>>) src(%dma_wait3A_515 : memref<2048xf32, #tpu.memory_space<vmem>>) dst(%dma_wait3A_512 : memref<2048xf32, #tpu.memory_space<hbm>>)
      tpu.yield
    }) : () -> ()
    %add3A_247 = arith.constant 524288 : i32
    %add3A_248 = arith.addi %add3A_247, %mul3A_2 : i32
    "tpu.region"() ({
      %run_scoped3A_495 = tpu.sem_alloc : memref<!tpu.dma_semaphore, #tpu.memory_space<semaphore_mem>>
      %dma_start3A_496 = tpu.memref_slice %arg2[%add3A_248] : memref<1048576xi32, #tpu.memory_space<hbm>> -> memref<2048xi32, #tpu.memory_space<hbm>>
      %dma_start3A_497 = tpu.memref_slice %arg2[%add3A_248] : memref<1048576xi32, #tpu.memory_space<hbm>> -> memref<2048xi32, #tpu.memory_space<hbm>>
      tpu.enqueue_dma source(%dma_start3A_497 : memref<2048xi32, #tpu.memory_space<hbm>>) target(%arg7 : memref<2048xi32, #tpu.memory_space<vmem>>) target_semaphore(%run_scoped3A_495 : memref<!tpu.dma_semaphore, #tpu.memory_space<semaphore_mem>>)
      %dma_wait3A_498 = tpu.memref_slice %arg2[%add3A_248] : memref<1048576xi32, #tpu.memory_space<hbm>> -> memref<2048xi32, #tpu.memory_space<hbm>>
      %dma_wait3A_499 = tpu.memref_slice %arg2[%add3A_248] : memref<1048576xi32, #tpu.memory_space<hbm>> -> memref<2048xi32, #tpu.memory_space<hbm>>
      tpu.wait_dma2 semaphore(%run_scoped3A_495 : memref<!tpu.dma_semaphore, #tpu.memory_space<semaphore_mem>>) src(%dma_wait3A_499 : memref<2048xi32, #tpu.memory_space<hbm>>) dst(%arg7 : memref<2048xi32, #tpu.memory_space<vmem>>)
      tpu.yield
    }) : () -> ()
    %dma_start3A_249 = arith.constant 0 : i32
    %dma_start3A_250 = arith.constant 0 : i32
    %dma_start3A_251 = tpu.memref_slice %arg3[%dma_start3A_249, %dma_start3A_250] : memref<4194304x16xf32, #tpu.memory_space<hbm>> -> memref<4194304x16xf32, #tpu.memory_space<hbm>>
    tpu.enqueue_indirect_dma source(%dma_start3A_251 : memref<4194304x16xf32, #tpu.memory_space<hbm>>) target(%arg8 : memref<2048x16xf32, #tpu.memory_space<vmem>>) offsets(%arg7 : memref<2048xi32, #tpu.memory_space<vmem>>) semaphore(%arg11 : memref<!tpu.dma_semaphore, #tpu.memory_space<semaphore_mem>>)
    %dma_start3A_252 = arith.constant 0 : i32
    %dma_start3A_253 = arith.constant 0 : i32
    %dma_start3A_254 = tpu.memref_slice %arg4[%dma_start3A_252, %dma_start3A_253] : memref<4194304x8xf32, #tpu.memory_space<hbm>> -> memref<4194304x8xf32, #tpu.memory_space<hbm>>
    tpu.enqueue_indirect_dma source(%dma_start3A_254 : memref<4194304x8xf32, #tpu.memory_space<hbm>>) target(%arg9 : memref<2048x8xf32, #tpu.memory_space<vmem>>) offsets(%arg7 : memref<2048xi32, #tpu.memory_space<vmem>>) semaphore(%arg12 : memref<!tpu.dma_semaphore, #tpu.memory_space<semaphore_mem>>)
    %dma_wait3A_255 = arith.constant 0 : i32
    %dma_wait3A_256 = arith.constant 0 : i32
    %dma_wait3A_257 = tpu.memref_slice %arg3[%dma_wait3A_255, %dma_wait3A_256] : memref<4194304x16xf32, #tpu.memory_space<hbm>> -> memref<4194304x16xf32, #tpu.memory_space<hbm>>
    tpu.wait_indirect_dma semaphore(%arg11 : memref<!tpu.dma_semaphore, #tpu.memory_space<semaphore_mem>>) src(%dma_wait3A_257 : memref<4194304x16xf32, #tpu.memory_space<hbm>>) dst(%arg8 : memref<2048x16xf32, #tpu.memory_space<vmem>>)
    %run_scoped3A_258 = arith.constant 8 : i32
    "tpu.region"() ({
      %run_scoped3A_495 = tpu.sem_alloc : memref<!tpu.dma_semaphore, #tpu.memory_space<semaphore_mem>>
      %dma_start3A_496 = arith.constant 0 : i32
      %dma_start3A_497 = tpu.memref_slice %arg5[%run_scoped3A_258, %mul3A_2, %dma_start3A_496] : memref<16x65536x16xf32, #tpu.memory_space<hbm>> -> memref<1x2048x16xf32, #tpu.memory_space<hbm>>
      %dma_start3A_498 = tpu.memref_squeeze %dma_start3A_497 : memref<1x2048x16xf32, #tpu.memory_space<hbm>> -> memref<2048x16xf32, #tpu.memory_space<hbm>>
      %dma_start3A_499 = arith.constant 0 : i32
      %dma_start3A_500 = tpu.memref_slice %arg5[%run_scoped3A_258, %mul3A_2, %dma_start3A_499] : memref<16x65536x16xf32, #tpu.memory_space<hbm>> -> memref<1x2048x16xf32, #tpu.memory_space<hbm>>
      %dma_start3A_501 = tpu.memref_squeeze %dma_start3A_500 : memref<1x2048x16xf32, #tpu.memory_space<hbm>> -> memref<2048x16xf32, #tpu.memory_space<hbm>>
      tpu.enqueue_dma source(%arg8 : memref<2048x16xf32, #tpu.memory_space<vmem>>) target(%dma_start3A_501 : memref<2048x16xf32, #tpu.memory_space<hbm>>) target_semaphore(%run_scoped3A_495 : memref<!tpu.dma_semaphore, #tpu.memory_space<semaphore_mem>>)
      %dma_wait3A_502 = arith.constant 0 : i32
      %dma_wait3A_503 = tpu.memref_slice %arg5[%run_scoped3A_258, %mul3A_2, %dma_wait3A_502] : memref<16x65536x16xf32, #tpu.memory_space<hbm>> -> memref<1x2048x16xf32, #tpu.memory_space<hbm>>
      %dma_wait3A_504 = tpu.memref_squeeze %dma_wait3A_503 : memref<1x2048x16xf32, #tpu.memory_space<hbm>> -> memref<2048x16xf32, #tpu.memory_space<hbm>>
      %dma_wait3A_505 = arith.constant 0 : i32
      %dma_wait3A_506 = tpu.memref_slice %arg5[%run_scoped3A_258, %mul3A_2, %dma_wait3A_505] : memref<16x65536x16xf32, #tpu.memory_space<hbm>> -> memref<1x2048x16xf32, #tpu.memory_space<hbm>>
      %dma_wait3A_507 = tpu.memref_squeeze %dma_wait3A_506 : memref<1x2048x16xf32, #tpu.memory_space<hbm>> -> memref<2048x16xf32, #tpu.memory_space<hbm>>
      tpu.wait_dma2 semaphore(%run_scoped3A_495 : memref<!tpu.dma_semaphore, #tpu.memory_space<semaphore_mem>>) src(%arg8 : memref<2048x16xf32, #tpu.memory_space<vmem>>) dst(%dma_wait3A_507 : memref<2048x16xf32, #tpu.memory_space<hbm>>)
      tpu.yield
    }) : () -> ()
    %dma_wait3A_259 = arith.constant 0 : i32
    %dma_wait3A_260 = arith.constant 0 : i32
    %dma_wait3A_261 = tpu.memref_slice %arg4[%dma_wait3A_259, %dma_wait3A_260] : memref<4194304x8xf32, #tpu.memory_space<hbm>> -> memref<4194304x8xf32, #tpu.memory_space<hbm>>
    tpu.wait_indirect_dma semaphore(%arg12 : memref<!tpu.dma_semaphore, #tpu.memory_space<semaphore_mem>>) src(%dma_wait3A_261 : memref<4194304x8xf32, #tpu.memory_space<hbm>>) dst(%arg9 : memref<2048x8xf32, #tpu.memory_space<vmem>>)
    %scan3A_262 = arith.constant 0 : i32
    %scan3A_263 = arith.constant 0 : i32
    %scan3A_264 = arith.constant 128 : i32
    %scan3A_265 = arith.addi %scan3A_263, %scan3A_264 : i32
    %scan3A_266 = arith.constant 1 : i32
    %scan3A_267 = scf.for %scan3A_495 = %scan3A_263 to %scan3A_265 step %scan3A_266 iter_args(%scan3A_496 = %scan3A_262) -> (i32)  : i32 {
      %mul3A_497 = arith.constant 16 : i32
      %mul3A_498 = arith.muli %scan3A_495, %mul3A_497 : i32
      %add3A_499 = vector.broadcast %mul3A_498 : i32 to vector<16xi32>
      %add3A_500 = arith.addi %add3A_499, %iota3A : vector<16xi32>
      %broadcast_in_dim3A = arith.constant 0 : i32
      %broadcast_in_dim3A_501 = vector.broadcast %broadcast_in_dim3A : i32 to vector<16xi32>
      %gather3A = tpu.vector_load_idx %arg9[%add3A_500, %broadcast_in_dim3A_501] : memref<2048x8xf32, #tpu.memory_space<vmem>>[vector<16xi32>, vector<16xi32>], vector<16xf32>,
      %mul3A_502 = arith.constant 16 : i32
      %mul3A_503 = arith.muli %scan3A_495, %mul3A_502 : i32
      %swap3A = arith.constant 0 : i32
      %swap3A_504 = arith.index_cast %swap3A : i32 to index
      %swap3A_505 = arith.index_cast %mul3A_503 : i32 to index
      %swap3A_506 = tpu.vector_load %arg10[%swap3A_504, %swap3A_505] {strides = array<i32>} : memref<3x2048xf32, #tpu.memory_space<vmem>>, vector<16xf32>,
      tpu.vector_store %arg10[%swap3A_504, %swap3A_505], %gather3A {strides = array<i32>} : memref<3x2048xf32, #tpu.memory_space<vmem>>, vector<16xf32>,
      %broadcast_in_dim3A_507 = arith.constant 1 : i32
      %broadcast_in_dim3A_508 = vector.broadcast %broadcast_in_dim3A_507 : i32 to vector<16xi32>
      %gather3A_509 = tpu.vector_load_idx %arg9[%add3A_500, %broadcast_in_dim3A_508] : memref<2048x8xf32, #tpu.memory_space<vmem>>[vector<16xi32>, vector<16xi32>], vector<16xf32>,
      %mul3A_510 = arith.constant 16 : i32
      %mul3A_511 = arith.muli %scan3A_495, %mul3A_510 : i32
      %swap3A_512 = arith.constant 1 : i32
      %swap3A_513 = arith.index_cast %swap3A_512 : i32 to index
      %swap3A_514 = arith.index_cast %mul3A_511 : i32 to index
      %swap3A_515 = tpu.vector_load %arg10[%swap3A_513, %swap3A_514] {strides = array<i32>} : memref<3x2048xf32, #tpu.memory_space<vmem>>, vector<16xf32>,
      tpu.vector_store %arg10[%swap3A_513, %swap3A_514], %gather3A_509 {strides = array<i32>} : memref<3x2048xf32, #tpu.memory_space<vmem>>, vector<16xf32>,
      %broadcast_in_dim3A_516 = arith.constant 2 : i32
      %broadcast_in_dim3A_517 = vector.broadcast %broadcast_in_dim3A_516 : i32 to vector<16xi32>
      %gather3A_518 = tpu.vector_load_idx %arg9[%add3A_500, %broadcast_in_dim3A_517] : memref<2048x8xf32, #tpu.memory_space<vmem>>[vector<16xi32>, vector<16xi32>], vector<16xf32>,
      %mul3A_519 = arith.constant 16 : i32
      %mul3A_520 = arith.muli %scan3A_495, %mul3A_519 : i32
      %swap3A_521 = arith.constant 2 : i32
      %swap3A_522 = arith.index_cast %swap3A_521 : i32 to index
      %swap3A_523 = arith.index_cast %mul3A_520 : i32 to index
      %swap3A_524 = tpu.vector_load %arg10[%swap3A_522, %swap3A_523] {strides = array<i32>} : memref<3x2048xf32, #tpu.memory_space<vmem>>, vector<16xf32>,
      tpu.vector_store %arg10[%swap3A_522, %swap3A_523], %gather3A_518 {strides = array<i32>} : memref<3x2048xf32, #tpu.memory_space<vmem>>, vector<16xf32>,
      %scan3A_525 = arith.constant 0 : i32
      scf.yield %scan3A_525 : i32
    }
    %scan3A_268 = arith.constant 128 : i32
    %run_scoped3A_269 = arith.constant 0 : i32
    %run_scoped3A_270 = arith.constant 0 : i32
    %run_scoped3A_271 = arith.constant 8 : i32
    "tpu.region"() ({
      %run_scoped3A_495 = tpu.sem_alloc : memref<!tpu.dma_semaphore, #tpu.memory_space<semaphore_mem>>
      %dma_start3A_496 = arith.constant 0 : i32
      %dma_start3A_497 = tpu.memref_slice %arg10[%run_scoped3A_269, %dma_start3A_496] : memref<3x2048xf32, #tpu.memory_space<vmem>> -> memref<1x2048xf32, #tpu.memory_space<vmem>>
      %dma_start3A_498 = tpu.memref_squeeze %dma_start3A_497 : memref<1x2048xf32, #tpu.memory_space<vmem>> -> memref<2048xf32, #tpu.memory_space<vmem>>
      %dma_start3A_499 = tpu.memref_slice %arg6[%run_scoped3A_270, %run_scoped3A_271, %mul3A_2] : memref<3x16x65536xf32, #tpu.memory_space<hbm>> -> memref<1x1x2048xf32, #tpu.memory_space<hbm>>
      %dma_start3A_500 = tpu.memref_squeeze %dma_start3A_499 : memref<1x1x2048xf32, #tpu.memory_space<hbm>> -> memref<2048xf32, #tpu.memory_space<hbm>>
      %dma_start3A_501 = tpu.memref_slice %arg6[%run_scoped3A_270, %run_scoped3A_271, %mul3A_2] : memref<3x16x65536xf32, #tpu.memory_space<hbm>> -> memref<1x1x2048xf32, #tpu.memory_space<hbm>>
      %dma_start3A_502 = tpu.memref_squeeze %dma_start3A_501 : memref<1x1x2048xf32, #tpu.memory_space<hbm>> -> memref<2048xf32, #tpu.memory_space<hbm>>
      %dma_start3A_503 = arith.constant 0 : i32
      %dma_start3A_504 = tpu.memref_slice %arg10[%run_scoped3A_269, %dma_start3A_503] : memref<3x2048xf32, #tpu.memory_space<vmem>> -> memref<1x2048xf32, #tpu.memory_space<vmem>>
      %dma_start3A_505 = tpu.memref_squeeze %dma_start3A_504 : memref<1x2048xf32, #tpu.memory_space<vmem>> -> memref<2048xf32, #tpu.memory_space<vmem>>
      tpu.enqueue_dma source(%dma_start3A_505 : memref<2048xf32, #tpu.memory_space<vmem>>) target(%dma_start3A_502 : memref<2048xf32, #tpu.memory_space<hbm>>) target_semaphore(%run_scoped3A_495 : memref<!tpu.dma_semaphore, #tpu.memory_space<semaphore_mem>>)
      %dma_wait3A_506 = arith.constant 0 : i32
      %dma_wait3A_507 = tpu.memref_slice %arg10[%run_scoped3A_269, %dma_wait3A_506] : memref<3x2048xf32, #tpu.memory_space<vmem>> -> memref<1x2048xf32, #tpu.memory_space<vmem>>
      %dma_wait3A_508 = tpu.memref_squeeze %dma_wait3A_507 : memref<1x2048xf32, #tpu.memory_space<vmem>> -> memref<2048xf32, #tpu.memory_space<vmem>>
      %dma_wait3A_509 = tpu.memref_slice %arg6[%run_scoped3A_270, %run_scoped3A_271, %mul3A_2] : memref<3x16x65536xf32, #tpu.memory_space<hbm>> -> memref<1x1x2048xf32, #tpu.memory_space<hbm>>
      %dma_wait3A_510 = tpu.memref_squeeze %dma_wait3A_509 : memref<1x1x2048xf32, #tpu.memory_space<hbm>> -> memref<2048xf32, #tpu.memory_space<hbm>>
      %dma_wait3A_511 = tpu.memref_slice %arg6[%run_scoped3A_270, %run_scoped3A_271, %mul3A_2] : memref<3x16x65536xf32, #tpu.memory_space<hbm>> -> memref<1x1x2048xf32, #tpu.memory_space<hbm>>
      %dma_wait3A_512 = tpu.memref_squeeze %dma_wait3A_511 : memref<1x1x2048xf32, #tpu.memory_space<hbm>> -> memref<2048xf32, #tpu.memory_space<hbm>>
      %dma_wait3A_513 = arith.constant 0 : i32
      %dma_wait3A_514 = tpu.memref_slice %arg10[%run_scoped3A_269, %dma_wait3A_513] : memref<3x2048xf32, #tpu.memory_space<vmem>> -> memref<1x2048xf32, #tpu.memory_space<vmem>>
      %dma_wait3A_515 = tpu.memref_squeeze %dma_wait3A_514 : memref<1x2048xf32, #tpu.memory_space<vmem>> -> memref<2048xf32, #tpu.memory_space<vmem>>
      tpu.wait_dma2 semaphore(%run_scoped3A_495 : memref<!tpu.dma_semaphore, #tpu.memory_space<semaphore_mem>>) src(%dma_wait3A_515 : memref<2048xf32, #tpu.memory_space<vmem>>) dst(%dma_wait3A_512 : memref<2048xf32, #tpu.memory_space<hbm>>)
      tpu.yield
    }) : () -> ()
    %run_scoped3A_272 = arith.constant 1 : i32
    %run_scoped3A_273 = arith.constant 1 : i32
    %run_scoped3A_274 = arith.constant 8 : i32
    "tpu.region"() ({
      %run_scoped3A_495 = tpu.sem_alloc : memref<!tpu.dma_semaphore, #tpu.memory_space<semaphore_mem>>
      %dma_start3A_496 = arith.constant 0 : i32
      %dma_start3A_497 = tpu.memref_slice %arg10[%run_scoped3A_272, %dma_start3A_496] : memref<3x2048xf32, #tpu.memory_space<vmem>> -> memref<1x2048xf32, #tpu.memory_space<vmem>>
      %dma_start3A_498 = tpu.memref_squeeze %dma_start3A_497 : memref<1x2048xf32, #tpu.memory_space<vmem>> -> memref<2048xf32, #tpu.memory_space<vmem>>
      %dma_start3A_499 = tpu.memref_slice %arg6[%run_scoped3A_273, %run_scoped3A_274, %mul3A_2] : memref<3x16x65536xf32, #tpu.memory_space<hbm>> -> memref<1x1x2048xf32, #tpu.memory_space<hbm>>
      %dma_start3A_500 = tpu.memref_squeeze %dma_start3A_499 : memref<1x1x2048xf32, #tpu.memory_space<hbm>> -> memref<2048xf32, #tpu.memory_space<hbm>>
      %dma_start3A_501 = tpu.memref_slice %arg6[%run_scoped3A_273, %run_scoped3A_274, %mul3A_2] : memref<3x16x65536xf32, #tpu.memory_space<hbm>> -> memref<1x1x2048xf32, #tpu.memory_space<hbm>>
      %dma_start3A_502 = tpu.memref_squeeze %dma_start3A_501 : memref<1x1x2048xf32, #tpu.memory_space<hbm>> -> memref<2048xf32, #tpu.memory_space<hbm>>
      %dma_start3A_503 = arith.constant 0 : i32
      %dma_start3A_504 = tpu.memref_slice %arg10[%run_scoped3A_272, %dma_start3A_503] : memref<3x2048xf32, #tpu.memory_space<vmem>> -> memref<1x2048xf32, #tpu.memory_space<vmem>>
      %dma_start3A_505 = tpu.memref_squeeze %dma_start3A_504 : memref<1x2048xf32, #tpu.memory_space<vmem>> -> memref<2048xf32, #tpu.memory_space<vmem>>
      tpu.enqueue_dma source(%dma_start3A_505 : memref<2048xf32, #tpu.memory_space<vmem>>) target(%dma_start3A_502 : memref<2048xf32, #tpu.memory_space<hbm>>) target_semaphore(%run_scoped3A_495 : memref<!tpu.dma_semaphore, #tpu.memory_space<semaphore_mem>>)
      %dma_wait3A_506 = arith.constant 0 : i32
      %dma_wait3A_507 = tpu.memref_slice %arg10[%run_scoped3A_272, %dma_wait3A_506] : memref<3x2048xf32, #tpu.memory_space<vmem>> -> memref<1x2048xf32, #tpu.memory_space<vmem>>
      %dma_wait3A_508 = tpu.memref_squeeze %dma_wait3A_507 : memref<1x2048xf32, #tpu.memory_space<vmem>> -> memref<2048xf32, #tpu.memory_space<vmem>>
      %dma_wait3A_509 = tpu.memref_slice %arg6[%run_scoped3A_273, %run_scoped3A_274, %mul3A_2] : memref<3x16x65536xf32, #tpu.memory_space<hbm>> -> memref<1x1x2048xf32, #tpu.memory_space<hbm>>
      %dma_wait3A_510 = tpu.memref_squeeze %dma_wait3A_509 : memref<1x1x2048xf32, #tpu.memory_space<hbm>> -> memref<2048xf32, #tpu.memory_space<hbm>>
      %dma_wait3A_511 = tpu.memref_slice %arg6[%run_scoped3A_273, %run_scoped3A_274, %mul3A_2] : memref<3x16x65536xf32, #tpu.memory_space<hbm>> -> memref<1x1x2048xf32, #tpu.memory_space<hbm>>
      %dma_wait3A_512 = tpu.memref_squeeze %dma_wait3A_511 : memref<1x1x2048xf32, #tpu.memory_space<hbm>> -> memref<2048xf32, #tpu.memory_space<hbm>>
      %dma_wait3A_513 = arith.constant 0 : i32
      %dma_wait3A_514 = tpu.memref_slice %arg10[%run_scoped3A_272, %dma_wait3A_513] : memref<3x2048xf32, #tpu.memory_space<vmem>> -> memref<1x2048xf32, #tpu.memory_space<vmem>>
      %dma_wait3A_515 = tpu.memref_squeeze %dma_wait3A_514 : memref<1x2048xf32, #tpu.memory_space<vmem>> -> memref<2048xf32, #tpu.memory_space<vmem>>
      tpu.wait_dma2 semaphore(%run_scoped3A_495 : memref<!tpu.dma_semaphore, #tpu.memory_space<semaphore_mem>>) src(%dma_wait3A_515 : memref<2048xf32, #tpu.memory_space<vmem>>) dst(%dma_wait3A_512 : memref<2048xf32, #tpu.memory_space<hbm>>)
      tpu.yield
    }) : () -> ()
    %run_scoped3A_275 = arith.constant 2 : i32
    %run_scoped3A_276 = arith.constant 2 : i32
    %run_scoped3A_277 = arith.constant 8 : i32
    "tpu.region"() ({
      %run_scoped3A_495 = tpu.sem_alloc : memref<!tpu.dma_semaphore, #tpu.memory_space<semaphore_mem>>
      %dma_start3A_496 = arith.constant 0 : i32
      %dma_start3A_497 = tpu.memref_slice %arg10[%run_scoped3A_275, %dma_start3A_496] : memref<3x2048xf32, #tpu.memory_space<vmem>> -> memref<1x2048xf32, #tpu.memory_space<vmem>>
      %dma_start3A_498 = tpu.memref_squeeze %dma_start3A_497 : memref<1x2048xf32, #tpu.memory_space<vmem>> -> memref<2048xf32, #tpu.memory_space<vmem>>
      %dma_start3A_499 = tpu.memref_slice %arg6[%run_scoped3A_276, %run_scoped3A_277, %mul3A_2] : memref<3x16x65536xf32, #tpu.memory_space<hbm>> -> memref<1x1x2048xf32, #tpu.memory_space<hbm>>
      %dma_start3A_500 = tpu.memref_squeeze %dma_start3A_499 : memref<1x1x2048xf32, #tpu.memory_space<hbm>> -> memref<2048xf32, #tpu.memory_space<hbm>>
      %dma_start3A_501 = tpu.memref_slice %arg6[%run_scoped3A_276, %run_scoped3A_277, %mul3A_2] : memref<3x16x65536xf32, #tpu.memory_space<hbm>> -> memref<1x1x2048xf32, #tpu.memory_space<hbm>>
      %dma_start3A_502 = tpu.memref_squeeze %dma_start3A_501 : memref<1x1x2048xf32, #tpu.memory_space<hbm>> -> memref<2048xf32, #tpu.memory_space<hbm>>
      %dma_start3A_503 = arith.constant 0 : i32
      %dma_start3A_504 = tpu.memref_slice %arg10[%run_scoped3A_275, %dma_start3A_503] : memref<3x2048xf32, #tpu.memory_space<vmem>> -> memref<1x2048xf32, #tpu.memory_space<vmem>>
      %dma_start3A_505 = tpu.memref_squeeze %dma_start3A_504 : memref<1x2048xf32, #tpu.memory_space<vmem>> -> memref<2048xf32, #tpu.memory_space<vmem>>
      tpu.enqueue_dma source(%dma_start3A_505 : memref<2048xf32, #tpu.memory_space<vmem>>) target(%dma_start3A_502 : memref<2048xf32, #tpu.memory_space<hbm>>) target_semaphore(%run_scoped3A_495 : memref<!tpu.dma_semaphore, #tpu.memory_space<semaphore_mem>>)
      %dma_wait3A_506 = arith.constant 0 : i32
      %dma_wait3A_507 = tpu.memref_slice %arg10[%run_scoped3A_275, %dma_wait3A_506] : memref<3x2048xf32, #tpu.memory_space<vmem>> -> memref<1x2048xf32, #tpu.memory_space<vmem>>
      %dma_wait3A_508 = tpu.memref_squeeze %dma_wait3A_507 : memref<1x2048xf32, #tpu.memory_space<vmem>> -> memref<2048xf32, #tpu.memory_space<vmem>>
      %dma_wait3A_509 = tpu.memref_slice %arg6[%run_scoped3A_276, %run_scoped3A_277, %mul3A_2] : memref<3x16x65536xf32, #tpu.memory_space<hbm>> -> memref<1x1x2048xf32, #tpu.memory_space<hbm>>
      %dma_wait3A_510 = tpu.memref_squeeze %dma_wait3A_509 : memref<1x1x2048xf32, #tpu.memory_space<hbm>> -> memref<2048xf32, #tpu.memory_space<hbm>>
      %dma_wait3A_511 = tpu.memref_slice %arg6[%run_scoped3A_276, %run_scoped3A_277, %mul3A_2] : memref<3x16x65536xf32, #tpu.memory_space<hbm>> -> memref<1x1x2048xf32, #tpu.memory_space<hbm>>
      %dma_wait3A_512 = tpu.memref_squeeze %dma_wait3A_511 : memref<1x1x2048xf32, #tpu.memory_space<hbm>> -> memref<2048xf32, #tpu.memory_space<hbm>>
      %dma_wait3A_513 = arith.constant 0 : i32
      %dma_wait3A_514 = tpu.memref_slice %arg10[%run_scoped3A_275, %dma_wait3A_513] : memref<3x2048xf32, #tpu.memory_space<vmem>> -> memref<1x2048xf32, #tpu.memory_space<vmem>>
      %dma_wait3A_515 = tpu.memref_squeeze %dma_wait3A_514 : memref<1x2048xf32, #tpu.memory_space<vmem>> -> memref<2048xf32, #tpu.memory_space<vmem>>
      tpu.wait_dma2 semaphore(%run_scoped3A_495 : memref<!tpu.dma_semaphore, #tpu.memory_space<semaphore_mem>>) src(%dma_wait3A_515 : memref<2048xf32, #tpu.memory_space<vmem>>) dst(%dma_wait3A_512 : memref<2048xf32, #tpu.memory_space<hbm>>)
      tpu.yield
    }) : () -> ()
    %add3A_278 = arith.constant 589824 : i32
    %add3A_279 = arith.addi %add3A_278, %mul3A_2 : i32
    "tpu.region"() ({
      %run_scoped3A_495 = tpu.sem_alloc : memref<!tpu.dma_semaphore, #tpu.memory_space<semaphore_mem>>
      %dma_start3A_496 = tpu.memref_slice %arg2[%add3A_279] : memref<1048576xi32, #tpu.memory_space<hbm>> -> memref<2048xi32, #tpu.memory_space<hbm>>
      %dma_start3A_497 = tpu.memref_slice %arg2[%add3A_279] : memref<1048576xi32, #tpu.memory_space<hbm>> -> memref<2048xi32, #tpu.memory_space<hbm>>
      tpu.enqueue_dma source(%dma_start3A_497 : memref<2048xi32, #tpu.memory_space<hbm>>) target(%arg7 : memref<2048xi32, #tpu.memory_space<vmem>>) target_semaphore(%run_scoped3A_495 : memref<!tpu.dma_semaphore, #tpu.memory_space<semaphore_mem>>)
      %dma_wait3A_498 = tpu.memref_slice %arg2[%add3A_279] : memref<1048576xi32, #tpu.memory_space<hbm>> -> memref<2048xi32, #tpu.memory_space<hbm>>
      %dma_wait3A_499 = tpu.memref_slice %arg2[%add3A_279] : memref<1048576xi32, #tpu.memory_space<hbm>> -> memref<2048xi32, #tpu.memory_space<hbm>>
      tpu.wait_dma2 semaphore(%run_scoped3A_495 : memref<!tpu.dma_semaphore, #tpu.memory_space<semaphore_mem>>) src(%dma_wait3A_499 : memref<2048xi32, #tpu.memory_space<hbm>>) dst(%arg7 : memref<2048xi32, #tpu.memory_space<vmem>>)
      tpu.yield
    }) : () -> ()
    %dma_start3A_280 = arith.constant 0 : i32
    %dma_start3A_281 = arith.constant 0 : i32
    %dma_start3A_282 = tpu.memref_slice %arg3[%dma_start3A_280, %dma_start3A_281] : memref<4194304x16xf32, #tpu.memory_space<hbm>> -> memref<4194304x16xf32, #tpu.memory_space<hbm>>
    tpu.enqueue_indirect_dma source(%dma_start3A_282 : memref<4194304x16xf32, #tpu.memory_space<hbm>>) target(%arg8 : memref<2048x16xf32, #tpu.memory_space<vmem>>) offsets(%arg7 : memref<2048xi32, #tpu.memory_space<vmem>>) semaphore(%arg11 : memref<!tpu.dma_semaphore, #tpu.memory_space<semaphore_mem>>)
    %dma_start3A_283 = arith.constant 0 : i32
    %dma_start3A_284 = arith.constant 0 : i32
    %dma_start3A_285 = tpu.memref_slice %arg4[%dma_start3A_283, %dma_start3A_284] : memref<4194304x8xf32, #tpu.memory_space<hbm>> -> memref<4194304x8xf32, #tpu.memory_space<hbm>>
    tpu.enqueue_indirect_dma source(%dma_start3A_285 : memref<4194304x8xf32, #tpu.memory_space<hbm>>) target(%arg9 : memref<2048x8xf32, #tpu.memory_space<vmem>>) offsets(%arg7 : memref<2048xi32, #tpu.memory_space<vmem>>) semaphore(%arg12 : memref<!tpu.dma_semaphore, #tpu.memory_space<semaphore_mem>>)
    %dma_wait3A_286 = arith.constant 0 : i32
    %dma_wait3A_287 = arith.constant 0 : i32
    %dma_wait3A_288 = tpu.memref_slice %arg3[%dma_wait3A_286, %dma_wait3A_287] : memref<4194304x16xf32, #tpu.memory_space<hbm>> -> memref<4194304x16xf32, #tpu.memory_space<hbm>>
    tpu.wait_indirect_dma semaphore(%arg11 : memref<!tpu.dma_semaphore, #tpu.memory_space<semaphore_mem>>) src(%dma_wait3A_288 : memref<4194304x16xf32, #tpu.memory_space<hbm>>) dst(%arg8 : memref<2048x16xf32, #tpu.memory_space<vmem>>)
    %run_scoped3A_289 = arith.constant 9 : i32
    "tpu.region"() ({
      %run_scoped3A_495 = tpu.sem_alloc : memref<!tpu.dma_semaphore, #tpu.memory_space<semaphore_mem>>
      %dma_start3A_496 = arith.constant 0 : i32
      %dma_start3A_497 = tpu.memref_slice %arg5[%run_scoped3A_289, %mul3A_2, %dma_start3A_496] : memref<16x65536x16xf32, #tpu.memory_space<hbm>> -> memref<1x2048x16xf32, #tpu.memory_space<hbm>>
      %dma_start3A_498 = tpu.memref_squeeze %dma_start3A_497 : memref<1x2048x16xf32, #tpu.memory_space<hbm>> -> memref<2048x16xf32, #tpu.memory_space<hbm>>
      %dma_start3A_499 = arith.constant 0 : i32
      %dma_start3A_500 = tpu.memref_slice %arg5[%run_scoped3A_289, %mul3A_2, %dma_start3A_499] : memref<16x65536x16xf32, #tpu.memory_space<hbm>> -> memref<1x2048x16xf32, #tpu.memory_space<hbm>>
      %dma_start3A_501 = tpu.memref_squeeze %dma_start3A_500 : memref<1x2048x16xf32, #tpu.memory_space<hbm>> -> memref<2048x16xf32, #tpu.memory_space<hbm>>
      tpu.enqueue_dma source(%arg8 : memref<2048x16xf32, #tpu.memory_space<vmem>>) target(%dma_start3A_501 : memref<2048x16xf32, #tpu.memory_space<hbm>>) target_semaphore(%run_scoped3A_495 : memref<!tpu.dma_semaphore, #tpu.memory_space<semaphore_mem>>)
      %dma_wait3A_502 = arith.constant 0 : i32
      %dma_wait3A_503 = tpu.memref_slice %arg5[%run_scoped3A_289, %mul3A_2, %dma_wait3A_502] : memref<16x65536x16xf32, #tpu.memory_space<hbm>> -> memref<1x2048x16xf32, #tpu.memory_space<hbm>>
      %dma_wait3A_504 = tpu.memref_squeeze %dma_wait3A_503 : memref<1x2048x16xf32, #tpu.memory_space<hbm>> -> memref<2048x16xf32, #tpu.memory_space<hbm>>
      %dma_wait3A_505 = arith.constant 0 : i32
      %dma_wait3A_506 = tpu.memref_slice %arg5[%run_scoped3A_289, %mul3A_2, %dma_wait3A_505] : memref<16x65536x16xf32, #tpu.memory_space<hbm>> -> memref<1x2048x16xf32, #tpu.memory_space<hbm>>
      %dma_wait3A_507 = tpu.memref_squeeze %dma_wait3A_506 : memref<1x2048x16xf32, #tpu.memory_space<hbm>> -> memref<2048x16xf32, #tpu.memory_space<hbm>>
      tpu.wait_dma2 semaphore(%run_scoped3A_495 : memref<!tpu.dma_semaphore, #tpu.memory_space<semaphore_mem>>) src(%arg8 : memref<2048x16xf32, #tpu.memory_space<vmem>>) dst(%dma_wait3A_507 : memref<2048x16xf32, #tpu.memory_space<hbm>>)
      tpu.yield
    }) : () -> ()
    %dma_wait3A_290 = arith.constant 0 : i32
    %dma_wait3A_291 = arith.constant 0 : i32
    %dma_wait3A_292 = tpu.memref_slice %arg4[%dma_wait3A_290, %dma_wait3A_291] : memref<4194304x8xf32, #tpu.memory_space<hbm>> -> memref<4194304x8xf32, #tpu.memory_space<hbm>>
    tpu.wait_indirect_dma semaphore(%arg12 : memref<!tpu.dma_semaphore, #tpu.memory_space<semaphore_mem>>) src(%dma_wait3A_292 : memref<4194304x8xf32, #tpu.memory_space<hbm>>) dst(%arg9 : memref<2048x8xf32, #tpu.memory_space<vmem>>)
    %scan3A_293 = arith.constant 0 : i32
    %scan3A_294 = arith.constant 0 : i32
    %scan3A_295 = arith.constant 128 : i32
    %scan3A_296 = arith.addi %scan3A_294, %scan3A_295 : i32
    %scan3A_297 = arith.constant 1 : i32
    %scan3A_298 = scf.for %scan3A_495 = %scan3A_294 to %scan3A_296 step %scan3A_297 iter_args(%scan3A_496 = %scan3A_293) -> (i32)  : i32 {
      %mul3A_497 = arith.constant 16 : i32
      %mul3A_498 = arith.muli %scan3A_495, %mul3A_497 : i32
      %add3A_499 = vector.broadcast %mul3A_498 : i32 to vector<16xi32>
      %add3A_500 = arith.addi %add3A_499, %iota3A : vector<16xi32>
      %broadcast_in_dim3A = arith.constant 0 : i32
      %broadcast_in_dim3A_501 = vector.broadcast %broadcast_in_dim3A : i32 to vector<16xi32>
      %gather3A = tpu.vector_load_idx %arg9[%add3A_500, %broadcast_in_dim3A_501] : memref<2048x8xf32, #tpu.memory_space<vmem>>[vector<16xi32>, vector<16xi32>], vector<16xf32>,
      %mul3A_502 = arith.constant 16 : i32
      %mul3A_503 = arith.muli %scan3A_495, %mul3A_502 : i32
      %swap3A = arith.constant 0 : i32
      %swap3A_504 = arith.index_cast %swap3A : i32 to index
      %swap3A_505 = arith.index_cast %mul3A_503 : i32 to index
      %swap3A_506 = tpu.vector_load %arg10[%swap3A_504, %swap3A_505] {strides = array<i32>} : memref<3x2048xf32, #tpu.memory_space<vmem>>, vector<16xf32>,
      tpu.vector_store %arg10[%swap3A_504, %swap3A_505], %gather3A {strides = array<i32>} : memref<3x2048xf32, #tpu.memory_space<vmem>>, vector<16xf32>,
      %broadcast_in_dim3A_507 = arith.constant 1 : i32
      %broadcast_in_dim3A_508 = vector.broadcast %broadcast_in_dim3A_507 : i32 to vector<16xi32>
      %gather3A_509 = tpu.vector_load_idx %arg9[%add3A_500, %broadcast_in_dim3A_508] : memref<2048x8xf32, #tpu.memory_space<vmem>>[vector<16xi32>, vector<16xi32>], vector<16xf32>,
      %mul3A_510 = arith.constant 16 : i32
      %mul3A_511 = arith.muli %scan3A_495, %mul3A_510 : i32
      %swap3A_512 = arith.constant 1 : i32
      %swap3A_513 = arith.index_cast %swap3A_512 : i32 to index
      %swap3A_514 = arith.index_cast %mul3A_511 : i32 to index
      %swap3A_515 = tpu.vector_load %arg10[%swap3A_513, %swap3A_514] {strides = array<i32>} : memref<3x2048xf32, #tpu.memory_space<vmem>>, vector<16xf32>,
      tpu.vector_store %arg10[%swap3A_513, %swap3A_514], %gather3A_509 {strides = array<i32>} : memref<3x2048xf32, #tpu.memory_space<vmem>>, vector<16xf32>,
      %broadcast_in_dim3A_516 = arith.constant 2 : i32
      %broadcast_in_dim3A_517 = vector.broadcast %broadcast_in_dim3A_516 : i32 to vector<16xi32>
      %gather3A_518 = tpu.vector_load_idx %arg9[%add3A_500, %broadcast_in_dim3A_517] : memref<2048x8xf32, #tpu.memory_space<vmem>>[vector<16xi32>, vector<16xi32>], vector<16xf32>,
      %mul3A_519 = arith.constant 16 : i32
      %mul3A_520 = arith.muli %scan3A_495, %mul3A_519 : i32
      %swap3A_521 = arith.constant 2 : i32
      %swap3A_522 = arith.index_cast %swap3A_521 : i32 to index
      %swap3A_523 = arith.index_cast %mul3A_520 : i32 to index
      %swap3A_524 = tpu.vector_load %arg10[%swap3A_522, %swap3A_523] {strides = array<i32>} : memref<3x2048xf32, #tpu.memory_space<vmem>>, vector<16xf32>,
      tpu.vector_store %arg10[%swap3A_522, %swap3A_523], %gather3A_518 {strides = array<i32>} : memref<3x2048xf32, #tpu.memory_space<vmem>>, vector<16xf32>,
      %scan3A_525 = arith.constant 0 : i32
      scf.yield %scan3A_525 : i32
    }
    %scan3A_299 = arith.constant 128 : i32
    %run_scoped3A_300 = arith.constant 0 : i32
    %run_scoped3A_301 = arith.constant 0 : i32
    %run_scoped3A_302 = arith.constant 9 : i32
    "tpu.region"() ({
      %run_scoped3A_495 = tpu.sem_alloc : memref<!tpu.dma_semaphore, #tpu.memory_space<semaphore_mem>>
      %dma_start3A_496 = arith.constant 0 : i32
      %dma_start3A_497 = tpu.memref_slice %arg10[%run_scoped3A_300, %dma_start3A_496] : memref<3x2048xf32, #tpu.memory_space<vmem>> -> memref<1x2048xf32, #tpu.memory_space<vmem>>
      %dma_start3A_498 = tpu.memref_squeeze %dma_start3A_497 : memref<1x2048xf32, #tpu.memory_space<vmem>> -> memref<2048xf32, #tpu.memory_space<vmem>>
      %dma_start3A_499 = tpu.memref_slice %arg6[%run_scoped3A_301, %run_scoped3A_302, %mul3A_2] : memref<3x16x65536xf32, #tpu.memory_space<hbm>> -> memref<1x1x2048xf32, #tpu.memory_space<hbm>>
      %dma_start3A_500 = tpu.memref_squeeze %dma_start3A_499 : memref<1x1x2048xf32, #tpu.memory_space<hbm>> -> memref<2048xf32, #tpu.memory_space<hbm>>
      %dma_start3A_501 = tpu.memref_slice %arg6[%run_scoped3A_301, %run_scoped3A_302, %mul3A_2] : memref<3x16x65536xf32, #tpu.memory_space<hbm>> -> memref<1x1x2048xf32, #tpu.memory_space<hbm>>
      %dma_start3A_502 = tpu.memref_squeeze %dma_start3A_501 : memref<1x1x2048xf32, #tpu.memory_space<hbm>> -> memref<2048xf32, #tpu.memory_space<hbm>>
      %dma_start3A_503 = arith.constant 0 : i32
      %dma_start3A_504 = tpu.memref_slice %arg10[%run_scoped3A_300, %dma_start3A_503] : memref<3x2048xf32, #tpu.memory_space<vmem>> -> memref<1x2048xf32, #tpu.memory_space<vmem>>
      %dma_start3A_505 = tpu.memref_squeeze %dma_start3A_504 : memref<1x2048xf32, #tpu.memory_space<vmem>> -> memref<2048xf32, #tpu.memory_space<vmem>>
      tpu.enqueue_dma source(%dma_start3A_505 : memref<2048xf32, #tpu.memory_space<vmem>>) target(%dma_start3A_502 : memref<2048xf32, #tpu.memory_space<hbm>>) target_semaphore(%run_scoped3A_495 : memref<!tpu.dma_semaphore, #tpu.memory_space<semaphore_mem>>)
      %dma_wait3A_506 = arith.constant 0 : i32
      %dma_wait3A_507 = tpu.memref_slice %arg10[%run_scoped3A_300, %dma_wait3A_506] : memref<3x2048xf32, #tpu.memory_space<vmem>> -> memref<1x2048xf32, #tpu.memory_space<vmem>>
      %dma_wait3A_508 = tpu.memref_squeeze %dma_wait3A_507 : memref<1x2048xf32, #tpu.memory_space<vmem>> -> memref<2048xf32, #tpu.memory_space<vmem>>
      %dma_wait3A_509 = tpu.memref_slice %arg6[%run_scoped3A_301, %run_scoped3A_302, %mul3A_2] : memref<3x16x65536xf32, #tpu.memory_space<hbm>> -> memref<1x1x2048xf32, #tpu.memory_space<hbm>>
      %dma_wait3A_510 = tpu.memref_squeeze %dma_wait3A_509 : memref<1x1x2048xf32, #tpu.memory_space<hbm>> -> memref<2048xf32, #tpu.memory_space<hbm>>
      %dma_wait3A_511 = tpu.memref_slice %arg6[%run_scoped3A_301, %run_scoped3A_302, %mul3A_2] : memref<3x16x65536xf32, #tpu.memory_space<hbm>> -> memref<1x1x2048xf32, #tpu.memory_space<hbm>>
      %dma_wait3A_512 = tpu.memref_squeeze %dma_wait3A_511 : memref<1x1x2048xf32, #tpu.memory_space<hbm>> -> memref<2048xf32, #tpu.memory_space<hbm>>
      %dma_wait3A_513 = arith.constant 0 : i32
      %dma_wait3A_514 = tpu.memref_slice %arg10[%run_scoped3A_300, %dma_wait3A_513] : memref<3x2048xf32, #tpu.memory_space<vmem>> -> memref<1x2048xf32, #tpu.memory_space<vmem>>
      %dma_wait3A_515 = tpu.memref_squeeze %dma_wait3A_514 : memref<1x2048xf32, #tpu.memory_space<vmem>> -> memref<2048xf32, #tpu.memory_space<vmem>>
      tpu.wait_dma2 semaphore(%run_scoped3A_495 : memref<!tpu.dma_semaphore, #tpu.memory_space<semaphore_mem>>) src(%dma_wait3A_515 : memref<2048xf32, #tpu.memory_space<vmem>>) dst(%dma_wait3A_512 : memref<2048xf32, #tpu.memory_space<hbm>>)
      tpu.yield
    }) : () -> ()
    %run_scoped3A_303 = arith.constant 1 : i32
    %run_scoped3A_304 = arith.constant 1 : i32
    %run_scoped3A_305 = arith.constant 9 : i32
    "tpu.region"() ({
      %run_scoped3A_495 = tpu.sem_alloc : memref<!tpu.dma_semaphore, #tpu.memory_space<semaphore_mem>>
      %dma_start3A_496 = arith.constant 0 : i32
      %dma_start3A_497 = tpu.memref_slice %arg10[%run_scoped3A_303, %dma_start3A_496] : memref<3x2048xf32, #tpu.memory_space<vmem>> -> memref<1x2048xf32, #tpu.memory_space<vmem>>
      %dma_start3A_498 = tpu.memref_squeeze %dma_start3A_497 : memref<1x2048xf32, #tpu.memory_space<vmem>> -> memref<2048xf32, #tpu.memory_space<vmem>>
      %dma_start3A_499 = tpu.memref_slice %arg6[%run_scoped3A_304, %run_scoped3A_305, %mul3A_2] : memref<3x16x65536xf32, #tpu.memory_space<hbm>> -> memref<1x1x2048xf32, #tpu.memory_space<hbm>>
      %dma_start3A_500 = tpu.memref_squeeze %dma_start3A_499 : memref<1x1x2048xf32, #tpu.memory_space<hbm>> -> memref<2048xf32, #tpu.memory_space<hbm>>
      %dma_start3A_501 = tpu.memref_slice %arg6[%run_scoped3A_304, %run_scoped3A_305, %mul3A_2] : memref<3x16x65536xf32, #tpu.memory_space<hbm>> -> memref<1x1x2048xf32, #tpu.memory_space<hbm>>
      %dma_start3A_502 = tpu.memref_squeeze %dma_start3A_501 : memref<1x1x2048xf32, #tpu.memory_space<hbm>> -> memref<2048xf32, #tpu.memory_space<hbm>>
      %dma_start3A_503 = arith.constant 0 : i32
      %dma_start3A_504 = tpu.memref_slice %arg10[%run_scoped3A_303, %dma_start3A_503] : memref<3x2048xf32, #tpu.memory_space<vmem>> -> memref<1x2048xf32, #tpu.memory_space<vmem>>
      %dma_start3A_505 = tpu.memref_squeeze %dma_start3A_504 : memref<1x2048xf32, #tpu.memory_space<vmem>> -> memref<2048xf32, #tpu.memory_space<vmem>>
      tpu.enqueue_dma source(%dma_start3A_505 : memref<2048xf32, #tpu.memory_space<vmem>>) target(%dma_start3A_502 : memref<2048xf32, #tpu.memory_space<hbm>>) target_semaphore(%run_scoped3A_495 : memref<!tpu.dma_semaphore, #tpu.memory_space<semaphore_mem>>)
      %dma_wait3A_506 = arith.constant 0 : i32
      %dma_wait3A_507 = tpu.memref_slice %arg10[%run_scoped3A_303, %dma_wait3A_506] : memref<3x2048xf32, #tpu.memory_space<vmem>> -> memref<1x2048xf32, #tpu.memory_space<vmem>>
      %dma_wait3A_508 = tpu.memref_squeeze %dma_wait3A_507 : memref<1x2048xf32, #tpu.memory_space<vmem>> -> memref<2048xf32, #tpu.memory_space<vmem>>
      %dma_wait3A_509 = tpu.memref_slice %arg6[%run_scoped3A_304, %run_scoped3A_305, %mul3A_2] : memref<3x16x65536xf32, #tpu.memory_space<hbm>> -> memref<1x1x2048xf32, #tpu.memory_space<hbm>>
      %dma_wait3A_510 = tpu.memref_squeeze %dma_wait3A_509 : memref<1x1x2048xf32, #tpu.memory_space<hbm>> -> memref<2048xf32, #tpu.memory_space<hbm>>
      %dma_wait3A_511 = tpu.memref_slice %arg6[%run_scoped3A_304, %run_scoped3A_305, %mul3A_2] : memref<3x16x65536xf32, #tpu.memory_space<hbm>> -> memref<1x1x2048xf32, #tpu.memory_space<hbm>>
      %dma_wait3A_512 = tpu.memref_squeeze %dma_wait3A_511 : memref<1x1x2048xf32, #tpu.memory_space<hbm>> -> memref<2048xf32, #tpu.memory_space<hbm>>
      %dma_wait3A_513 = arith.constant 0 : i32
      %dma_wait3A_514 = tpu.memref_slice %arg10[%run_scoped3A_303, %dma_wait3A_513] : memref<3x2048xf32, #tpu.memory_space<vmem>> -> memref<1x2048xf32, #tpu.memory_space<vmem>>
      %dma_wait3A_515 = tpu.memref_squeeze %dma_wait3A_514 : memref<1x2048xf32, #tpu.memory_space<vmem>> -> memref<2048xf32, #tpu.memory_space<vmem>>
      tpu.wait_dma2 semaphore(%run_scoped3A_495 : memref<!tpu.dma_semaphore, #tpu.memory_space<semaphore_mem>>) src(%dma_wait3A_515 : memref<2048xf32, #tpu.memory_space<vmem>>) dst(%dma_wait3A_512 : memref<2048xf32, #tpu.memory_space<hbm>>)
      tpu.yield
    }) : () -> ()
    %run_scoped3A_306 = arith.constant 2 : i32
    %run_scoped3A_307 = arith.constant 2 : i32
    %run_scoped3A_308 = arith.constant 9 : i32
    "tpu.region"() ({
      %run_scoped3A_495 = tpu.sem_alloc : memref<!tpu.dma_semaphore, #tpu.memory_space<semaphore_mem>>
      %dma_start3A_496 = arith.constant 0 : i32
      %dma_start3A_497 = tpu.memref_slice %arg10[%run_scoped3A_306, %dma_start3A_496] : memref<3x2048xf32, #tpu.memory_space<vmem>> -> memref<1x2048xf32, #tpu.memory_space<vmem>>
      %dma_start3A_498 = tpu.memref_squeeze %dma_start3A_497 : memref<1x2048xf32, #tpu.memory_space<vmem>> -> memref<2048xf32, #tpu.memory_space<vmem>>
      %dma_start3A_499 = tpu.memref_slice %arg6[%run_scoped3A_307, %run_scoped3A_308, %mul3A_2] : memref<3x16x65536xf32, #tpu.memory_space<hbm>> -> memref<1x1x2048xf32, #tpu.memory_space<hbm>>
      %dma_start3A_500 = tpu.memref_squeeze %dma_start3A_499 : memref<1x1x2048xf32, #tpu.memory_space<hbm>> -> memref<2048xf32, #tpu.memory_space<hbm>>
      %dma_start3A_501 = tpu.memref_slice %arg6[%run_scoped3A_307, %run_scoped3A_308, %mul3A_2] : memref<3x16x65536xf32, #tpu.memory_space<hbm>> -> memref<1x1x2048xf32, #tpu.memory_space<hbm>>
      %dma_start3A_502 = tpu.memref_squeeze %dma_start3A_501 : memref<1x1x2048xf32, #tpu.memory_space<hbm>> -> memref<2048xf32, #tpu.memory_space<hbm>>
      %dma_start3A_503 = arith.constant 0 : i32
      %dma_start3A_504 = tpu.memref_slice %arg10[%run_scoped3A_306, %dma_start3A_503] : memref<3x2048xf32, #tpu.memory_space<vmem>> -> memref<1x2048xf32, #tpu.memory_space<vmem>>
      %dma_start3A_505 = tpu.memref_squeeze %dma_start3A_504 : memref<1x2048xf32, #tpu.memory_space<vmem>> -> memref<2048xf32, #tpu.memory_space<vmem>>
      tpu.enqueue_dma source(%dma_start3A_505 : memref<2048xf32, #tpu.memory_space<vmem>>) target(%dma_start3A_502 : memref<2048xf32, #tpu.memory_space<hbm>>) target_semaphore(%run_scoped3A_495 : memref<!tpu.dma_semaphore, #tpu.memory_space<semaphore_mem>>)
      %dma_wait3A_506 = arith.constant 0 : i32
      %dma_wait3A_507 = tpu.memref_slice %arg10[%run_scoped3A_306, %dma_wait3A_506] : memref<3x2048xf32, #tpu.memory_space<vmem>> -> memref<1x2048xf32, #tpu.memory_space<vmem>>
      %dma_wait3A_508 = tpu.memref_squeeze %dma_wait3A_507 : memref<1x2048xf32, #tpu.memory_space<vmem>> -> memref<2048xf32, #tpu.memory_space<vmem>>
      %dma_wait3A_509 = tpu.memref_slice %arg6[%run_scoped3A_307, %run_scoped3A_308, %mul3A_2] : memref<3x16x65536xf32, #tpu.memory_space<hbm>> -> memref<1x1x2048xf32, #tpu.memory_space<hbm>>
      %dma_wait3A_510 = tpu.memref_squeeze %dma_wait3A_509 : memref<1x1x2048xf32, #tpu.memory_space<hbm>> -> memref<2048xf32, #tpu.memory_space<hbm>>
      %dma_wait3A_511 = tpu.memref_slice %arg6[%run_scoped3A_307, %run_scoped3A_308, %mul3A_2] : memref<3x16x65536xf32, #tpu.memory_space<hbm>> -> memref<1x1x2048xf32, #tpu.memory_space<hbm>>
      %dma_wait3A_512 = tpu.memref_squeeze %dma_wait3A_511 : memref<1x1x2048xf32, #tpu.memory_space<hbm>> -> memref<2048xf32, #tpu.memory_space<hbm>>
      %dma_wait3A_513 = arith.constant 0 : i32
      %dma_wait3A_514 = tpu.memref_slice %arg10[%run_scoped3A_306, %dma_wait3A_513] : memref<3x2048xf32, #tpu.memory_space<vmem>> -> memref<1x2048xf32, #tpu.memory_space<vmem>>
      %dma_wait3A_515 = tpu.memref_squeeze %dma_wait3A_514 : memref<1x2048xf32, #tpu.memory_space<vmem>> -> memref<2048xf32, #tpu.memory_space<vmem>>
      tpu.wait_dma2 semaphore(%run_scoped3A_495 : memref<!tpu.dma_semaphore, #tpu.memory_space<semaphore_mem>>) src(%dma_wait3A_515 : memref<2048xf32, #tpu.memory_space<vmem>>) dst(%dma_wait3A_512 : memref<2048xf32, #tpu.memory_space<hbm>>)
      tpu.yield
    }) : () -> ()
    %add3A_309 = arith.constant 655360 : i32
    %add3A_310 = arith.addi %add3A_309, %mul3A_2 : i32
    "tpu.region"() ({
      %run_scoped3A_495 = tpu.sem_alloc : memref<!tpu.dma_semaphore, #tpu.memory_space<semaphore_mem>>
      %dma_start3A_496 = tpu.memref_slice %arg2[%add3A_310] : memref<1048576xi32, #tpu.memory_space<hbm>> -> memref<2048xi32, #tpu.memory_space<hbm>>
      %dma_start3A_497 = tpu.memref_slice %arg2[%add3A_310] : memref<1048576xi32, #tpu.memory_space<hbm>> -> memref<2048xi32, #tpu.memory_space<hbm>>
      tpu.enqueue_dma source(%dma_start3A_497 : memref<2048xi32, #tpu.memory_space<hbm>>) target(%arg7 : memref<2048xi32, #tpu.memory_space<vmem>>) target_semaphore(%run_scoped3A_495 : memref<!tpu.dma_semaphore, #tpu.memory_space<semaphore_mem>>)
      %dma_wait3A_498 = tpu.memref_slice %arg2[%add3A_310] : memref<1048576xi32, #tpu.memory_space<hbm>> -> memref<2048xi32, #tpu.memory_space<hbm>>
      %dma_wait3A_499 = tpu.memref_slice %arg2[%add3A_310] : memref<1048576xi32, #tpu.memory_space<hbm>> -> memref<2048xi32, #tpu.memory_space<hbm>>
      tpu.wait_dma2 semaphore(%run_scoped3A_495 : memref<!tpu.dma_semaphore, #tpu.memory_space<semaphore_mem>>) src(%dma_wait3A_499 : memref<2048xi32, #tpu.memory_space<hbm>>) dst(%arg7 : memref<2048xi32, #tpu.memory_space<vmem>>)
      tpu.yield
    }) : () -> ()
    %dma_start3A_311 = arith.constant 0 : i32
    %dma_start3A_312 = arith.constant 0 : i32
    %dma_start3A_313 = tpu.memref_slice %arg3[%dma_start3A_311, %dma_start3A_312] : memref<4194304x16xf32, #tpu.memory_space<hbm>> -> memref<4194304x16xf32, #tpu.memory_space<hbm>>
    tpu.enqueue_indirect_dma source(%dma_start3A_313 : memref<4194304x16xf32, #tpu.memory_space<hbm>>) target(%arg8 : memref<2048x16xf32, #tpu.memory_space<vmem>>) offsets(%arg7 : memref<2048xi32, #tpu.memory_space<vmem>>) semaphore(%arg11 : memref<!tpu.dma_semaphore, #tpu.memory_space<semaphore_mem>>)
    %dma_start3A_314 = arith.constant 0 : i32
    %dma_start3A_315 = arith.constant 0 : i32
    %dma_start3A_316 = tpu.memref_slice %arg4[%dma_start3A_314, %dma_start3A_315] : memref<4194304x8xf32, #tpu.memory_space<hbm>> -> memref<4194304x8xf32, #tpu.memory_space<hbm>>
    tpu.enqueue_indirect_dma source(%dma_start3A_316 : memref<4194304x8xf32, #tpu.memory_space<hbm>>) target(%arg9 : memref<2048x8xf32, #tpu.memory_space<vmem>>) offsets(%arg7 : memref<2048xi32, #tpu.memory_space<vmem>>) semaphore(%arg12 : memref<!tpu.dma_semaphore, #tpu.memory_space<semaphore_mem>>)
    %dma_wait3A_317 = arith.constant 0 : i32
    %dma_wait3A_318 = arith.constant 0 : i32
    %dma_wait3A_319 = tpu.memref_slice %arg3[%dma_wait3A_317, %dma_wait3A_318] : memref<4194304x16xf32, #tpu.memory_space<hbm>> -> memref<4194304x16xf32, #tpu.memory_space<hbm>>
    tpu.wait_indirect_dma semaphore(%arg11 : memref<!tpu.dma_semaphore, #tpu.memory_space<semaphore_mem>>) src(%dma_wait3A_319 : memref<4194304x16xf32, #tpu.memory_space<hbm>>) dst(%arg8 : memref<2048x16xf32, #tpu.memory_space<vmem>>)
    %run_scoped3A_320 = arith.constant 10 : i32
    "tpu.region"() ({
      %run_scoped3A_495 = tpu.sem_alloc : memref<!tpu.dma_semaphore, #tpu.memory_space<semaphore_mem>>
      %dma_start3A_496 = arith.constant 0 : i32
      %dma_start3A_497 = tpu.memref_slice %arg5[%run_scoped3A_320, %mul3A_2, %dma_start3A_496] : memref<16x65536x16xf32, #tpu.memory_space<hbm>> -> memref<1x2048x16xf32, #tpu.memory_space<hbm>>
      %dma_start3A_498 = tpu.memref_squeeze %dma_start3A_497 : memref<1x2048x16xf32, #tpu.memory_space<hbm>> -> memref<2048x16xf32, #tpu.memory_space<hbm>>
      %dma_start3A_499 = arith.constant 0 : i32
      %dma_start3A_500 = tpu.memref_slice %arg5[%run_scoped3A_320, %mul3A_2, %dma_start3A_499] : memref<16x65536x16xf32, #tpu.memory_space<hbm>> -> memref<1x2048x16xf32, #tpu.memory_space<hbm>>
      %dma_start3A_501 = tpu.memref_squeeze %dma_start3A_500 : memref<1x2048x16xf32, #tpu.memory_space<hbm>> -> memref<2048x16xf32, #tpu.memory_space<hbm>>
      tpu.enqueue_dma source(%arg8 : memref<2048x16xf32, #tpu.memory_space<vmem>>) target(%dma_start3A_501 : memref<2048x16xf32, #tpu.memory_space<hbm>>) target_semaphore(%run_scoped3A_495 : memref<!tpu.dma_semaphore, #tpu.memory_space<semaphore_mem>>)
      %dma_wait3A_502 = arith.constant 0 : i32
      %dma_wait3A_503 = tpu.memref_slice %arg5[%run_scoped3A_320, %mul3A_2, %dma_wait3A_502] : memref<16x65536x16xf32, #tpu.memory_space<hbm>> -> memref<1x2048x16xf32, #tpu.memory_space<hbm>>
      %dma_wait3A_504 = tpu.memref_squeeze %dma_wait3A_503 : memref<1x2048x16xf32, #tpu.memory_space<hbm>> -> memref<2048x16xf32, #tpu.memory_space<hbm>>
      %dma_wait3A_505 = arith.constant 0 : i32
      %dma_wait3A_506 = tpu.memref_slice %arg5[%run_scoped3A_320, %mul3A_2, %dma_wait3A_505] : memref<16x65536x16xf32, #tpu.memory_space<hbm>> -> memref<1x2048x16xf32, #tpu.memory_space<hbm>>
      %dma_wait3A_507 = tpu.memref_squeeze %dma_wait3A_506 : memref<1x2048x16xf32, #tpu.memory_space<hbm>> -> memref<2048x16xf32, #tpu.memory_space<hbm>>
      tpu.wait_dma2 semaphore(%run_scoped3A_495 : memref<!tpu.dma_semaphore, #tpu.memory_space<semaphore_mem>>) src(%arg8 : memref<2048x16xf32, #tpu.memory_space<vmem>>) dst(%dma_wait3A_507 : memref<2048x16xf32, #tpu.memory_space<hbm>>)
      tpu.yield
    }) : () -> ()
    %dma_wait3A_321 = arith.constant 0 : i32
    %dma_wait3A_322 = arith.constant 0 : i32
    %dma_wait3A_323 = tpu.memref_slice %arg4[%dma_wait3A_321, %dma_wait3A_322] : memref<4194304x8xf32, #tpu.memory_space<hbm>> -> memref<4194304x8xf32, #tpu.memory_space<hbm>>
    tpu.wait_indirect_dma semaphore(%arg12 : memref<!tpu.dma_semaphore, #tpu.memory_space<semaphore_mem>>) src(%dma_wait3A_323 : memref<4194304x8xf32, #tpu.memory_space<hbm>>) dst(%arg9 : memref<2048x8xf32, #tpu.memory_space<vmem>>)
    %scan3A_324 = arith.constant 0 : i32
    %scan3A_325 = arith.constant 0 : i32
    %scan3A_326 = arith.constant 128 : i32
    %scan3A_327 = arith.addi %scan3A_325, %scan3A_326 : i32
    %scan3A_328 = arith.constant 1 : i32
    %scan3A_329 = scf.for %scan3A_495 = %scan3A_325 to %scan3A_327 step %scan3A_328 iter_args(%scan3A_496 = %scan3A_324) -> (i32)  : i32 {
      %mul3A_497 = arith.constant 16 : i32
      %mul3A_498 = arith.muli %scan3A_495, %mul3A_497 : i32
      %add3A_499 = vector.broadcast %mul3A_498 : i32 to vector<16xi32>
      %add3A_500 = arith.addi %add3A_499, %iota3A : vector<16xi32>
      %broadcast_in_dim3A = arith.constant 0 : i32
      %broadcast_in_dim3A_501 = vector.broadcast %broadcast_in_dim3A : i32 to vector<16xi32>
      %gather3A = tpu.vector_load_idx %arg9[%add3A_500, %broadcast_in_dim3A_501] : memref<2048x8xf32, #tpu.memory_space<vmem>>[vector<16xi32>, vector<16xi32>], vector<16xf32>,
      %mul3A_502 = arith.constant 16 : i32
      %mul3A_503 = arith.muli %scan3A_495, %mul3A_502 : i32
      %swap3A = arith.constant 0 : i32
      %swap3A_504 = arith.index_cast %swap3A : i32 to index
      %swap3A_505 = arith.index_cast %mul3A_503 : i32 to index
      %swap3A_506 = tpu.vector_load %arg10[%swap3A_504, %swap3A_505] {strides = array<i32>} : memref<3x2048xf32, #tpu.memory_space<vmem>>, vector<16xf32>,
      tpu.vector_store %arg10[%swap3A_504, %swap3A_505], %gather3A {strides = array<i32>} : memref<3x2048xf32, #tpu.memory_space<vmem>>, vector<16xf32>,
      %broadcast_in_dim3A_507 = arith.constant 1 : i32
      %broadcast_in_dim3A_508 = vector.broadcast %broadcast_in_dim3A_507 : i32 to vector<16xi32>
      %gather3A_509 = tpu.vector_load_idx %arg9[%add3A_500, %broadcast_in_dim3A_508] : memref<2048x8xf32, #tpu.memory_space<vmem>>[vector<16xi32>, vector<16xi32>], vector<16xf32>,
      %mul3A_510 = arith.constant 16 : i32
      %mul3A_511 = arith.muli %scan3A_495, %mul3A_510 : i32
      %swap3A_512 = arith.constant 1 : i32
      %swap3A_513 = arith.index_cast %swap3A_512 : i32 to index
      %swap3A_514 = arith.index_cast %mul3A_511 : i32 to index
      %swap3A_515 = tpu.vector_load %arg10[%swap3A_513, %swap3A_514] {strides = array<i32>} : memref<3x2048xf32, #tpu.memory_space<vmem>>, vector<16xf32>,
      tpu.vector_store %arg10[%swap3A_513, %swap3A_514], %gather3A_509 {strides = array<i32>} : memref<3x2048xf32, #tpu.memory_space<vmem>>, vector<16xf32>,
      %broadcast_in_dim3A_516 = arith.constant 2 : i32
      %broadcast_in_dim3A_517 = vector.broadcast %broadcast_in_dim3A_516 : i32 to vector<16xi32>
      %gather3A_518 = tpu.vector_load_idx %arg9[%add3A_500, %broadcast_in_dim3A_517] : memref<2048x8xf32, #tpu.memory_space<vmem>>[vector<16xi32>, vector<16xi32>], vector<16xf32>,
      %mul3A_519 = arith.constant 16 : i32
      %mul3A_520 = arith.muli %scan3A_495, %mul3A_519 : i32
      %swap3A_521 = arith.constant 2 : i32
      %swap3A_522 = arith.index_cast %swap3A_521 : i32 to index
      %swap3A_523 = arith.index_cast %mul3A_520 : i32 to index
      %swap3A_524 = tpu.vector_load %arg10[%swap3A_522, %swap3A_523] {strides = array<i32>} : memref<3x2048xf32, #tpu.memory_space<vmem>>, vector<16xf32>,
      tpu.vector_store %arg10[%swap3A_522, %swap3A_523], %gather3A_518 {strides = array<i32>} : memref<3x2048xf32, #tpu.memory_space<vmem>>, vector<16xf32>,
      %scan3A_525 = arith.constant 0 : i32
      scf.yield %scan3A_525 : i32
    }
    %scan3A_330 = arith.constant 128 : i32
    %run_scoped3A_331 = arith.constant 0 : i32
    %run_scoped3A_332 = arith.constant 0 : i32
    %run_scoped3A_333 = arith.constant 10 : i32
    "tpu.region"() ({
      %run_scoped3A_495 = tpu.sem_alloc : memref<!tpu.dma_semaphore, #tpu.memory_space<semaphore_mem>>
      %dma_start3A_496 = arith.constant 0 : i32
      %dma_start3A_497 = tpu.memref_slice %arg10[%run_scoped3A_331, %dma_start3A_496] : memref<3x2048xf32, #tpu.memory_space<vmem>> -> memref<1x2048xf32, #tpu.memory_space<vmem>>
      %dma_start3A_498 = tpu.memref_squeeze %dma_start3A_497 : memref<1x2048xf32, #tpu.memory_space<vmem>> -> memref<2048xf32, #tpu.memory_space<vmem>>
      %dma_start3A_499 = tpu.memref_slice %arg6[%run_scoped3A_332, %run_scoped3A_333, %mul3A_2] : memref<3x16x65536xf32, #tpu.memory_space<hbm>> -> memref<1x1x2048xf32, #tpu.memory_space<hbm>>
      %dma_start3A_500 = tpu.memref_squeeze %dma_start3A_499 : memref<1x1x2048xf32, #tpu.memory_space<hbm>> -> memref<2048xf32, #tpu.memory_space<hbm>>
      %dma_start3A_501 = tpu.memref_slice %arg6[%run_scoped3A_332, %run_scoped3A_333, %mul3A_2] : memref<3x16x65536xf32, #tpu.memory_space<hbm>> -> memref<1x1x2048xf32, #tpu.memory_space<hbm>>
      %dma_start3A_502 = tpu.memref_squeeze %dma_start3A_501 : memref<1x1x2048xf32, #tpu.memory_space<hbm>> -> memref<2048xf32, #tpu.memory_space<hbm>>
      %dma_start3A_503 = arith.constant 0 : i32
      %dma_start3A_504 = tpu.memref_slice %arg10[%run_scoped3A_331, %dma_start3A_503] : memref<3x2048xf32, #tpu.memory_space<vmem>> -> memref<1x2048xf32, #tpu.memory_space<vmem>>
      %dma_start3A_505 = tpu.memref_squeeze %dma_start3A_504 : memref<1x2048xf32, #tpu.memory_space<vmem>> -> memref<2048xf32, #tpu.memory_space<vmem>>
      tpu.enqueue_dma source(%dma_start3A_505 : memref<2048xf32, #tpu.memory_space<vmem>>) target(%dma_start3A_502 : memref<2048xf32, #tpu.memory_space<hbm>>) target_semaphore(%run_scoped3A_495 : memref<!tpu.dma_semaphore, #tpu.memory_space<semaphore_mem>>)
      %dma_wait3A_506 = arith.constant 0 : i32
      %dma_wait3A_507 = tpu.memref_slice %arg10[%run_scoped3A_331, %dma_wait3A_506] : memref<3x2048xf32, #tpu.memory_space<vmem>> -> memref<1x2048xf32, #tpu.memory_space<vmem>>
      %dma_wait3A_508 = tpu.memref_squeeze %dma_wait3A_507 : memref<1x2048xf32, #tpu.memory_space<vmem>> -> memref<2048xf32, #tpu.memory_space<vmem>>
      %dma_wait3A_509 = tpu.memref_slice %arg6[%run_scoped3A_332, %run_scoped3A_333, %mul3A_2] : memref<3x16x65536xf32, #tpu.memory_space<hbm>> -> memref<1x1x2048xf32, #tpu.memory_space<hbm>>
      %dma_wait3A_510 = tpu.memref_squeeze %dma_wait3A_509 : memref<1x1x2048xf32, #tpu.memory_space<hbm>> -> memref<2048xf32, #tpu.memory_space<hbm>>
      %dma_wait3A_511 = tpu.memref_slice %arg6[%run_scoped3A_332, %run_scoped3A_333, %mul3A_2] : memref<3x16x65536xf32, #tpu.memory_space<hbm>> -> memref<1x1x2048xf32, #tpu.memory_space<hbm>>
      %dma_wait3A_512 = tpu.memref_squeeze %dma_wait3A_511 : memref<1x1x2048xf32, #tpu.memory_space<hbm>> -> memref<2048xf32, #tpu.memory_space<hbm>>
      %dma_wait3A_513 = arith.constant 0 : i32
      %dma_wait3A_514 = tpu.memref_slice %arg10[%run_scoped3A_331, %dma_wait3A_513] : memref<3x2048xf32, #tpu.memory_space<vmem>> -> memref<1x2048xf32, #tpu.memory_space<vmem>>
      %dma_wait3A_515 = tpu.memref_squeeze %dma_wait3A_514 : memref<1x2048xf32, #tpu.memory_space<vmem>> -> memref<2048xf32, #tpu.memory_space<vmem>>
      tpu.wait_dma2 semaphore(%run_scoped3A_495 : memref<!tpu.dma_semaphore, #tpu.memory_space<semaphore_mem>>) src(%dma_wait3A_515 : memref<2048xf32, #tpu.memory_space<vmem>>) dst(%dma_wait3A_512 : memref<2048xf32, #tpu.memory_space<hbm>>)
      tpu.yield
    }) : () -> ()
    %run_scoped3A_334 = arith.constant 1 : i32
    %run_scoped3A_335 = arith.constant 1 : i32
    %run_scoped3A_336 = arith.constant 10 : i32
    "tpu.region"() ({
      %run_scoped3A_495 = tpu.sem_alloc : memref<!tpu.dma_semaphore, #tpu.memory_space<semaphore_mem>>
      %dma_start3A_496 = arith.constant 0 : i32
      %dma_start3A_497 = tpu.memref_slice %arg10[%run_scoped3A_334, %dma_start3A_496] : memref<3x2048xf32, #tpu.memory_space<vmem>> -> memref<1x2048xf32, #tpu.memory_space<vmem>>
      %dma_start3A_498 = tpu.memref_squeeze %dma_start3A_497 : memref<1x2048xf32, #tpu.memory_space<vmem>> -> memref<2048xf32, #tpu.memory_space<vmem>>
      %dma_start3A_499 = tpu.memref_slice %arg6[%run_scoped3A_335, %run_scoped3A_336, %mul3A_2] : memref<3x16x65536xf32, #tpu.memory_space<hbm>> -> memref<1x1x2048xf32, #tpu.memory_space<hbm>>
      %dma_start3A_500 = tpu.memref_squeeze %dma_start3A_499 : memref<1x1x2048xf32, #tpu.memory_space<hbm>> -> memref<2048xf32, #tpu.memory_space<hbm>>
      %dma_start3A_501 = tpu.memref_slice %arg6[%run_scoped3A_335, %run_scoped3A_336, %mul3A_2] : memref<3x16x65536xf32, #tpu.memory_space<hbm>> -> memref<1x1x2048xf32, #tpu.memory_space<hbm>>
      %dma_start3A_502 = tpu.memref_squeeze %dma_start3A_501 : memref<1x1x2048xf32, #tpu.memory_space<hbm>> -> memref<2048xf32, #tpu.memory_space<hbm>>
      %dma_start3A_503 = arith.constant 0 : i32
      %dma_start3A_504 = tpu.memref_slice %arg10[%run_scoped3A_334, %dma_start3A_503] : memref<3x2048xf32, #tpu.memory_space<vmem>> -> memref<1x2048xf32, #tpu.memory_space<vmem>>
      %dma_start3A_505 = tpu.memref_squeeze %dma_start3A_504 : memref<1x2048xf32, #tpu.memory_space<vmem>> -> memref<2048xf32, #tpu.memory_space<vmem>>
      tpu.enqueue_dma source(%dma_start3A_505 : memref<2048xf32, #tpu.memory_space<vmem>>) target(%dma_start3A_502 : memref<2048xf32, #tpu.memory_space<hbm>>) target_semaphore(%run_scoped3A_495 : memref<!tpu.dma_semaphore, #tpu.memory_space<semaphore_mem>>)
      %dma_wait3A_506 = arith.constant 0 : i32
      %dma_wait3A_507 = tpu.memref_slice %arg10[%run_scoped3A_334, %dma_wait3A_506] : memref<3x2048xf32, #tpu.memory_space<vmem>> -> memref<1x2048xf32, #tpu.memory_space<vmem>>
      %dma_wait3A_508 = tpu.memref_squeeze %dma_wait3A_507 : memref<1x2048xf32, #tpu.memory_space<vmem>> -> memref<2048xf32, #tpu.memory_space<vmem>>
      %dma_wait3A_509 = tpu.memref_slice %arg6[%run_scoped3A_335, %run_scoped3A_336, %mul3A_2] : memref<3x16x65536xf32, #tpu.memory_space<hbm>> -> memref<1x1x2048xf32, #tpu.memory_space<hbm>>
      %dma_wait3A_510 = tpu.memref_squeeze %dma_wait3A_509 : memref<1x1x2048xf32, #tpu.memory_space<hbm>> -> memref<2048xf32, #tpu.memory_space<hbm>>
      %dma_wait3A_511 = tpu.memref_slice %arg6[%run_scoped3A_335, %run_scoped3A_336, %mul3A_2] : memref<3x16x65536xf32, #tpu.memory_space<hbm>> -> memref<1x1x2048xf32, #tpu.memory_space<hbm>>
      %dma_wait3A_512 = tpu.memref_squeeze %dma_wait3A_511 : memref<1x1x2048xf32, #tpu.memory_space<hbm>> -> memref<2048xf32, #tpu.memory_space<hbm>>
      %dma_wait3A_513 = arith.constant 0 : i32
      %dma_wait3A_514 = tpu.memref_slice %arg10[%run_scoped3A_334, %dma_wait3A_513] : memref<3x2048xf32, #tpu.memory_space<vmem>> -> memref<1x2048xf32, #tpu.memory_space<vmem>>
      %dma_wait3A_515 = tpu.memref_squeeze %dma_wait3A_514 : memref<1x2048xf32, #tpu.memory_space<vmem>> -> memref<2048xf32, #tpu.memory_space<vmem>>
      tpu.wait_dma2 semaphore(%run_scoped3A_495 : memref<!tpu.dma_semaphore, #tpu.memory_space<semaphore_mem>>) src(%dma_wait3A_515 : memref<2048xf32, #tpu.memory_space<vmem>>) dst(%dma_wait3A_512 : memref<2048xf32, #tpu.memory_space<hbm>>)
      tpu.yield
    }) : () -> ()
    %run_scoped3A_337 = arith.constant 2 : i32
    %run_scoped3A_338 = arith.constant 2 : i32
    %run_scoped3A_339 = arith.constant 10 : i32
    "tpu.region"() ({
      %run_scoped3A_495 = tpu.sem_alloc : memref<!tpu.dma_semaphore, #tpu.memory_space<semaphore_mem>>
      %dma_start3A_496 = arith.constant 0 : i32
      %dma_start3A_497 = tpu.memref_slice %arg10[%run_scoped3A_337, %dma_start3A_496] : memref<3x2048xf32, #tpu.memory_space<vmem>> -> memref<1x2048xf32, #tpu.memory_space<vmem>>
      %dma_start3A_498 = tpu.memref_squeeze %dma_start3A_497 : memref<1x2048xf32, #tpu.memory_space<vmem>> -> memref<2048xf32, #tpu.memory_space<vmem>>
      %dma_start3A_499 = tpu.memref_slice %arg6[%run_scoped3A_338, %run_scoped3A_339, %mul3A_2] : memref<3x16x65536xf32, #tpu.memory_space<hbm>> -> memref<1x1x2048xf32, #tpu.memory_space<hbm>>
      %dma_start3A_500 = tpu.memref_squeeze %dma_start3A_499 : memref<1x1x2048xf32, #tpu.memory_space<hbm>> -> memref<2048xf32, #tpu.memory_space<hbm>>
      %dma_start3A_501 = tpu.memref_slice %arg6[%run_scoped3A_338, %run_scoped3A_339, %mul3A_2] : memref<3x16x65536xf32, #tpu.memory_space<hbm>> -> memref<1x1x2048xf32, #tpu.memory_space<hbm>>
      %dma_start3A_502 = tpu.memref_squeeze %dma_start3A_501 : memref<1x1x2048xf32, #tpu.memory_space<hbm>> -> memref<2048xf32, #tpu.memory_space<hbm>>
      %dma_start3A_503 = arith.constant 0 : i32
      %dma_start3A_504 = tpu.memref_slice %arg10[%run_scoped3A_337, %dma_start3A_503] : memref<3x2048xf32, #tpu.memory_space<vmem>> -> memref<1x2048xf32, #tpu.memory_space<vmem>>
      %dma_start3A_505 = tpu.memref_squeeze %dma_start3A_504 : memref<1x2048xf32, #tpu.memory_space<vmem>> -> memref<2048xf32, #tpu.memory_space<vmem>>
      tpu.enqueue_dma source(%dma_start3A_505 : memref<2048xf32, #tpu.memory_space<vmem>>) target(%dma_start3A_502 : memref<2048xf32, #tpu.memory_space<hbm>>) target_semaphore(%run_scoped3A_495 : memref<!tpu.dma_semaphore, #tpu.memory_space<semaphore_mem>>)
      %dma_wait3A_506 = arith.constant 0 : i32
      %dma_wait3A_507 = tpu.memref_slice %arg10[%run_scoped3A_337, %dma_wait3A_506] : memref<3x2048xf32, #tpu.memory_space<vmem>> -> memref<1x2048xf32, #tpu.memory_space<vmem>>
      %dma_wait3A_508 = tpu.memref_squeeze %dma_wait3A_507 : memref<1x2048xf32, #tpu.memory_space<vmem>> -> memref<2048xf32, #tpu.memory_space<vmem>>
      %dma_wait3A_509 = tpu.memref_slice %arg6[%run_scoped3A_338, %run_scoped3A_339, %mul3A_2] : memref<3x16x65536xf32, #tpu.memory_space<hbm>> -> memref<1x1x2048xf32, #tpu.memory_space<hbm>>
      %dma_wait3A_510 = tpu.memref_squeeze %dma_wait3A_509 : memref<1x1x2048xf32, #tpu.memory_space<hbm>> -> memref<2048xf32, #tpu.memory_space<hbm>>
      %dma_wait3A_511 = tpu.memref_slice %arg6[%run_scoped3A_338, %run_scoped3A_339, %mul3A_2] : memref<3x16x65536xf32, #tpu.memory_space<hbm>> -> memref<1x1x2048xf32, #tpu.memory_space<hbm>>
      %dma_wait3A_512 = tpu.memref_squeeze %dma_wait3A_511 : memref<1x1x2048xf32, #tpu.memory_space<hbm>> -> memref<2048xf32, #tpu.memory_space<hbm>>
      %dma_wait3A_513 = arith.constant 0 : i32
      %dma_wait3A_514 = tpu.memref_slice %arg10[%run_scoped3A_337, %dma_wait3A_513] : memref<3x2048xf32, #tpu.memory_space<vmem>> -> memref<1x2048xf32, #tpu.memory_space<vmem>>
      %dma_wait3A_515 = tpu.memref_squeeze %dma_wait3A_514 : memref<1x2048xf32, #tpu.memory_space<vmem>> -> memref<2048xf32, #tpu.memory_space<vmem>>
      tpu.wait_dma2 semaphore(%run_scoped3A_495 : memref<!tpu.dma_semaphore, #tpu.memory_space<semaphore_mem>>) src(%dma_wait3A_515 : memref<2048xf32, #tpu.memory_space<vmem>>) dst(%dma_wait3A_512 : memref<2048xf32, #tpu.memory_space<hbm>>)
      tpu.yield
    }) : () -> ()
    %add3A_340 = arith.constant 720896 : i32
    %add3A_341 = arith.addi %add3A_340, %mul3A_2 : i32
    "tpu.region"() ({
      %run_scoped3A_495 = tpu.sem_alloc : memref<!tpu.dma_semaphore, #tpu.memory_space<semaphore_mem>>
      %dma_start3A_496 = tpu.memref_slice %arg2[%add3A_341] : memref<1048576xi32, #tpu.memory_space<hbm>> -> memref<2048xi32, #tpu.memory_space<hbm>>
      %dma_start3A_497 = tpu.memref_slice %arg2[%add3A_341] : memref<1048576xi32, #tpu.memory_space<hbm>> -> memref<2048xi32, #tpu.memory_space<hbm>>
      tpu.enqueue_dma source(%dma_start3A_497 : memref<2048xi32, #tpu.memory_space<hbm>>) target(%arg7 : memref<2048xi32, #tpu.memory_space<vmem>>) target_semaphore(%run_scoped3A_495 : memref<!tpu.dma_semaphore, #tpu.memory_space<semaphore_mem>>)
      %dma_wait3A_498 = tpu.memref_slice %arg2[%add3A_341] : memref<1048576xi32, #tpu.memory_space<hbm>> -> memref<2048xi32, #tpu.memory_space<hbm>>
      %dma_wait3A_499 = tpu.memref_slice %arg2[%add3A_341] : memref<1048576xi32, #tpu.memory_space<hbm>> -> memref<2048xi32, #tpu.memory_space<hbm>>
      tpu.wait_dma2 semaphore(%run_scoped3A_495 : memref<!tpu.dma_semaphore, #tpu.memory_space<semaphore_mem>>) src(%dma_wait3A_499 : memref<2048xi32, #tpu.memory_space<hbm>>) dst(%arg7 : memref<2048xi32, #tpu.memory_space<vmem>>)
      tpu.yield
    }) : () -> ()
    %dma_start3A_342 = arith.constant 0 : i32
    %dma_start3A_343 = arith.constant 0 : i32
    %dma_start3A_344 = tpu.memref_slice %arg3[%dma_start3A_342, %dma_start3A_343] : memref<4194304x16xf32, #tpu.memory_space<hbm>> -> memref<4194304x16xf32, #tpu.memory_space<hbm>>
    tpu.enqueue_indirect_dma source(%dma_start3A_344 : memref<4194304x16xf32, #tpu.memory_space<hbm>>) target(%arg8 : memref<2048x16xf32, #tpu.memory_space<vmem>>) offsets(%arg7 : memref<2048xi32, #tpu.memory_space<vmem>>) semaphore(%arg11 : memref<!tpu.dma_semaphore, #tpu.memory_space<semaphore_mem>>)
    %dma_start3A_345 = arith.constant 0 : i32
    %dma_start3A_346 = arith.constant 0 : i32
    %dma_start3A_347 = tpu.memref_slice %arg4[%dma_start3A_345, %dma_start3A_346] : memref<4194304x8xf32, #tpu.memory_space<hbm>> -> memref<4194304x8xf32, #tpu.memory_space<hbm>>
    tpu.enqueue_indirect_dma source(%dma_start3A_347 : memref<4194304x8xf32, #tpu.memory_space<hbm>>) target(%arg9 : memref<2048x8xf32, #tpu.memory_space<vmem>>) offsets(%arg7 : memref<2048xi32, #tpu.memory_space<vmem>>) semaphore(%arg12 : memref<!tpu.dma_semaphore, #tpu.memory_space<semaphore_mem>>)
    %dma_wait3A_348 = arith.constant 0 : i32
    %dma_wait3A_349 = arith.constant 0 : i32
    %dma_wait3A_350 = tpu.memref_slice %arg3[%dma_wait3A_348, %dma_wait3A_349] : memref<4194304x16xf32, #tpu.memory_space<hbm>> -> memref<4194304x16xf32, #tpu.memory_space<hbm>>
    tpu.wait_indirect_dma semaphore(%arg11 : memref<!tpu.dma_semaphore, #tpu.memory_space<semaphore_mem>>) src(%dma_wait3A_350 : memref<4194304x16xf32, #tpu.memory_space<hbm>>) dst(%arg8 : memref<2048x16xf32, #tpu.memory_space<vmem>>)
    %run_scoped3A_351 = arith.constant 11 : i32
    "tpu.region"() ({
      %run_scoped3A_495 = tpu.sem_alloc : memref<!tpu.dma_semaphore, #tpu.memory_space<semaphore_mem>>
      %dma_start3A_496 = arith.constant 0 : i32
      %dma_start3A_497 = tpu.memref_slice %arg5[%run_scoped3A_351, %mul3A_2, %dma_start3A_496] : memref<16x65536x16xf32, #tpu.memory_space<hbm>> -> memref<1x2048x16xf32, #tpu.memory_space<hbm>>
      %dma_start3A_498 = tpu.memref_squeeze %dma_start3A_497 : memref<1x2048x16xf32, #tpu.memory_space<hbm>> -> memref<2048x16xf32, #tpu.memory_space<hbm>>
      %dma_start3A_499 = arith.constant 0 : i32
      %dma_start3A_500 = tpu.memref_slice %arg5[%run_scoped3A_351, %mul3A_2, %dma_start3A_499] : memref<16x65536x16xf32, #tpu.memory_space<hbm>> -> memref<1x2048x16xf32, #tpu.memory_space<hbm>>
      %dma_start3A_501 = tpu.memref_squeeze %dma_start3A_500 : memref<1x2048x16xf32, #tpu.memory_space<hbm>> -> memref<2048x16xf32, #tpu.memory_space<hbm>>
      tpu.enqueue_dma source(%arg8 : memref<2048x16xf32, #tpu.memory_space<vmem>>) target(%dma_start3A_501 : memref<2048x16xf32, #tpu.memory_space<hbm>>) target_semaphore(%run_scoped3A_495 : memref<!tpu.dma_semaphore, #tpu.memory_space<semaphore_mem>>)
      %dma_wait3A_502 = arith.constant 0 : i32
      %dma_wait3A_503 = tpu.memref_slice %arg5[%run_scoped3A_351, %mul3A_2, %dma_wait3A_502] : memref<16x65536x16xf32, #tpu.memory_space<hbm>> -> memref<1x2048x16xf32, #tpu.memory_space<hbm>>
      %dma_wait3A_504 = tpu.memref_squeeze %dma_wait3A_503 : memref<1x2048x16xf32, #tpu.memory_space<hbm>> -> memref<2048x16xf32, #tpu.memory_space<hbm>>
      %dma_wait3A_505 = arith.constant 0 : i32
      %dma_wait3A_506 = tpu.memref_slice %arg5[%run_scoped3A_351, %mul3A_2, %dma_wait3A_505] : memref<16x65536x16xf32, #tpu.memory_space<hbm>> -> memref<1x2048x16xf32, #tpu.memory_space<hbm>>
      %dma_wait3A_507 = tpu.memref_squeeze %dma_wait3A_506 : memref<1x2048x16xf32, #tpu.memory_space<hbm>> -> memref<2048x16xf32, #tpu.memory_space<hbm>>
      tpu.wait_dma2 semaphore(%run_scoped3A_495 : memref<!tpu.dma_semaphore, #tpu.memory_space<semaphore_mem>>) src(%arg8 : memref<2048x16xf32, #tpu.memory_space<vmem>>) dst(%dma_wait3A_507 : memref<2048x16xf32, #tpu.memory_space<hbm>>)
      tpu.yield
    }) : () -> ()
    %dma_wait3A_352 = arith.constant 0 : i32
    %dma_wait3A_353 = arith.constant 0 : i32
    %dma_wait3A_354 = tpu.memref_slice %arg4[%dma_wait3A_352, %dma_wait3A_353] : memref<4194304x8xf32, #tpu.memory_space<hbm>> -> memref<4194304x8xf32, #tpu.memory_space<hbm>>
    tpu.wait_indirect_dma semaphore(%arg12 : memref<!tpu.dma_semaphore, #tpu.memory_space<semaphore_mem>>) src(%dma_wait3A_354 : memref<4194304x8xf32, #tpu.memory_space<hbm>>) dst(%arg9 : memref<2048x8xf32, #tpu.memory_space<vmem>>)
    %scan3A_355 = arith.constant 0 : i32
    %scan3A_356 = arith.constant 0 : i32
    %scan3A_357 = arith.constant 128 : i32
    %scan3A_358 = arith.addi %scan3A_356, %scan3A_357 : i32
    %scan3A_359 = arith.constant 1 : i32
    %scan3A_360 = scf.for %scan3A_495 = %scan3A_356 to %scan3A_358 step %scan3A_359 iter_args(%scan3A_496 = %scan3A_355) -> (i32)  : i32 {
      %mul3A_497 = arith.constant 16 : i32
      %mul3A_498 = arith.muli %scan3A_495, %mul3A_497 : i32
      %add3A_499 = vector.broadcast %mul3A_498 : i32 to vector<16xi32>
      %add3A_500 = arith.addi %add3A_499, %iota3A : vector<16xi32>
      %broadcast_in_dim3A = arith.constant 0 : i32
      %broadcast_in_dim3A_501 = vector.broadcast %broadcast_in_dim3A : i32 to vector<16xi32>
      %gather3A = tpu.vector_load_idx %arg9[%add3A_500, %broadcast_in_dim3A_501] : memref<2048x8xf32, #tpu.memory_space<vmem>>[vector<16xi32>, vector<16xi32>], vector<16xf32>,
      %mul3A_502 = arith.constant 16 : i32
      %mul3A_503 = arith.muli %scan3A_495, %mul3A_502 : i32
      %swap3A = arith.constant 0 : i32
      %swap3A_504 = arith.index_cast %swap3A : i32 to index
      %swap3A_505 = arith.index_cast %mul3A_503 : i32 to index
      %swap3A_506 = tpu.vector_load %arg10[%swap3A_504, %swap3A_505] {strides = array<i32>} : memref<3x2048xf32, #tpu.memory_space<vmem>>, vector<16xf32>,
      tpu.vector_store %arg10[%swap3A_504, %swap3A_505], %gather3A {strides = array<i32>} : memref<3x2048xf32, #tpu.memory_space<vmem>>, vector<16xf32>,
      %broadcast_in_dim3A_507 = arith.constant 1 : i32
      %broadcast_in_dim3A_508 = vector.broadcast %broadcast_in_dim3A_507 : i32 to vector<16xi32>
      %gather3A_509 = tpu.vector_load_idx %arg9[%add3A_500, %broadcast_in_dim3A_508] : memref<2048x8xf32, #tpu.memory_space<vmem>>[vector<16xi32>, vector<16xi32>], vector<16xf32>,
      %mul3A_510 = arith.constant 16 : i32
      %mul3A_511 = arith.muli %scan3A_495, %mul3A_510 : i32
      %swap3A_512 = arith.constant 1 : i32
      %swap3A_513 = arith.index_cast %swap3A_512 : i32 to index
      %swap3A_514 = arith.index_cast %mul3A_511 : i32 to index
      %swap3A_515 = tpu.vector_load %arg10[%swap3A_513, %swap3A_514] {strides = array<i32>} : memref<3x2048xf32, #tpu.memory_space<vmem>>, vector<16xf32>,
      tpu.vector_store %arg10[%swap3A_513, %swap3A_514], %gather3A_509 {strides = array<i32>} : memref<3x2048xf32, #tpu.memory_space<vmem>>, vector<16xf32>,
      %broadcast_in_dim3A_516 = arith.constant 2 : i32
      %broadcast_in_dim3A_517 = vector.broadcast %broadcast_in_dim3A_516 : i32 to vector<16xi32>
      %gather3A_518 = tpu.vector_load_idx %arg9[%add3A_500, %broadcast_in_dim3A_517] : memref<2048x8xf32, #tpu.memory_space<vmem>>[vector<16xi32>, vector<16xi32>], vector<16xf32>,
      %mul3A_519 = arith.constant 16 : i32
      %mul3A_520 = arith.muli %scan3A_495, %mul3A_519 : i32
      %swap3A_521 = arith.constant 2 : i32
      %swap3A_522 = arith.index_cast %swap3A_521 : i32 to index
      %swap3A_523 = arith.index_cast %mul3A_520 : i32 to index
      %swap3A_524 = tpu.vector_load %arg10[%swap3A_522, %swap3A_523] {strides = array<i32>} : memref<3x2048xf32, #tpu.memory_space<vmem>>, vector<16xf32>,
      tpu.vector_store %arg10[%swap3A_522, %swap3A_523], %gather3A_518 {strides = array<i32>} : memref<3x2048xf32, #tpu.memory_space<vmem>>, vector<16xf32>,
      %scan3A_525 = arith.constant 0 : i32
      scf.yield %scan3A_525 : i32
    }
    %scan3A_361 = arith.constant 128 : i32
    %run_scoped3A_362 = arith.constant 0 : i32
    %run_scoped3A_363 = arith.constant 0 : i32
    %run_scoped3A_364 = arith.constant 11 : i32
    "tpu.region"() ({
      %run_scoped3A_495 = tpu.sem_alloc : memref<!tpu.dma_semaphore, #tpu.memory_space<semaphore_mem>>
      %dma_start3A_496 = arith.constant 0 : i32
      %dma_start3A_497 = tpu.memref_slice %arg10[%run_scoped3A_362, %dma_start3A_496] : memref<3x2048xf32, #tpu.memory_space<vmem>> -> memref<1x2048xf32, #tpu.memory_space<vmem>>
      %dma_start3A_498 = tpu.memref_squeeze %dma_start3A_497 : memref<1x2048xf32, #tpu.memory_space<vmem>> -> memref<2048xf32, #tpu.memory_space<vmem>>
      %dma_start3A_499 = tpu.memref_slice %arg6[%run_scoped3A_363, %run_scoped3A_364, %mul3A_2] : memref<3x16x65536xf32, #tpu.memory_space<hbm>> -> memref<1x1x2048xf32, #tpu.memory_space<hbm>>
      %dma_start3A_500 = tpu.memref_squeeze %dma_start3A_499 : memref<1x1x2048xf32, #tpu.memory_space<hbm>> -> memref<2048xf32, #tpu.memory_space<hbm>>
      %dma_start3A_501 = tpu.memref_slice %arg6[%run_scoped3A_363, %run_scoped3A_364, %mul3A_2] : memref<3x16x65536xf32, #tpu.memory_space<hbm>> -> memref<1x1x2048xf32, #tpu.memory_space<hbm>>
      %dma_start3A_502 = tpu.memref_squeeze %dma_start3A_501 : memref<1x1x2048xf32, #tpu.memory_space<hbm>> -> memref<2048xf32, #tpu.memory_space<hbm>>
      %dma_start3A_503 = arith.constant 0 : i32
      %dma_start3A_504 = tpu.memref_slice %arg10[%run_scoped3A_362, %dma_start3A_503] : memref<3x2048xf32, #tpu.memory_space<vmem>> -> memref<1x2048xf32, #tpu.memory_space<vmem>>
      %dma_start3A_505 = tpu.memref_squeeze %dma_start3A_504 : memref<1x2048xf32, #tpu.memory_space<vmem>> -> memref<2048xf32, #tpu.memory_space<vmem>>
      tpu.enqueue_dma source(%dma_start3A_505 : memref<2048xf32, #tpu.memory_space<vmem>>) target(%dma_start3A_502 : memref<2048xf32, #tpu.memory_space<hbm>>) target_semaphore(%run_scoped3A_495 : memref<!tpu.dma_semaphore, #tpu.memory_space<semaphore_mem>>)
      %dma_wait3A_506 = arith.constant 0 : i32
      %dma_wait3A_507 = tpu.memref_slice %arg10[%run_scoped3A_362, %dma_wait3A_506] : memref<3x2048xf32, #tpu.memory_space<vmem>> -> memref<1x2048xf32, #tpu.memory_space<vmem>>
      %dma_wait3A_508 = tpu.memref_squeeze %dma_wait3A_507 : memref<1x2048xf32, #tpu.memory_space<vmem>> -> memref<2048xf32, #tpu.memory_space<vmem>>
      %dma_wait3A_509 = tpu.memref_slice %arg6[%run_scoped3A_363, %run_scoped3A_364, %mul3A_2] : memref<3x16x65536xf32, #tpu.memory_space<hbm>> -> memref<1x1x2048xf32, #tpu.memory_space<hbm>>
      %dma_wait3A_510 = tpu.memref_squeeze %dma_wait3A_509 : memref<1x1x2048xf32, #tpu.memory_space<hbm>> -> memref<2048xf32, #tpu.memory_space<hbm>>
      %dma_wait3A_511 = tpu.memref_slice %arg6[%run_scoped3A_363, %run_scoped3A_364, %mul3A_2] : memref<3x16x65536xf32, #tpu.memory_space<hbm>> -> memref<1x1x2048xf32, #tpu.memory_space<hbm>>
      %dma_wait3A_512 = tpu.memref_squeeze %dma_wait3A_511 : memref<1x1x2048xf32, #tpu.memory_space<hbm>> -> memref<2048xf32, #tpu.memory_space<hbm>>
      %dma_wait3A_513 = arith.constant 0 : i32
      %dma_wait3A_514 = tpu.memref_slice %arg10[%run_scoped3A_362, %dma_wait3A_513] : memref<3x2048xf32, #tpu.memory_space<vmem>> -> memref<1x2048xf32, #tpu.memory_space<vmem>>
      %dma_wait3A_515 = tpu.memref_squeeze %dma_wait3A_514 : memref<1x2048xf32, #tpu.memory_space<vmem>> -> memref<2048xf32, #tpu.memory_space<vmem>>
      tpu.wait_dma2 semaphore(%run_scoped3A_495 : memref<!tpu.dma_semaphore, #tpu.memory_space<semaphore_mem>>) src(%dma_wait3A_515 : memref<2048xf32, #tpu.memory_space<vmem>>) dst(%dma_wait3A_512 : memref<2048xf32, #tpu.memory_space<hbm>>)
      tpu.yield
    }) : () -> ()
    %run_scoped3A_365 = arith.constant 1 : i32
    %run_scoped3A_366 = arith.constant 1 : i32
    %run_scoped3A_367 = arith.constant 11 : i32
    "tpu.region"() ({
      %run_scoped3A_495 = tpu.sem_alloc : memref<!tpu.dma_semaphore, #tpu.memory_space<semaphore_mem>>
      %dma_start3A_496 = arith.constant 0 : i32
      %dma_start3A_497 = tpu.memref_slice %arg10[%run_scoped3A_365, %dma_start3A_496] : memref<3x2048xf32, #tpu.memory_space<vmem>> -> memref<1x2048xf32, #tpu.memory_space<vmem>>
      %dma_start3A_498 = tpu.memref_squeeze %dma_start3A_497 : memref<1x2048xf32, #tpu.memory_space<vmem>> -> memref<2048xf32, #tpu.memory_space<vmem>>
      %dma_start3A_499 = tpu.memref_slice %arg6[%run_scoped3A_366, %run_scoped3A_367, %mul3A_2] : memref<3x16x65536xf32, #tpu.memory_space<hbm>> -> memref<1x1x2048xf32, #tpu.memory_space<hbm>>
      %dma_start3A_500 = tpu.memref_squeeze %dma_start3A_499 : memref<1x1x2048xf32, #tpu.memory_space<hbm>> -> memref<2048xf32, #tpu.memory_space<hbm>>
      %dma_start3A_501 = tpu.memref_slice %arg6[%run_scoped3A_366, %run_scoped3A_367, %mul3A_2] : memref<3x16x65536xf32, #tpu.memory_space<hbm>> -> memref<1x1x2048xf32, #tpu.memory_space<hbm>>
      %dma_start3A_502 = tpu.memref_squeeze %dma_start3A_501 : memref<1x1x2048xf32, #tpu.memory_space<hbm>> -> memref<2048xf32, #tpu.memory_space<hbm>>
      %dma_start3A_503 = arith.constant 0 : i32
      %dma_start3A_504 = tpu.memref_slice %arg10[%run_scoped3A_365, %dma_start3A_503] : memref<3x2048xf32, #tpu.memory_space<vmem>> -> memref<1x2048xf32, #tpu.memory_space<vmem>>
      %dma_start3A_505 = tpu.memref_squeeze %dma_start3A_504 : memref<1x2048xf32, #tpu.memory_space<vmem>> -> memref<2048xf32, #tpu.memory_space<vmem>>
      tpu.enqueue_dma source(%dma_start3A_505 : memref<2048xf32, #tpu.memory_space<vmem>>) target(%dma_start3A_502 : memref<2048xf32, #tpu.memory_space<hbm>>) target_semaphore(%run_scoped3A_495 : memref<!tpu.dma_semaphore, #tpu.memory_space<semaphore_mem>>)
      %dma_wait3A_506 = arith.constant 0 : i32
      %dma_wait3A_507 = tpu.memref_slice %arg10[%run_scoped3A_365, %dma_wait3A_506] : memref<3x2048xf32, #tpu.memory_space<vmem>> -> memref<1x2048xf32, #tpu.memory_space<vmem>>
      %dma_wait3A_508 = tpu.memref_squeeze %dma_wait3A_507 : memref<1x2048xf32, #tpu.memory_space<vmem>> -> memref<2048xf32, #tpu.memory_space<vmem>>
      %dma_wait3A_509 = tpu.memref_slice %arg6[%run_scoped3A_366, %run_scoped3A_367, %mul3A_2] : memref<3x16x65536xf32, #tpu.memory_space<hbm>> -> memref<1x1x2048xf32, #tpu.memory_space<hbm>>
      %dma_wait3A_510 = tpu.memref_squeeze %dma_wait3A_509 : memref<1x1x2048xf32, #tpu.memory_space<hbm>> -> memref<2048xf32, #tpu.memory_space<hbm>>
      %dma_wait3A_511 = tpu.memref_slice %arg6[%run_scoped3A_366, %run_scoped3A_367, %mul3A_2] : memref<3x16x65536xf32, #tpu.memory_space<hbm>> -> memref<1x1x2048xf32, #tpu.memory_space<hbm>>
      %dma_wait3A_512 = tpu.memref_squeeze %dma_wait3A_511 : memref<1x1x2048xf32, #tpu.memory_space<hbm>> -> memref<2048xf32, #tpu.memory_space<hbm>>
      %dma_wait3A_513 = arith.constant 0 : i32
      %dma_wait3A_514 = tpu.memref_slice %arg10[%run_scoped3A_365, %dma_wait3A_513] : memref<3x2048xf32, #tpu.memory_space<vmem>> -> memref<1x2048xf32, #tpu.memory_space<vmem>>
      %dma_wait3A_515 = tpu.memref_squeeze %dma_wait3A_514 : memref<1x2048xf32, #tpu.memory_space<vmem>> -> memref<2048xf32, #tpu.memory_space<vmem>>
      tpu.wait_dma2 semaphore(%run_scoped3A_495 : memref<!tpu.dma_semaphore, #tpu.memory_space<semaphore_mem>>) src(%dma_wait3A_515 : memref<2048xf32, #tpu.memory_space<vmem>>) dst(%dma_wait3A_512 : memref<2048xf32, #tpu.memory_space<hbm>>)
      tpu.yield
    }) : () -> ()
    %run_scoped3A_368 = arith.constant 2 : i32
    %run_scoped3A_369 = arith.constant 2 : i32
    %run_scoped3A_370 = arith.constant 11 : i32
    "tpu.region"() ({
      %run_scoped3A_495 = tpu.sem_alloc : memref<!tpu.dma_semaphore, #tpu.memory_space<semaphore_mem>>
      %dma_start3A_496 = arith.constant 0 : i32
      %dma_start3A_497 = tpu.memref_slice %arg10[%run_scoped3A_368, %dma_start3A_496] : memref<3x2048xf32, #tpu.memory_space<vmem>> -> memref<1x2048xf32, #tpu.memory_space<vmem>>
      %dma_start3A_498 = tpu.memref_squeeze %dma_start3A_497 : memref<1x2048xf32, #tpu.memory_space<vmem>> -> memref<2048xf32, #tpu.memory_space<vmem>>
      %dma_start3A_499 = tpu.memref_slice %arg6[%run_scoped3A_369, %run_scoped3A_370, %mul3A_2] : memref<3x16x65536xf32, #tpu.memory_space<hbm>> -> memref<1x1x2048xf32, #tpu.memory_space<hbm>>
      %dma_start3A_500 = tpu.memref_squeeze %dma_start3A_499 : memref<1x1x2048xf32, #tpu.memory_space<hbm>> -> memref<2048xf32, #tpu.memory_space<hbm>>
      %dma_start3A_501 = tpu.memref_slice %arg6[%run_scoped3A_369, %run_scoped3A_370, %mul3A_2] : memref<3x16x65536xf32, #tpu.memory_space<hbm>> -> memref<1x1x2048xf32, #tpu.memory_space<hbm>>
      %dma_start3A_502 = tpu.memref_squeeze %dma_start3A_501 : memref<1x1x2048xf32, #tpu.memory_space<hbm>> -> memref<2048xf32, #tpu.memory_space<hbm>>
      %dma_start3A_503 = arith.constant 0 : i32
      %dma_start3A_504 = tpu.memref_slice %arg10[%run_scoped3A_368, %dma_start3A_503] : memref<3x2048xf32, #tpu.memory_space<vmem>> -> memref<1x2048xf32, #tpu.memory_space<vmem>>
      %dma_start3A_505 = tpu.memref_squeeze %dma_start3A_504 : memref<1x2048xf32, #tpu.memory_space<vmem>> -> memref<2048xf32, #tpu.memory_space<vmem>>
      tpu.enqueue_dma source(%dma_start3A_505 : memref<2048xf32, #tpu.memory_space<vmem>>) target(%dma_start3A_502 : memref<2048xf32, #tpu.memory_space<hbm>>) target_semaphore(%run_scoped3A_495 : memref<!tpu.dma_semaphore, #tpu.memory_space<semaphore_mem>>)
      %dma_wait3A_506 = arith.constant 0 : i32
      %dma_wait3A_507 = tpu.memref_slice %arg10[%run_scoped3A_368, %dma_wait3A_506] : memref<3x2048xf32, #tpu.memory_space<vmem>> -> memref<1x2048xf32, #tpu.memory_space<vmem>>
      %dma_wait3A_508 = tpu.memref_squeeze %dma_wait3A_507 : memref<1x2048xf32, #tpu.memory_space<vmem>> -> memref<2048xf32, #tpu.memory_space<vmem>>
      %dma_wait3A_509 = tpu.memref_slice %arg6[%run_scoped3A_369, %run_scoped3A_370, %mul3A_2] : memref<3x16x65536xf32, #tpu.memory_space<hbm>> -> memref<1x1x2048xf32, #tpu.memory_space<hbm>>
      %dma_wait3A_510 = tpu.memref_squeeze %dma_wait3A_509 : memref<1x1x2048xf32, #tpu.memory_space<hbm>> -> memref<2048xf32, #tpu.memory_space<hbm>>
      %dma_wait3A_511 = tpu.memref_slice %arg6[%run_scoped3A_369, %run_scoped3A_370, %mul3A_2] : memref<3x16x65536xf32, #tpu.memory_space<hbm>> -> memref<1x1x2048xf32, #tpu.memory_space<hbm>>
      %dma_wait3A_512 = tpu.memref_squeeze %dma_wait3A_511 : memref<1x1x2048xf32, #tpu.memory_space<hbm>> -> memref<2048xf32, #tpu.memory_space<hbm>>
      %dma_wait3A_513 = arith.constant 0 : i32
      %dma_wait3A_514 = tpu.memref_slice %arg10[%run_scoped3A_368, %dma_wait3A_513] : memref<3x2048xf32, #tpu.memory_space<vmem>> -> memref<1x2048xf32, #tpu.memory_space<vmem>>
      %dma_wait3A_515 = tpu.memref_squeeze %dma_wait3A_514 : memref<1x2048xf32, #tpu.memory_space<vmem>> -> memref<2048xf32, #tpu.memory_space<vmem>>
      tpu.wait_dma2 semaphore(%run_scoped3A_495 : memref<!tpu.dma_semaphore, #tpu.memory_space<semaphore_mem>>) src(%dma_wait3A_515 : memref<2048xf32, #tpu.memory_space<vmem>>) dst(%dma_wait3A_512 : memref<2048xf32, #tpu.memory_space<hbm>>)
      tpu.yield
    }) : () -> ()
    %add3A_371 = arith.constant 786432 : i32
    %add3A_372 = arith.addi %add3A_371, %mul3A_2 : i32
    "tpu.region"() ({
      %run_scoped3A_495 = tpu.sem_alloc : memref<!tpu.dma_semaphore, #tpu.memory_space<semaphore_mem>>
      %dma_start3A_496 = tpu.memref_slice %arg2[%add3A_372] : memref<1048576xi32, #tpu.memory_space<hbm>> -> memref<2048xi32, #tpu.memory_space<hbm>>
      %dma_start3A_497 = tpu.memref_slice %arg2[%add3A_372] : memref<1048576xi32, #tpu.memory_space<hbm>> -> memref<2048xi32, #tpu.memory_space<hbm>>
      tpu.enqueue_dma source(%dma_start3A_497 : memref<2048xi32, #tpu.memory_space<hbm>>) target(%arg7 : memref<2048xi32, #tpu.memory_space<vmem>>) target_semaphore(%run_scoped3A_495 : memref<!tpu.dma_semaphore, #tpu.memory_space<semaphore_mem>>)
      %dma_wait3A_498 = tpu.memref_slice %arg2[%add3A_372] : memref<1048576xi32, #tpu.memory_space<hbm>> -> memref<2048xi32, #tpu.memory_space<hbm>>
      %dma_wait3A_499 = tpu.memref_slice %arg2[%add3A_372] : memref<1048576xi32, #tpu.memory_space<hbm>> -> memref<2048xi32, #tpu.memory_space<hbm>>
      tpu.wait_dma2 semaphore(%run_scoped3A_495 : memref<!tpu.dma_semaphore, #tpu.memory_space<semaphore_mem>>) src(%dma_wait3A_499 : memref<2048xi32, #tpu.memory_space<hbm>>) dst(%arg7 : memref<2048xi32, #tpu.memory_space<vmem>>)
      tpu.yield
    }) : () -> ()
    %dma_start3A_373 = arith.constant 0 : i32
    %dma_start3A_374 = arith.constant 0 : i32
    %dma_start3A_375 = tpu.memref_slice %arg3[%dma_start3A_373, %dma_start3A_374] : memref<4194304x16xf32, #tpu.memory_space<hbm>> -> memref<4194304x16xf32, #tpu.memory_space<hbm>>
    tpu.enqueue_indirect_dma source(%dma_start3A_375 : memref<4194304x16xf32, #tpu.memory_space<hbm>>) target(%arg8 : memref<2048x16xf32, #tpu.memory_space<vmem>>) offsets(%arg7 : memref<2048xi32, #tpu.memory_space<vmem>>) semaphore(%arg11 : memref<!tpu.dma_semaphore, #tpu.memory_space<semaphore_mem>>)
    %dma_start3A_376 = arith.constant 0 : i32
    %dma_start3A_377 = arith.constant 0 : i32
    %dma_start3A_378 = tpu.memref_slice %arg4[%dma_start3A_376, %dma_start3A_377] : memref<4194304x8xf32, #tpu.memory_space<hbm>> -> memref<4194304x8xf32, #tpu.memory_space<hbm>>
    tpu.enqueue_indirect_dma source(%dma_start3A_378 : memref<4194304x8xf32, #tpu.memory_space<hbm>>) target(%arg9 : memref<2048x8xf32, #tpu.memory_space<vmem>>) offsets(%arg7 : memref<2048xi32, #tpu.memory_space<vmem>>) semaphore(%arg12 : memref<!tpu.dma_semaphore, #tpu.memory_space<semaphore_mem>>)
    %dma_wait3A_379 = arith.constant 0 : i32
    %dma_wait3A_380 = arith.constant 0 : i32
    %dma_wait3A_381 = tpu.memref_slice %arg3[%dma_wait3A_379, %dma_wait3A_380] : memref<4194304x16xf32, #tpu.memory_space<hbm>> -> memref<4194304x16xf32, #tpu.memory_space<hbm>>
    tpu.wait_indirect_dma semaphore(%arg11 : memref<!tpu.dma_semaphore, #tpu.memory_space<semaphore_mem>>) src(%dma_wait3A_381 : memref<4194304x16xf32, #tpu.memory_space<hbm>>) dst(%arg8 : memref<2048x16xf32, #tpu.memory_space<vmem>>)
    %run_scoped3A_382 = arith.constant 12 : i32
    "tpu.region"() ({
      %run_scoped3A_495 = tpu.sem_alloc : memref<!tpu.dma_semaphore, #tpu.memory_space<semaphore_mem>>
      %dma_start3A_496 = arith.constant 0 : i32
      %dma_start3A_497 = tpu.memref_slice %arg5[%run_scoped3A_382, %mul3A_2, %dma_start3A_496] : memref<16x65536x16xf32, #tpu.memory_space<hbm>> -> memref<1x2048x16xf32, #tpu.memory_space<hbm>>
      %dma_start3A_498 = tpu.memref_squeeze %dma_start3A_497 : memref<1x2048x16xf32, #tpu.memory_space<hbm>> -> memref<2048x16xf32, #tpu.memory_space<hbm>>
      %dma_start3A_499 = arith.constant 0 : i32
      %dma_start3A_500 = tpu.memref_slice %arg5[%run_scoped3A_382, %mul3A_2, %dma_start3A_499] : memref<16x65536x16xf32, #tpu.memory_space<hbm>> -> memref<1x2048x16xf32, #tpu.memory_space<hbm>>
      %dma_start3A_501 = tpu.memref_squeeze %dma_start3A_500 : memref<1x2048x16xf32, #tpu.memory_space<hbm>> -> memref<2048x16xf32, #tpu.memory_space<hbm>>
      tpu.enqueue_dma source(%arg8 : memref<2048x16xf32, #tpu.memory_space<vmem>>) target(%dma_start3A_501 : memref<2048x16xf32, #tpu.memory_space<hbm>>) target_semaphore(%run_scoped3A_495 : memref<!tpu.dma_semaphore, #tpu.memory_space<semaphore_mem>>)
      %dma_wait3A_502 = arith.constant 0 : i32
      %dma_wait3A_503 = tpu.memref_slice %arg5[%run_scoped3A_382, %mul3A_2, %dma_wait3A_502] : memref<16x65536x16xf32, #tpu.memory_space<hbm>> -> memref<1x2048x16xf32, #tpu.memory_space<hbm>>
      %dma_wait3A_504 = tpu.memref_squeeze %dma_wait3A_503 : memref<1x2048x16xf32, #tpu.memory_space<hbm>> -> memref<2048x16xf32, #tpu.memory_space<hbm>>
      %dma_wait3A_505 = arith.constant 0 : i32
      %dma_wait3A_506 = tpu.memref_slice %arg5[%run_scoped3A_382, %mul3A_2, %dma_wait3A_505] : memref<16x65536x16xf32, #tpu.memory_space<hbm>> -> memref<1x2048x16xf32, #tpu.memory_space<hbm>>
      %dma_wait3A_507 = tpu.memref_squeeze %dma_wait3A_506 : memref<1x2048x16xf32, #tpu.memory_space<hbm>> -> memref<2048x16xf32, #tpu.memory_space<hbm>>
      tpu.wait_dma2 semaphore(%run_scoped3A_495 : memref<!tpu.dma_semaphore, #tpu.memory_space<semaphore_mem>>) src(%arg8 : memref<2048x16xf32, #tpu.memory_space<vmem>>) dst(%dma_wait3A_507 : memref<2048x16xf32, #tpu.memory_space<hbm>>)
      tpu.yield
    }) : () -> ()
    %dma_wait3A_383 = arith.constant 0 : i32
    %dma_wait3A_384 = arith.constant 0 : i32
    %dma_wait3A_385 = tpu.memref_slice %arg4[%dma_wait3A_383, %dma_wait3A_384] : memref<4194304x8xf32, #tpu.memory_space<hbm>> -> memref<4194304x8xf32, #tpu.memory_space<hbm>>
    tpu.wait_indirect_dma semaphore(%arg12 : memref<!tpu.dma_semaphore, #tpu.memory_space<semaphore_mem>>) src(%dma_wait3A_385 : memref<4194304x8xf32, #tpu.memory_space<hbm>>) dst(%arg9 : memref<2048x8xf32, #tpu.memory_space<vmem>>)
    %scan3A_386 = arith.constant 0 : i32
    %scan3A_387 = arith.constant 0 : i32
    %scan3A_388 = arith.constant 128 : i32
    %scan3A_389 = arith.addi %scan3A_387, %scan3A_388 : i32
    %scan3A_390 = arith.constant 1 : i32
    %scan3A_391 = scf.for %scan3A_495 = %scan3A_387 to %scan3A_389 step %scan3A_390 iter_args(%scan3A_496 = %scan3A_386) -> (i32)  : i32 {
      %mul3A_497 = arith.constant 16 : i32
      %mul3A_498 = arith.muli %scan3A_495, %mul3A_497 : i32
      %add3A_499 = vector.broadcast %mul3A_498 : i32 to vector<16xi32>
      %add3A_500 = arith.addi %add3A_499, %iota3A : vector<16xi32>
      %broadcast_in_dim3A = arith.constant 0 : i32
      %broadcast_in_dim3A_501 = vector.broadcast %broadcast_in_dim3A : i32 to vector<16xi32>
      %gather3A = tpu.vector_load_idx %arg9[%add3A_500, %broadcast_in_dim3A_501] : memref<2048x8xf32, #tpu.memory_space<vmem>>[vector<16xi32>, vector<16xi32>], vector<16xf32>,
      %mul3A_502 = arith.constant 16 : i32
      %mul3A_503 = arith.muli %scan3A_495, %mul3A_502 : i32
      %swap3A = arith.constant 0 : i32
      %swap3A_504 = arith.index_cast %swap3A : i32 to index
      %swap3A_505 = arith.index_cast %mul3A_503 : i32 to index
      %swap3A_506 = tpu.vector_load %arg10[%swap3A_504, %swap3A_505] {strides = array<i32>} : memref<3x2048xf32, #tpu.memory_space<vmem>>, vector<16xf32>,
      tpu.vector_store %arg10[%swap3A_504, %swap3A_505], %gather3A {strides = array<i32>} : memref<3x2048xf32, #tpu.memory_space<vmem>>, vector<16xf32>,
      %broadcast_in_dim3A_507 = arith.constant 1 : i32
      %broadcast_in_dim3A_508 = vector.broadcast %broadcast_in_dim3A_507 : i32 to vector<16xi32>
      %gather3A_509 = tpu.vector_load_idx %arg9[%add3A_500, %broadcast_in_dim3A_508] : memref<2048x8xf32, #tpu.memory_space<vmem>>[vector<16xi32>, vector<16xi32>], vector<16xf32>,
      %mul3A_510 = arith.constant 16 : i32
      %mul3A_511 = arith.muli %scan3A_495, %mul3A_510 : i32
      %swap3A_512 = arith.constant 1 : i32
      %swap3A_513 = arith.index_cast %swap3A_512 : i32 to index
      %swap3A_514 = arith.index_cast %mul3A_511 : i32 to index
      %swap3A_515 = tpu.vector_load %arg10[%swap3A_513, %swap3A_514] {strides = array<i32>} : memref<3x2048xf32, #tpu.memory_space<vmem>>, vector<16xf32>,
      tpu.vector_store %arg10[%swap3A_513, %swap3A_514], %gather3A_509 {strides = array<i32>} : memref<3x2048xf32, #tpu.memory_space<vmem>>, vector<16xf32>,
      %broadcast_in_dim3A_516 = arith.constant 2 : i32
      %broadcast_in_dim3A_517 = vector.broadcast %broadcast_in_dim3A_516 : i32 to vector<16xi32>
      %gather3A_518 = tpu.vector_load_idx %arg9[%add3A_500, %broadcast_in_dim3A_517] : memref<2048x8xf32, #tpu.memory_space<vmem>>[vector<16xi32>, vector<16xi32>], vector<16xf32>,
      %mul3A_519 = arith.constant 16 : i32
      %mul3A_520 = arith.muli %scan3A_495, %mul3A_519 : i32
      %swap3A_521 = arith.constant 2 : i32
      %swap3A_522 = arith.index_cast %swap3A_521 : i32 to index
      %swap3A_523 = arith.index_cast %mul3A_520 : i32 to index
      %swap3A_524 = tpu.vector_load %arg10[%swap3A_522, %swap3A_523] {strides = array<i32>} : memref<3x2048xf32, #tpu.memory_space<vmem>>, vector<16xf32>,
      tpu.vector_store %arg10[%swap3A_522, %swap3A_523], %gather3A_518 {strides = array<i32>} : memref<3x2048xf32, #tpu.memory_space<vmem>>, vector<16xf32>,
      %scan3A_525 = arith.constant 0 : i32
      scf.yield %scan3A_525 : i32
    }
    %scan3A_392 = arith.constant 128 : i32
    %run_scoped3A_393 = arith.constant 0 : i32
    %run_scoped3A_394 = arith.constant 0 : i32
    %run_scoped3A_395 = arith.constant 12 : i32
    "tpu.region"() ({
      %run_scoped3A_495 = tpu.sem_alloc : memref<!tpu.dma_semaphore, #tpu.memory_space<semaphore_mem>>
      %dma_start3A_496 = arith.constant 0 : i32
      %dma_start3A_497 = tpu.memref_slice %arg10[%run_scoped3A_393, %dma_start3A_496] : memref<3x2048xf32, #tpu.memory_space<vmem>> -> memref<1x2048xf32, #tpu.memory_space<vmem>>
      %dma_start3A_498 = tpu.memref_squeeze %dma_start3A_497 : memref<1x2048xf32, #tpu.memory_space<vmem>> -> memref<2048xf32, #tpu.memory_space<vmem>>
      %dma_start3A_499 = tpu.memref_slice %arg6[%run_scoped3A_394, %run_scoped3A_395, %mul3A_2] : memref<3x16x65536xf32, #tpu.memory_space<hbm>> -> memref<1x1x2048xf32, #tpu.memory_space<hbm>>
      %dma_start3A_500 = tpu.memref_squeeze %dma_start3A_499 : memref<1x1x2048xf32, #tpu.memory_space<hbm>> -> memref<2048xf32, #tpu.memory_space<hbm>>
      %dma_start3A_501 = tpu.memref_slice %arg6[%run_scoped3A_394, %run_scoped3A_395, %mul3A_2] : memref<3x16x65536xf32, #tpu.memory_space<hbm>> -> memref<1x1x2048xf32, #tpu.memory_space<hbm>>
      %dma_start3A_502 = tpu.memref_squeeze %dma_start3A_501 : memref<1x1x2048xf32, #tpu.memory_space<hbm>> -> memref<2048xf32, #tpu.memory_space<hbm>>
      %dma_start3A_503 = arith.constant 0 : i32
      %dma_start3A_504 = tpu.memref_slice %arg10[%run_scoped3A_393, %dma_start3A_503] : memref<3x2048xf32, #tpu.memory_space<vmem>> -> memref<1x2048xf32, #tpu.memory_space<vmem>>
      %dma_start3A_505 = tpu.memref_squeeze %dma_start3A_504 : memref<1x2048xf32, #tpu.memory_space<vmem>> -> memref<2048xf32, #tpu.memory_space<vmem>>
      tpu.enqueue_dma source(%dma_start3A_505 : memref<2048xf32, #tpu.memory_space<vmem>>) target(%dma_start3A_502 : memref<2048xf32, #tpu.memory_space<hbm>>) target_semaphore(%run_scoped3A_495 : memref<!tpu.dma_semaphore, #tpu.memory_space<semaphore_mem>>)
      %dma_wait3A_506 = arith.constant 0 : i32
      %dma_wait3A_507 = tpu.memref_slice %arg10[%run_scoped3A_393, %dma_wait3A_506] : memref<3x2048xf32, #tpu.memory_space<vmem>> -> memref<1x2048xf32, #tpu.memory_space<vmem>>
      %dma_wait3A_508 = tpu.memref_squeeze %dma_wait3A_507 : memref<1x2048xf32, #tpu.memory_space<vmem>> -> memref<2048xf32, #tpu.memory_space<vmem>>
      %dma_wait3A_509 = tpu.memref_slice %arg6[%run_scoped3A_394, %run_scoped3A_395, %mul3A_2] : memref<3x16x65536xf32, #tpu.memory_space<hbm>> -> memref<1x1x2048xf32, #tpu.memory_space<hbm>>
      %dma_wait3A_510 = tpu.memref_squeeze %dma_wait3A_509 : memref<1x1x2048xf32, #tpu.memory_space<hbm>> -> memref<2048xf32, #tpu.memory_space<hbm>>
      %dma_wait3A_511 = tpu.memref_slice %arg6[%run_scoped3A_394, %run_scoped3A_395, %mul3A_2] : memref<3x16x65536xf32, #tpu.memory_space<hbm>> -> memref<1x1x2048xf32, #tpu.memory_space<hbm>>
      %dma_wait3A_512 = tpu.memref_squeeze %dma_wait3A_511 : memref<1x1x2048xf32, #tpu.memory_space<hbm>> -> memref<2048xf32, #tpu.memory_space<hbm>>
      %dma_wait3A_513 = arith.constant 0 : i32
      %dma_wait3A_514 = tpu.memref_slice %arg10[%run_scoped3A_393, %dma_wait3A_513] : memref<3x2048xf32, #tpu.memory_space<vmem>> -> memref<1x2048xf32, #tpu.memory_space<vmem>>
      %dma_wait3A_515 = tpu.memref_squeeze %dma_wait3A_514 : memref<1x2048xf32, #tpu.memory_space<vmem>> -> memref<2048xf32, #tpu.memory_space<vmem>>
      tpu.wait_dma2 semaphore(%run_scoped3A_495 : memref<!tpu.dma_semaphore, #tpu.memory_space<semaphore_mem>>) src(%dma_wait3A_515 : memref<2048xf32, #tpu.memory_space<vmem>>) dst(%dma_wait3A_512 : memref<2048xf32, #tpu.memory_space<hbm>>)
      tpu.yield
    }) : () -> ()
    %run_scoped3A_396 = arith.constant 1 : i32
    %run_scoped3A_397 = arith.constant 1 : i32
    %run_scoped3A_398 = arith.constant 12 : i32
    "tpu.region"() ({
      %run_scoped3A_495 = tpu.sem_alloc : memref<!tpu.dma_semaphore, #tpu.memory_space<semaphore_mem>>
      %dma_start3A_496 = arith.constant 0 : i32
      %dma_start3A_497 = tpu.memref_slice %arg10[%run_scoped3A_396, %dma_start3A_496] : memref<3x2048xf32, #tpu.memory_space<vmem>> -> memref<1x2048xf32, #tpu.memory_space<vmem>>
      %dma_start3A_498 = tpu.memref_squeeze %dma_start3A_497 : memref<1x2048xf32, #tpu.memory_space<vmem>> -> memref<2048xf32, #tpu.memory_space<vmem>>
      %dma_start3A_499 = tpu.memref_slice %arg6[%run_scoped3A_397, %run_scoped3A_398, %mul3A_2] : memref<3x16x65536xf32, #tpu.memory_space<hbm>> -> memref<1x1x2048xf32, #tpu.memory_space<hbm>>
      %dma_start3A_500 = tpu.memref_squeeze %dma_start3A_499 : memref<1x1x2048xf32, #tpu.memory_space<hbm>> -> memref<2048xf32, #tpu.memory_space<hbm>>
      %dma_start3A_501 = tpu.memref_slice %arg6[%run_scoped3A_397, %run_scoped3A_398, %mul3A_2] : memref<3x16x65536xf32, #tpu.memory_space<hbm>> -> memref<1x1x2048xf32, #tpu.memory_space<hbm>>
      %dma_start3A_502 = tpu.memref_squeeze %dma_start3A_501 : memref<1x1x2048xf32, #tpu.memory_space<hbm>> -> memref<2048xf32, #tpu.memory_space<hbm>>
      %dma_start3A_503 = arith.constant 0 : i32
      %dma_start3A_504 = tpu.memref_slice %arg10[%run_scoped3A_396, %dma_start3A_503] : memref<3x2048xf32, #tpu.memory_space<vmem>> -> memref<1x2048xf32, #tpu.memory_space<vmem>>
      %dma_start3A_505 = tpu.memref_squeeze %dma_start3A_504 : memref<1x2048xf32, #tpu.memory_space<vmem>> -> memref<2048xf32, #tpu.memory_space<vmem>>
      tpu.enqueue_dma source(%dma_start3A_505 : memref<2048xf32, #tpu.memory_space<vmem>>) target(%dma_start3A_502 : memref<2048xf32, #tpu.memory_space<hbm>>) target_semaphore(%run_scoped3A_495 : memref<!tpu.dma_semaphore, #tpu.memory_space<semaphore_mem>>)
      %dma_wait3A_506 = arith.constant 0 : i32
      %dma_wait3A_507 = tpu.memref_slice %arg10[%run_scoped3A_396, %dma_wait3A_506] : memref<3x2048xf32, #tpu.memory_space<vmem>> -> memref<1x2048xf32, #tpu.memory_space<vmem>>
      %dma_wait3A_508 = tpu.memref_squeeze %dma_wait3A_507 : memref<1x2048xf32, #tpu.memory_space<vmem>> -> memref<2048xf32, #tpu.memory_space<vmem>>
      %dma_wait3A_509 = tpu.memref_slice %arg6[%run_scoped3A_397, %run_scoped3A_398, %mul3A_2] : memref<3x16x65536xf32, #tpu.memory_space<hbm>> -> memref<1x1x2048xf32, #tpu.memory_space<hbm>>
      %dma_wait3A_510 = tpu.memref_squeeze %dma_wait3A_509 : memref<1x1x2048xf32, #tpu.memory_space<hbm>> -> memref<2048xf32, #tpu.memory_space<hbm>>
      %dma_wait3A_511 = tpu.memref_slice %arg6[%run_scoped3A_397, %run_scoped3A_398, %mul3A_2] : memref<3x16x65536xf32, #tpu.memory_space<hbm>> -> memref<1x1x2048xf32, #tpu.memory_space<hbm>>
      %dma_wait3A_512 = tpu.memref_squeeze %dma_wait3A_511 : memref<1x1x2048xf32, #tpu.memory_space<hbm>> -> memref<2048xf32, #tpu.memory_space<hbm>>
      %dma_wait3A_513 = arith.constant 0 : i32
      %dma_wait3A_514 = tpu.memref_slice %arg10[%run_scoped3A_396, %dma_wait3A_513] : memref<3x2048xf32, #tpu.memory_space<vmem>> -> memref<1x2048xf32, #tpu.memory_space<vmem>>
      %dma_wait3A_515 = tpu.memref_squeeze %dma_wait3A_514 : memref<1x2048xf32, #tpu.memory_space<vmem>> -> memref<2048xf32, #tpu.memory_space<vmem>>
      tpu.wait_dma2 semaphore(%run_scoped3A_495 : memref<!tpu.dma_semaphore, #tpu.memory_space<semaphore_mem>>) src(%dma_wait3A_515 : memref<2048xf32, #tpu.memory_space<vmem>>) dst(%dma_wait3A_512 : memref<2048xf32, #tpu.memory_space<hbm>>)
      tpu.yield
    }) : () -> ()
    %run_scoped3A_399 = arith.constant 2 : i32
    %run_scoped3A_400 = arith.constant 2 : i32
    %run_scoped3A_401 = arith.constant 12 : i32
    "tpu.region"() ({
      %run_scoped3A_495 = tpu.sem_alloc : memref<!tpu.dma_semaphore, #tpu.memory_space<semaphore_mem>>
      %dma_start3A_496 = arith.constant 0 : i32
      %dma_start3A_497 = tpu.memref_slice %arg10[%run_scoped3A_399, %dma_start3A_496] : memref<3x2048xf32, #tpu.memory_space<vmem>> -> memref<1x2048xf32, #tpu.memory_space<vmem>>
      %dma_start3A_498 = tpu.memref_squeeze %dma_start3A_497 : memref<1x2048xf32, #tpu.memory_space<vmem>> -> memref<2048xf32, #tpu.memory_space<vmem>>
      %dma_start3A_499 = tpu.memref_slice %arg6[%run_scoped3A_400, %run_scoped3A_401, %mul3A_2] : memref<3x16x65536xf32, #tpu.memory_space<hbm>> -> memref<1x1x2048xf32, #tpu.memory_space<hbm>>
      %dma_start3A_500 = tpu.memref_squeeze %dma_start3A_499 : memref<1x1x2048xf32, #tpu.memory_space<hbm>> -> memref<2048xf32, #tpu.memory_space<hbm>>
      %dma_start3A_501 = tpu.memref_slice %arg6[%run_scoped3A_400, %run_scoped3A_401, %mul3A_2] : memref<3x16x65536xf32, #tpu.memory_space<hbm>> -> memref<1x1x2048xf32, #tpu.memory_space<hbm>>
      %dma_start3A_502 = tpu.memref_squeeze %dma_start3A_501 : memref<1x1x2048xf32, #tpu.memory_space<hbm>> -> memref<2048xf32, #tpu.memory_space<hbm>>
      %dma_start3A_503 = arith.constant 0 : i32
      %dma_start3A_504 = tpu.memref_slice %arg10[%run_scoped3A_399, %dma_start3A_503] : memref<3x2048xf32, #tpu.memory_space<vmem>> -> memref<1x2048xf32, #tpu.memory_space<vmem>>
      %dma_start3A_505 = tpu.memref_squeeze %dma_start3A_504 : memref<1x2048xf32, #tpu.memory_space<vmem>> -> memref<2048xf32, #tpu.memory_space<vmem>>
      tpu.enqueue_dma source(%dma_start3A_505 : memref<2048xf32, #tpu.memory_space<vmem>>) target(%dma_start3A_502 : memref<2048xf32, #tpu.memory_space<hbm>>) target_semaphore(%run_scoped3A_495 : memref<!tpu.dma_semaphore, #tpu.memory_space<semaphore_mem>>)
      %dma_wait3A_506 = arith.constant 0 : i32
      %dma_wait3A_507 = tpu.memref_slice %arg10[%run_scoped3A_399, %dma_wait3A_506] : memref<3x2048xf32, #tpu.memory_space<vmem>> -> memref<1x2048xf32, #tpu.memory_space<vmem>>
      %dma_wait3A_508 = tpu.memref_squeeze %dma_wait3A_507 : memref<1x2048xf32, #tpu.memory_space<vmem>> -> memref<2048xf32, #tpu.memory_space<vmem>>
      %dma_wait3A_509 = tpu.memref_slice %arg6[%run_scoped3A_400, %run_scoped3A_401, %mul3A_2] : memref<3x16x65536xf32, #tpu.memory_space<hbm>> -> memref<1x1x2048xf32, #tpu.memory_space<hbm>>
      %dma_wait3A_510 = tpu.memref_squeeze %dma_wait3A_509 : memref<1x1x2048xf32, #tpu.memory_space<hbm>> -> memref<2048xf32, #tpu.memory_space<hbm>>
      %dma_wait3A_511 = tpu.memref_slice %arg6[%run_scoped3A_400, %run_scoped3A_401, %mul3A_2] : memref<3x16x65536xf32, #tpu.memory_space<hbm>> -> memref<1x1x2048xf32, #tpu.memory_space<hbm>>
      %dma_wait3A_512 = tpu.memref_squeeze %dma_wait3A_511 : memref<1x1x2048xf32, #tpu.memory_space<hbm>> -> memref<2048xf32, #tpu.memory_space<hbm>>
      %dma_wait3A_513 = arith.constant 0 : i32
      %dma_wait3A_514 = tpu.memref_slice %arg10[%run_scoped3A_399, %dma_wait3A_513] : memref<3x2048xf32, #tpu.memory_space<vmem>> -> memref<1x2048xf32, #tpu.memory_space<vmem>>
      %dma_wait3A_515 = tpu.memref_squeeze %dma_wait3A_514 : memref<1x2048xf32, #tpu.memory_space<vmem>> -> memref<2048xf32, #tpu.memory_space<vmem>>
      tpu.wait_dma2 semaphore(%run_scoped3A_495 : memref<!tpu.dma_semaphore, #tpu.memory_space<semaphore_mem>>) src(%dma_wait3A_515 : memref<2048xf32, #tpu.memory_space<vmem>>) dst(%dma_wait3A_512 : memref<2048xf32, #tpu.memory_space<hbm>>)
      tpu.yield
    }) : () -> ()
    %add3A_402 = arith.constant 851968 : i32
    %add3A_403 = arith.addi %add3A_402, %mul3A_2 : i32
    "tpu.region"() ({
      %run_scoped3A_495 = tpu.sem_alloc : memref<!tpu.dma_semaphore, #tpu.memory_space<semaphore_mem>>
      %dma_start3A_496 = tpu.memref_slice %arg2[%add3A_403] : memref<1048576xi32, #tpu.memory_space<hbm>> -> memref<2048xi32, #tpu.memory_space<hbm>>
      %dma_start3A_497 = tpu.memref_slice %arg2[%add3A_403] : memref<1048576xi32, #tpu.memory_space<hbm>> -> memref<2048xi32, #tpu.memory_space<hbm>>
      tpu.enqueue_dma source(%dma_start3A_497 : memref<2048xi32, #tpu.memory_space<hbm>>) target(%arg7 : memref<2048xi32, #tpu.memory_space<vmem>>) target_semaphore(%run_scoped3A_495 : memref<!tpu.dma_semaphore, #tpu.memory_space<semaphore_mem>>)
      %dma_wait3A_498 = tpu.memref_slice %arg2[%add3A_403] : memref<1048576xi32, #tpu.memory_space<hbm>> -> memref<2048xi32, #tpu.memory_space<hbm>>
      %dma_wait3A_499 = tpu.memref_slice %arg2[%add3A_403] : memref<1048576xi32, #tpu.memory_space<hbm>> -> memref<2048xi32, #tpu.memory_space<hbm>>
      tpu.wait_dma2 semaphore(%run_scoped3A_495 : memref<!tpu.dma_semaphore, #tpu.memory_space<semaphore_mem>>) src(%dma_wait3A_499 : memref<2048xi32, #tpu.memory_space<hbm>>) dst(%arg7 : memref<2048xi32, #tpu.memory_space<vmem>>)
      tpu.yield
    }) : () -> ()
    %dma_start3A_404 = arith.constant 0 : i32
    %dma_start3A_405 = arith.constant 0 : i32
    %dma_start3A_406 = tpu.memref_slice %arg3[%dma_start3A_404, %dma_start3A_405] : memref<4194304x16xf32, #tpu.memory_space<hbm>> -> memref<4194304x16xf32, #tpu.memory_space<hbm>>
    tpu.enqueue_indirect_dma source(%dma_start3A_406 : memref<4194304x16xf32, #tpu.memory_space<hbm>>) target(%arg8 : memref<2048x16xf32, #tpu.memory_space<vmem>>) offsets(%arg7 : memref<2048xi32, #tpu.memory_space<vmem>>) semaphore(%arg11 : memref<!tpu.dma_semaphore, #tpu.memory_space<semaphore_mem>>)
    %dma_start3A_407 = arith.constant 0 : i32
    %dma_start3A_408 = arith.constant 0 : i32
    %dma_start3A_409 = tpu.memref_slice %arg4[%dma_start3A_407, %dma_start3A_408] : memref<4194304x8xf32, #tpu.memory_space<hbm>> -> memref<4194304x8xf32, #tpu.memory_space<hbm>>
    tpu.enqueue_indirect_dma source(%dma_start3A_409 : memref<4194304x8xf32, #tpu.memory_space<hbm>>) target(%arg9 : memref<2048x8xf32, #tpu.memory_space<vmem>>) offsets(%arg7 : memref<2048xi32, #tpu.memory_space<vmem>>) semaphore(%arg12 : memref<!tpu.dma_semaphore, #tpu.memory_space<semaphore_mem>>)
    %dma_wait3A_410 = arith.constant 0 : i32
    %dma_wait3A_411 = arith.constant 0 : i32
    %dma_wait3A_412 = tpu.memref_slice %arg3[%dma_wait3A_410, %dma_wait3A_411] : memref<4194304x16xf32, #tpu.memory_space<hbm>> -> memref<4194304x16xf32, #tpu.memory_space<hbm>>
    tpu.wait_indirect_dma semaphore(%arg11 : memref<!tpu.dma_semaphore, #tpu.memory_space<semaphore_mem>>) src(%dma_wait3A_412 : memref<4194304x16xf32, #tpu.memory_space<hbm>>) dst(%arg8 : memref<2048x16xf32, #tpu.memory_space<vmem>>)
    %run_scoped3A_413 = arith.constant 13 : i32
    "tpu.region"() ({
      %run_scoped3A_495 = tpu.sem_alloc : memref<!tpu.dma_semaphore, #tpu.memory_space<semaphore_mem>>
      %dma_start3A_496 = arith.constant 0 : i32
      %dma_start3A_497 = tpu.memref_slice %arg5[%run_scoped3A_413, %mul3A_2, %dma_start3A_496] : memref<16x65536x16xf32, #tpu.memory_space<hbm>> -> memref<1x2048x16xf32, #tpu.memory_space<hbm>>
      %dma_start3A_498 = tpu.memref_squeeze %dma_start3A_497 : memref<1x2048x16xf32, #tpu.memory_space<hbm>> -> memref<2048x16xf32, #tpu.memory_space<hbm>>
      %dma_start3A_499 = arith.constant 0 : i32
      %dma_start3A_500 = tpu.memref_slice %arg5[%run_scoped3A_413, %mul3A_2, %dma_start3A_499] : memref<16x65536x16xf32, #tpu.memory_space<hbm>> -> memref<1x2048x16xf32, #tpu.memory_space<hbm>>
      %dma_start3A_501 = tpu.memref_squeeze %dma_start3A_500 : memref<1x2048x16xf32, #tpu.memory_space<hbm>> -> memref<2048x16xf32, #tpu.memory_space<hbm>>
      tpu.enqueue_dma source(%arg8 : memref<2048x16xf32, #tpu.memory_space<vmem>>) target(%dma_start3A_501 : memref<2048x16xf32, #tpu.memory_space<hbm>>) target_semaphore(%run_scoped3A_495 : memref<!tpu.dma_semaphore, #tpu.memory_space<semaphore_mem>>)
      %dma_wait3A_502 = arith.constant 0 : i32
      %dma_wait3A_503 = tpu.memref_slice %arg5[%run_scoped3A_413, %mul3A_2, %dma_wait3A_502] : memref<16x65536x16xf32, #tpu.memory_space<hbm>> -> memref<1x2048x16xf32, #tpu.memory_space<hbm>>
      %dma_wait3A_504 = tpu.memref_squeeze %dma_wait3A_503 : memref<1x2048x16xf32, #tpu.memory_space<hbm>> -> memref<2048x16xf32, #tpu.memory_space<hbm>>
      %dma_wait3A_505 = arith.constant 0 : i32
      %dma_wait3A_506 = tpu.memref_slice %arg5[%run_scoped3A_413, %mul3A_2, %dma_wait3A_505] : memref<16x65536x16xf32, #tpu.memory_space<hbm>> -> memref<1x2048x16xf32, #tpu.memory_space<hbm>>
      %dma_wait3A_507 = tpu.memref_squeeze %dma_wait3A_506 : memref<1x2048x16xf32, #tpu.memory_space<hbm>> -> memref<2048x16xf32, #tpu.memory_space<hbm>>
      tpu.wait_dma2 semaphore(%run_scoped3A_495 : memref<!tpu.dma_semaphore, #tpu.memory_space<semaphore_mem>>) src(%arg8 : memref<2048x16xf32, #tpu.memory_space<vmem>>) dst(%dma_wait3A_507 : memref<2048x16xf32, #tpu.memory_space<hbm>>)
      tpu.yield
    }) : () -> ()
    %dma_wait3A_414 = arith.constant 0 : i32
    %dma_wait3A_415 = arith.constant 0 : i32
    %dma_wait3A_416 = tpu.memref_slice %arg4[%dma_wait3A_414, %dma_wait3A_415] : memref<4194304x8xf32, #tpu.memory_space<hbm>> -> memref<4194304x8xf32, #tpu.memory_space<hbm>>
    tpu.wait_indirect_dma semaphore(%arg12 : memref<!tpu.dma_semaphore, #tpu.memory_space<semaphore_mem>>) src(%dma_wait3A_416 : memref<4194304x8xf32, #tpu.memory_space<hbm>>) dst(%arg9 : memref<2048x8xf32, #tpu.memory_space<vmem>>)
    %scan3A_417 = arith.constant 0 : i32
    %scan3A_418 = arith.constant 0 : i32
    %scan3A_419 = arith.constant 128 : i32
    %scan3A_420 = arith.addi %scan3A_418, %scan3A_419 : i32
    %scan3A_421 = arith.constant 1 : i32
    %scan3A_422 = scf.for %scan3A_495 = %scan3A_418 to %scan3A_420 step %scan3A_421 iter_args(%scan3A_496 = %scan3A_417) -> (i32)  : i32 {
      %mul3A_497 = arith.constant 16 : i32
      %mul3A_498 = arith.muli %scan3A_495, %mul3A_497 : i32
      %add3A_499 = vector.broadcast %mul3A_498 : i32 to vector<16xi32>
      %add3A_500 = arith.addi %add3A_499, %iota3A : vector<16xi32>
      %broadcast_in_dim3A = arith.constant 0 : i32
      %broadcast_in_dim3A_501 = vector.broadcast %broadcast_in_dim3A : i32 to vector<16xi32>
      %gather3A = tpu.vector_load_idx %arg9[%add3A_500, %broadcast_in_dim3A_501] : memref<2048x8xf32, #tpu.memory_space<vmem>>[vector<16xi32>, vector<16xi32>], vector<16xf32>,
      %mul3A_502 = arith.constant 16 : i32
      %mul3A_503 = arith.muli %scan3A_495, %mul3A_502 : i32
      %swap3A = arith.constant 0 : i32
      %swap3A_504 = arith.index_cast %swap3A : i32 to index
      %swap3A_505 = arith.index_cast %mul3A_503 : i32 to index
      %swap3A_506 = tpu.vector_load %arg10[%swap3A_504, %swap3A_505] {strides = array<i32>} : memref<3x2048xf32, #tpu.memory_space<vmem>>, vector<16xf32>,
      tpu.vector_store %arg10[%swap3A_504, %swap3A_505], %gather3A {strides = array<i32>} : memref<3x2048xf32, #tpu.memory_space<vmem>>, vector<16xf32>,
      %broadcast_in_dim3A_507 = arith.constant 1 : i32
      %broadcast_in_dim3A_508 = vector.broadcast %broadcast_in_dim3A_507 : i32 to vector<16xi32>
      %gather3A_509 = tpu.vector_load_idx %arg9[%add3A_500, %broadcast_in_dim3A_508] : memref<2048x8xf32, #tpu.memory_space<vmem>>[vector<16xi32>, vector<16xi32>], vector<16xf32>,
      %mul3A_510 = arith.constant 16 : i32
      %mul3A_511 = arith.muli %scan3A_495, %mul3A_510 : i32
      %swap3A_512 = arith.constant 1 : i32
      %swap3A_513 = arith.index_cast %swap3A_512 : i32 to index
      %swap3A_514 = arith.index_cast %mul3A_511 : i32 to index
      %swap3A_515 = tpu.vector_load %arg10[%swap3A_513, %swap3A_514] {strides = array<i32>} : memref<3x2048xf32, #tpu.memory_space<vmem>>, vector<16xf32>,
      tpu.vector_store %arg10[%swap3A_513, %swap3A_514], %gather3A_509 {strides = array<i32>} : memref<3x2048xf32, #tpu.memory_space<vmem>>, vector<16xf32>,
      %broadcast_in_dim3A_516 = arith.constant 2 : i32
      %broadcast_in_dim3A_517 = vector.broadcast %broadcast_in_dim3A_516 : i32 to vector<16xi32>
      %gather3A_518 = tpu.vector_load_idx %arg9[%add3A_500, %broadcast_in_dim3A_517] : memref<2048x8xf32, #tpu.memory_space<vmem>>[vector<16xi32>, vector<16xi32>], vector<16xf32>,
      %mul3A_519 = arith.constant 16 : i32
      %mul3A_520 = arith.muli %scan3A_495, %mul3A_519 : i32
      %swap3A_521 = arith.constant 2 : i32
      %swap3A_522 = arith.index_cast %swap3A_521 : i32 to index
      %swap3A_523 = arith.index_cast %mul3A_520 : i32 to index
      %swap3A_524 = tpu.vector_load %arg10[%swap3A_522, %swap3A_523] {strides = array<i32>} : memref<3x2048xf32, #tpu.memory_space<vmem>>, vector<16xf32>,
      tpu.vector_store %arg10[%swap3A_522, %swap3A_523], %gather3A_518 {strides = array<i32>} : memref<3x2048xf32, #tpu.memory_space<vmem>>, vector<16xf32>,
      %scan3A_525 = arith.constant 0 : i32
      scf.yield %scan3A_525 : i32
    }
    %scan3A_423 = arith.constant 128 : i32
    %run_scoped3A_424 = arith.constant 0 : i32
    %run_scoped3A_425 = arith.constant 0 : i32
    %run_scoped3A_426 = arith.constant 13 : i32
    "tpu.region"() ({
      %run_scoped3A_495 = tpu.sem_alloc : memref<!tpu.dma_semaphore, #tpu.memory_space<semaphore_mem>>
      %dma_start3A_496 = arith.constant 0 : i32
      %dma_start3A_497 = tpu.memref_slice %arg10[%run_scoped3A_424, %dma_start3A_496] : memref<3x2048xf32, #tpu.memory_space<vmem>> -> memref<1x2048xf32, #tpu.memory_space<vmem>>
      %dma_start3A_498 = tpu.memref_squeeze %dma_start3A_497 : memref<1x2048xf32, #tpu.memory_space<vmem>> -> memref<2048xf32, #tpu.memory_space<vmem>>
      %dma_start3A_499 = tpu.memref_slice %arg6[%run_scoped3A_425, %run_scoped3A_426, %mul3A_2] : memref<3x16x65536xf32, #tpu.memory_space<hbm>> -> memref<1x1x2048xf32, #tpu.memory_space<hbm>>
      %dma_start3A_500 = tpu.memref_squeeze %dma_start3A_499 : memref<1x1x2048xf32, #tpu.memory_space<hbm>> -> memref<2048xf32, #tpu.memory_space<hbm>>
      %dma_start3A_501 = tpu.memref_slice %arg6[%run_scoped3A_425, %run_scoped3A_426, %mul3A_2] : memref<3x16x65536xf32, #tpu.memory_space<hbm>> -> memref<1x1x2048xf32, #tpu.memory_space<hbm>>
      %dma_start3A_502 = tpu.memref_squeeze %dma_start3A_501 : memref<1x1x2048xf32, #tpu.memory_space<hbm>> -> memref<2048xf32, #tpu.memory_space<hbm>>
      %dma_start3A_503 = arith.constant 0 : i32
      %dma_start3A_504 = tpu.memref_slice %arg10[%run_scoped3A_424, %dma_start3A_503] : memref<3x2048xf32, #tpu.memory_space<vmem>> -> memref<1x2048xf32, #tpu.memory_space<vmem>>
      %dma_start3A_505 = tpu.memref_squeeze %dma_start3A_504 : memref<1x2048xf32, #tpu.memory_space<vmem>> -> memref<2048xf32, #tpu.memory_space<vmem>>
      tpu.enqueue_dma source(%dma_start3A_505 : memref<2048xf32, #tpu.memory_space<vmem>>) target(%dma_start3A_502 : memref<2048xf32, #tpu.memory_space<hbm>>) target_semaphore(%run_scoped3A_495 : memref<!tpu.dma_semaphore, #tpu.memory_space<semaphore_mem>>)
      %dma_wait3A_506 = arith.constant 0 : i32
      %dma_wait3A_507 = tpu.memref_slice %arg10[%run_scoped3A_424, %dma_wait3A_506] : memref<3x2048xf32, #tpu.memory_space<vmem>> -> memref<1x2048xf32, #tpu.memory_space<vmem>>
      %dma_wait3A_508 = tpu.memref_squeeze %dma_wait3A_507 : memref<1x2048xf32, #tpu.memory_space<vmem>> -> memref<2048xf32, #tpu.memory_space<vmem>>
      %dma_wait3A_509 = tpu.memref_slice %arg6[%run_scoped3A_425, %run_scoped3A_426, %mul3A_2] : memref<3x16x65536xf32, #tpu.memory_space<hbm>> -> memref<1x1x2048xf32, #tpu.memory_space<hbm>>
      %dma_wait3A_510 = tpu.memref_squeeze %dma_wait3A_509 : memref<1x1x2048xf32, #tpu.memory_space<hbm>> -> memref<2048xf32, #tpu.memory_space<hbm>>
      %dma_wait3A_511 = tpu.memref_slice %arg6[%run_scoped3A_425, %run_scoped3A_426, %mul3A_2] : memref<3x16x65536xf32, #tpu.memory_space<hbm>> -> memref<1x1x2048xf32, #tpu.memory_space<hbm>>
      %dma_wait3A_512 = tpu.memref_squeeze %dma_wait3A_511 : memref<1x1x2048xf32, #tpu.memory_space<hbm>> -> memref<2048xf32, #tpu.memory_space<hbm>>
      %dma_wait3A_513 = arith.constant 0 : i32
      %dma_wait3A_514 = tpu.memref_slice %arg10[%run_scoped3A_424, %dma_wait3A_513] : memref<3x2048xf32, #tpu.memory_space<vmem>> -> memref<1x2048xf32, #tpu.memory_space<vmem>>
      %dma_wait3A_515 = tpu.memref_squeeze %dma_wait3A_514 : memref<1x2048xf32, #tpu.memory_space<vmem>> -> memref<2048xf32, #tpu.memory_space<vmem>>
      tpu.wait_dma2 semaphore(%run_scoped3A_495 : memref<!tpu.dma_semaphore, #tpu.memory_space<semaphore_mem>>) src(%dma_wait3A_515 : memref<2048xf32, #tpu.memory_space<vmem>>) dst(%dma_wait3A_512 : memref<2048xf32, #tpu.memory_space<hbm>>)
      tpu.yield
    }) : () -> ()
    %run_scoped3A_427 = arith.constant 1 : i32
    %run_scoped3A_428 = arith.constant 1 : i32
    %run_scoped3A_429 = arith.constant 13 : i32
    "tpu.region"() ({
      %run_scoped3A_495 = tpu.sem_alloc : memref<!tpu.dma_semaphore, #tpu.memory_space<semaphore_mem>>
      %dma_start3A_496 = arith.constant 0 : i32
      %dma_start3A_497 = tpu.memref_slice %arg10[%run_scoped3A_427, %dma_start3A_496] : memref<3x2048xf32, #tpu.memory_space<vmem>> -> memref<1x2048xf32, #tpu.memory_space<vmem>>
      %dma_start3A_498 = tpu.memref_squeeze %dma_start3A_497 : memref<1x2048xf32, #tpu.memory_space<vmem>> -> memref<2048xf32, #tpu.memory_space<vmem>>
      %dma_start3A_499 = tpu.memref_slice %arg6[%run_scoped3A_428, %run_scoped3A_429, %mul3A_2] : memref<3x16x65536xf32, #tpu.memory_space<hbm>> -> memref<1x1x2048xf32, #tpu.memory_space<hbm>>
      %dma_start3A_500 = tpu.memref_squeeze %dma_start3A_499 : memref<1x1x2048xf32, #tpu.memory_space<hbm>> -> memref<2048xf32, #tpu.memory_space<hbm>>
      %dma_start3A_501 = tpu.memref_slice %arg6[%run_scoped3A_428, %run_scoped3A_429, %mul3A_2] : memref<3x16x65536xf32, #tpu.memory_space<hbm>> -> memref<1x1x2048xf32, #tpu.memory_space<hbm>>
      %dma_start3A_502 = tpu.memref_squeeze %dma_start3A_501 : memref<1x1x2048xf32, #tpu.memory_space<hbm>> -> memref<2048xf32, #tpu.memory_space<hbm>>
      %dma_start3A_503 = arith.constant 0 : i32
      %dma_start3A_504 = tpu.memref_slice %arg10[%run_scoped3A_427, %dma_start3A_503] : memref<3x2048xf32, #tpu.memory_space<vmem>> -> memref<1x2048xf32, #tpu.memory_space<vmem>>
      %dma_start3A_505 = tpu.memref_squeeze %dma_start3A_504 : memref<1x2048xf32, #tpu.memory_space<vmem>> -> memref<2048xf32, #tpu.memory_space<vmem>>
      tpu.enqueue_dma source(%dma_start3A_505 : memref<2048xf32, #tpu.memory_space<vmem>>) target(%dma_start3A_502 : memref<2048xf32, #tpu.memory_space<hbm>>) target_semaphore(%run_scoped3A_495 : memref<!tpu.dma_semaphore, #tpu.memory_space<semaphore_mem>>)
      %dma_wait3A_506 = arith.constant 0 : i32
      %dma_wait3A_507 = tpu.memref_slice %arg10[%run_scoped3A_427, %dma_wait3A_506] : memref<3x2048xf32, #tpu.memory_space<vmem>> -> memref<1x2048xf32, #tpu.memory_space<vmem>>
      %dma_wait3A_508 = tpu.memref_squeeze %dma_wait3A_507 : memref<1x2048xf32, #tpu.memory_space<vmem>> -> memref<2048xf32, #tpu.memory_space<vmem>>
      %dma_wait3A_509 = tpu.memref_slice %arg6[%run_scoped3A_428, %run_scoped3A_429, %mul3A_2] : memref<3x16x65536xf32, #tpu.memory_space<hbm>> -> memref<1x1x2048xf32, #tpu.memory_space<hbm>>
      %dma_wait3A_510 = tpu.memref_squeeze %dma_wait3A_509 : memref<1x1x2048xf32, #tpu.memory_space<hbm>> -> memref<2048xf32, #tpu.memory_space<hbm>>
      %dma_wait3A_511 = tpu.memref_slice %arg6[%run_scoped3A_428, %run_scoped3A_429, %mul3A_2] : memref<3x16x65536xf32, #tpu.memory_space<hbm>> -> memref<1x1x2048xf32, #tpu.memory_space<hbm>>
      %dma_wait3A_512 = tpu.memref_squeeze %dma_wait3A_511 : memref<1x1x2048xf32, #tpu.memory_space<hbm>> -> memref<2048xf32, #tpu.memory_space<hbm>>
      %dma_wait3A_513 = arith.constant 0 : i32
      %dma_wait3A_514 = tpu.memref_slice %arg10[%run_scoped3A_427, %dma_wait3A_513] : memref<3x2048xf32, #tpu.memory_space<vmem>> -> memref<1x2048xf32, #tpu.memory_space<vmem>>
      %dma_wait3A_515 = tpu.memref_squeeze %dma_wait3A_514 : memref<1x2048xf32, #tpu.memory_space<vmem>> -> memref<2048xf32, #tpu.memory_space<vmem>>
      tpu.wait_dma2 semaphore(%run_scoped3A_495 : memref<!tpu.dma_semaphore, #tpu.memory_space<semaphore_mem>>) src(%dma_wait3A_515 : memref<2048xf32, #tpu.memory_space<vmem>>) dst(%dma_wait3A_512 : memref<2048xf32, #tpu.memory_space<hbm>>)
      tpu.yield
    }) : () -> ()
    %run_scoped3A_430 = arith.constant 2 : i32
    %run_scoped3A_431 = arith.constant 2 : i32
    %run_scoped3A_432 = arith.constant 13 : i32
    "tpu.region"() ({
      %run_scoped3A_495 = tpu.sem_alloc : memref<!tpu.dma_semaphore, #tpu.memory_space<semaphore_mem>>
      %dma_start3A_496 = arith.constant 0 : i32
      %dma_start3A_497 = tpu.memref_slice %arg10[%run_scoped3A_430, %dma_start3A_496] : memref<3x2048xf32, #tpu.memory_space<vmem>> -> memref<1x2048xf32, #tpu.memory_space<vmem>>
      %dma_start3A_498 = tpu.memref_squeeze %dma_start3A_497 : memref<1x2048xf32, #tpu.memory_space<vmem>> -> memref<2048xf32, #tpu.memory_space<vmem>>
      %dma_start3A_499 = tpu.memref_slice %arg6[%run_scoped3A_431, %run_scoped3A_432, %mul3A_2] : memref<3x16x65536xf32, #tpu.memory_space<hbm>> -> memref<1x1x2048xf32, #tpu.memory_space<hbm>>
      %dma_start3A_500 = tpu.memref_squeeze %dma_start3A_499 : memref<1x1x2048xf32, #tpu.memory_space<hbm>> -> memref<2048xf32, #tpu.memory_space<hbm>>
      %dma_start3A_501 = tpu.memref_slice %arg6[%run_scoped3A_431, %run_scoped3A_432, %mul3A_2] : memref<3x16x65536xf32, #tpu.memory_space<hbm>> -> memref<1x1x2048xf32, #tpu.memory_space<hbm>>
      %dma_start3A_502 = tpu.memref_squeeze %dma_start3A_501 : memref<1x1x2048xf32, #tpu.memory_space<hbm>> -> memref<2048xf32, #tpu.memory_space<hbm>>
      %dma_start3A_503 = arith.constant 0 : i32
      %dma_start3A_504 = tpu.memref_slice %arg10[%run_scoped3A_430, %dma_start3A_503] : memref<3x2048xf32, #tpu.memory_space<vmem>> -> memref<1x2048xf32, #tpu.memory_space<vmem>>
      %dma_start3A_505 = tpu.memref_squeeze %dma_start3A_504 : memref<1x2048xf32, #tpu.memory_space<vmem>> -> memref<2048xf32, #tpu.memory_space<vmem>>
      tpu.enqueue_dma source(%dma_start3A_505 : memref<2048xf32, #tpu.memory_space<vmem>>) target(%dma_start3A_502 : memref<2048xf32, #tpu.memory_space<hbm>>) target_semaphore(%run_scoped3A_495 : memref<!tpu.dma_semaphore, #tpu.memory_space<semaphore_mem>>)
      %dma_wait3A_506 = arith.constant 0 : i32
      %dma_wait3A_507 = tpu.memref_slice %arg10[%run_scoped3A_430, %dma_wait3A_506] : memref<3x2048xf32, #tpu.memory_space<vmem>> -> memref<1x2048xf32, #tpu.memory_space<vmem>>
      %dma_wait3A_508 = tpu.memref_squeeze %dma_wait3A_507 : memref<1x2048xf32, #tpu.memory_space<vmem>> -> memref<2048xf32, #tpu.memory_space<vmem>>
      %dma_wait3A_509 = tpu.memref_slice %arg6[%run_scoped3A_431, %run_scoped3A_432, %mul3A_2] : memref<3x16x65536xf32, #tpu.memory_space<hbm>> -> memref<1x1x2048xf32, #tpu.memory_space<hbm>>
      %dma_wait3A_510 = tpu.memref_squeeze %dma_wait3A_509 : memref<1x1x2048xf32, #tpu.memory_space<hbm>> -> memref<2048xf32, #tpu.memory_space<hbm>>
      %dma_wait3A_511 = tpu.memref_slice %arg6[%run_scoped3A_431, %run_scoped3A_432, %mul3A_2] : memref<3x16x65536xf32, #tpu.memory_space<hbm>> -> memref<1x1x2048xf32, #tpu.memory_space<hbm>>
      %dma_wait3A_512 = tpu.memref_squeeze %dma_wait3A_511 : memref<1x1x2048xf32, #tpu.memory_space<hbm>> -> memref<2048xf32, #tpu.memory_space<hbm>>
      %dma_wait3A_513 = arith.constant 0 : i32
      %dma_wait3A_514 = tpu.memref_slice %arg10[%run_scoped3A_430, %dma_wait3A_513] : memref<3x2048xf32, #tpu.memory_space<vmem>> -> memref<1x2048xf32, #tpu.memory_space<vmem>>
      %dma_wait3A_515 = tpu.memref_squeeze %dma_wait3A_514 : memref<1x2048xf32, #tpu.memory_space<vmem>> -> memref<2048xf32, #tpu.memory_space<vmem>>
      tpu.wait_dma2 semaphore(%run_scoped3A_495 : memref<!tpu.dma_semaphore, #tpu.memory_space<semaphore_mem>>) src(%dma_wait3A_515 : memref<2048xf32, #tpu.memory_space<vmem>>) dst(%dma_wait3A_512 : memref<2048xf32, #tpu.memory_space<hbm>>)
      tpu.yield
    }) : () -> ()
    %add3A_433 = arith.constant 917504 : i32
    %add3A_434 = arith.addi %add3A_433, %mul3A_2 : i32
    "tpu.region"() ({
      %run_scoped3A_495 = tpu.sem_alloc : memref<!tpu.dma_semaphore, #tpu.memory_space<semaphore_mem>>
      %dma_start3A_496 = tpu.memref_slice %arg2[%add3A_434] : memref<1048576xi32, #tpu.memory_space<hbm>> -> memref<2048xi32, #tpu.memory_space<hbm>>
      %dma_start3A_497 = tpu.memref_slice %arg2[%add3A_434] : memref<1048576xi32, #tpu.memory_space<hbm>> -> memref<2048xi32, #tpu.memory_space<hbm>>
      tpu.enqueue_dma source(%dma_start3A_497 : memref<2048xi32, #tpu.memory_space<hbm>>) target(%arg7 : memref<2048xi32, #tpu.memory_space<vmem>>) target_semaphore(%run_scoped3A_495 : memref<!tpu.dma_semaphore, #tpu.memory_space<semaphore_mem>>)
      %dma_wait3A_498 = tpu.memref_slice %arg2[%add3A_434] : memref<1048576xi32, #tpu.memory_space<hbm>> -> memref<2048xi32, #tpu.memory_space<hbm>>
      %dma_wait3A_499 = tpu.memref_slice %arg2[%add3A_434] : memref<1048576xi32, #tpu.memory_space<hbm>> -> memref<2048xi32, #tpu.memory_space<hbm>>
      tpu.wait_dma2 semaphore(%run_scoped3A_495 : memref<!tpu.dma_semaphore, #tpu.memory_space<semaphore_mem>>) src(%dma_wait3A_499 : memref<2048xi32, #tpu.memory_space<hbm>>) dst(%arg7 : memref<2048xi32, #tpu.memory_space<vmem>>)
      tpu.yield
    }) : () -> ()
    %dma_start3A_435 = arith.constant 0 : i32
    %dma_start3A_436 = arith.constant 0 : i32
    %dma_start3A_437 = tpu.memref_slice %arg3[%dma_start3A_435, %dma_start3A_436] : memref<4194304x16xf32, #tpu.memory_space<hbm>> -> memref<4194304x16xf32, #tpu.memory_space<hbm>>
    tpu.enqueue_indirect_dma source(%dma_start3A_437 : memref<4194304x16xf32, #tpu.memory_space<hbm>>) target(%arg8 : memref<2048x16xf32, #tpu.memory_space<vmem>>) offsets(%arg7 : memref<2048xi32, #tpu.memory_space<vmem>>) semaphore(%arg11 : memref<!tpu.dma_semaphore, #tpu.memory_space<semaphore_mem>>)
    %dma_start3A_438 = arith.constant 0 : i32
    %dma_start3A_439 = arith.constant 0 : i32
    %dma_start3A_440 = tpu.memref_slice %arg4[%dma_start3A_438, %dma_start3A_439] : memref<4194304x8xf32, #tpu.memory_space<hbm>> -> memref<4194304x8xf32, #tpu.memory_space<hbm>>
    tpu.enqueue_indirect_dma source(%dma_start3A_440 : memref<4194304x8xf32, #tpu.memory_space<hbm>>) target(%arg9 : memref<2048x8xf32, #tpu.memory_space<vmem>>) offsets(%arg7 : memref<2048xi32, #tpu.memory_space<vmem>>) semaphore(%arg12 : memref<!tpu.dma_semaphore, #tpu.memory_space<semaphore_mem>>)
    %dma_wait3A_441 = arith.constant 0 : i32
    %dma_wait3A_442 = arith.constant 0 : i32
    %dma_wait3A_443 = tpu.memref_slice %arg3[%dma_wait3A_441, %dma_wait3A_442] : memref<4194304x16xf32, #tpu.memory_space<hbm>> -> memref<4194304x16xf32, #tpu.memory_space<hbm>>
    tpu.wait_indirect_dma semaphore(%arg11 : memref<!tpu.dma_semaphore, #tpu.memory_space<semaphore_mem>>) src(%dma_wait3A_443 : memref<4194304x16xf32, #tpu.memory_space<hbm>>) dst(%arg8 : memref<2048x16xf32, #tpu.memory_space<vmem>>)
    %run_scoped3A_444 = arith.constant 14 : i32
    "tpu.region"() ({
      %run_scoped3A_495 = tpu.sem_alloc : memref<!tpu.dma_semaphore, #tpu.memory_space<semaphore_mem>>
      %dma_start3A_496 = arith.constant 0 : i32
      %dma_start3A_497 = tpu.memref_slice %arg5[%run_scoped3A_444, %mul3A_2, %dma_start3A_496] : memref<16x65536x16xf32, #tpu.memory_space<hbm>> -> memref<1x2048x16xf32, #tpu.memory_space<hbm>>
      %dma_start3A_498 = tpu.memref_squeeze %dma_start3A_497 : memref<1x2048x16xf32, #tpu.memory_space<hbm>> -> memref<2048x16xf32, #tpu.memory_space<hbm>>
      %dma_start3A_499 = arith.constant 0 : i32
      %dma_start3A_500 = tpu.memref_slice %arg5[%run_scoped3A_444, %mul3A_2, %dma_start3A_499] : memref<16x65536x16xf32, #tpu.memory_space<hbm>> -> memref<1x2048x16xf32, #tpu.memory_space<hbm>>
      %dma_start3A_501 = tpu.memref_squeeze %dma_start3A_500 : memref<1x2048x16xf32, #tpu.memory_space<hbm>> -> memref<2048x16xf32, #tpu.memory_space<hbm>>
      tpu.enqueue_dma source(%arg8 : memref<2048x16xf32, #tpu.memory_space<vmem>>) target(%dma_start3A_501 : memref<2048x16xf32, #tpu.memory_space<hbm>>) target_semaphore(%run_scoped3A_495 : memref<!tpu.dma_semaphore, #tpu.memory_space<semaphore_mem>>)
      %dma_wait3A_502 = arith.constant 0 : i32
      %dma_wait3A_503 = tpu.memref_slice %arg5[%run_scoped3A_444, %mul3A_2, %dma_wait3A_502] : memref<16x65536x16xf32, #tpu.memory_space<hbm>> -> memref<1x2048x16xf32, #tpu.memory_space<hbm>>
      %dma_wait3A_504 = tpu.memref_squeeze %dma_wait3A_503 : memref<1x2048x16xf32, #tpu.memory_space<hbm>> -> memref<2048x16xf32, #tpu.memory_space<hbm>>
      %dma_wait3A_505 = arith.constant 0 : i32
      %dma_wait3A_506 = tpu.memref_slice %arg5[%run_scoped3A_444, %mul3A_2, %dma_wait3A_505] : memref<16x65536x16xf32, #tpu.memory_space<hbm>> -> memref<1x2048x16xf32, #tpu.memory_space<hbm>>
      %dma_wait3A_507 = tpu.memref_squeeze %dma_wait3A_506 : memref<1x2048x16xf32, #tpu.memory_space<hbm>> -> memref<2048x16xf32, #tpu.memory_space<hbm>>
      tpu.wait_dma2 semaphore(%run_scoped3A_495 : memref<!tpu.dma_semaphore, #tpu.memory_space<semaphore_mem>>) src(%arg8 : memref<2048x16xf32, #tpu.memory_space<vmem>>) dst(%dma_wait3A_507 : memref<2048x16xf32, #tpu.memory_space<hbm>>)
      tpu.yield
    }) : () -> ()
    %dma_wait3A_445 = arith.constant 0 : i32
    %dma_wait3A_446 = arith.constant 0 : i32
    %dma_wait3A_447 = tpu.memref_slice %arg4[%dma_wait3A_445, %dma_wait3A_446] : memref<4194304x8xf32, #tpu.memory_space<hbm>> -> memref<4194304x8xf32, #tpu.memory_space<hbm>>
    tpu.wait_indirect_dma semaphore(%arg12 : memref<!tpu.dma_semaphore, #tpu.memory_space<semaphore_mem>>) src(%dma_wait3A_447 : memref<4194304x8xf32, #tpu.memory_space<hbm>>) dst(%arg9 : memref<2048x8xf32, #tpu.memory_space<vmem>>)
    %scan3A_448 = arith.constant 0 : i32
    %scan3A_449 = arith.constant 0 : i32
    %scan3A_450 = arith.constant 128 : i32
    %scan3A_451 = arith.addi %scan3A_449, %scan3A_450 : i32
    %scan3A_452 = arith.constant 1 : i32
    %scan3A_453 = scf.for %scan3A_495 = %scan3A_449 to %scan3A_451 step %scan3A_452 iter_args(%scan3A_496 = %scan3A_448) -> (i32)  : i32 {
      %mul3A_497 = arith.constant 16 : i32
      %mul3A_498 = arith.muli %scan3A_495, %mul3A_497 : i32
      %add3A_499 = vector.broadcast %mul3A_498 : i32 to vector<16xi32>
      %add3A_500 = arith.addi %add3A_499, %iota3A : vector<16xi32>
      %broadcast_in_dim3A = arith.constant 0 : i32
      %broadcast_in_dim3A_501 = vector.broadcast %broadcast_in_dim3A : i32 to vector<16xi32>
      %gather3A = tpu.vector_load_idx %arg9[%add3A_500, %broadcast_in_dim3A_501] : memref<2048x8xf32, #tpu.memory_space<vmem>>[vector<16xi32>, vector<16xi32>], vector<16xf32>,
      %mul3A_502 = arith.constant 16 : i32
      %mul3A_503 = arith.muli %scan3A_495, %mul3A_502 : i32
      %swap3A = arith.constant 0 : i32
      %swap3A_504 = arith.index_cast %swap3A : i32 to index
      %swap3A_505 = arith.index_cast %mul3A_503 : i32 to index
      %swap3A_506 = tpu.vector_load %arg10[%swap3A_504, %swap3A_505] {strides = array<i32>} : memref<3x2048xf32, #tpu.memory_space<vmem>>, vector<16xf32>,
      tpu.vector_store %arg10[%swap3A_504, %swap3A_505], %gather3A {strides = array<i32>} : memref<3x2048xf32, #tpu.memory_space<vmem>>, vector<16xf32>,
      %broadcast_in_dim3A_507 = arith.constant 1 : i32
      %broadcast_in_dim3A_508 = vector.broadcast %broadcast_in_dim3A_507 : i32 to vector<16xi32>
      %gather3A_509 = tpu.vector_load_idx %arg9[%add3A_500, %broadcast_in_dim3A_508] : memref<2048x8xf32, #tpu.memory_space<vmem>>[vector<16xi32>, vector<16xi32>], vector<16xf32>,
      %mul3A_510 = arith.constant 16 : i32
      %mul3A_511 = arith.muli %scan3A_495, %mul3A_510 : i32
      %swap3A_512 = arith.constant 1 : i32
      %swap3A_513 = arith.index_cast %swap3A_512 : i32 to index
      %swap3A_514 = arith.index_cast %mul3A_511 : i32 to index
      %swap3A_515 = tpu.vector_load %arg10[%swap3A_513, %swap3A_514] {strides = array<i32>} : memref<3x2048xf32, #tpu.memory_space<vmem>>, vector<16xf32>,
      tpu.vector_store %arg10[%swap3A_513, %swap3A_514], %gather3A_509 {strides = array<i32>} : memref<3x2048xf32, #tpu.memory_space<vmem>>, vector<16xf32>,
      %broadcast_in_dim3A_516 = arith.constant 2 : i32
      %broadcast_in_dim3A_517 = vector.broadcast %broadcast_in_dim3A_516 : i32 to vector<16xi32>
      %gather3A_518 = tpu.vector_load_idx %arg9[%add3A_500, %broadcast_in_dim3A_517] : memref<2048x8xf32, #tpu.memory_space<vmem>>[vector<16xi32>, vector<16xi32>], vector<16xf32>,
      %mul3A_519 = arith.constant 16 : i32
      %mul3A_520 = arith.muli %scan3A_495, %mul3A_519 : i32
      %swap3A_521 = arith.constant 2 : i32
      %swap3A_522 = arith.index_cast %swap3A_521 : i32 to index
      %swap3A_523 = arith.index_cast %mul3A_520 : i32 to index
      %swap3A_524 = tpu.vector_load %arg10[%swap3A_522, %swap3A_523] {strides = array<i32>} : memref<3x2048xf32, #tpu.memory_space<vmem>>, vector<16xf32>,
      tpu.vector_store %arg10[%swap3A_522, %swap3A_523], %gather3A_518 {strides = array<i32>} : memref<3x2048xf32, #tpu.memory_space<vmem>>, vector<16xf32>,
      %scan3A_525 = arith.constant 0 : i32
      scf.yield %scan3A_525 : i32
    }
    %scan3A_454 = arith.constant 128 : i32
    %run_scoped3A_455 = arith.constant 0 : i32
    %run_scoped3A_456 = arith.constant 0 : i32
    %run_scoped3A_457 = arith.constant 14 : i32
    "tpu.region"() ({
      %run_scoped3A_495 = tpu.sem_alloc : memref<!tpu.dma_semaphore, #tpu.memory_space<semaphore_mem>>
      %dma_start3A_496 = arith.constant 0 : i32
      %dma_start3A_497 = tpu.memref_slice %arg10[%run_scoped3A_455, %dma_start3A_496] : memref<3x2048xf32, #tpu.memory_space<vmem>> -> memref<1x2048xf32, #tpu.memory_space<vmem>>
      %dma_start3A_498 = tpu.memref_squeeze %dma_start3A_497 : memref<1x2048xf32, #tpu.memory_space<vmem>> -> memref<2048xf32, #tpu.memory_space<vmem>>
      %dma_start3A_499 = tpu.memref_slice %arg6[%run_scoped3A_456, %run_scoped3A_457, %mul3A_2] : memref<3x16x65536xf32, #tpu.memory_space<hbm>> -> memref<1x1x2048xf32, #tpu.memory_space<hbm>>
      %dma_start3A_500 = tpu.memref_squeeze %dma_start3A_499 : memref<1x1x2048xf32, #tpu.memory_space<hbm>> -> memref<2048xf32, #tpu.memory_space<hbm>>
      %dma_start3A_501 = tpu.memref_slice %arg6[%run_scoped3A_456, %run_scoped3A_457, %mul3A_2] : memref<3x16x65536xf32, #tpu.memory_space<hbm>> -> memref<1x1x2048xf32, #tpu.memory_space<hbm>>
      %dma_start3A_502 = tpu.memref_squeeze %dma_start3A_501 : memref<1x1x2048xf32, #tpu.memory_space<hbm>> -> memref<2048xf32, #tpu.memory_space<hbm>>
      %dma_start3A_503 = arith.constant 0 : i32
      %dma_start3A_504 = tpu.memref_slice %arg10[%run_scoped3A_455, %dma_start3A_503] : memref<3x2048xf32, #tpu.memory_space<vmem>> -> memref<1x2048xf32, #tpu.memory_space<vmem>>
      %dma_start3A_505 = tpu.memref_squeeze %dma_start3A_504 : memref<1x2048xf32, #tpu.memory_space<vmem>> -> memref<2048xf32, #tpu.memory_space<vmem>>
      tpu.enqueue_dma source(%dma_start3A_505 : memref<2048xf32, #tpu.memory_space<vmem>>) target(%dma_start3A_502 : memref<2048xf32, #tpu.memory_space<hbm>>) target_semaphore(%run_scoped3A_495 : memref<!tpu.dma_semaphore, #tpu.memory_space<semaphore_mem>>)
      %dma_wait3A_506 = arith.constant 0 : i32
      %dma_wait3A_507 = tpu.memref_slice %arg10[%run_scoped3A_455, %dma_wait3A_506] : memref<3x2048xf32, #tpu.memory_space<vmem>> -> memref<1x2048xf32, #tpu.memory_space<vmem>>
      %dma_wait3A_508 = tpu.memref_squeeze %dma_wait3A_507 : memref<1x2048xf32, #tpu.memory_space<vmem>> -> memref<2048xf32, #tpu.memory_space<vmem>>
      %dma_wait3A_509 = tpu.memref_slice %arg6[%run_scoped3A_456, %run_scoped3A_457, %mul3A_2] : memref<3x16x65536xf32, #tpu.memory_space<hbm>> -> memref<1x1x2048xf32, #tpu.memory_space<hbm>>
      %dma_wait3A_510 = tpu.memref_squeeze %dma_wait3A_509 : memref<1x1x2048xf32, #tpu.memory_space<hbm>> -> memref<2048xf32, #tpu.memory_space<hbm>>
      %dma_wait3A_511 = tpu.memref_slice %arg6[%run_scoped3A_456, %run_scoped3A_457, %mul3A_2] : memref<3x16x65536xf32, #tpu.memory_space<hbm>> -> memref<1x1x2048xf32, #tpu.memory_space<hbm>>
      %dma_wait3A_512 = tpu.memref_squeeze %dma_wait3A_511 : memref<1x1x2048xf32, #tpu.memory_space<hbm>> -> memref<2048xf32, #tpu.memory_space<hbm>>
      %dma_wait3A_513 = arith.constant 0 : i32
      %dma_wait3A_514 = tpu.memref_slice %arg10[%run_scoped3A_455, %dma_wait3A_513] : memref<3x2048xf32, #tpu.memory_space<vmem>> -> memref<1x2048xf32, #tpu.memory_space<vmem>>
      %dma_wait3A_515 = tpu.memref_squeeze %dma_wait3A_514 : memref<1x2048xf32, #tpu.memory_space<vmem>> -> memref<2048xf32, #tpu.memory_space<vmem>>
      tpu.wait_dma2 semaphore(%run_scoped3A_495 : memref<!tpu.dma_semaphore, #tpu.memory_space<semaphore_mem>>) src(%dma_wait3A_515 : memref<2048xf32, #tpu.memory_space<vmem>>) dst(%dma_wait3A_512 : memref<2048xf32, #tpu.memory_space<hbm>>)
      tpu.yield
    }) : () -> ()
    %run_scoped3A_458 = arith.constant 1 : i32
    %run_scoped3A_459 = arith.constant 1 : i32
    %run_scoped3A_460 = arith.constant 14 : i32
    "tpu.region"() ({
      %run_scoped3A_495 = tpu.sem_alloc : memref<!tpu.dma_semaphore, #tpu.memory_space<semaphore_mem>>
      %dma_start3A_496 = arith.constant 0 : i32
      %dma_start3A_497 = tpu.memref_slice %arg10[%run_scoped3A_458, %dma_start3A_496] : memref<3x2048xf32, #tpu.memory_space<vmem>> -> memref<1x2048xf32, #tpu.memory_space<vmem>>
      %dma_start3A_498 = tpu.memref_squeeze %dma_start3A_497 : memref<1x2048xf32, #tpu.memory_space<vmem>> -> memref<2048xf32, #tpu.memory_space<vmem>>
      %dma_start3A_499 = tpu.memref_slice %arg6[%run_scoped3A_459, %run_scoped3A_460, %mul3A_2] : memref<3x16x65536xf32, #tpu.memory_space<hbm>> -> memref<1x1x2048xf32, #tpu.memory_space<hbm>>
      %dma_start3A_500 = tpu.memref_squeeze %dma_start3A_499 : memref<1x1x2048xf32, #tpu.memory_space<hbm>> -> memref<2048xf32, #tpu.memory_space<hbm>>
      %dma_start3A_501 = tpu.memref_slice %arg6[%run_scoped3A_459, %run_scoped3A_460, %mul3A_2] : memref<3x16x65536xf32, #tpu.memory_space<hbm>> -> memref<1x1x2048xf32, #tpu.memory_space<hbm>>
      %dma_start3A_502 = tpu.memref_squeeze %dma_start3A_501 : memref<1x1x2048xf32, #tpu.memory_space<hbm>> -> memref<2048xf32, #tpu.memory_space<hbm>>
      %dma_start3A_503 = arith.constant 0 : i32
      %dma_start3A_504 = tpu.memref_slice %arg10[%run_scoped3A_458, %dma_start3A_503] : memref<3x2048xf32, #tpu.memory_space<vmem>> -> memref<1x2048xf32, #tpu.memory_space<vmem>>
      %dma_start3A_505 = tpu.memref_squeeze %dma_start3A_504 : memref<1x2048xf32, #tpu.memory_space<vmem>> -> memref<2048xf32, #tpu.memory_space<vmem>>
      tpu.enqueue_dma source(%dma_start3A_505 : memref<2048xf32, #tpu.memory_space<vmem>>) target(%dma_start3A_502 : memref<2048xf32, #tpu.memory_space<hbm>>) target_semaphore(%run_scoped3A_495 : memref<!tpu.dma_semaphore, #tpu.memory_space<semaphore_mem>>)
      %dma_wait3A_506 = arith.constant 0 : i32
      %dma_wait3A_507 = tpu.memref_slice %arg10[%run_scoped3A_458, %dma_wait3A_506] : memref<3x2048xf32, #tpu.memory_space<vmem>> -> memref<1x2048xf32, #tpu.memory_space<vmem>>
      %dma_wait3A_508 = tpu.memref_squeeze %dma_wait3A_507 : memref<1x2048xf32, #tpu.memory_space<vmem>> -> memref<2048xf32, #tpu.memory_space<vmem>>
      %dma_wait3A_509 = tpu.memref_slice %arg6[%run_scoped3A_459, %run_scoped3A_460, %mul3A_2] : memref<3x16x65536xf32, #tpu.memory_space<hbm>> -> memref<1x1x2048xf32, #tpu.memory_space<hbm>>
      %dma_wait3A_510 = tpu.memref_squeeze %dma_wait3A_509 : memref<1x1x2048xf32, #tpu.memory_space<hbm>> -> memref<2048xf32, #tpu.memory_space<hbm>>
      %dma_wait3A_511 = tpu.memref_slice %arg6[%run_scoped3A_459, %run_scoped3A_460, %mul3A_2] : memref<3x16x65536xf32, #tpu.memory_space<hbm>> -> memref<1x1x2048xf32, #tpu.memory_space<hbm>>
      %dma_wait3A_512 = tpu.memref_squeeze %dma_wait3A_511 : memref<1x1x2048xf32, #tpu.memory_space<hbm>> -> memref<2048xf32, #tpu.memory_space<hbm>>
      %dma_wait3A_513 = arith.constant 0 : i32
      %dma_wait3A_514 = tpu.memref_slice %arg10[%run_scoped3A_458, %dma_wait3A_513] : memref<3x2048xf32, #tpu.memory_space<vmem>> -> memref<1x2048xf32, #tpu.memory_space<vmem>>
      %dma_wait3A_515 = tpu.memref_squeeze %dma_wait3A_514 : memref<1x2048xf32, #tpu.memory_space<vmem>> -> memref<2048xf32, #tpu.memory_space<vmem>>
      tpu.wait_dma2 semaphore(%run_scoped3A_495 : memref<!tpu.dma_semaphore, #tpu.memory_space<semaphore_mem>>) src(%dma_wait3A_515 : memref<2048xf32, #tpu.memory_space<vmem>>) dst(%dma_wait3A_512 : memref<2048xf32, #tpu.memory_space<hbm>>)
      tpu.yield
    }) : () -> ()
    %run_scoped3A_461 = arith.constant 2 : i32
    %run_scoped3A_462 = arith.constant 2 : i32
    %run_scoped3A_463 = arith.constant 14 : i32
    "tpu.region"() ({
      %run_scoped3A_495 = tpu.sem_alloc : memref<!tpu.dma_semaphore, #tpu.memory_space<semaphore_mem>>
      %dma_start3A_496 = arith.constant 0 : i32
      %dma_start3A_497 = tpu.memref_slice %arg10[%run_scoped3A_461, %dma_start3A_496] : memref<3x2048xf32, #tpu.memory_space<vmem>> -> memref<1x2048xf32, #tpu.memory_space<vmem>>
      %dma_start3A_498 = tpu.memref_squeeze %dma_start3A_497 : memref<1x2048xf32, #tpu.memory_space<vmem>> -> memref<2048xf32, #tpu.memory_space<vmem>>
      %dma_start3A_499 = tpu.memref_slice %arg6[%run_scoped3A_462, %run_scoped3A_463, %mul3A_2] : memref<3x16x65536xf32, #tpu.memory_space<hbm>> -> memref<1x1x2048xf32, #tpu.memory_space<hbm>>
      %dma_start3A_500 = tpu.memref_squeeze %dma_start3A_499 : memref<1x1x2048xf32, #tpu.memory_space<hbm>> -> memref<2048xf32, #tpu.memory_space<hbm>>
      %dma_start3A_501 = tpu.memref_slice %arg6[%run_scoped3A_462, %run_scoped3A_463, %mul3A_2] : memref<3x16x65536xf32, #tpu.memory_space<hbm>> -> memref<1x1x2048xf32, #tpu.memory_space<hbm>>
      %dma_start3A_502 = tpu.memref_squeeze %dma_start3A_501 : memref<1x1x2048xf32, #tpu.memory_space<hbm>> -> memref<2048xf32, #tpu.memory_space<hbm>>
      %dma_start3A_503 = arith.constant 0 : i32
      %dma_start3A_504 = tpu.memref_slice %arg10[%run_scoped3A_461, %dma_start3A_503] : memref<3x2048xf32, #tpu.memory_space<vmem>> -> memref<1x2048xf32, #tpu.memory_space<vmem>>
      %dma_start3A_505 = tpu.memref_squeeze %dma_start3A_504 : memref<1x2048xf32, #tpu.memory_space<vmem>> -> memref<2048xf32, #tpu.memory_space<vmem>>
      tpu.enqueue_dma source(%dma_start3A_505 : memref<2048xf32, #tpu.memory_space<vmem>>) target(%dma_start3A_502 : memref<2048xf32, #tpu.memory_space<hbm>>) target_semaphore(%run_scoped3A_495 : memref<!tpu.dma_semaphore, #tpu.memory_space<semaphore_mem>>)
      %dma_wait3A_506 = arith.constant 0 : i32
      %dma_wait3A_507 = tpu.memref_slice %arg10[%run_scoped3A_461, %dma_wait3A_506] : memref<3x2048xf32, #tpu.memory_space<vmem>> -> memref<1x2048xf32, #tpu.memory_space<vmem>>
      %dma_wait3A_508 = tpu.memref_squeeze %dma_wait3A_507 : memref<1x2048xf32, #tpu.memory_space<vmem>> -> memref<2048xf32, #tpu.memory_space<vmem>>
      %dma_wait3A_509 = tpu.memref_slice %arg6[%run_scoped3A_462, %run_scoped3A_463, %mul3A_2] : memref<3x16x65536xf32, #tpu.memory_space<hbm>> -> memref<1x1x2048xf32, #tpu.memory_space<hbm>>
      %dma_wait3A_510 = tpu.memref_squeeze %dma_wait3A_509 : memref<1x1x2048xf32, #tpu.memory_space<hbm>> -> memref<2048xf32, #tpu.memory_space<hbm>>
      %dma_wait3A_511 = tpu.memref_slice %arg6[%run_scoped3A_462, %run_scoped3A_463, %mul3A_2] : memref<3x16x65536xf32, #tpu.memory_space<hbm>> -> memref<1x1x2048xf32, #tpu.memory_space<hbm>>
      %dma_wait3A_512 = tpu.memref_squeeze %dma_wait3A_511 : memref<1x1x2048xf32, #tpu.memory_space<hbm>> -> memref<2048xf32, #tpu.memory_space<hbm>>
      %dma_wait3A_513 = arith.constant 0 : i32
      %dma_wait3A_514 = tpu.memref_slice %arg10[%run_scoped3A_461, %dma_wait3A_513] : memref<3x2048xf32, #tpu.memory_space<vmem>> -> memref<1x2048xf32, #tpu.memory_space<vmem>>
      %dma_wait3A_515 = tpu.memref_squeeze %dma_wait3A_514 : memref<1x2048xf32, #tpu.memory_space<vmem>> -> memref<2048xf32, #tpu.memory_space<vmem>>
      tpu.wait_dma2 semaphore(%run_scoped3A_495 : memref<!tpu.dma_semaphore, #tpu.memory_space<semaphore_mem>>) src(%dma_wait3A_515 : memref<2048xf32, #tpu.memory_space<vmem>>) dst(%dma_wait3A_512 : memref<2048xf32, #tpu.memory_space<hbm>>)
      tpu.yield
    }) : () -> ()
    %add3A_464 = arith.constant 983040 : i32
    %add3A_465 = arith.addi %add3A_464, %mul3A_2 : i32
    "tpu.region"() ({
      %run_scoped3A_495 = tpu.sem_alloc : memref<!tpu.dma_semaphore, #tpu.memory_space<semaphore_mem>>
      %dma_start3A_496 = tpu.memref_slice %arg2[%add3A_465] : memref<1048576xi32, #tpu.memory_space<hbm>> -> memref<2048xi32, #tpu.memory_space<hbm>>
      %dma_start3A_497 = tpu.memref_slice %arg2[%add3A_465] : memref<1048576xi32, #tpu.memory_space<hbm>> -> memref<2048xi32, #tpu.memory_space<hbm>>
      tpu.enqueue_dma source(%dma_start3A_497 : memref<2048xi32, #tpu.memory_space<hbm>>) target(%arg7 : memref<2048xi32, #tpu.memory_space<vmem>>) target_semaphore(%run_scoped3A_495 : memref<!tpu.dma_semaphore, #tpu.memory_space<semaphore_mem>>)
      %dma_wait3A_498 = tpu.memref_slice %arg2[%add3A_465] : memref<1048576xi32, #tpu.memory_space<hbm>> -> memref<2048xi32, #tpu.memory_space<hbm>>
      %dma_wait3A_499 = tpu.memref_slice %arg2[%add3A_465] : memref<1048576xi32, #tpu.memory_space<hbm>> -> memref<2048xi32, #tpu.memory_space<hbm>>
      tpu.wait_dma2 semaphore(%run_scoped3A_495 : memref<!tpu.dma_semaphore, #tpu.memory_space<semaphore_mem>>) src(%dma_wait3A_499 : memref<2048xi32, #tpu.memory_space<hbm>>) dst(%arg7 : memref<2048xi32, #tpu.memory_space<vmem>>)
      tpu.yield
    }) : () -> ()
    %dma_start3A_466 = arith.constant 0 : i32
    %dma_start3A_467 = arith.constant 0 : i32
    %dma_start3A_468 = tpu.memref_slice %arg3[%dma_start3A_466, %dma_start3A_467] : memref<4194304x16xf32, #tpu.memory_space<hbm>> -> memref<4194304x16xf32, #tpu.memory_space<hbm>>
    tpu.enqueue_indirect_dma source(%dma_start3A_468 : memref<4194304x16xf32, #tpu.memory_space<hbm>>) target(%arg8 : memref<2048x16xf32, #tpu.memory_space<vmem>>) offsets(%arg7 : memref<2048xi32, #tpu.memory_space<vmem>>) semaphore(%arg11 : memref<!tpu.dma_semaphore, #tpu.memory_space<semaphore_mem>>)
    %dma_start3A_469 = arith.constant 0 : i32
    %dma_start3A_470 = arith.constant 0 : i32
    %dma_start3A_471 = tpu.memref_slice %arg4[%dma_start3A_469, %dma_start3A_470] : memref<4194304x8xf32, #tpu.memory_space<hbm>> -> memref<4194304x8xf32, #tpu.memory_space<hbm>>
    tpu.enqueue_indirect_dma source(%dma_start3A_471 : memref<4194304x8xf32, #tpu.memory_space<hbm>>) target(%arg9 : memref<2048x8xf32, #tpu.memory_space<vmem>>) offsets(%arg7 : memref<2048xi32, #tpu.memory_space<vmem>>) semaphore(%arg12 : memref<!tpu.dma_semaphore, #tpu.memory_space<semaphore_mem>>)
    %dma_wait3A_472 = arith.constant 0 : i32
    %dma_wait3A_473 = arith.constant 0 : i32
    %dma_wait3A_474 = tpu.memref_slice %arg3[%dma_wait3A_472, %dma_wait3A_473] : memref<4194304x16xf32, #tpu.memory_space<hbm>> -> memref<4194304x16xf32, #tpu.memory_space<hbm>>
    tpu.wait_indirect_dma semaphore(%arg11 : memref<!tpu.dma_semaphore, #tpu.memory_space<semaphore_mem>>) src(%dma_wait3A_474 : memref<4194304x16xf32, #tpu.memory_space<hbm>>) dst(%arg8 : memref<2048x16xf32, #tpu.memory_space<vmem>>)
    %run_scoped3A_475 = arith.constant 15 : i32
    "tpu.region"() ({
      %run_scoped3A_495 = tpu.sem_alloc : memref<!tpu.dma_semaphore, #tpu.memory_space<semaphore_mem>>
      %dma_start3A_496 = arith.constant 0 : i32
      %dma_start3A_497 = tpu.memref_slice %arg5[%run_scoped3A_475, %mul3A_2, %dma_start3A_496] : memref<16x65536x16xf32, #tpu.memory_space<hbm>> -> memref<1x2048x16xf32, #tpu.memory_space<hbm>>
      %dma_start3A_498 = tpu.memref_squeeze %dma_start3A_497 : memref<1x2048x16xf32, #tpu.memory_space<hbm>> -> memref<2048x16xf32, #tpu.memory_space<hbm>>
      %dma_start3A_499 = arith.constant 0 : i32
      %dma_start3A_500 = tpu.memref_slice %arg5[%run_scoped3A_475, %mul3A_2, %dma_start3A_499] : memref<16x65536x16xf32, #tpu.memory_space<hbm>> -> memref<1x2048x16xf32, #tpu.memory_space<hbm>>
      %dma_start3A_501 = tpu.memref_squeeze %dma_start3A_500 : memref<1x2048x16xf32, #tpu.memory_space<hbm>> -> memref<2048x16xf32, #tpu.memory_space<hbm>>
      tpu.enqueue_dma source(%arg8 : memref<2048x16xf32, #tpu.memory_space<vmem>>) target(%dma_start3A_501 : memref<2048x16xf32, #tpu.memory_space<hbm>>) target_semaphore(%run_scoped3A_495 : memref<!tpu.dma_semaphore, #tpu.memory_space<semaphore_mem>>)
      %dma_wait3A_502 = arith.constant 0 : i32
      %dma_wait3A_503 = tpu.memref_slice %arg5[%run_scoped3A_475, %mul3A_2, %dma_wait3A_502] : memref<16x65536x16xf32, #tpu.memory_space<hbm>> -> memref<1x2048x16xf32, #tpu.memory_space<hbm>>
      %dma_wait3A_504 = tpu.memref_squeeze %dma_wait3A_503 : memref<1x2048x16xf32, #tpu.memory_space<hbm>> -> memref<2048x16xf32, #tpu.memory_space<hbm>>
      %dma_wait3A_505 = arith.constant 0 : i32
      %dma_wait3A_506 = tpu.memref_slice %arg5[%run_scoped3A_475, %mul3A_2, %dma_wait3A_505] : memref<16x65536x16xf32, #tpu.memory_space<hbm>> -> memref<1x2048x16xf32, #tpu.memory_space<hbm>>
      %dma_wait3A_507 = tpu.memref_squeeze %dma_wait3A_506 : memref<1x2048x16xf32, #tpu.memory_space<hbm>> -> memref<2048x16xf32, #tpu.memory_space<hbm>>
      tpu.wait_dma2 semaphore(%run_scoped3A_495 : memref<!tpu.dma_semaphore, #tpu.memory_space<semaphore_mem>>) src(%arg8 : memref<2048x16xf32, #tpu.memory_space<vmem>>) dst(%dma_wait3A_507 : memref<2048x16xf32, #tpu.memory_space<hbm>>)
      tpu.yield
    }) : () -> ()
    %dma_wait3A_476 = arith.constant 0 : i32
    %dma_wait3A_477 = arith.constant 0 : i32
    %dma_wait3A_478 = tpu.memref_slice %arg4[%dma_wait3A_476, %dma_wait3A_477] : memref<4194304x8xf32, #tpu.memory_space<hbm>> -> memref<4194304x8xf32, #tpu.memory_space<hbm>>
    tpu.wait_indirect_dma semaphore(%arg12 : memref<!tpu.dma_semaphore, #tpu.memory_space<semaphore_mem>>) src(%dma_wait3A_478 : memref<4194304x8xf32, #tpu.memory_space<hbm>>) dst(%arg9 : memref<2048x8xf32, #tpu.memory_space<vmem>>)
    %scan3A_479 = arith.constant 0 : i32
    %scan3A_480 = arith.constant 0 : i32
    %scan3A_481 = arith.constant 128 : i32
    %scan3A_482 = arith.addi %scan3A_480, %scan3A_481 : i32
    %scan3A_483 = arith.constant 1 : i32
    %scan3A_484 = scf.for %scan3A_495 = %scan3A_480 to %scan3A_482 step %scan3A_483 iter_args(%scan3A_496 = %scan3A_479) -> (i32)  : i32 {
      %mul3A_497 = arith.constant 16 : i32
      %mul3A_498 = arith.muli %scan3A_495, %mul3A_497 : i32
      %add3A_499 = vector.broadcast %mul3A_498 : i32 to vector<16xi32>
      %add3A_500 = arith.addi %add3A_499, %iota3A : vector<16xi32>
      %broadcast_in_dim3A = arith.constant 0 : i32
      %broadcast_in_dim3A_501 = vector.broadcast %broadcast_in_dim3A : i32 to vector<16xi32>
      %gather3A = tpu.vector_load_idx %arg9[%add3A_500, %broadcast_in_dim3A_501] : memref<2048x8xf32, #tpu.memory_space<vmem>>[vector<16xi32>, vector<16xi32>], vector<16xf32>,
      %mul3A_502 = arith.constant 16 : i32
      %mul3A_503 = arith.muli %scan3A_495, %mul3A_502 : i32
      %swap3A = arith.constant 0 : i32
      %swap3A_504 = arith.index_cast %swap3A : i32 to index
      %swap3A_505 = arith.index_cast %mul3A_503 : i32 to index
      %swap3A_506 = tpu.vector_load %arg10[%swap3A_504, %swap3A_505] {strides = array<i32>} : memref<3x2048xf32, #tpu.memory_space<vmem>>, vector<16xf32>,
      tpu.vector_store %arg10[%swap3A_504, %swap3A_505], %gather3A {strides = array<i32>} : memref<3x2048xf32, #tpu.memory_space<vmem>>, vector<16xf32>,
      %broadcast_in_dim3A_507 = arith.constant 1 : i32
      %broadcast_in_dim3A_508 = vector.broadcast %broadcast_in_dim3A_507 : i32 to vector<16xi32>
      %gather3A_509 = tpu.vector_load_idx %arg9[%add3A_500, %broadcast_in_dim3A_508] : memref<2048x8xf32, #tpu.memory_space<vmem>>[vector<16xi32>, vector<16xi32>], vector<16xf32>,
      %mul3A_510 = arith.constant 16 : i32
      %mul3A_511 = arith.muli %scan3A_495, %mul3A_510 : i32
      %swap3A_512 = arith.constant 1 : i32
      %swap3A_513 = arith.index_cast %swap3A_512 : i32 to index
      %swap3A_514 = arith.index_cast %mul3A_511 : i32 to index
      %swap3A_515 = tpu.vector_load %arg10[%swap3A_513, %swap3A_514] {strides = array<i32>} : memref<3x2048xf32, #tpu.memory_space<vmem>>, vector<16xf32>,
      tpu.vector_store %arg10[%swap3A_513, %swap3A_514], %gather3A_509 {strides = array<i32>} : memref<3x2048xf32, #tpu.memory_space<vmem>>, vector<16xf32>,
      %broadcast_in_dim3A_516 = arith.constant 2 : i32
      %broadcast_in_dim3A_517 = vector.broadcast %broadcast_in_dim3A_516 : i32 to vector<16xi32>
      %gather3A_518 = tpu.vector_load_idx %arg9[%add3A_500, %broadcast_in_dim3A_517] : memref<2048x8xf32, #tpu.memory_space<vmem>>[vector<16xi32>, vector<16xi32>], vector<16xf32>,
      %mul3A_519 = arith.constant 16 : i32
      %mul3A_520 = arith.muli %scan3A_495, %mul3A_519 : i32
      %swap3A_521 = arith.constant 2 : i32
      %swap3A_522 = arith.index_cast %swap3A_521 : i32 to index
      %swap3A_523 = arith.index_cast %mul3A_520 : i32 to index
      %swap3A_524 = tpu.vector_load %arg10[%swap3A_522, %swap3A_523] {strides = array<i32>} : memref<3x2048xf32, #tpu.memory_space<vmem>>, vector<16xf32>,
      tpu.vector_store %arg10[%swap3A_522, %swap3A_523], %gather3A_518 {strides = array<i32>} : memref<3x2048xf32, #tpu.memory_space<vmem>>, vector<16xf32>,
      %scan3A_525 = arith.constant 0 : i32
      scf.yield %scan3A_525 : i32
    }
    %scan3A_485 = arith.constant 128 : i32
    %run_scoped3A_486 = arith.constant 0 : i32
    %run_scoped3A_487 = arith.constant 0 : i32
    %run_scoped3A_488 = arith.constant 15 : i32
    "tpu.region"() ({
      %run_scoped3A_495 = tpu.sem_alloc : memref<!tpu.dma_semaphore, #tpu.memory_space<semaphore_mem>>
      %dma_start3A_496 = arith.constant 0 : i32
      %dma_start3A_497 = tpu.memref_slice %arg10[%run_scoped3A_486, %dma_start3A_496] : memref<3x2048xf32, #tpu.memory_space<vmem>> -> memref<1x2048xf32, #tpu.memory_space<vmem>>
      %dma_start3A_498 = tpu.memref_squeeze %dma_start3A_497 : memref<1x2048xf32, #tpu.memory_space<vmem>> -> memref<2048xf32, #tpu.memory_space<vmem>>
      %dma_start3A_499 = tpu.memref_slice %arg6[%run_scoped3A_487, %run_scoped3A_488, %mul3A_2] : memref<3x16x65536xf32, #tpu.memory_space<hbm>> -> memref<1x1x2048xf32, #tpu.memory_space<hbm>>
      %dma_start3A_500 = tpu.memref_squeeze %dma_start3A_499 : memref<1x1x2048xf32, #tpu.memory_space<hbm>> -> memref<2048xf32, #tpu.memory_space<hbm>>
      %dma_start3A_501 = tpu.memref_slice %arg6[%run_scoped3A_487, %run_scoped3A_488, %mul3A_2] : memref<3x16x65536xf32, #tpu.memory_space<hbm>> -> memref<1x1x2048xf32, #tpu.memory_space<hbm>>
      %dma_start3A_502 = tpu.memref_squeeze %dma_start3A_501 : memref<1x1x2048xf32, #tpu.memory_space<hbm>> -> memref<2048xf32, #tpu.memory_space<hbm>>
      %dma_start3A_503 = arith.constant 0 : i32
      %dma_start3A_504 = tpu.memref_slice %arg10[%run_scoped3A_486, %dma_start3A_503] : memref<3x2048xf32, #tpu.memory_space<vmem>> -> memref<1x2048xf32, #tpu.memory_space<vmem>>
      %dma_start3A_505 = tpu.memref_squeeze %dma_start3A_504 : memref<1x2048xf32, #tpu.memory_space<vmem>> -> memref<2048xf32, #tpu.memory_space<vmem>>
      tpu.enqueue_dma source(%dma_start3A_505 : memref<2048xf32, #tpu.memory_space<vmem>>) target(%dma_start3A_502 : memref<2048xf32, #tpu.memory_space<hbm>>) target_semaphore(%run_scoped3A_495 : memref<!tpu.dma_semaphore, #tpu.memory_space<semaphore_mem>>)
      %dma_wait3A_506 = arith.constant 0 : i32
      %dma_wait3A_507 = tpu.memref_slice %arg10[%run_scoped3A_486, %dma_wait3A_506] : memref<3x2048xf32, #tpu.memory_space<vmem>> -> memref<1x2048xf32, #tpu.memory_space<vmem>>
      %dma_wait3A_508 = tpu.memref_squeeze %dma_wait3A_507 : memref<1x2048xf32, #tpu.memory_space<vmem>> -> memref<2048xf32, #tpu.memory_space<vmem>>
      %dma_wait3A_509 = tpu.memref_slice %arg6[%run_scoped3A_487, %run_scoped3A_488, %mul3A_2] : memref<3x16x65536xf32, #tpu.memory_space<hbm>> -> memref<1x1x2048xf32, #tpu.memory_space<hbm>>
      %dma_wait3A_510 = tpu.memref_squeeze %dma_wait3A_509 : memref<1x1x2048xf32, #tpu.memory_space<hbm>> -> memref<2048xf32, #tpu.memory_space<hbm>>
      %dma_wait3A_511 = tpu.memref_slice %arg6[%run_scoped3A_487, %run_scoped3A_488, %mul3A_2] : memref<3x16x65536xf32, #tpu.memory_space<hbm>> -> memref<1x1x2048xf32, #tpu.memory_space<hbm>>
      %dma_wait3A_512 = tpu.memref_squeeze %dma_wait3A_511 : memref<1x1x2048xf32, #tpu.memory_space<hbm>> -> memref<2048xf32, #tpu.memory_space<hbm>>
      %dma_wait3A_513 = arith.constant 0 : i32
      %dma_wait3A_514 = tpu.memref_slice %arg10[%run_scoped3A_486, %dma_wait3A_513] : memref<3x2048xf32, #tpu.memory_space<vmem>> -> memref<1x2048xf32, #tpu.memory_space<vmem>>
      %dma_wait3A_515 = tpu.memref_squeeze %dma_wait3A_514 : memref<1x2048xf32, #tpu.memory_space<vmem>> -> memref<2048xf32, #tpu.memory_space<vmem>>
      tpu.wait_dma2 semaphore(%run_scoped3A_495 : memref<!tpu.dma_semaphore, #tpu.memory_space<semaphore_mem>>) src(%dma_wait3A_515 : memref<2048xf32, #tpu.memory_space<vmem>>) dst(%dma_wait3A_512 : memref<2048xf32, #tpu.memory_space<hbm>>)
      tpu.yield
    }) : () -> ()
    %run_scoped3A_489 = arith.constant 1 : i32
    %run_scoped3A_490 = arith.constant 1 : i32
    %run_scoped3A_491 = arith.constant 15 : i32
    "tpu.region"() ({
      %run_scoped3A_495 = tpu.sem_alloc : memref<!tpu.dma_semaphore, #tpu.memory_space<semaphore_mem>>
      %dma_start3A_496 = arith.constant 0 : i32
      %dma_start3A_497 = tpu.memref_slice %arg10[%run_scoped3A_489, %dma_start3A_496] : memref<3x2048xf32, #tpu.memory_space<vmem>> -> memref<1x2048xf32, #tpu.memory_space<vmem>>
      %dma_start3A_498 = tpu.memref_squeeze %dma_start3A_497 : memref<1x2048xf32, #tpu.memory_space<vmem>> -> memref<2048xf32, #tpu.memory_space<vmem>>
      %dma_start3A_499 = tpu.memref_slice %arg6[%run_scoped3A_490, %run_scoped3A_491, %mul3A_2] : memref<3x16x65536xf32, #tpu.memory_space<hbm>> -> memref<1x1x2048xf32, #tpu.memory_space<hbm>>
      %dma_start3A_500 = tpu.memref_squeeze %dma_start3A_499 : memref<1x1x2048xf32, #tpu.memory_space<hbm>> -> memref<2048xf32, #tpu.memory_space<hbm>>
      %dma_start3A_501 = tpu.memref_slice %arg6[%run_scoped3A_490, %run_scoped3A_491, %mul3A_2] : memref<3x16x65536xf32, #tpu.memory_space<hbm>> -> memref<1x1x2048xf32, #tpu.memory_space<hbm>>
      %dma_start3A_502 = tpu.memref_squeeze %dma_start3A_501 : memref<1x1x2048xf32, #tpu.memory_space<hbm>> -> memref<2048xf32, #tpu.memory_space<hbm>>
      %dma_start3A_503 = arith.constant 0 : i32
      %dma_start3A_504 = tpu.memref_slice %arg10[%run_scoped3A_489, %dma_start3A_503] : memref<3x2048xf32, #tpu.memory_space<vmem>> -> memref<1x2048xf32, #tpu.memory_space<vmem>>
      %dma_start3A_505 = tpu.memref_squeeze %dma_start3A_504 : memref<1x2048xf32, #tpu.memory_space<vmem>> -> memref<2048xf32, #tpu.memory_space<vmem>>
      tpu.enqueue_dma source(%dma_start3A_505 : memref<2048xf32, #tpu.memory_space<vmem>>) target(%dma_start3A_502 : memref<2048xf32, #tpu.memory_space<hbm>>) target_semaphore(%run_scoped3A_495 : memref<!tpu.dma_semaphore, #tpu.memory_space<semaphore_mem>>)
      %dma_wait3A_506 = arith.constant 0 : i32
      %dma_wait3A_507 = tpu.memref_slice %arg10[%run_scoped3A_489, %dma_wait3A_506] : memref<3x2048xf32, #tpu.memory_space<vmem>> -> memref<1x2048xf32, #tpu.memory_space<vmem>>
      %dma_wait3A_508 = tpu.memref_squeeze %dma_wait3A_507 : memref<1x2048xf32, #tpu.memory_space<vmem>> -> memref<2048xf32, #tpu.memory_space<vmem>>
      %dma_wait3A_509 = tpu.memref_slice %arg6[%run_scoped3A_490, %run_scoped3A_491, %mul3A_2] : memref<3x16x65536xf32, #tpu.memory_space<hbm>> -> memref<1x1x2048xf32, #tpu.memory_space<hbm>>
      %dma_wait3A_510 = tpu.memref_squeeze %dma_wait3A_509 : memref<1x1x2048xf32, #tpu.memory_space<hbm>> -> memref<2048xf32, #tpu.memory_space<hbm>>
      %dma_wait3A_511 = tpu.memref_slice %arg6[%run_scoped3A_490, %run_scoped3A_491, %mul3A_2] : memref<3x16x65536xf32, #tpu.memory_space<hbm>> -> memref<1x1x2048xf32, #tpu.memory_space<hbm>>
      %dma_wait3A_512 = tpu.memref_squeeze %dma_wait3A_511 : memref<1x1x2048xf32, #tpu.memory_space<hbm>> -> memref<2048xf32, #tpu.memory_space<hbm>>
      %dma_wait3A_513 = arith.constant 0 : i32
      %dma_wait3A_514 = tpu.memref_slice %arg10[%run_scoped3A_489, %dma_wait3A_513] : memref<3x2048xf32, #tpu.memory_space<vmem>> -> memref<1x2048xf32, #tpu.memory_space<vmem>>
      %dma_wait3A_515 = tpu.memref_squeeze %dma_wait3A_514 : memref<1x2048xf32, #tpu.memory_space<vmem>> -> memref<2048xf32, #tpu.memory_space<vmem>>
      tpu.wait_dma2 semaphore(%run_scoped3A_495 : memref<!tpu.dma_semaphore, #tpu.memory_space<semaphore_mem>>) src(%dma_wait3A_515 : memref<2048xf32, #tpu.memory_space<vmem>>) dst(%dma_wait3A_512 : memref<2048xf32, #tpu.memory_space<hbm>>)
      tpu.yield
    }) : () -> ()
    %run_scoped3A_492 = arith.constant 2 : i32
    %run_scoped3A_493 = arith.constant 2 : i32
    %run_scoped3A_494 = arith.constant 15 : i32
    "tpu.region"() ({
      %run_scoped3A_495 = tpu.sem_alloc : memref<!tpu.dma_semaphore, #tpu.memory_space<semaphore_mem>>
      %dma_start3A_496 = arith.constant 0 : i32
      %dma_start3A_497 = tpu.memref_slice %arg10[%run_scoped3A_492, %dma_start3A_496] : memref<3x2048xf32, #tpu.memory_space<vmem>> -> memref<1x2048xf32, #tpu.memory_space<vmem>>
      %dma_start3A_498 = tpu.memref_squeeze %dma_start3A_497 : memref<1x2048xf32, #tpu.memory_space<vmem>> -> memref<2048xf32, #tpu.memory_space<vmem>>
      %dma_start3A_499 = tpu.memref_slice %arg6[%run_scoped3A_493, %run_scoped3A_494, %mul3A_2] : memref<3x16x65536xf32, #tpu.memory_space<hbm>> -> memref<1x1x2048xf32, #tpu.memory_space<hbm>>
      %dma_start3A_500 = tpu.memref_squeeze %dma_start3A_499 : memref<1x1x2048xf32, #tpu.memory_space<hbm>> -> memref<2048xf32, #tpu.memory_space<hbm>>
      %dma_start3A_501 = tpu.memref_slice %arg6[%run_scoped3A_493, %run_scoped3A_494, %mul3A_2] : memref<3x16x65536xf32, #tpu.memory_space<hbm>> -> memref<1x1x2048xf32, #tpu.memory_space<hbm>>
      %dma_start3A_502 = tpu.memref_squeeze %dma_start3A_501 : memref<1x1x2048xf32, #tpu.memory_space<hbm>> -> memref<2048xf32, #tpu.memory_space<hbm>>
      %dma_start3A_503 = arith.constant 0 : i32
      %dma_start3A_504 = tpu.memref_slice %arg10[%run_scoped3A_492, %dma_start3A_503] : memref<3x2048xf32, #tpu.memory_space<vmem>> -> memref<1x2048xf32, #tpu.memory_space<vmem>>
      %dma_start3A_505 = tpu.memref_squeeze %dma_start3A_504 : memref<1x2048xf32, #tpu.memory_space<vmem>> -> memref<2048xf32, #tpu.memory_space<vmem>>
      tpu.enqueue_dma source(%dma_start3A_505 : memref<2048xf32, #tpu.memory_space<vmem>>) target(%dma_start3A_502 : memref<2048xf32, #tpu.memory_space<hbm>>) target_semaphore(%run_scoped3A_495 : memref<!tpu.dma_semaphore, #tpu.memory_space<semaphore_mem>>)
      %dma_wait3A_506 = arith.constant 0 : i32
      %dma_wait3A_507 = tpu.memref_slice %arg10[%run_scoped3A_492, %dma_wait3A_506] : memref<3x2048xf32, #tpu.memory_space<vmem>> -> memref<1x2048xf32, #tpu.memory_space<vmem>>
      %dma_wait3A_508 = tpu.memref_squeeze %dma_wait3A_507 : memref<1x2048xf32, #tpu.memory_space<vmem>> -> memref<2048xf32, #tpu.memory_space<vmem>>
      %dma_wait3A_509 = tpu.memref_slice %arg6[%run_scoped3A_493, %run_scoped3A_494, %mul3A_2] : memref<3x16x65536xf32, #tpu.memory_space<hbm>> -> memref<1x1x2048xf32, #tpu.memory_space<hbm>>
      %dma_wait3A_510 = tpu.memref_squeeze %dma_wait3A_509 : memref<1x1x2048xf32, #tpu.memory_space<hbm>> -> memref<2048xf32, #tpu.memory_space<hbm>>
      %dma_wait3A_511 = tpu.memref_slice %arg6[%run_scoped3A_493, %run_scoped3A_494, %mul3A_2] : memref<3x16x65536xf32, #tpu.memory_space<hbm>> -> memref<1x1x2048xf32, #tpu.memory_space<hbm>>
      %dma_wait3A_512 = tpu.memref_squeeze %dma_wait3A_511 : memref<1x1x2048xf32, #tpu.memory_space<hbm>> -> memref<2048xf32, #tpu.memory_space<hbm>>
      %dma_wait3A_513 = arith.constant 0 : i32
      %dma_wait3A_514 = tpu.memref_slice %arg10[%run_scoped3A_492, %dma_wait3A_513] : memref<3x2048xf32, #tpu.memory_space<vmem>> -> memref<1x2048xf32, #tpu.memory_space<vmem>>
      %dma_wait3A_515 = tpu.memref_squeeze %dma_wait3A_514 : memref<1x2048xf32, #tpu.memory_space<vmem>> -> memref<2048xf32, #tpu.memory_space<vmem>>
      tpu.wait_dma2 semaphore(%run_scoped3A_495 : memref<!tpu.dma_semaphore, #tpu.memory_space<semaphore_mem>>) src(%dma_wait3A_515 : memref<2048xf32, #tpu.memory_space<vmem>>) dst(%dma_wait3A_512 : memref<2048xf32, #tpu.memory_space<hbm>>)
      tpu.yield
    }) : () -> ()
    return
  }
}

module attributes {stable_mosaic.version = 14 : i64} {
  func.func @_repack_body(%arg0: i32, %arg1: i32, %arg2: memref<1x8x16x512xf32, #tpu.memory_space<vmem>>, %arg3: memref<1x3x8x512xf32, #tpu.memory_space<vmem>>, %arg4: memref<4096x16xf32, #tpu.memory_space<vmem>>, %arg5: memref<4096x8xf32, #tpu.memory_space<vmem>>) attributes {dimension_semantics = [#tpu.dimension_semantics<arbitrary>, #tpu.dimension_semantics<arbitrary>], iteration_bounds = array<i64: 16, 64>, scalar_prefetch = 0 : i64, scratch_operands = 0 : i64, tpu.core_type = #tpu.core_type<tc>, window_params = [{transform_indices = @transform_0, window_bounds = array<i64: 1, 8, 16, 512>}, {transform_indices = @transform_1, window_bounds = array<i64: 1, 3, 8, 512>}, {transform_indices = @transform_2, window_bounds = array<i64: 4096, 16>}, {transform_indices = @transform_3, window_bounds = array<i64: 4096, 8>}]} {
    %get3A = arith.constant 0 : index
    %get3A_0 = arith.constant 0 : index
    %get3A_1 = arith.constant 0 : index
    %get3A_2 = arith.constant 0 : index
    %get3A_3 = vector.load %arg2[%get3A, %get3A_0, %get3A_1, %get3A_2] : memref<1x8x16x512xf32, #tpu.memory_space<vmem>>, vector<1x8x16x512xf32>
    %get3A_4 = vector.shape_cast %get3A_3 : vector<1x8x16x512xf32> to vector<8x16x512xf32>
    %get3A_5 = arith.constant 0 : index
    %get3A_6 = arith.constant 0 : index
    %get3A_7 = arith.constant 0 : index
    %get3A_8 = arith.constant 0 : index
    %get3A_9 = vector.load %arg3[%get3A_5, %get3A_6, %get3A_7, %get3A_8] : memref<1x3x8x512xf32, #tpu.memory_space<vmem>>, vector<1x3x8x512xf32>
    %get3A_10 = vector.shape_cast %get3A_9 : vector<1x3x8x512xf32> to vector<3x8x512xf32>
    %transpose3A = tpu.transpose %get3A_4, [0, 2, 1] : vector<8x16x512xf32> -> vector<8x512x16xf32>
    %reshape3A = vector.shape_cast %transpose3A : vector<8x512x16xf32> to vector<4096x16xf32>
    %swap3A = arith.constant 0 : index
    %swap3A_11 = arith.constant 0 : index
    %swap3A_12 = vector.load %arg4[%swap3A, %swap3A_11] : memref<4096x16xf32, #tpu.memory_space<vmem>>, vector<4096x16xf32>
    tpu.vector_store %arg4[%swap3A, %swap3A_11], %reshape3A {strides = array<i32>} : memref<4096x16xf32, #tpu.memory_space<vmem>>, vector<4096x16xf32>,
    %reshape3A_13 = vector.shape_cast %get3A_10 : vector<3x8x512xf32> to vector<3x4096xf32>
    %transpose3A_14 = tpu.transpose %reshape3A_13, [1, 0] : vector<3x4096xf32> -> vector<4096x3xf32>
    %swap3A_15 = arith.constant 0 : index
    %swap3A_16 = arith.constant 0 : index
    %swap3A_17 = vector.load %arg5[%swap3A_15, %swap3A_16] : memref<4096x8xf32, #tpu.memory_space<vmem>>, vector<4096x3xf32>
    tpu.vector_store %arg5[%swap3A_15, %swap3A_16], %transpose3A_14 {strides = array<i32>} : memref<4096x8xf32, #tpu.memory_space<vmem>>, vector<4096x3xf32>,
    return
  }
  func.func @transform_0(%arg0: i32, %arg1: i32) -> (i32, i32, i32, i32) {
    %c0_i32 = arith.constant 0 : i32
    %c0_i32_0 = arith.constant 0 : i32
    %c0_i32_1 = arith.constant 0 : i32
    return %arg0, %arg1, %c0_i32, %c0_i32_0 : i32, i32, i32, i32
  }
  func.func @transform_1(%arg0: i32, %arg1: i32) -> (i32, i32, i32, i32) {
    %c0_i32 = arith.constant 0 : i32
    %c0_i32_0 = arith.constant 0 : i32
    %c0_i32_1 = arith.constant 0 : i32
    return %arg0, %c0_i32, %arg1, %c0_i32_0 : i32, i32, i32, i32
  }
  func.func @transform_2(%arg0: i32, %arg1: i32) -> (i32, i32) {
    %mul3A = arith.constant 64 : i32
    %mul3A_0 = arith.muli %arg0, %mul3A : i32
    %add3A = arith.addi %mul3A_0, %arg1 : i32
    %c0_i32 = arith.constant 0 : i32
    %c0_i32_1 = arith.constant 0 : i32
    return %add3A, %c0_i32 : i32, i32
  }
  func.func @transform_3(%arg0: i32, %arg1: i32) -> (i32, i32) {
    %mul3A = arith.constant 64 : i32
    %mul3A_0 = arith.muli %arg0, %mul3A : i32
    %add3A = arith.addi %mul3A_0, %arg1 : i32
    %c0_i32 = arith.constant 0 : i32
    %c0_i32_1 = arith.constant 0 : i32
    return %add3A, %c0_i32 : i32, i32
  }
}

module attributes {stable_mosaic.version = 14 : i64} {
  func.func @_proj_body(%arg0: memref<48x4xf32, #tpu.memory_space<vmem>>, %arg1: memref<4x65536xf32, #tpu.memory_space<vmem>>, %arg2: memref<16x512x128xi32, #tpu.memory_space<vmem>>, %arg3: memref<16x512x128xi32, #tpu.memory_space<vmem>>) attributes {dimension_semantics = [], scalar_prefetch = 0 : i64, scratch_operands = 0 : i64, tpu.core_type = #tpu.core_type<tc>} {
    %get3A = arith.constant 0 : index
    %get3A_0 = arith.constant 0 : index
    %get3A_1 = vector.load %arg0[%get3A, %get3A_0] : memref<48x4xf32, #tpu.memory_space<vmem>>, vector<48x4xf32>
    %get3A_2 = arith.constant 0 : index
    %get3A_3 = arith.constant 0 : index
    %get3A_4 = vector.load %arg1[%get3A_2, %get3A_3] : memref<4x65536xf32, #tpu.memory_space<vmem>>, vector<4x65536xf32>
    %dot_general3A = arith.constant dense<0.000000e+00> : vector<48x65536xf32>
    %dot_general3A_5 = tpu.matmul %get3A_1, %get3A_4, %dot_general3A {dimension_numbers = #tpu.dot_dimension_numbers<[1], [0], [0], [1], [0, 0, 1, 1], [], []>, transpose_lhs_hint = false} : vector<48x4xf32>, vector<4x65536xf32>, vector<48x65536xf32> -> vector<48x65536xf32>
    %slice3A = vector.extract_strided_slice %dot_general3A_5 {offsets = [0, 0], sizes = [1, 65536], strides = [1, 1]} : vector<48x65536xf32> to vector<1x65536xf32>
    %squeeze3A = vector.shape_cast %slice3A : vector<1x65536xf32> to vector<65536xf32>
    %slice3A_6 = vector.extract_strided_slice %dot_general3A_5 {offsets = [1, 0], sizes = [1, 65536], strides = [1, 1]} : vector<48x65536xf32> to vector<1x65536xf32>
    %squeeze3A_7 = vector.shape_cast %slice3A_6 : vector<1x65536xf32> to vector<65536xf32>
    %slice3A_8 = vector.extract_strided_slice %dot_general3A_5 {offsets = [2, 0], sizes = [1, 65536], strides = [1, 1]} : vector<48x65536xf32> to vector<1x65536xf32>
    %squeeze3A_9 = vector.shape_cast %slice3A_8 : vector<1x65536xf32> to vector<65536xf32>
    %div3A = arith.divf %squeeze3A, %squeeze3A_9 : vector<65536xf32>
    %div3A_10 = arith.divf %squeeze3A_7, %squeeze3A_9 : vector<65536xf32>
    %convert_element_type3A = arith.fptosi %div3A : vector<65536xf32> to vector<65536xi32>
    %convert_element_type3A_11 = arith.fptosi %div3A_10 : vector<65536xf32> to vector<65536xi32>
    %ge3A = arith.constant 0 : i32
    %ge3A_12 = vector.broadcast %ge3A : i32 to vector<65536xi32>
    %ge3A_13 = arith.cmpi sge, %convert_element_type3A, %ge3A_12 : vector<65536xi32>
    %ge3A_14 = arith.constant 0 : i32
    %ge3A_15 = vector.broadcast %ge3A_14 : i32 to vector<65536xi32>
    %ge3A_16 = arith.cmpi sge, %convert_element_type3A_11, %ge3A_15 : vector<65536xi32>
    %and3A = arith.andi %ge3A_13, %ge3A_16 : vector<65536xi1>
    %lt3A = arith.constant 512 : i32
    %lt3A_17 = vector.broadcast %lt3A : i32 to vector<65536xi32>
    %lt3A_18 = arith.cmpi slt, %convert_element_type3A_11, %lt3A_17 : vector<65536xi32>
    %and3A_19 = arith.andi %and3A, %lt3A_18 : vector<65536xi1>
    %lt3A_20 = arith.constant 512 : i32
    %lt3A_21 = vector.broadcast %lt3A_20 : i32 to vector<65536xi32>
    %lt3A_22 = arith.cmpi slt, %convert_element_type3A, %lt3A_21 : vector<65536xi32>
    %and3A_23 = arith.andi %and3A_19, %lt3A_22 : vector<65536xi1>
    %mul3A = arith.constant 512 : i32
    %mul3A_24 = vector.broadcast %mul3A : i32 to vector<65536xi32>
    %mul3A_25 = arith.muli %convert_element_type3A, %mul3A_24 : vector<65536xi32>
    %add3A = arith.addi %mul3A_25, %convert_element_type3A_11 : vector<65536xi32>
    %jit3A = arith.constant 0 : i32
    %broadcast_in_dim3A = vector.broadcast %jit3A : i32 to vector<65536xi32>
    %select_n3A = arith.select %and3A_23, %add3A, %broadcast_in_dim3A : vector<65536xi1>, vector<65536xi32>
    %add3A_26 = arith.constant 0 : i32
    %add3A_27 = vector.broadcast %add3A_26 : i32 to vector<65536xi32>
    %add3A_28 = arith.addi %select_n3A, %add3A_27 : vector<65536xi32>
    %reshape3A = vector.shape_cast %add3A_28 : vector<65536xi32> to vector<512x128xi32>
    %swap3A = arith.constant 0 : index
    %swap3A_29 = arith.constant 0 : index
    %swap3A_30 = arith.constant 0 : index
    %swap3A_31 = vector.load %arg2[%swap3A, %swap3A_29, %swap3A_30] : memref<16x512x128xi32, #tpu.memory_space<vmem>>, vector<1x512x128xi32>
    %swap3A_32 = vector.shape_cast %swap3A_31 : vector<1x512x128xi32> to vector<512x128xi32>
    %swap3A_33 = vector.shape_cast %reshape3A : vector<512x128xi32> to vector<1x512x128xi32>
    tpu.vector_store %arg2[%swap3A, %swap3A_29, %swap3A_30], %swap3A_33 {strides = array<i32>} : memref<16x512x128xi32, #tpu.memory_space<vmem>>, vector<1x512x128xi32>,
    %convert_element_type3A_34 = arith.extui %and3A_23 : vector<65536xi1> to vector<65536xi32>
    %reshape3A_35 = vector.shape_cast %convert_element_type3A_34 : vector<65536xi32> to vector<512x128xi32>
    %swap3A_36 = arith.constant 0 : index
    %swap3A_37 = arith.constant 0 : index
    %swap3A_38 = arith.constant 0 : index
    %swap3A_39 = vector.load %arg3[%swap3A_36, %swap3A_37, %swap3A_38] : memref<16x512x128xi32, #tpu.memory_space<vmem>>, vector<1x512x128xi32>
    %swap3A_40 = vector.shape_cast %swap3A_39 : vector<1x512x128xi32> to vector<512x128xi32>
    %swap3A_41 = vector.shape_cast %reshape3A_35 : vector<512x128xi32> to vector<1x512x128xi32>
    tpu.vector_store %arg3[%swap3A_36, %swap3A_37, %swap3A_38], %swap3A_41 {strides = array<i32>} : memref<16x512x128xi32, #tpu.memory_space<vmem>>, vector<1x512x128xi32>,
    %slice3A_42 = vector.extract_strided_slice %dot_general3A_5 {offsets = [3, 0], sizes = [1, 65536], strides = [1, 1]} : vector<48x65536xf32> to vector<1x65536xf32>
    %squeeze3A_43 = vector.shape_cast %slice3A_42 : vector<1x65536xf32> to vector<65536xf32>
    %slice3A_44 = vector.extract_strided_slice %dot_general3A_5 {offsets = [4, 0], sizes = [1, 65536], strides = [1, 1]} : vector<48x65536xf32> to vector<1x65536xf32>
    %squeeze3A_45 = vector.shape_cast %slice3A_44 : vector<1x65536xf32> to vector<65536xf32>
    %slice3A_46 = vector.extract_strided_slice %dot_general3A_5 {offsets = [5, 0], sizes = [1, 65536], strides = [1, 1]} : vector<48x65536xf32> to vector<1x65536xf32>
    %squeeze3A_47 = vector.shape_cast %slice3A_46 : vector<1x65536xf32> to vector<65536xf32>
    %div3A_48 = arith.divf %squeeze3A_43, %squeeze3A_47 : vector<65536xf32>
    %div3A_49 = arith.divf %squeeze3A_45, %squeeze3A_47 : vector<65536xf32>
    %convert_element_type3A_50 = arith.fptosi %div3A_48 : vector<65536xf32> to vector<65536xi32>
    %convert_element_type3A_51 = arith.fptosi %div3A_49 : vector<65536xf32> to vector<65536xi32>
    %ge3A_52 = arith.constant 0 : i32
    %ge3A_53 = vector.broadcast %ge3A_52 : i32 to vector<65536xi32>
    %ge3A_54 = arith.cmpi sge, %convert_element_type3A_50, %ge3A_53 : vector<65536xi32>
    %ge3A_55 = arith.constant 0 : i32
    %ge3A_56 = vector.broadcast %ge3A_55 : i32 to vector<65536xi32>
    %ge3A_57 = arith.cmpi sge, %convert_element_type3A_51, %ge3A_56 : vector<65536xi32>
    %and3A_58 = arith.andi %ge3A_54, %ge3A_57 : vector<65536xi1>
    %lt3A_59 = arith.constant 512 : i32
    %lt3A_60 = vector.broadcast %lt3A_59 : i32 to vector<65536xi32>
    %lt3A_61 = arith.cmpi slt, %convert_element_type3A_51, %lt3A_60 : vector<65536xi32>
    %and3A_62 = arith.andi %and3A_58, %lt3A_61 : vector<65536xi1>
    %lt3A_63 = arith.constant 512 : i32
    %lt3A_64 = vector.broadcast %lt3A_63 : i32 to vector<65536xi32>
    %lt3A_65 = arith.cmpi slt, %convert_element_type3A_50, %lt3A_64 : vector<65536xi32>
    %and3A_66 = arith.andi %and3A_62, %lt3A_65 : vector<65536xi1>
    %mul3A_67 = arith.constant 512 : i32
    %mul3A_68 = vector.broadcast %mul3A_67 : i32 to vector<65536xi32>
    %mul3A_69 = arith.muli %convert_element_type3A_50, %mul3A_68 : vector<65536xi32>
    %add3A_70 = arith.addi %mul3A_69, %convert_element_type3A_51 : vector<65536xi32>
    %jit3A_71 = arith.constant 0 : i32
    %broadcast_in_dim3A_72 = vector.broadcast %jit3A_71 : i32 to vector<65536xi32>
    %select_n3A_73 = arith.select %and3A_66, %add3A_70, %broadcast_in_dim3A_72 : vector<65536xi1>, vector<65536xi32>
    %add3A_74 = arith.constant 262144 : i32
    %add3A_75 = vector.broadcast %add3A_74 : i32 to vector<65536xi32>
    %add3A_76 = arith.addi %select_n3A_73, %add3A_75 : vector<65536xi32>
    %reshape3A_77 = vector.shape_cast %add3A_76 : vector<65536xi32> to vector<512x128xi32>
    %swap3A_78 = arith.constant 1 : index
    %swap3A_79 = arith.constant 0 : index
    %swap3A_80 = arith.constant 0 : index
    %swap3A_81 = vector.load %arg2[%swap3A_78, %swap3A_79, %swap3A_80] : memref<16x512x128xi32, #tpu.memory_space<vmem>>, vector<1x512x128xi32>
    %swap3A_82 = vector.shape_cast %swap3A_81 : vector<1x512x128xi32> to vector<512x128xi32>
    %swap3A_83 = vector.shape_cast %reshape3A_77 : vector<512x128xi32> to vector<1x512x128xi32>
    tpu.vector_store %arg2[%swap3A_78, %swap3A_79, %swap3A_80], %swap3A_83 {strides = array<i32>} : memref<16x512x128xi32, #tpu.memory_space<vmem>>, vector<1x512x128xi32>,
    %convert_element_type3A_84 = arith.extui %and3A_66 : vector<65536xi1> to vector<65536xi32>
    %reshape3A_85 = vector.shape_cast %convert_element_type3A_84 : vector<65536xi32> to vector<512x128xi32>
    %swap3A_86 = arith.constant 1 : index
    %swap3A_87 = arith.constant 0 : index
    %swap3A_88 = arith.constant 0 : index
    %swap3A_89 = vector.load %arg3[%swap3A_86, %swap3A_87, %swap3A_88] : memref<16x512x128xi32, #tpu.memory_space<vmem>>, vector<1x512x128xi32>
    %swap3A_90 = vector.shape_cast %swap3A_89 : vector<1x512x128xi32> to vector<512x128xi32>
    %swap3A_91 = vector.shape_cast %reshape3A_85 : vector<512x128xi32> to vector<1x512x128xi32>
    tpu.vector_store %arg3[%swap3A_86, %swap3A_87, %swap3A_88], %swap3A_91 {strides = array<i32>} : memref<16x512x128xi32, #tpu.memory_space<vmem>>, vector<1x512x128xi32>,
    %slice3A_92 = vector.extract_strided_slice %dot_general3A_5 {offsets = [6, 0], sizes = [1, 65536], strides = [1, 1]} : vector<48x65536xf32> to vector<1x65536xf32>
    %squeeze3A_93 = vector.shape_cast %slice3A_92 : vector<1x65536xf32> to vector<65536xf32>
    %slice3A_94 = vector.extract_strided_slice %dot_general3A_5 {offsets = [7, 0], sizes = [1, 65536], strides = [1, 1]} : vector<48x65536xf32> to vector<1x65536xf32>
    %squeeze3A_95 = vector.shape_cast %slice3A_94 : vector<1x65536xf32> to vector<65536xf32>
    %slice3A_96 = vector.extract_strided_slice %dot_general3A_5 {offsets = [8, 0], sizes = [1, 65536], strides = [1, 1]} : vector<48x65536xf32> to vector<1x65536xf32>
    %squeeze3A_97 = vector.shape_cast %slice3A_96 : vector<1x65536xf32> to vector<65536xf32>
    %div3A_98 = arith.divf %squeeze3A_93, %squeeze3A_97 : vector<65536xf32>
    %div3A_99 = arith.divf %squeeze3A_95, %squeeze3A_97 : vector<65536xf32>
    %convert_element_type3A_100 = arith.fptosi %div3A_98 : vector<65536xf32> to vector<65536xi32>
    %convert_element_type3A_101 = arith.fptosi %div3A_99 : vector<65536xf32> to vector<65536xi32>
    %ge3A_102 = arith.constant 0 : i32
    %ge3A_103 = vector.broadcast %ge3A_102 : i32 to vector<65536xi32>
    %ge3A_104 = arith.cmpi sge, %convert_element_type3A_100, %ge3A_103 : vector<65536xi32>
    %ge3A_105 = arith.constant 0 : i32
    %ge3A_106 = vector.broadcast %ge3A_105 : i32 to vector<65536xi32>
    %ge3A_107 = arith.cmpi sge, %convert_element_type3A_101, %ge3A_106 : vector<65536xi32>
    %and3A_108 = arith.andi %ge3A_104, %ge3A_107 : vector<65536xi1>
    %lt3A_109 = arith.constant 512 : i32
    %lt3A_110 = vector.broadcast %lt3A_109 : i32 to vector<65536xi32>
    %lt3A_111 = arith.cmpi slt, %convert_element_type3A_101, %lt3A_110 : vector<65536xi32>
    %and3A_112 = arith.andi %and3A_108, %lt3A_111 : vector<65536xi1>
    %lt3A_113 = arith.constant 512 : i32
    %lt3A_114 = vector.broadcast %lt3A_113 : i32 to vector<65536xi32>
    %lt3A_115 = arith.cmpi slt, %convert_element_type3A_100, %lt3A_114 : vector<65536xi32>
    %and3A_116 = arith.andi %and3A_112, %lt3A_115 : vector<65536xi1>
    %mul3A_117 = arith.constant 512 : i32
    %mul3A_118 = vector.broadcast %mul3A_117 : i32 to vector<65536xi32>
    %mul3A_119 = arith.muli %convert_element_type3A_100, %mul3A_118 : vector<65536xi32>
    %add3A_120 = arith.addi %mul3A_119, %convert_element_type3A_101 : vector<65536xi32>
    %jit3A_121 = arith.constant 0 : i32
    %broadcast_in_dim3A_122 = vector.broadcast %jit3A_121 : i32 to vector<65536xi32>
    %select_n3A_123 = arith.select %and3A_116, %add3A_120, %broadcast_in_dim3A_122 : vector<65536xi1>, vector<65536xi32>
    %add3A_124 = arith.constant 524288 : i32
    %add3A_125 = vector.broadcast %add3A_124 : i32 to vector<65536xi32>
    %add3A_126 = arith.addi %select_n3A_123, %add3A_125 : vector<65536xi32>
    %reshape3A_127 = vector.shape_cast %add3A_126 : vector<65536xi32> to vector<512x128xi32>
    %swap3A_128 = arith.constant 2 : index
    %swap3A_129 = arith.constant 0 : index
    %swap3A_130 = arith.constant 0 : index
    %swap3A_131 = vector.load %arg2[%swap3A_128, %swap3A_129, %swap3A_130] : memref<16x512x128xi32, #tpu.memory_space<vmem>>, vector<1x512x128xi32>
    %swap3A_132 = vector.shape_cast %swap3A_131 : vector<1x512x128xi32> to vector<512x128xi32>
    %swap3A_133 = vector.shape_cast %reshape3A_127 : vector<512x128xi32> to vector<1x512x128xi32>
    tpu.vector_store %arg2[%swap3A_128, %swap3A_129, %swap3A_130], %swap3A_133 {strides = array<i32>} : memref<16x512x128xi32, #tpu.memory_space<vmem>>, vector<1x512x128xi32>,
    %convert_element_type3A_134 = arith.extui %and3A_116 : vector<65536xi1> to vector<65536xi32>
    %reshape3A_135 = vector.shape_cast %convert_element_type3A_134 : vector<65536xi32> to vector<512x128xi32>
    %swap3A_136 = arith.constant 2 : index
    %swap3A_137 = arith.constant 0 : index
    %swap3A_138 = arith.constant 0 : index
    %swap3A_139 = vector.load %arg3[%swap3A_136, %swap3A_137, %swap3A_138] : memref<16x512x128xi32, #tpu.memory_space<vmem>>, vector<1x512x128xi32>
    %swap3A_140 = vector.shape_cast %swap3A_139 : vector<1x512x128xi32> to vector<512x128xi32>
    %swap3A_141 = vector.shape_cast %reshape3A_135 : vector<512x128xi32> to vector<1x512x128xi32>
    tpu.vector_store %arg3[%swap3A_136, %swap3A_137, %swap3A_138], %swap3A_141 {strides = array<i32>} : memref<16x512x128xi32, #tpu.memory_space<vmem>>, vector<1x512x128xi32>,
    %slice3A_142 = vector.extract_strided_slice %dot_general3A_5 {offsets = [9, 0], sizes = [1, 65536], strides = [1, 1]} : vector<48x65536xf32> to vector<1x65536xf32>
    %squeeze3A_143 = vector.shape_cast %slice3A_142 : vector<1x65536xf32> to vector<65536xf32>
    %slice3A_144 = vector.extract_strided_slice %dot_general3A_5 {offsets = [10, 0], sizes = [1, 65536], strides = [1, 1]} : vector<48x65536xf32> to vector<1x65536xf32>
    %squeeze3A_145 = vector.shape_cast %slice3A_144 : vector<1x65536xf32> to vector<65536xf32>
    %slice3A_146 = vector.extract_strided_slice %dot_general3A_5 {offsets = [11, 0], sizes = [1, 65536], strides = [1, 1]} : vector<48x65536xf32> to vector<1x65536xf32>
    %squeeze3A_147 = vector.shape_cast %slice3A_146 : vector<1x65536xf32> to vector<65536xf32>
    %div3A_148 = arith.divf %squeeze3A_143, %squeeze3A_147 : vector<65536xf32>
    %div3A_149 = arith.divf %squeeze3A_145, %squeeze3A_147 : vector<65536xf32>
    %convert_element_type3A_150 = arith.fptosi %div3A_148 : vector<65536xf32> to vector<65536xi32>
    %convert_element_type3A_151 = arith.fptosi %div3A_149 : vector<65536xf32> to vector<65536xi32>
    %ge3A_152 = arith.constant 0 : i32
    %ge3A_153 = vector.broadcast %ge3A_152 : i32 to vector<65536xi32>
    %ge3A_154 = arith.cmpi sge, %convert_element_type3A_150, %ge3A_153 : vector<65536xi32>
    %ge3A_155 = arith.constant 0 : i32
    %ge3A_156 = vector.broadcast %ge3A_155 : i32 to vector<65536xi32>
    %ge3A_157 = arith.cmpi sge, %convert_element_type3A_151, %ge3A_156 : vector<65536xi32>
    %and3A_158 = arith.andi %ge3A_154, %ge3A_157 : vector<65536xi1>
    %lt3A_159 = arith.constant 512 : i32
    %lt3A_160 = vector.broadcast %lt3A_159 : i32 to vector<65536xi32>
    %lt3A_161 = arith.cmpi slt, %convert_element_type3A_151, %lt3A_160 : vector<65536xi32>
    %and3A_162 = arith.andi %and3A_158, %lt3A_161 : vector<65536xi1>
    %lt3A_163 = arith.constant 512 : i32
    %lt3A_164 = vector.broadcast %lt3A_163 : i32 to vector<65536xi32>
    %lt3A_165 = arith.cmpi slt, %convert_element_type3A_150, %lt3A_164 : vector<65536xi32>
    %and3A_166 = arith.andi %and3A_162, %lt3A_165 : vector<65536xi1>
    %mul3A_167 = arith.constant 512 : i32
    %mul3A_168 = vector.broadcast %mul3A_167 : i32 to vector<65536xi32>
    %mul3A_169 = arith.muli %convert_element_type3A_150, %mul3A_168 : vector<65536xi32>
    %add3A_170 = arith.addi %mul3A_169, %convert_element_type3A_151 : vector<65536xi32>
    %jit3A_171 = arith.constant 0 : i32
    %broadcast_in_dim3A_172 = vector.broadcast %jit3A_171 : i32 to vector<65536xi32>
    %select_n3A_173 = arith.select %and3A_166, %add3A_170, %broadcast_in_dim3A_172 : vector<65536xi1>, vector<65536xi32>
    %add3A_174 = arith.constant 786432 : i32
    %add3A_175 = vector.broadcast %add3A_174 : i32 to vector<65536xi32>
    %add3A_176 = arith.addi %select_n3A_173, %add3A_175 : vector<65536xi32>
    %reshape3A_177 = vector.shape_cast %add3A_176 : vector<65536xi32> to vector<512x128xi32>
    %swap3A_178 = arith.constant 3 : index
    %swap3A_179 = arith.constant 0 : index
    %swap3A_180 = arith.constant 0 : index
    %swap3A_181 = vector.load %arg2[%swap3A_178, %swap3A_179, %swap3A_180] : memref<16x512x128xi32, #tpu.memory_space<vmem>>, vector<1x512x128xi32>
    %swap3A_182 = vector.shape_cast %swap3A_181 : vector<1x512x128xi32> to vector<512x128xi32>
    %swap3A_183 = vector.shape_cast %reshape3A_177 : vector<512x128xi32> to vector<1x512x128xi32>
    tpu.vector_store %arg2[%swap3A_178, %swap3A_179, %swap3A_180], %swap3A_183 {strides = array<i32>} : memref<16x512x128xi32, #tpu.memory_space<vmem>>, vector<1x512x128xi32>,
    %convert_element_type3A_184 = arith.extui %and3A_166 : vector<65536xi1> to vector<65536xi32>
    %reshape3A_185 = vector.shape_cast %convert_element_type3A_184 : vector<65536xi32> to vector<512x128xi32>
    %swap3A_186 = arith.constant 3 : index
    %swap3A_187 = arith.constant 0 : index
    %swap3A_188 = arith.constant 0 : index
    %swap3A_189 = vector.load %arg3[%swap3A_186, %swap3A_187, %swap3A_188] : memref<16x512x128xi32, #tpu.memory_space<vmem>>, vector<1x512x128xi32>
    %swap3A_190 = vector.shape_cast %swap3A_189 : vector<1x512x128xi32> to vector<512x128xi32>
    %swap3A_191 = vector.shape_cast %reshape3A_185 : vector<512x128xi32> to vector<1x512x128xi32>
    tpu.vector_store %arg3[%swap3A_186, %swap3A_187, %swap3A_188], %swap3A_191 {strides = array<i32>} : memref<16x512x128xi32, #tpu.memory_space<vmem>>, vector<1x512x128xi32>,
    %slice3A_192 = vector.extract_strided_slice %dot_general3A_5 {offsets = [12, 0], sizes = [1, 65536], strides = [1, 1]} : vector<48x65536xf32> to vector<1x65536xf32>
    %squeeze3A_193 = vector.shape_cast %slice3A_192 : vector<1x65536xf32> to vector<65536xf32>
    %slice3A_194 = vector.extract_strided_slice %dot_general3A_5 {offsets = [13, 0], sizes = [1, 65536], strides = [1, 1]} : vector<48x65536xf32> to vector<1x65536xf32>
    %squeeze3A_195 = vector.shape_cast %slice3A_194 : vector<1x65536xf32> to vector<65536xf32>
    %slice3A_196 = vector.extract_strided_slice %dot_general3A_5 {offsets = [14, 0], sizes = [1, 65536], strides = [1, 1]} : vector<48x65536xf32> to vector<1x65536xf32>
    %squeeze3A_197 = vector.shape_cast %slice3A_196 : vector<1x65536xf32> to vector<65536xf32>
    %div3A_198 = arith.divf %squeeze3A_193, %squeeze3A_197 : vector<65536xf32>
    %div3A_199 = arith.divf %squeeze3A_195, %squeeze3A_197 : vector<65536xf32>
    %convert_element_type3A_200 = arith.fptosi %div3A_198 : vector<65536xf32> to vector<65536xi32>
    %convert_element_type3A_201 = arith.fptosi %div3A_199 : vector<65536xf32> to vector<65536xi32>
    %ge3A_202 = arith.constant 0 : i32
    %ge3A_203 = vector.broadcast %ge3A_202 : i32 to vector<65536xi32>
    %ge3A_204 = arith.cmpi sge, %convert_element_type3A_200, %ge3A_203 : vector<65536xi32>
    %ge3A_205 = arith.constant 0 : i32
    %ge3A_206 = vector.broadcast %ge3A_205 : i32 to vector<65536xi32>
    %ge3A_207 = arith.cmpi sge, %convert_element_type3A_201, %ge3A_206 : vector<65536xi32>
    %and3A_208 = arith.andi %ge3A_204, %ge3A_207 : vector<65536xi1>
    %lt3A_209 = arith.constant 512 : i32
    %lt3A_210 = vector.broadcast %lt3A_209 : i32 to vector<65536xi32>
    %lt3A_211 = arith.cmpi slt, %convert_element_type3A_201, %lt3A_210 : vector<65536xi32>
    %and3A_212 = arith.andi %and3A_208, %lt3A_211 : vector<65536xi1>
    %lt3A_213 = arith.constant 512 : i32
    %lt3A_214 = vector.broadcast %lt3A_213 : i32 to vector<65536xi32>
    %lt3A_215 = arith.cmpi slt, %convert_element_type3A_200, %lt3A_214 : vector<65536xi32>
    %and3A_216 = arith.andi %and3A_212, %lt3A_215 : vector<65536xi1>
    %mul3A_217 = arith.constant 512 : i32
    %mul3A_218 = vector.broadcast %mul3A_217 : i32 to vector<65536xi32>
    %mul3A_219 = arith.muli %convert_element_type3A_200, %mul3A_218 : vector<65536xi32>
    %add3A_220 = arith.addi %mul3A_219, %convert_element_type3A_201 : vector<65536xi32>
    %jit3A_221 = arith.constant 0 : i32
    %broadcast_in_dim3A_222 = vector.broadcast %jit3A_221 : i32 to vector<65536xi32>
    %select_n3A_223 = arith.select %and3A_216, %add3A_220, %broadcast_in_dim3A_222 : vector<65536xi1>, vector<65536xi32>
    %add3A_224 = arith.constant 1048576 : i32
    %add3A_225 = vector.broadcast %add3A_224 : i32 to vector<65536xi32>
    %add3A_226 = arith.addi %select_n3A_223, %add3A_225 : vector<65536xi32>
    %reshape3A_227 = vector.shape_cast %add3A_226 : vector<65536xi32> to vector<512x128xi32>
    %swap3A_228 = arith.constant 4 : index
    %swap3A_229 = arith.constant 0 : index
    %swap3A_230 = arith.constant 0 : index
    %swap3A_231 = vector.load %arg2[%swap3A_228, %swap3A_229, %swap3A_230] : memref<16x512x128xi32, #tpu.memory_space<vmem>>, vector<1x512x128xi32>
    %swap3A_232 = vector.shape_cast %swap3A_231 : vector<1x512x128xi32> to vector<512x128xi32>
    %swap3A_233 = vector.shape_cast %reshape3A_227 : vector<512x128xi32> to vector<1x512x128xi32>
    tpu.vector_store %arg2[%swap3A_228, %swap3A_229, %swap3A_230], %swap3A_233 {strides = array<i32>} : memref<16x512x128xi32, #tpu.memory_space<vmem>>, vector<1x512x128xi32>,
    %convert_element_type3A_234 = arith.extui %and3A_216 : vector<65536xi1> to vector<65536xi32>
    %reshape3A_235 = vector.shape_cast %convert_element_type3A_234 : vector<65536xi32> to vector<512x128xi32>
    %swap3A_236 = arith.constant 4 : index
    %swap3A_237 = arith.constant 0 : index
    %swap3A_238 = arith.constant 0 : index
    %swap3A_239 = vector.load %arg3[%swap3A_236, %swap3A_237, %swap3A_238] : memref<16x512x128xi32, #tpu.memory_space<vmem>>, vector<1x512x128xi32>
    %swap3A_240 = vector.shape_cast %swap3A_239 : vector<1x512x128xi32> to vector<512x128xi32>
    %swap3A_241 = vector.shape_cast %reshape3A_235 : vector<512x128xi32> to vector<1x512x128xi32>
    tpu.vector_store %arg3[%swap3A_236, %swap3A_237, %swap3A_238], %swap3A_241 {strides = array<i32>} : memref<16x512x128xi32, #tpu.memory_space<vmem>>, vector<1x512x128xi32>,
    %slice3A_242 = vector.extract_strided_slice %dot_general3A_5 {offsets = [15, 0], sizes = [1, 65536], strides = [1, 1]} : vector<48x65536xf32> to vector<1x65536xf32>
    %squeeze3A_243 = vector.shape_cast %slice3A_242 : vector<1x65536xf32> to vector<65536xf32>
    %slice3A_244 = vector.extract_strided_slice %dot_general3A_5 {offsets = [16, 0], sizes = [1, 65536], strides = [1, 1]} : vector<48x65536xf32> to vector<1x65536xf32>
    %squeeze3A_245 = vector.shape_cast %slice3A_244 : vector<1x65536xf32> to vector<65536xf32>
    %slice3A_246 = vector.extract_strided_slice %dot_general3A_5 {offsets = [17, 0], sizes = [1, 65536], strides = [1, 1]} : vector<48x65536xf32> to vector<1x65536xf32>
    %squeeze3A_247 = vector.shape_cast %slice3A_246 : vector<1x65536xf32> to vector<65536xf32>
    %div3A_248 = arith.divf %squeeze3A_243, %squeeze3A_247 : vector<65536xf32>
    %div3A_249 = arith.divf %squeeze3A_245, %squeeze3A_247 : vector<65536xf32>
    %convert_element_type3A_250 = arith.fptosi %div3A_248 : vector<65536xf32> to vector<65536xi32>
    %convert_element_type3A_251 = arith.fptosi %div3A_249 : vector<65536xf32> to vector<65536xi32>
    %ge3A_252 = arith.constant 0 : i32
    %ge3A_253 = vector.broadcast %ge3A_252 : i32 to vector<65536xi32>
    %ge3A_254 = arith.cmpi sge, %convert_element_type3A_250, %ge3A_253 : vector<65536xi32>
    %ge3A_255 = arith.constant 0 : i32
    %ge3A_256 = vector.broadcast %ge3A_255 : i32 to vector<65536xi32>
    %ge3A_257 = arith.cmpi sge, %convert_element_type3A_251, %ge3A_256 : vector<65536xi32>
    %and3A_258 = arith.andi %ge3A_254, %ge3A_257 : vector<65536xi1>
    %lt3A_259 = arith.constant 512 : i32
    %lt3A_260 = vector.broadcast %lt3A_259 : i32 to vector<65536xi32>
    %lt3A_261 = arith.cmpi slt, %convert_element_type3A_251, %lt3A_260 : vector<65536xi32>
    %and3A_262 = arith.andi %and3A_258, %lt3A_261 : vector<65536xi1>
    %lt3A_263 = arith.constant 512 : i32
    %lt3A_264 = vector.broadcast %lt3A_263 : i32 to vector<65536xi32>
    %lt3A_265 = arith.cmpi slt, %convert_element_type3A_250, %lt3A_264 : vector<65536xi32>
    %and3A_266 = arith.andi %and3A_262, %lt3A_265 : vector<65536xi1>
    %mul3A_267 = arith.constant 512 : i32
    %mul3A_268 = vector.broadcast %mul3A_267 : i32 to vector<65536xi32>
    %mul3A_269 = arith.muli %convert_element_type3A_250, %mul3A_268 : vector<65536xi32>
    %add3A_270 = arith.addi %mul3A_269, %convert_element_type3A_251 : vector<65536xi32>
    %jit3A_271 = arith.constant 0 : i32
    %broadcast_in_dim3A_272 = vector.broadcast %jit3A_271 : i32 to vector<65536xi32>
    %select_n3A_273 = arith.select %and3A_266, %add3A_270, %broadcast_in_dim3A_272 : vector<65536xi1>, vector<65536xi32>
    %add3A_274 = arith.constant 1310720 : i32
    %add3A_275 = vector.broadcast %add3A_274 : i32 to vector<65536xi32>
    %add3A_276 = arith.addi %select_n3A_273, %add3A_275 : vector<65536xi32>
    %reshape3A_277 = vector.shape_cast %add3A_276 : vector<65536xi32> to vector<512x128xi32>
    %swap3A_278 = arith.constant 5 : index
    %swap3A_279 = arith.constant 0 : index
    %swap3A_280 = arith.constant 0 : index
    %swap3A_281 = vector.load %arg2[%swap3A_278, %swap3A_279, %swap3A_280] : memref<16x512x128xi32, #tpu.memory_space<vmem>>, vector<1x512x128xi32>
    %swap3A_282 = vector.shape_cast %swap3A_281 : vector<1x512x128xi32> to vector<512x128xi32>
    %swap3A_283 = vector.shape_cast %reshape3A_277 : vector<512x128xi32> to vector<1x512x128xi32>
    tpu.vector_store %arg2[%swap3A_278, %swap3A_279, %swap3A_280], %swap3A_283 {strides = array<i32>} : memref<16x512x128xi32, #tpu.memory_space<vmem>>, vector<1x512x128xi32>,
    %convert_element_type3A_284 = arith.extui %and3A_266 : vector<65536xi1> to vector<65536xi32>
    %reshape3A_285 = vector.shape_cast %convert_element_type3A_284 : vector<65536xi32> to vector<512x128xi32>
    %swap3A_286 = arith.constant 5 : index
    %swap3A_287 = arith.constant 0 : index
    %swap3A_288 = arith.constant 0 : index
    %swap3A_289 = vector.load %arg3[%swap3A_286, %swap3A_287, %swap3A_288] : memref<16x512x128xi32, #tpu.memory_space<vmem>>, vector<1x512x128xi32>
    %swap3A_290 = vector.shape_cast %swap3A_289 : vector<1x512x128xi32> to vector<512x128xi32>
    %swap3A_291 = vector.shape_cast %reshape3A_285 : vector<512x128xi32> to vector<1x512x128xi32>
    tpu.vector_store %arg3[%swap3A_286, %swap3A_287, %swap3A_288], %swap3A_291 {strides = array<i32>} : memref<16x512x128xi32, #tpu.memory_space<vmem>>, vector<1x512x128xi32>,
    %slice3A_292 = vector.extract_strided_slice %dot_general3A_5 {offsets = [18, 0], sizes = [1, 65536], strides = [1, 1]} : vector<48x65536xf32> to vector<1x65536xf32>
    %squeeze3A_293 = vector.shape_cast %slice3A_292 : vector<1x65536xf32> to vector<65536xf32>
    %slice3A_294 = vector.extract_strided_slice %dot_general3A_5 {offsets = [19, 0], sizes = [1, 65536], strides = [1, 1]} : vector<48x65536xf32> to vector<1x65536xf32>
    %squeeze3A_295 = vector.shape_cast %slice3A_294 : vector<1x65536xf32> to vector<65536xf32>
    %slice3A_296 = vector.extract_strided_slice %dot_general3A_5 {offsets = [20, 0], sizes = [1, 65536], strides = [1, 1]} : vector<48x65536xf32> to vector<1x65536xf32>
    %squeeze3A_297 = vector.shape_cast %slice3A_296 : vector<1x65536xf32> to vector<65536xf32>
    %div3A_298 = arith.divf %squeeze3A_293, %squeeze3A_297 : vector<65536xf32>
    %div3A_299 = arith.divf %squeeze3A_295, %squeeze3A_297 : vector<65536xf32>
    %convert_element_type3A_300 = arith.fptosi %div3A_298 : vector<65536xf32> to vector<65536xi32>
    %convert_element_type3A_301 = arith.fptosi %div3A_299 : vector<65536xf32> to vector<65536xi32>
    %ge3A_302 = arith.constant 0 : i32
    %ge3A_303 = vector.broadcast %ge3A_302 : i32 to vector<65536xi32>
    %ge3A_304 = arith.cmpi sge, %convert_element_type3A_300, %ge3A_303 : vector<65536xi32>
    %ge3A_305 = arith.constant 0 : i32
    %ge3A_306 = vector.broadcast %ge3A_305 : i32 to vector<65536xi32>
    %ge3A_307 = arith.cmpi sge, %convert_element_type3A_301, %ge3A_306 : vector<65536xi32>
    %and3A_308 = arith.andi %ge3A_304, %ge3A_307 : vector<65536xi1>
    %lt3A_309 = arith.constant 512 : i32
    %lt3A_310 = vector.broadcast %lt3A_309 : i32 to vector<65536xi32>
    %lt3A_311 = arith.cmpi slt, %convert_element_type3A_301, %lt3A_310 : vector<65536xi32>
    %and3A_312 = arith.andi %and3A_308, %lt3A_311 : vector<65536xi1>
    %lt3A_313 = arith.constant 512 : i32
    %lt3A_314 = vector.broadcast %lt3A_313 : i32 to vector<65536xi32>
    %lt3A_315 = arith.cmpi slt, %convert_element_type3A_300, %lt3A_314 : vector<65536xi32>
    %and3A_316 = arith.andi %and3A_312, %lt3A_315 : vector<65536xi1>
    %mul3A_317 = arith.constant 512 : i32
    %mul3A_318 = vector.broadcast %mul3A_317 : i32 to vector<65536xi32>
    %mul3A_319 = arith.muli %convert_element_type3A_300, %mul3A_318 : vector<65536xi32>
    %add3A_320 = arith.addi %mul3A_319, %convert_element_type3A_301 : vector<65536xi32>
    %jit3A_321 = arith.constant 0 : i32
    %broadcast_in_dim3A_322 = vector.broadcast %jit3A_321 : i32 to vector<65536xi32>
    %select_n3A_323 = arith.select %and3A_316, %add3A_320, %broadcast_in_dim3A_322 : vector<65536xi1>, vector<65536xi32>
    %add3A_324 = arith.constant 1572864 : i32
    %add3A_325 = vector.broadcast %add3A_324 : i32 to vector<65536xi32>
    %add3A_326 = arith.addi %select_n3A_323, %add3A_325 : vector<65536xi32>
    %reshape3A_327 = vector.shape_cast %add3A_326 : vector<65536xi32> to vector<512x128xi32>
    %swap3A_328 = arith.constant 6 : index
    %swap3A_329 = arith.constant 0 : index
    %swap3A_330 = arith.constant 0 : index
    %swap3A_331 = vector.load %arg2[%swap3A_328, %swap3A_329, %swap3A_330] : memref<16x512x128xi32, #tpu.memory_space<vmem>>, vector<1x512x128xi32>
    %swap3A_332 = vector.shape_cast %swap3A_331 : vector<1x512x128xi32> to vector<512x128xi32>
    %swap3A_333 = vector.shape_cast %reshape3A_327 : vector<512x128xi32> to vector<1x512x128xi32>
    tpu.vector_store %arg2[%swap3A_328, %swap3A_329, %swap3A_330], %swap3A_333 {strides = array<i32>} : memref<16x512x128xi32, #tpu.memory_space<vmem>>, vector<1x512x128xi32>,
    %convert_element_type3A_334 = arith.extui %and3A_316 : vector<65536xi1> to vector<65536xi32>
    %reshape3A_335 = vector.shape_cast %convert_element_type3A_334 : vector<65536xi32> to vector<512x128xi32>
    %swap3A_336 = arith.constant 6 : index
    %swap3A_337 = arith.constant 0 : index
    %swap3A_338 = arith.constant 0 : index
    %swap3A_339 = vector.load %arg3[%swap3A_336, %swap3A_337, %swap3A_338] : memref<16x512x128xi32, #tpu.memory_space<vmem>>, vector<1x512x128xi32>
    %swap3A_340 = vector.shape_cast %swap3A_339 : vector<1x512x128xi32> to vector<512x128xi32>
    %swap3A_341 = vector.shape_cast %reshape3A_335 : vector<512x128xi32> to vector<1x512x128xi32>
    tpu.vector_store %arg3[%swap3A_336, %swap3A_337, %swap3A_338], %swap3A_341 {strides = array<i32>} : memref<16x512x128xi32, #tpu.memory_space<vmem>>, vector<1x512x128xi32>,
    %slice3A_342 = vector.extract_strided_slice %dot_general3A_5 {offsets = [21, 0], sizes = [1, 65536], strides = [1, 1]} : vector<48x65536xf32> to vector<1x65536xf32>
    %squeeze3A_343 = vector.shape_cast %slice3A_342 : vector<1x65536xf32> to vector<65536xf32>
    %slice3A_344 = vector.extract_strided_slice %dot_general3A_5 {offsets = [22, 0], sizes = [1, 65536], strides = [1, 1]} : vector<48x65536xf32> to vector<1x65536xf32>
    %squeeze3A_345 = vector.shape_cast %slice3A_344 : vector<1x65536xf32> to vector<65536xf32>
    %slice3A_346 = vector.extract_strided_slice %dot_general3A_5 {offsets = [23, 0], sizes = [1, 65536], strides = [1, 1]} : vector<48x65536xf32> to vector<1x65536xf32>
    %squeeze3A_347 = vector.shape_cast %slice3A_346 : vector<1x65536xf32> to vector<65536xf32>
    %div3A_348 = arith.divf %squeeze3A_343, %squeeze3A_347 : vector<65536xf32>
    %div3A_349 = arith.divf %squeeze3A_345, %squeeze3A_347 : vector<65536xf32>
    %convert_element_type3A_350 = arith.fptosi %div3A_348 : vector<65536xf32> to vector<65536xi32>
    %convert_element_type3A_351 = arith.fptosi %div3A_349 : vector<65536xf32> to vector<65536xi32>
    %ge3A_352 = arith.constant 0 : i32
    %ge3A_353 = vector.broadcast %ge3A_352 : i32 to vector<65536xi32>
    %ge3A_354 = arith.cmpi sge, %convert_element_type3A_350, %ge3A_353 : vector<65536xi32>
    %ge3A_355 = arith.constant 0 : i32
    %ge3A_356 = vector.broadcast %ge3A_355 : i32 to vector<65536xi32>
    %ge3A_357 = arith.cmpi sge, %convert_element_type3A_351, %ge3A_356 : vector<65536xi32>
    %and3A_358 = arith.andi %ge3A_354, %ge3A_357 : vector<65536xi1>
    %lt3A_359 = arith.constant 512 : i32
    %lt3A_360 = vector.broadcast %lt3A_359 : i32 to vector<65536xi32>
    %lt3A_361 = arith.cmpi slt, %convert_element_type3A_351, %lt3A_360 : vector<65536xi32>
    %and3A_362 = arith.andi %and3A_358, %lt3A_361 : vector<65536xi1>
    %lt3A_363 = arith.constant 512 : i32
    %lt3A_364 = vector.broadcast %lt3A_363 : i32 to vector<65536xi32>
    %lt3A_365 = arith.cmpi slt, %convert_element_type3A_350, %lt3A_364 : vector<65536xi32>
    %and3A_366 = arith.andi %and3A_362, %lt3A_365 : vector<65536xi1>
    %mul3A_367 = arith.constant 512 : i32
    %mul3A_368 = vector.broadcast %mul3A_367 : i32 to vector<65536xi32>
    %mul3A_369 = arith.muli %convert_element_type3A_350, %mul3A_368 : vector<65536xi32>
    %add3A_370 = arith.addi %mul3A_369, %convert_element_type3A_351 : vector<65536xi32>
    %jit3A_371 = arith.constant 0 : i32
    %broadcast_in_dim3A_372 = vector.broadcast %jit3A_371 : i32 to vector<65536xi32>
    %select_n3A_373 = arith.select %and3A_366, %add3A_370, %broadcast_in_dim3A_372 : vector<65536xi1>, vector<65536xi32>
    %add3A_374 = arith.constant 1835008 : i32
    %add3A_375 = vector.broadcast %add3A_374 : i32 to vector<65536xi32>
    %add3A_376 = arith.addi %select_n3A_373, %add3A_375 : vector<65536xi32>
    %reshape3A_377 = vector.shape_cast %add3A_376 : vector<65536xi32> to vector<512x128xi32>
    %swap3A_378 = arith.constant 7 : index
    %swap3A_379 = arith.constant 0 : index
    %swap3A_380 = arith.constant 0 : index
    %swap3A_381 = vector.load %arg2[%swap3A_378, %swap3A_379, %swap3A_380] : memref<16x512x128xi32, #tpu.memory_space<vmem>>, vector<1x512x128xi32>
    %swap3A_382 = vector.shape_cast %swap3A_381 : vector<1x512x128xi32> to vector<512x128xi32>
    %swap3A_383 = vector.shape_cast %reshape3A_377 : vector<512x128xi32> to vector<1x512x128xi32>
    tpu.vector_store %arg2[%swap3A_378, %swap3A_379, %swap3A_380], %swap3A_383 {strides = array<i32>} : memref<16x512x128xi32, #tpu.memory_space<vmem>>, vector<1x512x128xi32>,
    %convert_element_type3A_384 = arith.extui %and3A_366 : vector<65536xi1> to vector<65536xi32>
    %reshape3A_385 = vector.shape_cast %convert_element_type3A_384 : vector<65536xi32> to vector<512x128xi32>
    %swap3A_386 = arith.constant 7 : index
    %swap3A_387 = arith.constant 0 : index
    %swap3A_388 = arith.constant 0 : index
    %swap3A_389 = vector.load %arg3[%swap3A_386, %swap3A_387, %swap3A_388] : memref<16x512x128xi32, #tpu.memory_space<vmem>>, vector<1x512x128xi32>
    %swap3A_390 = vector.shape_cast %swap3A_389 : vector<1x512x128xi32> to vector<512x128xi32>
    %swap3A_391 = vector.shape_cast %reshape3A_385 : vector<512x128xi32> to vector<1x512x128xi32>
    tpu.vector_store %arg3[%swap3A_386, %swap3A_387, %swap3A_388], %swap3A_391 {strides = array<i32>} : memref<16x512x128xi32, #tpu.memory_space<vmem>>, vector<1x512x128xi32>,
    %slice3A_392 = vector.extract_strided_slice %dot_general3A_5 {offsets = [24, 0], sizes = [1, 65536], strides = [1, 1]} : vector<48x65536xf32> to vector<1x65536xf32>
    %squeeze3A_393 = vector.shape_cast %slice3A_392 : vector<1x65536xf32> to vector<65536xf32>
    %slice3A_394 = vector.extract_strided_slice %dot_general3A_5 {offsets = [25, 0], sizes = [1, 65536], strides = [1, 1]} : vector<48x65536xf32> to vector<1x65536xf32>
    %squeeze3A_395 = vector.shape_cast %slice3A_394 : vector<1x65536xf32> to vector<65536xf32>
    %slice3A_396 = vector.extract_strided_slice %dot_general3A_5 {offsets = [26, 0], sizes = [1, 65536], strides = [1, 1]} : vector<48x65536xf32> to vector<1x65536xf32>
    %squeeze3A_397 = vector.shape_cast %slice3A_396 : vector<1x65536xf32> to vector<65536xf32>
    %div3A_398 = arith.divf %squeeze3A_393, %squeeze3A_397 : vector<65536xf32>
    %div3A_399 = arith.divf %squeeze3A_395, %squeeze3A_397 : vector<65536xf32>
    %convert_element_type3A_400 = arith.fptosi %div3A_398 : vector<65536xf32> to vector<65536xi32>
    %convert_element_type3A_401 = arith.fptosi %div3A_399 : vector<65536xf32> to vector<65536xi32>
    %ge3A_402 = arith.constant 0 : i32
    %ge3A_403 = vector.broadcast %ge3A_402 : i32 to vector<65536xi32>
    %ge3A_404 = arith.cmpi sge, %convert_element_type3A_400, %ge3A_403 : vector<65536xi32>
    %ge3A_405 = arith.constant 0 : i32
    %ge3A_406 = vector.broadcast %ge3A_405 : i32 to vector<65536xi32>
    %ge3A_407 = arith.cmpi sge, %convert_element_type3A_401, %ge3A_406 : vector<65536xi32>
    %and3A_408 = arith.andi %ge3A_404, %ge3A_407 : vector<65536xi1>
    %lt3A_409 = arith.constant 512 : i32
    %lt3A_410 = vector.broadcast %lt3A_409 : i32 to vector<65536xi32>
    %lt3A_411 = arith.cmpi slt, %convert_element_type3A_401, %lt3A_410 : vector<65536xi32>
    %and3A_412 = arith.andi %and3A_408, %lt3A_411 : vector<65536xi1>
    %lt3A_413 = arith.constant 512 : i32
    %lt3A_414 = vector.broadcast %lt3A_413 : i32 to vector<65536xi32>
    %lt3A_415 = arith.cmpi slt, %convert_element_type3A_400, %lt3A_414 : vector<65536xi32>
    %and3A_416 = arith.andi %and3A_412, %lt3A_415 : vector<65536xi1>
    %mul3A_417 = arith.constant 512 : i32
    %mul3A_418 = vector.broadcast %mul3A_417 : i32 to vector<65536xi32>
    %mul3A_419 = arith.muli %convert_element_type3A_400, %mul3A_418 : vector<65536xi32>
    %add3A_420 = arith.addi %mul3A_419, %convert_element_type3A_401 : vector<65536xi32>
    %jit3A_421 = arith.constant 0 : i32
    %broadcast_in_dim3A_422 = vector.broadcast %jit3A_421 : i32 to vector<65536xi32>
    %select_n3A_423 = arith.select %and3A_416, %add3A_420, %broadcast_in_dim3A_422 : vector<65536xi1>, vector<65536xi32>
    %add3A_424 = arith.constant 2097152 : i32
    %add3A_425 = vector.broadcast %add3A_424 : i32 to vector<65536xi32>
    %add3A_426 = arith.addi %select_n3A_423, %add3A_425 : vector<65536xi32>
    %reshape3A_427 = vector.shape_cast %add3A_426 : vector<65536xi32> to vector<512x128xi32>
    %swap3A_428 = arith.constant 8 : index
    %swap3A_429 = arith.constant 0 : index
    %swap3A_430 = arith.constant 0 : index
    %swap3A_431 = vector.load %arg2[%swap3A_428, %swap3A_429, %swap3A_430] : memref<16x512x128xi32, #tpu.memory_space<vmem>>, vector<1x512x128xi32>
    %swap3A_432 = vector.shape_cast %swap3A_431 : vector<1x512x128xi32> to vector<512x128xi32>
    %swap3A_433 = vector.shape_cast %reshape3A_427 : vector<512x128xi32> to vector<1x512x128xi32>
    tpu.vector_store %arg2[%swap3A_428, %swap3A_429, %swap3A_430], %swap3A_433 {strides = array<i32>} : memref<16x512x128xi32, #tpu.memory_space<vmem>>, vector<1x512x128xi32>,
    %convert_element_type3A_434 = arith.extui %and3A_416 : vector<65536xi1> to vector<65536xi32>
    %reshape3A_435 = vector.shape_cast %convert_element_type3A_434 : vector<65536xi32> to vector<512x128xi32>
    %swap3A_436 = arith.constant 8 : index
    %swap3A_437 = arith.constant 0 : index
    %swap3A_438 = arith.constant 0 : index
    %swap3A_439 = vector.load %arg3[%swap3A_436, %swap3A_437, %swap3A_438] : memref<16x512x128xi32, #tpu.memory_space<vmem>>, vector<1x512x128xi32>
    %swap3A_440 = vector.shape_cast %swap3A_439 : vector<1x512x128xi32> to vector<512x128xi32>
    %swap3A_441 = vector.shape_cast %reshape3A_435 : vector<512x128xi32> to vector<1x512x128xi32>
    tpu.vector_store %arg3[%swap3A_436, %swap3A_437, %swap3A_438], %swap3A_441 {strides = array<i32>} : memref<16x512x128xi32, #tpu.memory_space<vmem>>, vector<1x512x128xi32>,
    %slice3A_442 = vector.extract_strided_slice %dot_general3A_5 {offsets = [27, 0], sizes = [1, 65536], strides = [1, 1]} : vector<48x65536xf32> to vector<1x65536xf32>
    %squeeze3A_443 = vector.shape_cast %slice3A_442 : vector<1x65536xf32> to vector<65536xf32>
    %slice3A_444 = vector.extract_strided_slice %dot_general3A_5 {offsets = [28, 0], sizes = [1, 65536], strides = [1, 1]} : vector<48x65536xf32> to vector<1x65536xf32>
    %squeeze3A_445 = vector.shape_cast %slice3A_444 : vector<1x65536xf32> to vector<65536xf32>
    %slice3A_446 = vector.extract_strided_slice %dot_general3A_5 {offsets = [29, 0], sizes = [1, 65536], strides = [1, 1]} : vector<48x65536xf32> to vector<1x65536xf32>
    %squeeze3A_447 = vector.shape_cast %slice3A_446 : vector<1x65536xf32> to vector<65536xf32>
    %div3A_448 = arith.divf %squeeze3A_443, %squeeze3A_447 : vector<65536xf32>
    %div3A_449 = arith.divf %squeeze3A_445, %squeeze3A_447 : vector<65536xf32>
    %convert_element_type3A_450 = arith.fptosi %div3A_448 : vector<65536xf32> to vector<65536xi32>
    %convert_element_type3A_451 = arith.fptosi %div3A_449 : vector<65536xf32> to vector<65536xi32>
    %ge3A_452 = arith.constant 0 : i32
    %ge3A_453 = vector.broadcast %ge3A_452 : i32 to vector<65536xi32>
    %ge3A_454 = arith.cmpi sge, %convert_element_type3A_450, %ge3A_453 : vector<65536xi32>
    %ge3A_455 = arith.constant 0 : i32
    %ge3A_456 = vector.broadcast %ge3A_455 : i32 to vector<65536xi32>
    %ge3A_457 = arith.cmpi sge, %convert_element_type3A_451, %ge3A_456 : vector<65536xi32>
    %and3A_458 = arith.andi %ge3A_454, %ge3A_457 : vector<65536xi1>
    %lt3A_459 = arith.constant 512 : i32
    %lt3A_460 = vector.broadcast %lt3A_459 : i32 to vector<65536xi32>
    %lt3A_461 = arith.cmpi slt, %convert_element_type3A_451, %lt3A_460 : vector<65536xi32>
    %and3A_462 = arith.andi %and3A_458, %lt3A_461 : vector<65536xi1>
    %lt3A_463 = arith.constant 512 : i32
    %lt3A_464 = vector.broadcast %lt3A_463 : i32 to vector<65536xi32>
    %lt3A_465 = arith.cmpi slt, %convert_element_type3A_450, %lt3A_464 : vector<65536xi32>
    %and3A_466 = arith.andi %and3A_462, %lt3A_465 : vector<65536xi1>
    %mul3A_467 = arith.constant 512 : i32
    %mul3A_468 = vector.broadcast %mul3A_467 : i32 to vector<65536xi32>
    %mul3A_469 = arith.muli %convert_element_type3A_450, %mul3A_468 : vector<65536xi32>
    %add3A_470 = arith.addi %mul3A_469, %convert_element_type3A_451 : vector<65536xi32>
    %jit3A_471 = arith.constant 0 : i32
    %broadcast_in_dim3A_472 = vector.broadcast %jit3A_471 : i32 to vector<65536xi32>
    %select_n3A_473 = arith.select %and3A_466, %add3A_470, %broadcast_in_dim3A_472 : vector<65536xi1>, vector<65536xi32>
    %add3A_474 = arith.constant 2359296 : i32
    %add3A_475 = vector.broadcast %add3A_474 : i32 to vector<65536xi32>
    %add3A_476 = arith.addi %select_n3A_473, %add3A_475 : vector<65536xi32>
    %reshape3A_477 = vector.shape_cast %add3A_476 : vector<65536xi32> to vector<512x128xi32>
    %swap3A_478 = arith.constant 9 : index
    %swap3A_479 = arith.constant 0 : index
    %swap3A_480 = arith.constant 0 : index
    %swap3A_481 = vector.load %arg2[%swap3A_478, %swap3A_479, %swap3A_480] : memref<16x512x128xi32, #tpu.memory_space<vmem>>, vector<1x512x128xi32>
    %swap3A_482 = vector.shape_cast %swap3A_481 : vector<1x512x128xi32> to vector<512x128xi32>
    %swap3A_483 = vector.shape_cast %reshape3A_477 : vector<512x128xi32> to vector<1x512x128xi32>
    tpu.vector_store %arg2[%swap3A_478, %swap3A_479, %swap3A_480], %swap3A_483 {strides = array<i32>} : memref<16x512x128xi32, #tpu.memory_space<vmem>>, vector<1x512x128xi32>,
    %convert_element_type3A_484 = arith.extui %and3A_466 : vector<65536xi1> to vector<65536xi32>
    %reshape3A_485 = vector.shape_cast %convert_element_type3A_484 : vector<65536xi32> to vector<512x128xi32>
    %swap3A_486 = arith.constant 9 : index
    %swap3A_487 = arith.constant 0 : index
    %swap3A_488 = arith.constant 0 : index
    %swap3A_489 = vector.load %arg3[%swap3A_486, %swap3A_487, %swap3A_488] : memref<16x512x128xi32, #tpu.memory_space<vmem>>, vector<1x512x128xi32>
    %swap3A_490 = vector.shape_cast %swap3A_489 : vector<1x512x128xi32> to vector<512x128xi32>
    %swap3A_491 = vector.shape_cast %reshape3A_485 : vector<512x128xi32> to vector<1x512x128xi32>
    tpu.vector_store %arg3[%swap3A_486, %swap3A_487, %swap3A_488], %swap3A_491 {strides = array<i32>} : memref<16x512x128xi32, #tpu.memory_space<vmem>>, vector<1x512x128xi32>,
    %slice3A_492 = vector.extract_strided_slice %dot_general3A_5 {offsets = [30, 0], sizes = [1, 65536], strides = [1, 1]} : vector<48x65536xf32> to vector<1x65536xf32>
    %squeeze3A_493 = vector.shape_cast %slice3A_492 : vector<1x65536xf32> to vector<65536xf32>
    %slice3A_494 = vector.extract_strided_slice %dot_general3A_5 {offsets = [31, 0], sizes = [1, 65536], strides = [1, 1]} : vector<48x65536xf32> to vector<1x65536xf32>
    %squeeze3A_495 = vector.shape_cast %slice3A_494 : vector<1x65536xf32> to vector<65536xf32>
    %slice3A_496 = vector.extract_strided_slice %dot_general3A_5 {offsets = [32, 0], sizes = [1, 65536], strides = [1, 1]} : vector<48x65536xf32> to vector<1x65536xf32>
    %squeeze3A_497 = vector.shape_cast %slice3A_496 : vector<1x65536xf32> to vector<65536xf32>
    %div3A_498 = arith.divf %squeeze3A_493, %squeeze3A_497 : vector<65536xf32>
    %div3A_499 = arith.divf %squeeze3A_495, %squeeze3A_497 : vector<65536xf32>
    %convert_element_type3A_500 = arith.fptosi %div3A_498 : vector<65536xf32> to vector<65536xi32>
    %convert_element_type3A_501 = arith.fptosi %div3A_499 : vector<65536xf32> to vector<65536xi32>
    %ge3A_502 = arith.constant 0 : i32
    %ge3A_503 = vector.broadcast %ge3A_502 : i32 to vector<65536xi32>
    %ge3A_504 = arith.cmpi sge, %convert_element_type3A_500, %ge3A_503 : vector<65536xi32>
    %ge3A_505 = arith.constant 0 : i32
    %ge3A_506 = vector.broadcast %ge3A_505 : i32 to vector<65536xi32>
    %ge3A_507 = arith.cmpi sge, %convert_element_type3A_501, %ge3A_506 : vector<65536xi32>
    %and3A_508 = arith.andi %ge3A_504, %ge3A_507 : vector<65536xi1>
    %lt3A_509 = arith.constant 512 : i32
    %lt3A_510 = vector.broadcast %lt3A_509 : i32 to vector<65536xi32>
    %lt3A_511 = arith.cmpi slt, %convert_element_type3A_501, %lt3A_510 : vector<65536xi32>
    %and3A_512 = arith.andi %and3A_508, %lt3A_511 : vector<65536xi1>
    %lt3A_513 = arith.constant 512 : i32
    %lt3A_514 = vector.broadcast %lt3A_513 : i32 to vector<65536xi32>
    %lt3A_515 = arith.cmpi slt, %convert_element_type3A_500, %lt3A_514 : vector<65536xi32>
    %and3A_516 = arith.andi %and3A_512, %lt3A_515 : vector<65536xi1>
    %mul3A_517 = arith.constant 512 : i32
    %mul3A_518 = vector.broadcast %mul3A_517 : i32 to vector<65536xi32>
    %mul3A_519 = arith.muli %convert_element_type3A_500, %mul3A_518 : vector<65536xi32>
    %add3A_520 = arith.addi %mul3A_519, %convert_element_type3A_501 : vector<65536xi32>
    %jit3A_521 = arith.constant 0 : i32
    %broadcast_in_dim3A_522 = vector.broadcast %jit3A_521 : i32 to vector<65536xi32>
    %select_n3A_523 = arith.select %and3A_516, %add3A_520, %broadcast_in_dim3A_522 : vector<65536xi1>, vector<65536xi32>
    %add3A_524 = arith.constant 2621440 : i32
    %add3A_525 = vector.broadcast %add3A_524 : i32 to vector<65536xi32>
    %add3A_526 = arith.addi %select_n3A_523, %add3A_525 : vector<65536xi32>
    %reshape3A_527 = vector.shape_cast %add3A_526 : vector<65536xi32> to vector<512x128xi32>
    %swap3A_528 = arith.constant 10 : index
    %swap3A_529 = arith.constant 0 : index
    %swap3A_530 = arith.constant 0 : index
    %swap3A_531 = vector.load %arg2[%swap3A_528, %swap3A_529, %swap3A_530] : memref<16x512x128xi32, #tpu.memory_space<vmem>>, vector<1x512x128xi32>
    %swap3A_532 = vector.shape_cast %swap3A_531 : vector<1x512x128xi32> to vector<512x128xi32>
    %swap3A_533 = vector.shape_cast %reshape3A_527 : vector<512x128xi32> to vector<1x512x128xi32>
    tpu.vector_store %arg2[%swap3A_528, %swap3A_529, %swap3A_530], %swap3A_533 {strides = array<i32>} : memref<16x512x128xi32, #tpu.memory_space<vmem>>, vector<1x512x128xi32>,
    %convert_element_type3A_534 = arith.extui %and3A_516 : vector<65536xi1> to vector<65536xi32>
    %reshape3A_535 = vector.shape_cast %convert_element_type3A_534 : vector<65536xi32> to vector<512x128xi32>
    %swap3A_536 = arith.constant 10 : index
    %swap3A_537 = arith.constant 0 : index
    %swap3A_538 = arith.constant 0 : index
    %swap3A_539 = vector.load %arg3[%swap3A_536, %swap3A_537, %swap3A_538] : memref<16x512x128xi32, #tpu.memory_space<vmem>>, vector<1x512x128xi32>
    %swap3A_540 = vector.shape_cast %swap3A_539 : vector<1x512x128xi32> to vector<512x128xi32>
    %swap3A_541 = vector.shape_cast %reshape3A_535 : vector<512x128xi32> to vector<1x512x128xi32>
    tpu.vector_store %arg3[%swap3A_536, %swap3A_537, %swap3A_538], %swap3A_541 {strides = array<i32>} : memref<16x512x128xi32, #tpu.memory_space<vmem>>, vector<1x512x128xi32>,
    %slice3A_542 = vector.extract_strided_slice %dot_general3A_5 {offsets = [33, 0], sizes = [1, 65536], strides = [1, 1]} : vector<48x65536xf32> to vector<1x65536xf32>
    %squeeze3A_543 = vector.shape_cast %slice3A_542 : vector<1x65536xf32> to vector<65536xf32>
    %slice3A_544 = vector.extract_strided_slice %dot_general3A_5 {offsets = [34, 0], sizes = [1, 65536], strides = [1, 1]} : vector<48x65536xf32> to vector<1x65536xf32>
    %squeeze3A_545 = vector.shape_cast %slice3A_544 : vector<1x65536xf32> to vector<65536xf32>
    %slice3A_546 = vector.extract_strided_slice %dot_general3A_5 {offsets = [35, 0], sizes = [1, 65536], strides = [1, 1]} : vector<48x65536xf32> to vector<1x65536xf32>
    %squeeze3A_547 = vector.shape_cast %slice3A_546 : vector<1x65536xf32> to vector<65536xf32>
    %div3A_548 = arith.divf %squeeze3A_543, %squeeze3A_547 : vector<65536xf32>
    %div3A_549 = arith.divf %squeeze3A_545, %squeeze3A_547 : vector<65536xf32>
    %convert_element_type3A_550 = arith.fptosi %div3A_548 : vector<65536xf32> to vector<65536xi32>
    %convert_element_type3A_551 = arith.fptosi %div3A_549 : vector<65536xf32> to vector<65536xi32>
    %ge3A_552 = arith.constant 0 : i32
    %ge3A_553 = vector.broadcast %ge3A_552 : i32 to vector<65536xi32>
    %ge3A_554 = arith.cmpi sge, %convert_element_type3A_550, %ge3A_553 : vector<65536xi32>
    %ge3A_555 = arith.constant 0 : i32
    %ge3A_556 = vector.broadcast %ge3A_555 : i32 to vector<65536xi32>
    %ge3A_557 = arith.cmpi sge, %convert_element_type3A_551, %ge3A_556 : vector<65536xi32>
    %and3A_558 = arith.andi %ge3A_554, %ge3A_557 : vector<65536xi1>
    %lt3A_559 = arith.constant 512 : i32
    %lt3A_560 = vector.broadcast %lt3A_559 : i32 to vector<65536xi32>
    %lt3A_561 = arith.cmpi slt, %convert_element_type3A_551, %lt3A_560 : vector<65536xi32>
    %and3A_562 = arith.andi %and3A_558, %lt3A_561 : vector<65536xi1>
    %lt3A_563 = arith.constant 512 : i32
    %lt3A_564 = vector.broadcast %lt3A_563 : i32 to vector<65536xi32>
    %lt3A_565 = arith.cmpi slt, %convert_element_type3A_550, %lt3A_564 : vector<65536xi32>
    %and3A_566 = arith.andi %and3A_562, %lt3A_565 : vector<65536xi1>
    %mul3A_567 = arith.constant 512 : i32
    %mul3A_568 = vector.broadcast %mul3A_567 : i32 to vector<65536xi32>
    %mul3A_569 = arith.muli %convert_element_type3A_550, %mul3A_568 : vector<65536xi32>
    %add3A_570 = arith.addi %mul3A_569, %convert_element_type3A_551 : vector<65536xi32>
    %jit3A_571 = arith.constant 0 : i32
    %broadcast_in_dim3A_572 = vector.broadcast %jit3A_571 : i32 to vector<65536xi32>
    %select_n3A_573 = arith.select %and3A_566, %add3A_570, %broadcast_in_dim3A_572 : vector<65536xi1>, vector<65536xi32>
    %add3A_574 = arith.constant 2883584 : i32
    %add3A_575 = vector.broadcast %add3A_574 : i32 to vector<65536xi32>
    %add3A_576 = arith.addi %select_n3A_573, %add3A_575 : vector<65536xi32>
    %reshape3A_577 = vector.shape_cast %add3A_576 : vector<65536xi32> to vector<512x128xi32>
    %swap3A_578 = arith.constant 11 : index
    %swap3A_579 = arith.constant 0 : index
    %swap3A_580 = arith.constant 0 : index
    %swap3A_581 = vector.load %arg2[%swap3A_578, %swap3A_579, %swap3A_580] : memref<16x512x128xi32, #tpu.memory_space<vmem>>, vector<1x512x128xi32>
    %swap3A_582 = vector.shape_cast %swap3A_581 : vector<1x512x128xi32> to vector<512x128xi32>
    %swap3A_583 = vector.shape_cast %reshape3A_577 : vector<512x128xi32> to vector<1x512x128xi32>
    tpu.vector_store %arg2[%swap3A_578, %swap3A_579, %swap3A_580], %swap3A_583 {strides = array<i32>} : memref<16x512x128xi32, #tpu.memory_space<vmem>>, vector<1x512x128xi32>,
    %convert_element_type3A_584 = arith.extui %and3A_566 : vector<65536xi1> to vector<65536xi32>
    %reshape3A_585 = vector.shape_cast %convert_element_type3A_584 : vector<65536xi32> to vector<512x128xi32>
    %swap3A_586 = arith.constant 11 : index
    %swap3A_587 = arith.constant 0 : index
    %swap3A_588 = arith.constant 0 : index
    %swap3A_589 = vector.load %arg3[%swap3A_586, %swap3A_587, %swap3A_588] : memref<16x512x128xi32, #tpu.memory_space<vmem>>, vector<1x512x128xi32>
    %swap3A_590 = vector.shape_cast %swap3A_589 : vector<1x512x128xi32> to vector<512x128xi32>
    %swap3A_591 = vector.shape_cast %reshape3A_585 : vector<512x128xi32> to vector<1x512x128xi32>
    tpu.vector_store %arg3[%swap3A_586, %swap3A_587, %swap3A_588], %swap3A_591 {strides = array<i32>} : memref<16x512x128xi32, #tpu.memory_space<vmem>>, vector<1x512x128xi32>,
    %slice3A_592 = vector.extract_strided_slice %dot_general3A_5 {offsets = [36, 0], sizes = [1, 65536], strides = [1, 1]} : vector<48x65536xf32> to vector<1x65536xf32>
    %squeeze3A_593 = vector.shape_cast %slice3A_592 : vector<1x65536xf32> to vector<65536xf32>
    %slice3A_594 = vector.extract_strided_slice %dot_general3A_5 {offsets = [37, 0], sizes = [1, 65536], strides = [1, 1]} : vector<48x65536xf32> to vector<1x65536xf32>
    %squeeze3A_595 = vector.shape_cast %slice3A_594 : vector<1x65536xf32> to vector<65536xf32>
    %slice3A_596 = vector.extract_strided_slice %dot_general3A_5 {offsets = [38, 0], sizes = [1, 65536], strides = [1, 1]} : vector<48x65536xf32> to vector<1x65536xf32>
    %squeeze3A_597 = vector.shape_cast %slice3A_596 : vector<1x65536xf32> to vector<65536xf32>
    %div3A_598 = arith.divf %squeeze3A_593, %squeeze3A_597 : vector<65536xf32>
    %div3A_599 = arith.divf %squeeze3A_595, %squeeze3A_597 : vector<65536xf32>
    %convert_element_type3A_600 = arith.fptosi %div3A_598 : vector<65536xf32> to vector<65536xi32>
    %convert_element_type3A_601 = arith.fptosi %div3A_599 : vector<65536xf32> to vector<65536xi32>
    %ge3A_602 = arith.constant 0 : i32
    %ge3A_603 = vector.broadcast %ge3A_602 : i32 to vector<65536xi32>
    %ge3A_604 = arith.cmpi sge, %convert_element_type3A_600, %ge3A_603 : vector<65536xi32>
    %ge3A_605 = arith.constant 0 : i32
    %ge3A_606 = vector.broadcast %ge3A_605 : i32 to vector<65536xi32>
    %ge3A_607 = arith.cmpi sge, %convert_element_type3A_601, %ge3A_606 : vector<65536xi32>
    %and3A_608 = arith.andi %ge3A_604, %ge3A_607 : vector<65536xi1>
    %lt3A_609 = arith.constant 512 : i32
    %lt3A_610 = vector.broadcast %lt3A_609 : i32 to vector<65536xi32>
    %lt3A_611 = arith.cmpi slt, %convert_element_type3A_601, %lt3A_610 : vector<65536xi32>
    %and3A_612 = arith.andi %and3A_608, %lt3A_611 : vector<65536xi1>
    %lt3A_613 = arith.constant 512 : i32
    %lt3A_614 = vector.broadcast %lt3A_613 : i32 to vector<65536xi32>
    %lt3A_615 = arith.cmpi slt, %convert_element_type3A_600, %lt3A_614 : vector<65536xi32>
    %and3A_616 = arith.andi %and3A_612, %lt3A_615 : vector<65536xi1>
    %mul3A_617 = arith.constant 512 : i32
    %mul3A_618 = vector.broadcast %mul3A_617 : i32 to vector<65536xi32>
    %mul3A_619 = arith.muli %convert_element_type3A_600, %mul3A_618 : vector<65536xi32>
    %add3A_620 = arith.addi %mul3A_619, %convert_element_type3A_601 : vector<65536xi32>
    %jit3A_621 = arith.constant 0 : i32
    %broadcast_in_dim3A_622 = vector.broadcast %jit3A_621 : i32 to vector<65536xi32>
    %select_n3A_623 = arith.select %and3A_616, %add3A_620, %broadcast_in_dim3A_622 : vector<65536xi1>, vector<65536xi32>
    %add3A_624 = arith.constant 3145728 : i32
    %add3A_625 = vector.broadcast %add3A_624 : i32 to vector<65536xi32>
    %add3A_626 = arith.addi %select_n3A_623, %add3A_625 : vector<65536xi32>
    %reshape3A_627 = vector.shape_cast %add3A_626 : vector<65536xi32> to vector<512x128xi32>
    %swap3A_628 = arith.constant 12 : index
    %swap3A_629 = arith.constant 0 : index
    %swap3A_630 = arith.constant 0 : index
    %swap3A_631 = vector.load %arg2[%swap3A_628, %swap3A_629, %swap3A_630] : memref<16x512x128xi32, #tpu.memory_space<vmem>>, vector<1x512x128xi32>
    %swap3A_632 = vector.shape_cast %swap3A_631 : vector<1x512x128xi32> to vector<512x128xi32>
    %swap3A_633 = vector.shape_cast %reshape3A_627 : vector<512x128xi32> to vector<1x512x128xi32>
    tpu.vector_store %arg2[%swap3A_628, %swap3A_629, %swap3A_630], %swap3A_633 {strides = array<i32>} : memref<16x512x128xi32, #tpu.memory_space<vmem>>, vector<1x512x128xi32>,
    %convert_element_type3A_634 = arith.extui %and3A_616 : vector<65536xi1> to vector<65536xi32>
    %reshape3A_635 = vector.shape_cast %convert_element_type3A_634 : vector<65536xi32> to vector<512x128xi32>
    %swap3A_636 = arith.constant 12 : index
    %swap3A_637 = arith.constant 0 : index
    %swap3A_638 = arith.constant 0 : index
    %swap3A_639 = vector.load %arg3[%swap3A_636, %swap3A_637, %swap3A_638] : memref<16x512x128xi32, #tpu.memory_space<vmem>>, vector<1x512x128xi32>
    %swap3A_640 = vector.shape_cast %swap3A_639 : vector<1x512x128xi32> to vector<512x128xi32>
    %swap3A_641 = vector.shape_cast %reshape3A_635 : vector<512x128xi32> to vector<1x512x128xi32>
    tpu.vector_store %arg3[%swap3A_636, %swap3A_637, %swap3A_638], %swap3A_641 {strides = array<i32>} : memref<16x512x128xi32, #tpu.memory_space<vmem>>, vector<1x512x128xi32>,
    %slice3A_642 = vector.extract_strided_slice %dot_general3A_5 {offsets = [39, 0], sizes = [1, 65536], strides = [1, 1]} : vector<48x65536xf32> to vector<1x65536xf32>
    %squeeze3A_643 = vector.shape_cast %slice3A_642 : vector<1x65536xf32> to vector<65536xf32>
    %slice3A_644 = vector.extract_strided_slice %dot_general3A_5 {offsets = [40, 0], sizes = [1, 65536], strides = [1, 1]} : vector<48x65536xf32> to vector<1x65536xf32>
    %squeeze3A_645 = vector.shape_cast %slice3A_644 : vector<1x65536xf32> to vector<65536xf32>
    %slice3A_646 = vector.extract_strided_slice %dot_general3A_5 {offsets = [41, 0], sizes = [1, 65536], strides = [1, 1]} : vector<48x65536xf32> to vector<1x65536xf32>
    %squeeze3A_647 = vector.shape_cast %slice3A_646 : vector<1x65536xf32> to vector<65536xf32>
    %div3A_648 = arith.divf %squeeze3A_643, %squeeze3A_647 : vector<65536xf32>
    %div3A_649 = arith.divf %squeeze3A_645, %squeeze3A_647 : vector<65536xf32>
    %convert_element_type3A_650 = arith.fptosi %div3A_648 : vector<65536xf32> to vector<65536xi32>
    %convert_element_type3A_651 = arith.fptosi %div3A_649 : vector<65536xf32> to vector<65536xi32>
    %ge3A_652 = arith.constant 0 : i32
    %ge3A_653 = vector.broadcast %ge3A_652 : i32 to vector<65536xi32>
    %ge3A_654 = arith.cmpi sge, %convert_element_type3A_650, %ge3A_653 : vector<65536xi32>
    %ge3A_655 = arith.constant 0 : i32
    %ge3A_656 = vector.broadcast %ge3A_655 : i32 to vector<65536xi32>
    %ge3A_657 = arith.cmpi sge, %convert_element_type3A_651, %ge3A_656 : vector<65536xi32>
    %and3A_658 = arith.andi %ge3A_654, %ge3A_657 : vector<65536xi1>
    %lt3A_659 = arith.constant 512 : i32
    %lt3A_660 = vector.broadcast %lt3A_659 : i32 to vector<65536xi32>
    %lt3A_661 = arith.cmpi slt, %convert_element_type3A_651, %lt3A_660 : vector<65536xi32>
    %and3A_662 = arith.andi %and3A_658, %lt3A_661 : vector<65536xi1>
    %lt3A_663 = arith.constant 512 : i32
    %lt3A_664 = vector.broadcast %lt3A_663 : i32 to vector<65536xi32>
    %lt3A_665 = arith.cmpi slt, %convert_element_type3A_650, %lt3A_664 : vector<65536xi32>
    %and3A_666 = arith.andi %and3A_662, %lt3A_665 : vector<65536xi1>
    %mul3A_667 = arith.constant 512 : i32
    %mul3A_668 = vector.broadcast %mul3A_667 : i32 to vector<65536xi32>
    %mul3A_669 = arith.muli %convert_element_type3A_650, %mul3A_668 : vector<65536xi32>
    %add3A_670 = arith.addi %mul3A_669, %convert_element_type3A_651 : vector<65536xi32>
    %jit3A_671 = arith.constant 0 : i32
    %broadcast_in_dim3A_672 = vector.broadcast %jit3A_671 : i32 to vector<65536xi32>
    %select_n3A_673 = arith.select %and3A_666, %add3A_670, %broadcast_in_dim3A_672 : vector<65536xi1>, vector<65536xi32>
    %add3A_674 = arith.constant 3407872 : i32
    %add3A_675 = vector.broadcast %add3A_674 : i32 to vector<65536xi32>
    %add3A_676 = arith.addi %select_n3A_673, %add3A_675 : vector<65536xi32>
    %reshape3A_677 = vector.shape_cast %add3A_676 : vector<65536xi32> to vector<512x128xi32>
    %swap3A_678 = arith.constant 13 : index
    %swap3A_679 = arith.constant 0 : index
    %swap3A_680 = arith.constant 0 : index
    %swap3A_681 = vector.load %arg2[%swap3A_678, %swap3A_679, %swap3A_680] : memref<16x512x128xi32, #tpu.memory_space<vmem>>, vector<1x512x128xi32>
    %swap3A_682 = vector.shape_cast %swap3A_681 : vector<1x512x128xi32> to vector<512x128xi32>
    %swap3A_683 = vector.shape_cast %reshape3A_677 : vector<512x128xi32> to vector<1x512x128xi32>
    tpu.vector_store %arg2[%swap3A_678, %swap3A_679, %swap3A_680], %swap3A_683 {strides = array<i32>} : memref<16x512x128xi32, #tpu.memory_space<vmem>>, vector<1x512x128xi32>,
    %convert_element_type3A_684 = arith.extui %and3A_666 : vector<65536xi1> to vector<65536xi32>
    %reshape3A_685 = vector.shape_cast %convert_element_type3A_684 : vector<65536xi32> to vector<512x128xi32>
    %swap3A_686 = arith.constant 13 : index
    %swap3A_687 = arith.constant 0 : index
    %swap3A_688 = arith.constant 0 : index
    %swap3A_689 = vector.load %arg3[%swap3A_686, %swap3A_687, %swap3A_688] : memref<16x512x128xi32, #tpu.memory_space<vmem>>, vector<1x512x128xi32>
    %swap3A_690 = vector.shape_cast %swap3A_689 : vector<1x512x128xi32> to vector<512x128xi32>
    %swap3A_691 = vector.shape_cast %reshape3A_685 : vector<512x128xi32> to vector<1x512x128xi32>
    tpu.vector_store %arg3[%swap3A_686, %swap3A_687, %swap3A_688], %swap3A_691 {strides = array<i32>} : memref<16x512x128xi32, #tpu.memory_space<vmem>>, vector<1x512x128xi32>,
    %slice3A_692 = vector.extract_strided_slice %dot_general3A_5 {offsets = [42, 0], sizes = [1, 65536], strides = [1, 1]} : vector<48x65536xf32> to vector<1x65536xf32>
    %squeeze3A_693 = vector.shape_cast %slice3A_692 : vector<1x65536xf32> to vector<65536xf32>
    %slice3A_694 = vector.extract_strided_slice %dot_general3A_5 {offsets = [43, 0], sizes = [1, 65536], strides = [1, 1]} : vector<48x65536xf32> to vector<1x65536xf32>
    %squeeze3A_695 = vector.shape_cast %slice3A_694 : vector<1x65536xf32> to vector<65536xf32>
    %slice3A_696 = vector.extract_strided_slice %dot_general3A_5 {offsets = [44, 0], sizes = [1, 65536], strides = [1, 1]} : vector<48x65536xf32> to vector<1x65536xf32>
    %squeeze3A_697 = vector.shape_cast %slice3A_696 : vector<1x65536xf32> to vector<65536xf32>
    %div3A_698 = arith.divf %squeeze3A_693, %squeeze3A_697 : vector<65536xf32>
    %div3A_699 = arith.divf %squeeze3A_695, %squeeze3A_697 : vector<65536xf32>
    %convert_element_type3A_700 = arith.fptosi %div3A_698 : vector<65536xf32> to vector<65536xi32>
    %convert_element_type3A_701 = arith.fptosi %div3A_699 : vector<65536xf32> to vector<65536xi32>
    %ge3A_702 = arith.constant 0 : i32
    %ge3A_703 = vector.broadcast %ge3A_702 : i32 to vector<65536xi32>
    %ge3A_704 = arith.cmpi sge, %convert_element_type3A_700, %ge3A_703 : vector<65536xi32>
    %ge3A_705 = arith.constant 0 : i32
    %ge3A_706 = vector.broadcast %ge3A_705 : i32 to vector<65536xi32>
    %ge3A_707 = arith.cmpi sge, %convert_element_type3A_701, %ge3A_706 : vector<65536xi32>
    %and3A_708 = arith.andi %ge3A_704, %ge3A_707 : vector<65536xi1>
    %lt3A_709 = arith.constant 512 : i32
    %lt3A_710 = vector.broadcast %lt3A_709 : i32 to vector<65536xi32>
    %lt3A_711 = arith.cmpi slt, %convert_element_type3A_701, %lt3A_710 : vector<65536xi32>
    %and3A_712 = arith.andi %and3A_708, %lt3A_711 : vector<65536xi1>
    %lt3A_713 = arith.constant 512 : i32
    %lt3A_714 = vector.broadcast %lt3A_713 : i32 to vector<65536xi32>
    %lt3A_715 = arith.cmpi slt, %convert_element_type3A_700, %lt3A_714 : vector<65536xi32>
    %and3A_716 = arith.andi %and3A_712, %lt3A_715 : vector<65536xi1>
    %mul3A_717 = arith.constant 512 : i32
    %mul3A_718 = vector.broadcast %mul3A_717 : i32 to vector<65536xi32>
    %mul3A_719 = arith.muli %convert_element_type3A_700, %mul3A_718 : vector<65536xi32>
    %add3A_720 = arith.addi %mul3A_719, %convert_element_type3A_701 : vector<65536xi32>
    %jit3A_721 = arith.constant 0 : i32
    %broadcast_in_dim3A_722 = vector.broadcast %jit3A_721 : i32 to vector<65536xi32>
    %select_n3A_723 = arith.select %and3A_716, %add3A_720, %broadcast_in_dim3A_722 : vector<65536xi1>, vector<65536xi32>
    %add3A_724 = arith.constant 3670016 : i32
    %add3A_725 = vector.broadcast %add3A_724 : i32 to vector<65536xi32>
    %add3A_726 = arith.addi %select_n3A_723, %add3A_725 : vector<65536xi32>
    %reshape3A_727 = vector.shape_cast %add3A_726 : vector<65536xi32> to vector<512x128xi32>
    %swap3A_728 = arith.constant 14 : index
    %swap3A_729 = arith.constant 0 : index
    %swap3A_730 = arith.constant 0 : index
    %swap3A_731 = vector.load %arg2[%swap3A_728, %swap3A_729, %swap3A_730] : memref<16x512x128xi32, #tpu.memory_space<vmem>>, vector<1x512x128xi32>
    %swap3A_732 = vector.shape_cast %swap3A_731 : vector<1x512x128xi32> to vector<512x128xi32>
    %swap3A_733 = vector.shape_cast %reshape3A_727 : vector<512x128xi32> to vector<1x512x128xi32>
    tpu.vector_store %arg2[%swap3A_728, %swap3A_729, %swap3A_730], %swap3A_733 {strides = array<i32>} : memref<16x512x128xi32, #tpu.memory_space<vmem>>, vector<1x512x128xi32>,
    %convert_element_type3A_734 = arith.extui %and3A_716 : vector<65536xi1> to vector<65536xi32>
    %reshape3A_735 = vector.shape_cast %convert_element_type3A_734 : vector<65536xi32> to vector<512x128xi32>
    %swap3A_736 = arith.constant 14 : index
    %swap3A_737 = arith.constant 0 : index
    %swap3A_738 = arith.constant 0 : index
    %swap3A_739 = vector.load %arg3[%swap3A_736, %swap3A_737, %swap3A_738] : memref<16x512x128xi32, #tpu.memory_space<vmem>>, vector<1x512x128xi32>
    %swap3A_740 = vector.shape_cast %swap3A_739 : vector<1x512x128xi32> to vector<512x128xi32>
    %swap3A_741 = vector.shape_cast %reshape3A_735 : vector<512x128xi32> to vector<1x512x128xi32>
    tpu.vector_store %arg3[%swap3A_736, %swap3A_737, %swap3A_738], %swap3A_741 {strides = array<i32>} : memref<16x512x128xi32, #tpu.memory_space<vmem>>, vector<1x512x128xi32>,
    %slice3A_742 = vector.extract_strided_slice %dot_general3A_5 {offsets = [45, 0], sizes = [1, 65536], strides = [1, 1]} : vector<48x65536xf32> to vector<1x65536xf32>
    %squeeze3A_743 = vector.shape_cast %slice3A_742 : vector<1x65536xf32> to vector<65536xf32>
    %slice3A_744 = vector.extract_strided_slice %dot_general3A_5 {offsets = [46, 0], sizes = [1, 65536], strides = [1, 1]} : vector<48x65536xf32> to vector<1x65536xf32>
    %squeeze3A_745 = vector.shape_cast %slice3A_744 : vector<1x65536xf32> to vector<65536xf32>
    %slice3A_746 = vector.extract_strided_slice %dot_general3A_5 {offsets = [47, 0], sizes = [1, 65536], strides = [1, 1]} : vector<48x65536xf32> to vector<1x65536xf32>
    %squeeze3A_747 = vector.shape_cast %slice3A_746 : vector<1x65536xf32> to vector<65536xf32>
    %div3A_748 = arith.divf %squeeze3A_743, %squeeze3A_747 : vector<65536xf32>
    %div3A_749 = arith.divf %squeeze3A_745, %squeeze3A_747 : vector<65536xf32>
    %convert_element_type3A_750 = arith.fptosi %div3A_748 : vector<65536xf32> to vector<65536xi32>
    %convert_element_type3A_751 = arith.fptosi %div3A_749 : vector<65536xf32> to vector<65536xi32>
    %ge3A_752 = arith.constant 0 : i32
    %ge3A_753 = vector.broadcast %ge3A_752 : i32 to vector<65536xi32>
    %ge3A_754 = arith.cmpi sge, %convert_element_type3A_750, %ge3A_753 : vector<65536xi32>
    %ge3A_755 = arith.constant 0 : i32
    %ge3A_756 = vector.broadcast %ge3A_755 : i32 to vector<65536xi32>
    %ge3A_757 = arith.cmpi sge, %convert_element_type3A_751, %ge3A_756 : vector<65536xi32>
    %and3A_758 = arith.andi %ge3A_754, %ge3A_757 : vector<65536xi1>
    %lt3A_759 = arith.constant 512 : i32
    %lt3A_760 = vector.broadcast %lt3A_759 : i32 to vector<65536xi32>
    %lt3A_761 = arith.cmpi slt, %convert_element_type3A_751, %lt3A_760 : vector<65536xi32>
    %and3A_762 = arith.andi %and3A_758, %lt3A_761 : vector<65536xi1>
    %lt3A_763 = arith.constant 512 : i32
    %lt3A_764 = vector.broadcast %lt3A_763 : i32 to vector<65536xi32>
    %lt3A_765 = arith.cmpi slt, %convert_element_type3A_750, %lt3A_764 : vector<65536xi32>
    %and3A_766 = arith.andi %and3A_762, %lt3A_765 : vector<65536xi1>
    %mul3A_767 = arith.constant 512 : i32
    %mul3A_768 = vector.broadcast %mul3A_767 : i32 to vector<65536xi32>
    %mul3A_769 = arith.muli %convert_element_type3A_750, %mul3A_768 : vector<65536xi32>
    %add3A_770 = arith.addi %mul3A_769, %convert_element_type3A_751 : vector<65536xi32>
    %jit3A_771 = arith.constant 0 : i32
    %broadcast_in_dim3A_772 = vector.broadcast %jit3A_771 : i32 to vector<65536xi32>
    %select_n3A_773 = arith.select %and3A_766, %add3A_770, %broadcast_in_dim3A_772 : vector<65536xi1>, vector<65536xi32>
    %add3A_774 = arith.constant 3932160 : i32
    %add3A_775 = vector.broadcast %add3A_774 : i32 to vector<65536xi32>
    %add3A_776 = arith.addi %select_n3A_773, %add3A_775 : vector<65536xi32>
    %reshape3A_777 = vector.shape_cast %add3A_776 : vector<65536xi32> to vector<512x128xi32>
    %swap3A_778 = arith.constant 15 : index
    %swap3A_779 = arith.constant 0 : index
    %swap3A_780 = arith.constant 0 : index
    %swap3A_781 = vector.load %arg2[%swap3A_778, %swap3A_779, %swap3A_780] : memref<16x512x128xi32, #tpu.memory_space<vmem>>, vector<1x512x128xi32>
    %swap3A_782 = vector.shape_cast %swap3A_781 : vector<1x512x128xi32> to vector<512x128xi32>
    %swap3A_783 = vector.shape_cast %reshape3A_777 : vector<512x128xi32> to vector<1x512x128xi32>
    tpu.vector_store %arg2[%swap3A_778, %swap3A_779, %swap3A_780], %swap3A_783 {strides = array<i32>} : memref<16x512x128xi32, #tpu.memory_space<vmem>>, vector<1x512x128xi32>,
    %convert_element_type3A_784 = arith.extui %and3A_766 : vector<65536xi1> to vector<65536xi32>
    %reshape3A_785 = vector.shape_cast %convert_element_type3A_784 : vector<65536xi32> to vector<512x128xi32>
    %swap3A_786 = arith.constant 15 : index
    %swap3A_787 = arith.constant 0 : index
    %swap3A_788 = arith.constant 0 : index
    %swap3A_789 = vector.load %arg3[%swap3A_786, %swap3A_787, %swap3A_788] : memref<16x512x128xi32, #tpu.memory_space<vmem>>, vector<1x512x128xi32>
    %swap3A_790 = vector.shape_cast %swap3A_789 : vector<1x512x128xi32> to vector<512x128xi32>
    %swap3A_791 = vector.shape_cast %reshape3A_785 : vector<512x128xi32> to vector<1x512x128xi32>
    tpu.vector_store %arg3[%swap3A_786, %swap3A_787, %swap3A_788], %swap3A_791 {strides = array<i32>} : memref<16x512x128xi32, #tpu.memory_space<vmem>>, vector<1x512x128xi32>,
    return
  }
}

module attributes {stable_mosaic.version = 14 : i64} {
  func.func @_tr_body(%arg0: i32, %arg1: i32, %arg2: memref<1x4096x16xf32, #tpu.memory_space<vmem>>, %arg3: memref<1x16x4096xf32, #tpu.memory_space<vmem>>) attributes {dimension_semantics = [#tpu.dimension_semantics<arbitrary>, #tpu.dimension_semantics<arbitrary>], iteration_bounds = array<i64: 16, 16>, scalar_prefetch = 0 : i64, scratch_operands = 0 : i64, tpu.core_type = #tpu.core_type<tc>, window_params = [{transform_indices = @transform_0, window_bounds = array<i64: 1, 4096, 16>}, {transform_indices = @transform_1, window_bounds = array<i64: 1, 16, 4096>}]} {
    %get3A = arith.constant 0 : index
    %get3A_0 = arith.constant 0 : index
    %get3A_1 = arith.constant 0 : index
    %get3A_2 = vector.load %arg2[%get3A, %get3A_0, %get3A_1] : memref<1x4096x16xf32, #tpu.memory_space<vmem>>, vector<1x4096x16xf32>
    %get3A_3 = vector.shape_cast %get3A_2 : vector<1x4096x16xf32> to vector<4096x16xf32>
    %transpose3A = tpu.transpose %get3A_3, [1, 0] : vector<4096x16xf32> -> vector<16x4096xf32>
    %swap3A = arith.constant 0 : index
    %swap3A_4 = arith.constant 0 : index
    %swap3A_5 = arith.constant 0 : index
    %swap3A_6 = vector.load %arg3[%swap3A, %swap3A_4, %swap3A_5] : memref<1x16x4096xf32, #tpu.memory_space<vmem>>, vector<1x16x4096xf32>
    %swap3A_7 = vector.shape_cast %swap3A_6 : vector<1x16x4096xf32> to vector<16x4096xf32>
    %swap3A_8 = vector.shape_cast %transpose3A : vector<16x4096xf32> to vector<1x16x4096xf32>
    tpu.vector_store %arg3[%swap3A, %swap3A_4, %swap3A_5], %swap3A_8 {strides = array<i32>} : memref<1x16x4096xf32, #tpu.memory_space<vmem>>, vector<1x16x4096xf32>,
    return
  }
  func.func @transform_0(%arg0: i32, %arg1: i32) -> (i32, i32, i32) {
    %c0_i32 = arith.constant 0 : i32
    %c0_i32_0 = arith.constant 0 : i32
    return %arg0, %arg1, %c0_i32 : i32, i32, i32
  }
  func.func @transform_1(%arg0: i32, %arg1: i32) -> (i32, i32, i32) {
    %c0_i32 = arith.constant 0 : i32
    %c0_i32_0 = arith.constant 0 : i32
    return %arg0, %c0_i32, %arg1 : i32, i32, i32
  }
}

</mosaic_0001>

<sc_bundles>
// kernel: kernel.6.cloned.1.call-start
scs
__scs_entry_jumppad:
0x0: {  	(pc) =	sbr.rel $0x88, $3  }
0x1: {  	(tag) =	ssettag $0x0;
	lr =	simm.s32 $0x1  }
0x2: {  	[smem:$0x3F9D] =	sst lr;
	_ =	strace $0xD0000000  }
0x3: {  	_ = 	snop  }
0x4: {  	_ = 	snop  }
0x5: {  	_ = 	snop  }
0x6: {  	_ = 	snop  }
0x7: {  	_ = 	snop  }
__scs_overlays_trampoline_lowered:
0x8: {  	[smem:$0x3FAC] =	sst s0  }
0x9: {  	[smem:$0x3FAD] =	sst s1  }
0xa: {  	[smem:$0x3FAE] =	sst s2  }
0xb: {  	[smem:$0x3FAF] =	sst s3  }
0xc: {  	[smem:$0x3FB0] =	sst s4  }
0xd: {  	[smem:$0x3FB1] =	sst s5  }
0xe: {  	[smem:$0x3FB2] =	sst s6  }
0xf: {  	[smem:$0x3FB3] =	sst s7  }
0x10: {  	[smem:$0x3FB4] =	sst s8  }
0x11: {  	[smem:$0x3FB5] =	sst s9;
	s0 =	simm.s32 @!p0 $0x0  }
0x12: {  	s1 =	sld [smem:$0x3F9B];
	s0 =	simm.s32 @p0 $0x1  }
0x13: {  	[smem:$0x3FB6] =	sst s0;
	s0 =	simm.s32 @!p1 $0x0  }
0x14: {  	s2 =	sld [smem:$0x3F9A];
	s0 =	simm.s32 @p1 $0x1  }
0x15: {  	[smem:$0x3FB7] =	sst s0;
	s0 =	simm.s32 @!p2 $0x0  }
0x16: {  	s3 =	sld [smem:$0x3FDB];
	s0 =	simm.s32 @p2 $0x1  }
0x17: {  	s4 =	simm.s32 $0x1BF5;
	[smem:$0x3FB9] =	sst s0  }
0x18: {  	s0 =	sld [smem:$0x3F9C];
	_ =	swait.ge [sflag:s4], $0x0  }
0x19: {  	s7 =	sld [smem:$0x3F9D]  }
0x1a: {  	s8 =	sadd.s32 $0xFFFFE003, lr  }
0x1b: {  	s9 =	sadd.s32 $0xFFFFFEF7, lr;
	s5 =	simm.s32 $0xFFFFFFFF;
	p2 =	slt.u32 s8, $0xFFFFF086  }
0x1c: {  	p1 =	slt.u32 s9, $0xF7A;
	s5 =	simm.s32 @!p2 $0x0  }
0x1d: {  	s5 =	simm.s32 @p1 $0x1;
	p0 =	seq.s32 s7, s2  }
0x1e: {  	s7 =	smul.u32 @!p0 $0xF7A, s2;
	p2 =	seq.s32 @!p0 s5, $0x0  }
0x1f: {  	s9 =	smul.u32 $0xF7A, s1;
	s8 =	simm.s32 @!p0 $0x1BF5;
	p2 =	por !p2, p0  }
0x20: {  	[sflag:s8] =	ssyncset.s32 @!p0 $0xFFFFF086;
	s6 =	sadd.s32 @!p0 s3, s7;
	s7 =	simm.s32 @!p0 $0x108  }
0x21: {  	s3 =	sadd.s32 s3, s9;
	s6 =	sadd.s32 @!p0 $0x88, s6;
	s7 =	simm.s32 @p2 $0x1082  }
0x22: {  	[simem:s7], [sflag:s8] =	dma.local @!p0 [hbm:s6], $0xF7A  }
0x23: {  	s9 =	sor.u32 $0xD0000000, s2;
	s6 =	simm.s32 $0x108;
	_ =	swait.ge @!p0 [sflag:s8], $0x0  }
0x24: {  	s3 =	sadd.s32 $0x88, s3;
	s6 =	simm.s32 @!p1 $0x1082;
	[sflag:s4] =	ssyncset.s32 $0xFFFFF086  }
0x25: {  	[simem:s6], [sflag:s4] =	dma.local [hbm:s3], $0xF7A  }
0x26: {  	[smem:$0x3F9D] =	sst s1;
	(tag) =	ssettag s2;
	_ =	strace s9  }
0x27: {  	s1 =	sld [smem:$0x3FAD]  }
0x28: {  	s2 =	sld [smem:$0x3FAE]  }
0x29: {  	s4 =	sld [smem:$0x3FB0]  }
0x2a: {  	p0 =	seq.s32 s5, $0x0;
	s5 =	sld [smem:$0x3FB1]  }
0x2b: {  	s6 =	sld [smem:$0x3FB2]  }
0x2c: {  	s7 =	sld [smem:$0x3FB3]  }
0x2d: {  	s3 =	simm.s32 $0x108;
	s8 =	sld [smem:$0x3FB4]  }
0x2e: {  	s3 =	simm.s32 @!p0 $0x1082;
	s9 =	sld [smem:$0x3FB5]  }
0x2f: {  	lr =	sadd.s32 s0, s3;
	s0 =	sld [smem:$0x3FAC]  }
0x30: {  	s3 =	sld [smem:$0x3FAF]  }
0x31: {  	[smem:$0x3FB8] =	sst s10  }
0x32: {  	s10 =	sld [smem:$0x3FB6];
	_ =	sdelay $0x3  }
0x33: {  	p0 =	seq.s32 s10, $0x1;
	s10 =	sld [smem:$0x3FB8];
	_ =	sdelay $0x3  }
0x34: {  	[smem:$0x3FB8] =	sst s10  }
0x35: {  	s10 =	sld [smem:$0x3FB7];
	_ =	sdelay $0x3  }
0x36: {  	p1 =	seq.s32 s10, $0x1;
	s10 =	sld [smem:$0x3FB8];
	_ =	sdelay $0x3  }
0x37: {  	[smem:$0x3FB8] =	sst s10  }
0x38: {  	s10 =	sld [smem:$0x3FB9]  }
0x39: {  	_ = 	snop;
	(pc) =	sbr.ind lr, $3  }
0x3a: {  	_ = 	snop  }
0x3b: {  	_ = 	snop  }
0x3c: {  	p2 =	seq.s32 s10, $0x1;
	s10 =	sld [smem:$0x3FB8]  }
0x3d: {  	_ =	shalt  }
0x3e: {  	_ =	shalt  }
0x3f: {  	_ =	shalt  }
0x40: {  	_ =	shalt  }
0x41: {  	_ =	shalt  }
0x42: {  	_ =	shalt  }
0x43: {  	_ =	shalt  }
0x44: {  	_ =	shalt  }
0x45: {  	_ =	shalt  }
0x46: {  	_ =	shalt  }
0x47: {  	_ =	shalt  }
0x48: {  	_ =	shalt  }
0x49: {  	_ =	shalt  }
0x4a: {  	_ =	shalt  }
0x4b: {  	_ =	shalt  }
0x4c: {  	_ =	shalt  }
0x4d: {  	_ =	shalt  }
0x4e: {  	_ =	shalt  }
0x4f: {  	_ =	shalt  }
0x50: {  	_ =	shalt  }
0x51: {  	_ =	shalt  }
0x52: {  	_ =	shalt  }
0x53: {  	_ =	shalt  }
0x54: {  	_ =	shalt  }
0x55: {  	_ =	shalt  }
0x56: {  	_ =	shalt  }
0x57: {  	_ =	shalt  }
0x58: {  	_ =	shalt  }
0x59: {  	_ =	shalt  }
0x5a: {  	_ =	shalt  }
0x5b: {  	_ =	shalt  }
0x5c: {  	_ =	shalt  }
0x5d: {  	_ =	shalt  }
0x5e: {  	_ =	shalt  }
0x5f: {  	_ =	shalt  }
0x60: {  	_ =	shalt  }
0x61: {  	_ =	shalt  }
0x62: {  	_ =	shalt  }
0x63: {  	_ =	shalt  }
0x64: {  	_ =	shalt  }
0x65: {  	_ =	shalt  }
0x66: {  	_ =	shalt  }
0x67: {  	_ =	shalt  }
0x68: {  	_ =	shalt  }
0x69: {  	_ =	shalt  }
0x6a: {  	_ =	shalt  }
0x6b: {  	_ =	shalt  }
0x6c: {  	_ =	shalt  }
0x6d: {  	_ =	shalt  }
0x6e: {  	_ =	shalt  }
0x6f: {  	_ =	shalt  }
0x70: {  	_ =	shalt  }
0x71: {  	_ =	shalt  }
0x72: {  	_ =	shalt  }
0x73: {  	_ =	shalt  }
0x74: {  	_ =	shalt  }
0x75: {  	_ =	shalt  }
0x76: {  	_ =	shalt  }
0x77: {  	_ =	shalt  }
0x78: {  	_ =	shalt  }
0x79: {  	_ =	shalt  }
0x7a: {  	_ =	shalt  }
0x7b: {  	_ =	shalt  }
0x7c: {  	_ =	shalt  }
0x7d: {  	_ =	shalt  }
0x7e: {  	_ =	shalt  }
0x7f: {  	_ =	shalt  }
0x80: {  	_ =	shalt  }
0x81: {  	_ =	shalt  }
0x82: {  	_ =	shalt  }
0x83: {  	_ =	shalt  }
0x84: {  	_ =	shalt  }
0x85: {  	_ =	shalt  }
0x86: {  	_ =	shalt  }
0x87: {  	_ =	shalt  }
.Lfunc_end0:
.L_simem_size_0:
called_computation_lowered:
.L_overlay_start_0:
0x88: {  	s2 =	sld [smem:$0x3FD9]  }
0x89: {  	s3 =	sld [smem:$0x3FFE];
	_ =	sdelay $0x1  }
0x8a: {  	s1 =	srdreg.scid  }
0x8b: {  	s0 =	sand.u32 $0x1, s1  }
0x8c: {  	s14 =	sshll.u32 s0, $0xA;
	s2 =	sadd.s32 s3, s2  }
0x8d: {  	s2 =	sadd.s32 s2, s14  }
0x8e: {  	[smem:$0x3FC4] =	sst s2  }
0x8f: {  	_ = 	snop  }
0x90: {  	s2 =	sld [smem:$0x3FD0];
	_ =	sdelay $0x2  }
0x91: {  	s15 =	simm.s32 $0xA;
	s4 =	simm.s32 $0x10  }
0x92: {  	[smem:s4], [sflag:s15] =	dma.local [hbm:s2], $0x1  }
0x93: {  	_ =	swait.eq [sflag:s15], $0x1  }
0x94: {  	[sflag:s15] =	ssyncset.done $0x0  }
0x95: {  	s16 =	sld [smem:$0x10];
	[sflag:s15] =	ssyncadd.s32 $0xFFFFFFFF  }
0x96: {  	s17 =	sld [smem:$0x11];
	(tm) =	ssettm $0x1  }
0x97: {  	s18 =	sld [smem:$0x3FFB];
	_ =	sdelay $0x3  }
0x98: {  	_ =	strace s18  }
0x99: {  	s4 =	sld [smem:$0x3FFC];
	_ =	sdelay $0x3  }
0x9a: {  	_ =	strace s4  }
0x9b: {  	s4 =	sld [smem:$0x3FFD];
	_ =	sdelay $0x3  }
0x9c: {  	_ =	strace s4  }
0x9d: {  	_ =	strace $0x8FFFFFFF  }
0x9e: {  	s19 =	sld [smem:$0x3FDB];
	_ =	sdelay $0x1  }
0x9f: {  	s5 =	simm.s32 $_scs_section_size  }
0xa0: {  	s6 =	simm.s32 $_size__tile_overlayer_lowered;
	s7 =	simm.s32 $_tile_overlayer_lowered  }
0xa1: {  	s22 =	simm.s32 $0x1BFF;
	s21 =	sshll.u32 s7, $0x1;
	s4 =	sadd.s32 s5, s19  }
0xa2: {  	s8 =	simm.s32 $0x0;
	s20 =	sshll.u32 s6, $0x1;
	s6 =	sadd.s32 s21, s4  }
0xa3: {  	[timem:s8], [sflag:s22] =	dma.local [hbm:s6], s20  }
0xa4: {  	_ =	swait.ge [sflag:s22], s20  }
0xa5: {  	s5 =	ssub.s32 $0x0, s20;
	[sflag:s22] =	ssyncset.done $0x0  }
0xa6: {  	[sflag:s22] =	ssyncadd.s32 s5;
	_ =	sdelay $0x1  }
0xa7: {  	s23 =	simm.s32 $0x1B8B  }
0xa8: {  	_ =	swait.ge [sflag:s23], $0x1  }
0xa9: {  	[sflag:s23] =	ssyncset.done $0x0  }
0xaa: {  	s25 =	simm.s32 $0x1B8E;
	s24 =	sld [smem:$0x3FFE];
	[sflag:s23] =	ssyncadd.s32 $0xFFFFFFFF  }
0xab: {  	s26 =	simm.s32 $execute0_lowered;
	[smem:$0x3FD2] =	sst s25  }
0xac: {  	s6 =	sshll.u32 s26, $0x1;
	_ =	strace $0x80000046;
	[dreg:$0x1] =	wrdreg $0xFFFFFFFF  }
0xad: {  	s28 =	simm.s32 $_size_execute0_lowered;
	s4 =	sadd.s32 s4, s6;
	[dreg:$0x0] =	wrdreg $0x0  }
0xae: {  	s6 =	sshll.u32 s28, $0x1;
	[dreg:$0x2] =	wrdreg s4  }
0xaf: {  	[dreg:$0x3] =	wrdreg s6  }
0xb0: {  	[dreg:$0x4] =	wrdreg $0xC0  }
0xb1: {  	_ =	task [dreg:s8], $0x5FFFF  }
0xb2: {  	[dreg:$0x1] =	wrdreg $0xFFFFFFFF  }
0xb3: {  	[dreg:$0x0] =	wrdreg $0x60  }
0xb4: {  	[dreg:$0x2] =	wrdreg s24  }
0xb5: {  	[dreg:$0x3] =	wrdreg s17  }
0xb6: {  	[dreg:$0x4] =	wrdreg s16  }
0xb7: {  	[dreg:$0x5] =	wrdreg $0x9  }
0xb8: {  	_ =	task.clear_ibuf [dreg:s8], $0x6FFFF;
	_ =	strace $0x90000046  }
0xb9: {  	s29 =	simm.s32 $0x9;
	_ =	strace $0x80000048  }
0xba: {  	_ =	swait.ge [sflag:s29], $0x1  }
0xbb: {  	[sflag:s29] =	ssyncadd.s32 $0xFFFFFFFF  }
0xbc: {  	_ =	strace $0x90000048  }
0xbd: {  	_ =	sfence  }
0xbe: {  	s30 =	sld [smem:$0x0];
	_ =	sdelay $0x2  }
0xbf: {  	s31 =	sshll.u32 s1, $0xD;
	s1 =	sshrl.u32 s1, $0x2  }
0xc0: {  	s3 =	sand.u32 $0x4000, s31;
	s1 =	sadd.s32 s1, s30  }
0xc1: {  	s0 =	sor.u32 s3, s0;
	s1 =	sshll.u32 s1, $0x11  }
0xc2: {  	s0 =	sor.u32 s1, s0  }
0xc3: {  	s0 =	sadd.s32 $0x8F2B, s0  }
0xc4: {  	[sflag:s0] =	ssyncadd.remote.s32 $0x1  }
0xc5: {  	_ =	sfence.sel $0xFFFF  }
0xc6: {  	[dreg:$0x0] =	wrdreg $0xFFFFFFFF;
	(pc) =	sbr.abs _section_cstart, $3  }
0xc7: {  	[dreg:$0x1] =	wrdreg $0xFFFFFFFF  }
0xc8: {  	_ =	task.clear_ibuf [dreg:s8], $0x2FFFF;
	_ =	strace $0x9FFFFFFF  }
0xc9: {  	(tm) =	ssettm $0x7FFFFFFF  }
tec
execute0_lowered:
.L_overlay_start_1:
0x0: {  	(tag) =	ssettag $0x1  }
0x1: {  	s1 =	srdreg.scid  }
0x2: {  	s0 =	rddreg [dreg:$0x0];
	s5 =	stileid.u32;
	s3 =	sand.u32 $0x1, s1  }
0x3: {  	s2 =	rddreg [dreg:$0x1];
	s5 =	sshll.u32 s5, $0xC;
	s6 =	sshll.u32 s3, $0xB  }
0x4: {  	s4 =	rddreg [dreg:$0x2];
	s1 =	simm.s32 $0x0;
	s5 =	sor.u32 s6, s5  }
0x5: {  	[smem:$0x7FF] =	sst s1;
	s8 =	sshrl.u32 s5, $0x3  }
0x6: {  	s3 =	ssub.s32 $0x2, s3;
	s6 =	sadd.s32 $0x401600, s0;
	s20 =	sor.u32 $0x2000, s8  }
0x7: {  	s7 =	sshrl.u32 s3, $0x1;
	s19 =	sshll.u32 s5, $0x1;
	s21 =	sadd.s32 s6, s20  }
0x8: {  	s22 =	sor.u32 $0x4000, s8;
	s5 =	sadd.s32 s4, s20;
	[dreg:$0x4] =	wrdreg s21  }
0x9: {  	s9 =	ssub.s32 s3, s7;
	s23 =	sadd.s32 s6, s22;
	[dreg:$0x5] =	wrdreg s5  }
0xa: {  	s24 =	sor.u32 $0x6000, s8;
	s3 =	sadd.s32 s4, s22;
	[dreg:$0x6] =	wrdreg s23  }
0xb: {  	s26 =	sor.u32 $0x8000, s8;
	s25 =	sadd.s32 s6, s24;
	[dreg:$0x7] =	wrdreg s3  }
0xc: {  	s10 =	sor.u32 $0xA000, s8;
	s7 =	sadd.s32 s6, s26;
	[dreg:$0x8] =	wrdreg s25  }
0xd: {  	s12 =	sor.u32 $0xC000, s8;
	s11 =	sadd.s32 s6, s10;
	[dreg:$0xa] =	wrdreg s7  }
0xe: {  	s14 =	sor.u32 $0xE000, s8;
	s13 =	sadd.s32 s6, s12;
	[dreg:$0xc] =	wrdreg s11  }
0xf: {  	s16 =	sor.u32 $0x10000, s8;
	s15 =	sadd.s32 s6, s14;
	[dreg:$0xe] =	wrdreg s13  }
0x10: {  	s18 =	sor.u32 $0x12000, s8;
	s17 =	sadd.s32 s6, s16;
	[dreg:$0x10] =	wrdreg s15  }
0x11: {  	s2 =	sadd.s32 s2, s19;
	s19 =	sadd.s32 s6, s18;
	[dreg:$0x12] =	wrdreg s17  }
0x12: {  	s5 =	sadd.s32 s4, s24;
	[dreg:$0x14] =	wrdreg s19  }
0x13: {  	s20 =	sor.u32 $0x14000, s8;
	s3 =	sadd.s32 s4, s26;
	[dreg:$0x9] =	wrdreg s5  }
0x14: {  	s22 =	sor.u32 $0x16000, s8;
	s21 =	sadd.s32 s6, s20;
	[dreg:$0xb] =	wrdreg s3  }
0x15: {  	s23 =	sadd.s32 s6, s22;
	[dreg:$0x16] =	wrdreg s21  }
0x16: {  	s5 =	sadd.s32 s4, s10;
	[dreg:$0x18] =	wrdreg s23  }
0x17: {  	s24 =	sor.u32 $0x18000, s8;
	s3 =	sadd.s32 s4, s12;
	[dreg:$0xd] =	wrdreg s5  }
0x18: {  	s26 =	sor.u32 $0x1A000, s8;
	s25 =	sadd.s32 s6, s24;
	[dreg:$0xf] =	wrdreg s3  }
0x19: {  	s7 =	sadd.s32 s6, s26;
	[dreg:$0x1a] =	wrdreg s25  }
0x1a: {  	s12 =	sadd.s32 s6, s8;
	[dreg:$0x1c] =	wrdreg s7  }
0x1b: {  	s5 =	sadd.s32 s4, s14;
	[smem:$0x7D9] =	sst s12  }
0x1c: {  	s10 =	sor.u32 $0x1C000, s8;
	s3 =	sadd.s32 s4, s16;
	[dreg:$0x11] =	wrdreg s5  }
0x1d: {  	s13 =	sor.u32 $0x1E000, s8;
	s11 =	sadd.s32 s6, s10;
	[dreg:$0x13] =	wrdreg s3  }
0x1e: {  	s6 =	sadd.s32 s6, s13;
	[dreg:$0x1e] =	wrdreg s11  }
0x1f: {  	s5 =	sadd.s32 s4, s18;
	[smem:$0x7DA] =	sst s6  }
0x20: {  	s3 =	sadd.s32 s4, s20;
	[dreg:$0x15] =	wrdreg s5  }
0x21: {  	[dreg:$0x17] =	wrdreg s3;
	s5 =	sadd.s32 s4, s22  }
0x22: {  	s3 =	sadd.s32 s4, s24;
	[dreg:$0x19] =	wrdreg s5  }
0x23: {  	[dreg:$0x1b] =	wrdreg s3;
	s5 =	sadd.s32 s4, s26  }
0x24: {  	s3 =	sadd.s32 s4, s10;
	[dreg:$0x1d] =	wrdreg s5  }
0x25: {  	[dreg:$0x1f] =	wrdreg s3;
	s3 =	sadd.s32 s4, s8;
	s4 =	sadd.s32 s4, s13  }
0x26: {  	s14 =	smax.u32 s9, $0x1;
	[smem:$0x7DB] =	sst s4  }
0x27: {  	s15 =	sadd.s32 $0x20000, s3;
	_ =	strace $0x80000047;
	[smem:$0x7DC] =	sst s14  }
0x28: {  	s16 =	sadd.s32 $0x40000, s3;
	[smem:$0x7DD] =	sst s15  }
0x29: {  	s17 =	sadd.s32 $0x20000, s2;
	[smem:$0x7DE] =	sst s16  }
0x2a: {  	s18 =	sadd.s32 $0x22000, s3;
	[smem:$0x7DF] =	sst s17  }
0x2b: {  	s19 =	sadd.s32 $0x42000, s3;
	[smem:$0x7E0] =	sst s18  }
0x2c: {  	s20 =	sadd.s32 $0x40000, s2;
	[smem:$0x7E1] =	sst s19  }
0x2d: {  	s21 =	sadd.s32 $0x24000, s3;
	[smem:$0x7E2] =	sst s20  }
0x2e: {  	s22 =	sadd.s32 $0x44000, s3;
	[smem:$0x7E3] =	sst s21  }
0x2f: {  	s23 =	sadd.s32 $0x60000, s2;
	[smem:$0x7E4] =	sst s22  }
0x30: {  	s24 =	sadd.s32 $0x26000, s3;
	[smem:$0x7E5] =	sst s23  }
0x31: {  	s25 =	sadd.s32 $0x46000, s3;
	[smem:$0x7E6] =	sst s24  }
0x32: {  	s26 =	sadd.s32 $0x80000, s2;
	[smem:$0x7E7] =	sst s25  }
0x33: {  	s4 =	sadd.s32 $0x28000, s3;
	[smem:$0x7E8] =	sst s26  }
0x34: {  	s5 =	sadd.s32 $0x48000, s3;
	[smem:$0x7E9] =	sst s4  }
0x35: {  	s8 =	sadd.s32 $0xA0000, s2;
	[smem:$0x7EA] =	sst s5  }
0x36: {  	s9 =	sadd.s32 $0x2A000, s3;
	[smem:$0x7EB] =	sst s8  }
0x37: {  	s10 =	sadd.s32 $0x4A000, s3;
	[smem:$0x7EC] =	sst s9  }
0x38: {  	s11 =	sadd.s32 $0xC0000, s2;
	[smem:$0x7ED] =	sst s10  }
0x39: {  	s12 =	sadd.s32 $0x2C000, s3;
	[smem:$0x7EE] =	sst s11  }
0x3a: {  	s31 =	simm.s32 $0x3;
	s13 =	sadd.s32 $0x4C000, s3;
	[smem:$0x7EF] =	sst s12  }
0x3b: {  	s28 =	sadd.s32 $0x1E0000, s2;
	[smem:$0x7F0] =	sst s13;
	s14 =	sadd.s32 $0xE0000, s2  }
0x3c: {  	s7 =	sadd.s32 $0x1600, s0;
	s15 =	sadd.s32 $0x2E000, s3;
	[smem:$0x7F1] =	sst s14  }
0x3d: {  	s6 =	sadd.s32 $0x8001600, s0;
	s16 =	sadd.s32 $0x4E000, s3;
	[smem:$0x7F2] =	sst s15  }
0x3e: {  	s0 =	simm.s32 $0x800;
	s17 =	sadd.s32 $0x100000, s2;
	[smem:$0x7F3] =	sst s16  }
0x3f: {  	s29 =	sadd.s32 $0x3E000, s3;
	s18 =	sadd.s32 $0x30000, s3;
	[smem:$0x7F4] =	sst s17  }
0x40: {  	s30 =	sadd.s32 $0x5E000, s3;
	s19 =	sadd.s32 $0x50000, s3;
	[smem:$0x7F5] =	sst s18  }
0x41: {  	s20 =	sadd.s32 $0x120000, s2;
	s21 =	sadd.s32 $0x32000, s3;
	[smem:$0x7F6] =	sst s19  }
0x42: {  	s22 =	sadd.s32 $0x52000, s3;
	s23 =	sadd.s32 $0x140000, s2;
	[smem:$0x7F7] =	sst s20  }
0x43: {  	s24 =	sadd.s32 $0x34000, s3;
	s25 =	sadd.s32 $0x54000, s3;
	[smem:$0x7F8] =	sst s21  }
0x44: {  	s26 =	sadd.s32 $0x160000, s2;
	s4 =	simm.s32 $0x8800;
	[smem:$0x7F9] =	sst s22  }
0x45: {  	s5 =	simm.s32 $0x1;
	s8 =	simm.s32 $0x2;
	[smem:$0x7FA] =	sst s23  }
0x46: {  	s9 =	simm.s32 $0xC800;
	s10 =	simm.s32 $0xD000;
	[smem:$0x7FB] =	sst s24  }
0x47: {  	s11 =	simm.s32 $0xD800;
	s12 =	simm.s32 $0x0;
	[smem:$0x7FC] =	sst s25  }
0x48: {  	[smem:$0x7FD] =	sst s26;
	s16 =	sadd.s32 $0x36000, s3;
	s17 =	sadd.s32 $0x56000, s3  }
0x49: {  	s18 =	sadd.s32 $0x180000, s2;
	s19 =	sadd.s32 $0x38000, s3;
	s20 =	sadd.s32 $0x58000, s3  }
0x4a: {  	v0 =	vlaneseq.u32;
	s21 =	sadd.s32 $0x1A0000, s2;
	s22 =	sadd.s32 $0x3A000, s3;
	s23 =	sadd.s32 $0x5A000, s3  }
0x4b: {  	v0 =	vmul.u32 $0x8, v0;
	s24 =	sadd.s32 $0x1C0000, s2;
	s25 =	sadd.s32 $0x3C000, s3;
	s26 =	sadd.s32 $0x5C000, s3  }
.LBB2_1:
0x4c: {  	s13 =	sld [smem:$0x7D9];
	_ =	sdelay $0x2  }
0x4d: {  	[tilespmem:s1], [sflag:$0x3] =	stream.linear.gather [hbm4b:s13+s1], $0x800, $0x38;
	[tilespmem:$0xE000] =	vst v63  }
0x4e: {  	_ =	swait.ge [sflag:s31], $0x800  }
0x4f: {  	[sflag:s31] =	ssyncset.done $0x0  }
0x50: {  	[sflag:s31] =	ssyncadd.s32 $0xFFFFF800  }
0x51: {  	[tilespmem:s0], [sflag:$0x1] =	stream.indirect.gather [hbm4b:s6+s0], $0x10, s1, s0, $0xb8;
	[tilespmem:$0xE000] =	vst v63  }
0x52: {  	_ = 	snop  }
0x53: {  	[tilespmem:s4], [sflag:$0x2] =	stream.indirect.gather [hbm4b:s7+s0], $0x8, s1, s0, $0xb8;
	[tilespmem:$0xE000] =	vst v63  }
0x54: {  	_ =	swait.ge [sflag:s5], $0x8000  }
0x55: {  	[sflag:s5] =	ssyncset.done $0x0  }
0x56: {  	[sflag:s5] =	ssyncadd.s32 $0xFFFF8000  }
0x57: {  	v1 =	vmov s1;
	[hbm4b:s2+s1] =	stream.linear.scatter [tilespmem:s0], [sflag:$0x3], $0x8000, $0x38;
	[tilespmem:$0xE000] =	vst v63  }
0x58: {  	v1 =	vshll.u32 v1, $0x3;
	_ =	swait.ge [sflag:s31], $0x8000  }
0x59: {  	v1 =	vor.u32 v0, v1;
	[sflag:s31] =	ssyncset.done $0x0  }
0x5a: {  	[sflag:s31] =	ssyncadd.s32 $0xFFFF8000  }
0x5b: {  	_ =	swait.ge [sflag:s8], $0x4000  }
0x5c: {  	[sflag:s8] =	ssyncset.done $0x0  }
0x5d: {  	[sflag:s8] =	ssyncadd.s32 $0xFFFFC000  }
0x5e: {  	v2 =	vld.idx.msk [tilespmem:v1+s4+$0x0], $0xffff  }
0x5f: {  	v3 =	vor.u32 $0x1, v1;
	_ =	sdelay $0x3  }
0x60: {  	[tilespmem:s11+$0xFFFFF000] =	vst v2  }
0x61: {  	v2 =	vld.idx.msk [tilespmem:v3+s4+$0x0], $0xffff  }
0x62: {  	v1 =	vor.u32 $0x2, v1;
	_ =	sdelay $0x3  }
0x63: {  	s15 =	simm.s32 $0x10;
	[tilespmem:s11+$0xFFFFF800] =	vst v2  }
0x64: {  	s14 =	simm.s32 $0x20;
	s13 =	simm.s32 $0xD800;
	v2 =	vmov s15;
	v1 =	vld.idx.msk [tilespmem:v1+s4+$0x0], $0xffff  }
.LBB2_2:
0x65: {  	p0 =	sne.s32 s14, $0x7F0;
	v2 =	vshll.u32 v2, $0x3  }
0x66: {  	v2 =	vor.u32 v0, v2;
	_ =	sdelay $0x3  }
0x67: {  	[tilespmem:s13+$0x0] =	vst v1  }
0x68: {  	v1 =	vld.idx.msk [tilespmem:v2+s4+$0x0], $0xffff;
	_ =	sdelay $0x1  }
0x69: {  	v3 =	vor.u32 $0x1, v2;
	_ =	sdelay $0x2  }
0x6a: {  	s13 =	sadd.s32 $0x10, s13  }
0x6b: {  	[tilespmem:s13+$0xFFFFF000] =	vst v1  }
0x6c: {  	v1 =	vld.idx.msk [tilespmem:v3+s4+$0x0], $0xffff;
	_ =	sdelay $0x1  }
0x6d: {  	v3 =	vor.u32 $0x2, v2  }
.Ltmp0:
0x6e: {  	(pc) =	sbr.rel @p0 .LBB2_2-.Ltmp0, $3  }
0x6f: {  	_ =	sdelay $0x1  }
0x70: {  	[tilespmem:s13+$0xFFFFF800] =	vst v1  }
0x71: {  	v2 =	vmov s14;
	s14 =	sadd.s32 $0x10, s14;
	v1 =	vld.idx.msk [tilespmem:v3+s4+$0x0], $0xffff  }
0x72: {  	v2 =	vshll.u32 v2, $0x3  }
0x73: {  	v2 =	vor.u32 v0, v2;
	_ =	sdelay $0x3  }
0x74: {  	[tilespmem:s13+$0x0] =	vst v1  }
0x75: {  	v1 =	vld.idx.msk [tilespmem:v2+s4+$0x0], $0xffff  }
0x76: {  	v3 =	vor.u32 $0x1, v2;
	_ =	sdelay $0x2  }
0x77: {  	s14 =	sadd.s32 $0x10, s13  }
0x78: {  	[tilespmem:s14+$0xFFFFF000] =	vst v1  }
0x79: {  	v1 =	vld.idx.msk [tilespmem:v3+s4+$0x0], $0xffff  }
0x7a: {  	v2 =	vor.u32 $0x2, v2;
	_ =	sdelay $0x3  }
0x7b: {  	[tilespmem:s14+$0xFFFFF800] =	vst v1  }
0x7c: {  	v1 =	vld.idx.msk [tilespmem:v2+s4+$0x0], $0xffff;
	_ =	sdelay $0x4  }
0x7d: {  	[tilespmem:s14+$0x0] =	vst v1;
	s14 =	simm.s32 $0x0  }
0x7e: {  	[hbm4b:s3+s14] =	stream.linear.scatter [tilespmem:s9], [sflag:$0x3], $0x800, $0x38;
	[tilespmem:$0xE000] =	vst v63  }
0x7f: {  	_ =	swait.ge [sflag:s31], $0x800  }
0x80: {  	s15 =	sld [smem:$0x7DD]  }
0x81: {  	[sflag:s31] =	ssyncset.done $0x0  }
0x82: {  	[sflag:s31] =	ssyncadd.s32 $0xFFFFF800  }
0x83: {  	[hbm4b:s15+s14] =	stream.linear.scatter [tilespmem:s10], [sflag:$0x3], $0x800, $0x38;
	[tilespmem:$0xE000] =	vst v63  }
0x84: {  	_ =	swait.ge [sflag:s31], $0x800  }
0x85: {  	s15 =	sld [smem:$0x7DE]  }
0x86: {  	[sflag:s31] =	ssyncset.done $0x0  }
0x87: {  	s13 =	simm.s32 $0xD800;
	[sflag:s31] =	ssyncadd.s32 $0xFFFFF800  }
0x88: {  	[hbm4b:s15+s14] =	stream.linear.scatter [tilespmem:s13], [sflag:$0x3], $0x800, $0x38;
	[tilespmem:$0xE000] =	vst v63  }
0x89: {  	_ =	swait.ge [sflag:s31], $0x800  }
0x8a: {  	[sflag:s31] =	ssyncset.done $0x0  }
0x8b: {  	s15 =	rddreg [dreg:$0x4];
	[sflag:s31] =	ssyncadd.s32 $0xFFFFF800  }
0x8c: {  	[tilespmem:s14], [sflag:$0x3] =	stream.linear.gather [hbm4b:s15+s14], $0x800, $0x38;
	[tilespmem:$0xE000] =	vst v63  }
0x8d: {  	_ =	swait.ge [sflag:s31], $0x800  }
0x8e: {  	[sflag:s31] =	ssyncset.done $0x0  }
0x8f: {  	[sflag:s31] =	ssyncadd.s32 $0xFFFFF800  }
0x90: {  	[tilespmem:s0], [sflag:$0x1] =	stream.indirect.gather [hbm4b:s6+s0], $0x10, s14, s0, $0xb8;
	[tilespmem:$0xE000] =	vst v63  }
0x91: {  	_ = 	snop  }
0x92: {  	[tilespmem:s4], [sflag:$0x2] =	stream.indirect.gather [hbm4b:s7+s0], $0x8, s14, s0, $0xb8;
	[tilespmem:$0xE000] =	vst v63  }
0x93: {  	_ =	swait.ge [sflag:s5], $0x8000  }
0x94: {  	s15 =	sld [smem:$0x7DF]  }
0x95: {  	[sflag:s5] =	ssyncset.done $0x0  }
0x96: {  	[sflag:s5] =	ssyncadd.s32 $0xFFFF8000  }
0x97: {  	v1 =	vmov s14;
	[hbm4b:s15+s14] =	stream.linear.scatter [tilespmem:s0], [sflag:$0x3], $0x8000, $0x38;
	[tilespmem:$0xE000] =	vst v63  }
0x98: {  	v1 =	vshll.u32 v1, $0x3;
	_ =	swait.ge [sflag:s31], $0x8000  }
0x99: {  	v1 =	vor.u32 v0, v1;
	[sflag:s31] =	ssyncset.done $0x0  }
0x9a: {  	[sflag:s31] =	ssyncadd.s32 $0xFFFF8000  }
0x9b: {  	_ =	swait.ge [sflag:s8], $0x4000  }
0x9c: {  	[sflag:s8] =	ssyncset.done $0x0  }
0x9d: {  	[sflag:s8] =	ssyncadd.s32 $0xFFFFC000  }
0x9e: {  	v2 =	vld.idx.msk [tilespmem:v1+s4+$0x0], $0xffff  }
0x9f: {  	v3 =	vor.u32 $0x1, v1;
	_ =	sdelay $0x3  }
0xa0: {  	[tilespmem:s13+$0xFFFFF000] =	vst v2  }
0xa1: {  	v2 =	vld.idx.msk [tilespmem:v3+s4+$0x0], $0xffff  }
0xa2: {  	v1 =	vor.u32 $0x2, v1;
	_ =	sdelay $0x3  }
0xa3: {  	s15 =	simm.s32 $0x10;
	[tilespmem:s13+$0xFFFFF800] =	vst v2  }
0xa4: {  	s14 =	simm.s32 $0x20;
	v2 =	vmov s15;
	v1 =	vld.idx.msk [tilespmem:v1+s4+$0x0], $0xffff  }
.LBB2_4:
0xa5: {  	p0 =	sne.s32 s14, $0x7F0;
	v2 =	vshll.u32 v2, $0x3  }
0xa6: {  	v2 =	vor.u32 v0, v2;
	_ =	sdelay $0x3  }
0xa7: {  	[tilespmem:s13+$0x0] =	vst v1  }
0xa8: {  	v1 =	vld.idx.msk [tilespmem:v2+s4+$0x0], $0xffff;
	_ =	sdelay $0x1  }
0xa9: {  	v3 =	vor.u32 $0x1, v2;
	_ =	sdelay $0x2  }
0xaa: {  	s13 =	sadd.s32 $0x10, s13  }
0xab: {  	[tilespmem:s13+$0xFFFFF000] =	vst v1  }
0xac: {  	v1 =	vld.idx.msk [tilespmem:v3+s4+$0x0], $0xffff;
	_ =	sdelay $0x1  }
0xad: {  	v3 =	vor.u32 $0x2, v2  }
.Ltmp1:
0xae: {  	(pc) =	sbr.rel @p0 .LBB2_4-.Ltmp1, $3  }
0xaf: {  	_ =	sdelay $0x1  }
0xb0: {  	[tilespmem:s13+$0xFFFFF800] =	vst v1  }
0xb1: {  	v2 =	vmov s14;
	s14 =	sadd.s32 $0x10, s14;
	v1 =	vld.idx.msk [tilespmem:v3+s4+$0x0], $0xffff  }
0xb2: {  	v2 =	vshll.u32 v2, $0x3  }
0xb3: {  	v2 =	vor.u32 v0, v2;
	_ =	sdelay $0x3  }
0xb4: {  	[tilespmem:s13+$0x0] =	vst v1  }
0xb5: {  	v1 =	vld.idx.msk [tilespmem:v2+s4+$0x0], $0xffff  }
0xb6: {  	v3 =	vor.u32 $0x1, v2;
	_ =	sdelay $0x2  }
0xb7: {  	s14 =	sadd.s32 $0x10, s13  }
0xb8: {  	[tilespmem:s14+$0xFFFFF000] =	vst v1  }
0xb9: {  	v1 =	vld.idx.msk [tilespmem:v3+s4+$0x0], $0xffff  }
0xba: {  	v2 =	vor.u32 $0x2, v2;
	_ =	sdelay $0x3  }
0xbb: {  	[tilespmem:s14+$0xFFFFF800] =	vst v1  }
0xbc: {  	v1 =	vld.idx.msk [tilespmem:v2+s4+$0x0], $0xffff;
	_ =	sdelay $0x4  }
0xbd: {  	s15 =	rddreg [dreg:$0x5];
	[tilespmem:s14+$0x0] =	vst v1;
	s14 =	simm.s32 $0x0  }
0xbe: {  	[hbm4b:s15+s14] =	stream.linear.scatter [tilespmem:s9], [sflag:$0x3], $0x800, $0x38;
	[tilespmem:$0xE000] =	vst v63  }
0xbf: {  	_ =	swait.ge [sflag:s31], $0x800  }
0xc0: {  	s15 =	sld [smem:$0x7E0]  }
0xc1: {  	[sflag:s31] =	ssyncset.done $0x0  }
0xc2: {  	[sflag:s31] =	ssyncadd.s32 $0xFFFFF800  }
0xc3: {  	[hbm4b:s15+s14] =	stream.linear.scatter [tilespmem:s10], [sflag:$0x3], $0x800, $0x38;
	[tilespmem:$0xE000] =	vst v63  }
0xc4: {  	_ =	swait.ge [sflag:s31], $0x800  }
0xc5: {  	s15 =	sld [smem:$0x7E1]  }
0xc6: {  	[sflag:s31] =	ssyncset.done $0x0  }
0xc7: {  	s13 =	simm.s32 $0xD800;
	[sflag:s31] =	ssyncadd.s32 $0xFFFFF800  }
0xc8: {  	[hbm4b:s15+s14] =	stream.linear.scatter [tilespmem:s13], [sflag:$0x3], $0x800, $0x38;
	[tilespmem:$0xE000] =	vst v63  }
0xc9: {  	_ =	swait.ge [sflag:s31], $0x800  }
0xca: {  	[sflag:s31] =	ssyncset.done $0x0  }
0xcb: {  	s15 =	rddreg [dreg:$0x6];
	[sflag:s31] =	ssyncadd.s32 $0xFFFFF800  }
0xcc: {  	[tilespmem:s14], [sflag:$0x3] =	stream.linear.gather [hbm4b:s15+s14], $0x800, $0x38;
	[tilespmem:$0xE000] =	vst v63  }
0xcd: {  	_ =	swait.ge [sflag:s31], $0x800  }
0xce: {  	[sflag:s31] =	ssyncset.done $0x0  }
0xcf: {  	[sflag:s31] =	ssyncadd.s32 $0xFFFFF800  }
0xd0: {  	[tilespmem:s0], [sflag:$0x1] =	stream.indirect.gather [hbm4b:s6+s0], $0x10, s14, s0, $0xb8;
	[tilespmem:$0xE000] =	vst v63  }
0xd1: {  	_ = 	snop  }
0xd2: {  	[tilespmem:s4], [sflag:$0x2] =	stream.indirect.gather [hbm4b:s7+s0], $0x8, s14, s0, $0xb8;
	[tilespmem:$0xE000] =	vst v63  }
0xd3: {  	_ =	swait.ge [sflag:s5], $0x8000  }
0xd4: {  	s15 =	sld [smem:$0x7E2]  }
0xd5: {  	[sflag:s5] =	ssyncset.done $0x0  }
0xd6: {  	[sflag:s5] =	ssyncadd.s32 $0xFFFF8000  }
0xd7: {  	v1 =	vmov s14;
	[hbm4b:s15+s14] =	stream.linear.scatter [tilespmem:s0], [sflag:$0x3], $0x8000, $0x38;
	[tilespmem:$0xE000] =	vst v63  }
0xd8: {  	v1 =	vshll.u32 v1, $0x3;
	_ =	swait.ge [sflag:s31], $0x8000  }
0xd9: {  	v1 =	vor.u32 v0, v1;
	[sflag:s31] =	ssyncset.done $0x0  }
0xda: {  	[sflag:s31] =	ssyncadd.s32 $0xFFFF8000  }
0xdb: {  	_ =	swait.ge [sflag:s8], $0x4000  }
0xdc: {  	[sflag:s8] =	ssyncset.done $0x0  }
0xdd: {  	[sflag:s8] =	ssyncadd.s32 $0xFFFFC000  }
0xde: {  	v2 =	vld.idx.msk [tilespmem:v1+s4+$0x0], $0xffff  }
0xdf: {  	v3 =	vor.u32 $0x1, v1;
	_ =	sdelay $0x3  }
0xe0: {  	[tilespmem:s13+$0xFFFFF000] =	vst v2  }
0xe1: {  	v2 =	vld.idx.msk [tilespmem:v3+s4+$0x0], $0xffff  }
0xe2: {  	v1 =	vor.u32 $0x2, v1;
	_ =	sdelay $0x3  }
0xe3: {  	s15 =	simm.s32 $0x10;
	[tilespmem:s13+$0xFFFFF800] =	vst v2  }
0xe4: {  	s14 =	simm.s32 $0x20;
	v2 =	vmov s15;
	v1 =	vld.idx.msk [tilespmem:v1+s4+$0x0], $0xffff  }
.LBB2_6:
0xe5: {  	p0 =	sne.s32 s14, $0x7F0;
	v2 =	vshll.u32 v2, $0x3  }
0xe6: {  	v2 =	vor.u32 v0, v2;
	_ =	sdelay $0x3  }
0xe7: {  	[tilespmem:s13+$0x0] =	vst v1  }
0xe8: {  	v1 =	vld.idx.msk [tilespmem:v2+s4+$0x0], $0xffff;
	_ =	sdelay $0x1  }
0xe9: {  	v3 =	vor.u32 $0x1, v2;
	_ =	sdelay $0x2  }
0xea: {  	s13 =	sadd.s32 $0x10, s13  }
0xeb: {  	[tilespmem:s13+$0xFFFFF000] =	vst v1  }
0xec: {  	v1 =	vld.idx.msk [tilespmem:v3+s4+$0x0], $0xffff;
	_ =	sdelay $0x1  }
0xed: {  	v3 =	vor.u32 $0x2, v2  }
.Ltmp2:
0xee: {  	(pc) =	sbr.rel @p0 .LBB2_6-.Ltmp2, $3  }
0xef: {  	_ =	sdelay $0x1  }
0xf0: {  	[tilespmem:s13+$0xFFFFF800] =	vst v1  }
0xf1: {  	v2 =	vmov s14;
	s14 =	sadd.s32 $0x10, s14;
	v1 =	vld.idx.msk [tilespmem:v3+s4+$0x0], $0xffff  }
0xf2: {  	v2 =	vshll.u32 v2, $0x3  }
0xf3: {  	v2 =	vor.u32 v0, v2;
	_ =	sdelay $0x3  }
0xf4: {  	[tilespmem:s13+$0x0] =	vst v1  }
0xf5: {  	v1 =	vld.idx.msk [tilespmem:v2+s4+$0x0], $0xffff  }
0xf6: {  	v3 =	vor.u32 $0x1, v2;
	_ =	sdelay $0x2  }
0xf7: {  	s14 =	sadd.s32 $0x10, s13  }
0xf8: {  	[tilespmem:s14+$0xFFFFF000] =	vst v1  }
0xf9: {  	v1 =	vld.idx.msk [tilespmem:v3+s4+$0x0], $0xffff  }
0xfa: {  	v2 =	vor.u32 $0x2, v2;
	_ =	sdelay $0x3  }
0xfb: {  	[tilespmem:s14+$0xFFFFF800] =	vst v1  }
0xfc: {  	v1 =	vld.idx.msk [tilespmem:v2+s4+$0x0], $0xffff;
	_ =	sdelay $0x4  }
0xfd: {  	s15 =	rddreg [dreg:$0x7];
	[tilespmem:s14+$0x0] =	vst v1;
	s14 =	simm.s32 $0x0  }
0xfe: {  	[hbm4b:s15+s14] =	stream.linear.scatter [tilespmem:s9], [sflag:$0x3], $0x800, $0x38;
	[tilespmem:$0xE000] =	vst v63  }
0xff: {  	_ =	swait.ge [sflag:s31], $0x800  }
0x100: {  	s15 =	sld [smem:$0x7E3]  }
0x101: {  	[sflag:s31] =	ssyncset.done $0x0  }
0x102: {  	[sflag:s31] =	ssyncadd.s32 $0xFFFFF800  }
0x103: {  	[hbm4b:s15+s14] =	stream.linear.scatter [tilespmem:s10], [sflag:$0x3], $0x800, $0x38;
	[tilespmem:$0xE000] =	vst v63  }
0x104: {  	_ =	swait.ge [sflag:s31], $0x800  }
0x105: {  	s15 =	sld [smem:$0x7E4]  }
0x106: {  	[sflag:s31] =	ssyncset.done $0x0  }
0x107: {  	s13 =	simm.s32 $0xD800;
	[sflag:s31] =	ssyncadd.s32 $0xFFFFF800  }
0x108: {  	[hbm4b:s15+s14] =	stream.linear.scatter [tilespmem:s13], [sflag:$0x3], $0x800, $0x38;
	[tilespmem:$0xE000] =	vst v63  }
0x109: {  	_ =	swait.ge [sflag:s31], $0x800  }
0x10a: {  	[sflag:s31] =	ssyncset.done $0x0  }
0x10b: {  	s15 =	rddreg [dreg:$0x8];
	[sflag:s31] =	ssyncadd.s32 $0xFFFFF800  }
0x10c: {  	[tilespmem:s14], [sflag:$0x3] =	stream.linear.gather [hbm4b:s15+s14], $0x800, $0x38;
	[tilespmem:$0xE000] =	vst v63  }
0x10d: {  	_ =	swait.ge [sflag:s31], $0x800  }
0x10e: {  	[sflag:s31] =	ssyncset.done $0x0  }
0x10f: {  	[sflag:s31] =	ssyncadd.s32 $0xFFFFF800  }
0x110: {  	[tilespmem:s0], [sflag:$0x1] =	stream.indirect.gather [hbm4b:s6+s0], $0x10, s14, s0, $0xb8;
	[tilespmem:$0xE000] =	vst v63  }
0x111: {  	_ = 	snop  }
0x112: {  	[tilespmem:s4], [sflag:$0x2] =	stream.indirect.gather [hbm4b:s7+s0], $0x8, s14, s0, $0xb8;
	[tilespmem:$0xE000] =	vst v63  }
0x113: {  	_ =	swait.ge [sflag:s5], $0x8000  }
0x114: {  	s15 =	sld [smem:$0x7E5]  }
0x115: {  	[sflag:s5] =	ssyncset.done $0x0  }
0x116: {  	[sflag:s5] =	ssyncadd.s32 $0xFFFF8000  }
0x117: {  	v1 =	vmov s14;
	[hbm4b:s15+s14] =	stream.linear.scatter [tilespmem:s0], [sflag:$0x3], $0x8000, $0x38;
	[tilespmem:$0xE000] =	vst v63  }
0x118: {  	v1 =	vshll.u32 v1, $0x3;
	_ =	swait.ge [sflag:s31], $0x8000  }
0x119: {  	v1 =	vor.u32 v0, v1;
	[sflag:s31] =	ssyncset.done $0x0  }
0x11a: {  	[sflag:s31] =	ssyncadd.s32 $0xFFFF8000  }
0x11b: {  	_ =	swait.ge [sflag:s8], $0x4000  }
0x11c: {  	[sflag:s8] =	ssyncset.done $0x0  }
0x11d: {  	[sflag:s8] =	ssyncadd.s32 $0xFFFFC000  }
0x11e: {  	v2 =	vld.idx.msk [tilespmem:v1+s4+$0x0], $0xffff  }
0x11f: {  	v3 =	vor.u32 $0x1, v1;
	_ =	sdelay $0x3  }
0x120: {  	[tilespmem:s13+$0xFFFFF000] =	vst v2  }
0x121: {  	v2 =	vld.idx.msk [tilespmem:v3+s4+$0x0], $0xffff  }
0x122: {  	v1 =	vor.u32 $0x2, v1;
	_ =	sdelay $0x3  }
0x123: {  	s15 =	simm.s32 $0x10;
	[tilespmem:s13+$0xFFFFF800] =	vst v2  }
0x124: {  	s14 =	simm.s32 $0x20;
	v2 =	vmov s15;
	v1 =	vld.idx.msk [tilespmem:v1+s4+$0x0], $0xffff  }
.LBB2_8:
0x125: {  	p0 =	sne.s32 s14, $0x7F0;
	v2 =	vshll.u32 v2, $0x3  }
0x126: {  	v2 =	vor.u32 v0, v2;
	_ =	sdelay $0x3  }
0x127: {  	[tilespmem:s13+$0x0] =	vst v1  }
0x128: {  	v1 =	vld.idx.msk [tilespmem:v2+s4+$0x0], $0xffff;
	_ =	sdelay $0x1  }
0x129: {  	v3 =	vor.u32 $0x1, v2;
	_ =	sdelay $0x2  }
0x12a: {  	s13 =	sadd.s32 $0x10, s13  }
0x12b: {  	[tilespmem:s13+$0xFFFFF000] =	vst v1  }
0x12c: {  	v1 =	vld.idx.msk [tilespmem:v3+s4+$0x0], $0xffff;
	_ =	sdelay $0x1  }
0x12d: {  	v3 =	vor.u32 $0x2, v2  }
.Ltmp3:
0x12e: {  	(pc) =	sbr.rel @p0 .LBB2_8-.Ltmp3, $3  }
0x12f: {  	_ =	sdelay $0x1  }
0x130: {  	[tilespmem:s13+$0xFFFFF800] =	vst v1  }
0x131: {  	v2 =	vmov s14;
	s14 =	sadd.s32 $0x10, s14;
	v1 =	vld.idx.msk [tilespmem:v3+s4+$0x0], $0xffff  }
0x132: {  	v2 =	vshll.u32 v2, $0x3  }
0x133: {  	v2 =	vor.u32 v0, v2;
	_ =	sdelay $0x3  }
0x134: {  	[tilespmem:s13+$0x0] =	vst v1  }
0x135: {  	v1 =	vld.idx.msk [tilespmem:v2+s4+$0x0], $0xffff  }
0x136: {  	v3 =	vor.u32 $0x1, v2;
	_ =	sdelay $0x2  }
0x137: {  	s14 =	sadd.s32 $0x10, s13  }
0x138: {  	[tilespmem:s14+$0xFFFFF000] =	vst v1  }
0x139: {  	v1 =	vld.idx.msk [tilespmem:v3+s4+$0x0], $0xffff  }
0x13a: {  	v2 =	vor.u32 $0x2, v2;
	_ =	sdelay $0x3  }
0x13b: {  	[tilespmem:s14+$0xFFFFF800] =	vst v1  }
0x13c: {  	v1 =	vld.idx.msk [tilespmem:v2+s4+$0x0], $0xffff;
	_ =	sdelay $0x4  }
0x13d: {  	s15 =	rddreg [dreg:$0x9];
	[tilespmem:s14+$0x0] =	vst v1;
	s14 =	simm.s32 $0x0  }
0x13e: {  	[hbm4b:s15+s14] =	stream.linear.scatter [tilespmem:s9], [sflag:$0x3], $0x800, $0x38;
	[tilespmem:$0xE000] =	vst v63  }
0x13f: {  	_ =	swait.ge [sflag:s31], $0x800  }
0x140: {  	s15 =	sld [smem:$0x7E6]  }
0x141: {  	[sflag:s31] =	ssyncset.done $0x0  }
0x142: {  	[sflag:s31] =	ssyncadd.s32 $0xFFFFF800  }
0x143: {  	[hbm4b:s15+s14] =	stream.linear.scatter [tilespmem:s10], [sflag:$0x3], $0x800, $0x38;
	[tilespmem:$0xE000] =	vst v63  }
0x144: {  	_ =	swait.ge [sflag:s31], $0x800  }
0x145: {  	s15 =	sld [smem:$0x7E7]  }
0x146: {  	[sflag:s31] =	ssyncset.done $0x0  }
0x147: {  	s13 =	simm.s32 $0xD800;
	[sflag:s31] =	ssyncadd.s32 $0xFFFFF800  }
0x148: {  	[hbm4b:s15+s14] =	stream.linear.scatter [tilespmem:s13], [sflag:$0x3], $0x800, $0x38;
	[tilespmem:$0xE000] =	vst v63  }
0x149: {  	_ =	swait.ge [sflag:s31], $0x800  }
0x14a: {  	[sflag:s31] =	ssyncset.done $0x0  }
0x14b: {  	s15 =	rddreg [dreg:$0xa];
	[sflag:s31] =	ssyncadd.s32 $0xFFFFF800  }
0x14c: {  	[tilespmem:s14], [sflag:$0x3] =	stream.linear.gather [hbm4b:s15+s14], $0x800, $0x38;
	[tilespmem:$0xE000] =	vst v63  }
0x14d: {  	_ =	swait.ge [sflag:s31], $0x800  }
0x14e: {  	[sflag:s31] =	ssyncset.done $0x0  }
0x14f: {  	[sflag:s31] =	ssyncadd.s32 $0xFFFFF800  }
0x150: {  	[tilespmem:s0], [sflag:$0x1] =	stream.indirect.gather [hbm4b:s6+s0], $0x10, s14, s0, $0xb8;
	[tilespmem:$0xE000] =	vst v63  }
0x151: {  	_ = 	snop  }
0x152: {  	[tilespmem:s4], [sflag:$0x2] =	stream.indirect.gather [hbm4b:s7+s0], $0x8, s14, s0, $0xb8;
	[tilespmem:$0xE000] =	vst v63  }
0x153: {  	_ =	swait.ge [sflag:s5], $0x8000  }
0x154: {  	s15 =	sld [smem:$0x7E8]  }
0x155: {  	[sflag:s5] =	ssyncset.done $0x0  }
0x156: {  	[sflag:s5] =	ssyncadd.s32 $0xFFFF8000  }
0x157: {  	v1 =	vmov s14;
	[hbm4b:s15+s14] =	stream.linear.scatter [tilespmem:s0], [sflag:$0x3], $0x8000, $0x38;
	[tilespmem:$0xE000] =	vst v63  }
0x158: {  	v1 =	vshll.u32 v1, $0x3;
	_ =	swait.ge [sflag:s31], $0x8000  }
0x159: {  	v1 =	vor.u32 v0, v1;
	[sflag:s31] =	ssyncset.done $0x0  }
0x15a: {  	[sflag:s31] =	ssyncadd.s32 $0xFFFF8000  }
0x15b: {  	_ =	swait.ge [sflag:s8], $0x4000  }
0x15c: {  	[sflag:s8] =	ssyncset.done $0x0  }
0x15d: {  	[sflag:s8] =	ssyncadd.s32 $0xFFFFC000  }
0x15e: {  	v2 =	vld.idx.msk [tilespmem:v1+s4+$0x0], $0xffff  }
0x15f: {  	v3 =	vor.u32 $0x1, v1;
	_ =	sdelay $0x3  }
0x160: {  	[tilespmem:s13+$0xFFFFF000] =	vst v2  }
0x161: {  	v2 =	vld.idx.msk [tilespmem:v3+s4+$0x0], $0xffff  }
0x162: {  	v1 =	vor.u32 $0x2, v1;
	_ =	sdelay $0x3  }
0x163: {  	s15 =	simm.s32 $0x10;
	[tilespmem:s13+$0xFFFFF800] =	vst v2  }
0x164: {  	s14 =	simm.s32 $0x20;
	v2 =	vmov s15;
	v1 =	vld.idx.msk [tilespmem:v1+s4+$0x0], $0xffff  }
.LBB2_10:
0x165: {  	p0 =	sne.s32 s14, $0x7F0;
	v2 =	vshll.u32 v2, $0x3  }
0x166: {  	v2 =	vor.u32 v0, v2;
	_ =	sdelay $0x3  }
0x167: {  	[tilespmem:s13+$0x0] =	vst v1  }
0x168: {  	v1 =	vld.idx.msk [tilespmem:v2+s4+$0x0], $0xffff;
	_ =	sdelay $0x1  }
0x169: {  	v3 =	vor.u32 $0x1, v2;
	_ =	sdelay $0x2  }
0x16a: {  	s13 =	sadd.s32 $0x10, s13  }
0x16b: {  	[tilespmem:s13+$0xFFFFF000] =	vst v1  }
0x16c: {  	v1 =	vld.idx.msk [tilespmem:v3+s4+$0x0], $0xffff;
	_ =	sdelay $0x1  }
0x16d: {  	v3 =	vor.u32 $0x2, v2  }
.Ltmp4:
0x16e: {  	(pc) =	sbr.rel @p0 .LBB2_10-.Ltmp4, $3  }
0x16f: {  	_ =	sdelay $0x1  }
0x170: {  	[tilespmem:s13+$0xFFFFF800] =	vst v1  }
0x171: {  	v2 =	vmov s14;
	s14 =	sadd.s32 $0x10, s14;
	v1 =	vld.idx.msk [tilespmem:v3+s4+$0x0], $0xffff  }
0x172: {  	v2 =	vshll.u32 v2, $0x3  }
0x173: {  	v2 =	vor.u32 v0, v2;
	_ =	sdelay $0x3  }
0x174: {  	[tilespmem:s13+$0x0] =	vst v1  }
0x175: {  	v1 =	vld.idx.msk [tilespmem:v2+s4+$0x0], $0xffff  }
0x176: {  	v3 =	vor.u32 $0x1, v2;
	_ =	sdelay $0x2  }
0x177: {  	s14 =	sadd.s32 $0x10, s13  }
0x178: {  	[tilespmem:s14+$0xFFFFF000] =	vst v1  }
0x179: {  	v1 =	vld.idx.msk [tilespmem:v3+s4+$0x0], $0xffff  }
0x17a: {  	v2 =	vor.u32 $0x2, v2;
	_ =	sdelay $0x3  }
0x17b: {  	[tilespmem:s14+$0xFFFFF800] =	vst v1  }
0x17c: {  	v1 =	vld.idx.msk [tilespmem:v2+s4+$0x0], $0xffff;
	_ =	sdelay $0x4  }
0x17d: {  	s15 =	rddreg [dreg:$0xb];
	[tilespmem:s14+$0x0] =	vst v1;
	s14 =	simm.s32 $0x0  }
0x17e: {  	[hbm4b:s15+s14] =	stream.linear.scatter [tilespmem:s9], [sflag:$0x3], $0x800, $0x38;
	[tilespmem:$0xE000] =	vst v63  }
0x17f: {  	_ =	swait.ge [sflag:s31], $0x800  }
0x180: {  	s15 =	sld [smem:$0x7E9]  }
0x181: {  	[sflag:s31] =	ssyncset.done $0x0  }
0x182: {  	[sflag:s31] =	ssyncadd.s32 $0xFFFFF800  }
0x183: {  	[hbm4b:s15+s14] =	stream.linear.scatter [tilespmem:s10], [sflag:$0x3], $0x800, $0x38;
	[tilespmem:$0xE000] =	vst v63  }
0x184: {  	_ =	swait.ge [sflag:s31], $0x800  }
0x185: {  	s15 =	sld [smem:$0x7EA]  }
0x186: {  	[sflag:s31] =	ssyncset.done $0x0  }
0x187: {  	s13 =	simm.s32 $0xD800;
	[sflag:s31] =	ssyncadd.s32 $0xFFFFF800  }
0x188: {  	[hbm4b:s15+s14] =	stream.linear.scatter [tilespmem:s13], [sflag:$0x3], $0x800, $0x38;
	[tilespmem:$0xE000] =	vst v63  }
0x189: {  	_ =	swait.ge [sflag:s31], $0x800  }
0x18a: {  	[sflag:s31] =	ssyncset.done $0x0  }
0x18b: {  	s15 =	rddreg [dreg:$0xc];
	[sflag:s31] =	ssyncadd.s32 $0xFFFFF800  }
0x18c: {  	[tilespmem:s14], [sflag:$0x3] =	stream.linear.gather [hbm4b:s15+s14], $0x800, $0x38;
	[tilespmem:$0xE000] =	vst v63  }
0x18d: {  	_ =	swait.ge [sflag:s31], $0x800  }
0x18e: {  	[sflag:s31] =	ssyncset.done $0x0  }
0x18f: {  	[sflag:s31] =	ssyncadd.s32 $0xFFFFF800  }
0x190: {  	[tilespmem:s0], [sflag:$0x1] =	stream.indirect.gather [hbm4b:s6+s0], $0x10, s14, s0, $0xb8;
	[tilespmem:$0xE000] =	vst v63  }
0x191: {  	_ = 	snop  }
0x192: {  	[tilespmem:s4], [sflag:$0x2] =	stream.indirect.gather [hbm4b:s7+s0], $0x8, s14, s0, $0xb8;
	[tilespmem:$0xE000] =	vst v63  }
0x193: {  	_ =	swait.ge [sflag:s5], $0x8000  }
0x194: {  	s15 =	sld [smem:$0x7EB]  }
0x195: {  	[sflag:s5] =	ssyncset.done $0x0  }
0x196: {  	[sflag:s5] =	ssyncadd.s32 $0xFFFF8000  }
0x197: {  	v1 =	vmov s14;
	[hbm4b:s15+s14] =	stream.linear.scatter [tilespmem:s0], [sflag:$0x3], $0x8000, $0x38;
	[tilespmem:$0xE000] =	vst v63  }
0x198: {  	v1 =	vshll.u32 v1, $0x3;
	_ =	swait.ge [sflag:s31], $0x8000  }
0x199: {  	v1 =	vor.u32 v0, v1;
	[sflag:s31] =	ssyncset.done $0x0  }
0x19a: {  	[sflag:s31] =	ssyncadd.s32 $0xFFFF8000  }
0x19b: {  	_ =	swait.ge [sflag:s8], $0x4000  }
0x19c: {  	[sflag:s8] =	ssyncset.done $0x0  }
0x19d: {  	[sflag:s8] =	ssyncadd.s32 $0xFFFFC000  }
0x19e: {  	v2 =	vld.idx.msk [tilespmem:v1+s4+$0x0], $0xffff  }
0x19f: {  	v3 =	vor.u32 $0x1, v1;
	_ =	sdelay $0x3  }
0x1a0: {  	[tilespmem:s13+$0xFFFFF000] =	vst v2  }
0x1a1: {  	v2 =	vld.idx.msk [tilespmem:v3+s4+$0x0], $0xffff  }
0x1a2: {  	v1 =	vor.u32 $0x2, v1;
	_ =	sdelay $0x3  }
0x1a3: {  	s15 =	simm.s32 $0x10;
	[tilespmem:s13+$0xFFFFF800] =	vst v2  }
0x1a4: {  	s14 =	simm.s32 $0x20;
	v2 =	vmov s15;
	v1 =	vld.idx.msk [tilespmem:v1+s4+$0x0], $0xffff  }
.LBB2_12:
0x1a5: {  	p0 =	sne.s32 s14, $0x7F0;
	v2 =	vshll.u32 v2, $0x3  }
0x1a6: {  	v2 =	vor.u32 v0, v2;
	_ =	sdelay $0x3  }
0x1a7: {  	[tilespmem:s13+$0x0] =	vst v1  }
0x1a8: {  	v1 =	vld.idx.msk [tilespmem:v2+s4+$0x0], $0xffff;
	_ =	sdelay $0x1  }
0x1a9: {  	v3 =	vor.u32 $0x1, v2;
	_ =	sdelay $0x2  }
0x1aa: {  	s13 =	sadd.s32 $0x10, s13  }
0x1ab: {  	[tilespmem:s13+$0xFFFFF000] =	vst v1  }
0x1ac: {  	v1 =	vld.idx.msk [tilespmem:v3+s4+$0x0], $0xffff;
	_ =	sdelay $0x1  }
0x1ad: {  	v3 =	vor.u32 $0x2, v2  }
.Ltmp5:
0x1ae: {  	(pc) =	sbr.rel @p0 .LBB2_12-.Ltmp5, $3  }
0x1af: {  	_ =	sdelay $0x1  }
0x1b0: {  	[tilespmem:s13+$0xFFFFF800] =	vst v1  }
0x1b1: {  	v2 =	vmov s14;
	s14 =	sadd.s32 $0x10, s14;
	v1 =	vld.idx.msk [tilespmem:v3+s4+$0x0], $0xffff  }
0x1b2: {  	v2 =	vshll.u32 v2, $0x3  }
0x1b3: {  	v2 =	vor.u32 v0, v2;
	_ =	sdelay $0x3  }
0x1b4: {  	[tilespmem:s13+$0x0] =	vst v1  }
0x1b5: {  	v1 =	vld.idx.msk [tilespmem:v2+s4+$0x0], $0xffff  }
0x1b6: {  	v3 =	vor.u32 $0x1, v2;
	_ =	sdelay $0x2  }
0x1b7: {  	s14 =	sadd.s32 $0x10, s13  }
0x1b8: {  	[tilespmem:s14+$0xFFFFF000] =	vst v1  }
0x1b9: {  	v1 =	vld.idx.msk [tilespmem:v3+s4+$0x0], $0xffff  }
0x1ba: {  	v2 =	vor.u32 $0x2, v2;
	_ =	sdelay $0x3  }
0x1bb: {  	[tilespmem:s14+$0xFFFFF800] =	vst v1  }
0x1bc: {  	v1 =	vld.idx.msk [tilespmem:v2+s4+$0x0], $0xffff;
	_ =	sdelay $0x4  }
0x1bd: {  	s15 =	rddreg [dreg:$0xd];
	[tilespmem:s14+$0x0] =	vst v1;
	s14 =	simm.s32 $0x0  }
0x1be: {  	[hbm4b:s15+s14] =	stream.linear.scatter [tilespmem:s9], [sflag:$0x3], $0x800, $0x38;
	[tilespmem:$0xE000] =	vst v63  }
0x1bf: {  	_ =	swait.ge [sflag:s31], $0x800  }
0x1c0: {  	s15 =	sld [smem:$0x7EC]  }
0x1c1: {  	[sflag:s31] =	ssyncset.done $0x0  }
0x1c2: {  	[sflag:s31] =	ssyncadd.s32 $0xFFFFF800  }
0x1c3: {  	[hbm4b:s15+s14] =	stream.linear.scatter [tilespmem:s10], [sflag:$0x3], $0x800, $0x38;
	[tilespmem:$0xE000] =	vst v63  }
0x1c4: {  	_ =	swait.ge [sflag:s31], $0x800  }
0x1c5: {  	s15 =	sld [smem:$0x7ED]  }
0x1c6: {  	[sflag:s31] =	ssyncset.done $0x0  }
0x1c7: {  	s13 =	simm.s32 $0xD800;
	[sflag:s31] =	ssyncadd.s32 $0xFFFFF800  }
0x1c8: {  	[hbm4b:s15+s14] =	stream.linear.scatter [tilespmem:s13], [sflag:$0x3], $0x800, $0x38;
	[tilespmem:$0xE000] =	vst v63  }
0x1c9: {  	_ =	swait.ge [sflag:s31], $0x800  }
0x1ca: {  	[sflag:s31] =	ssyncset.done $0x0  }
0x1cb: {  	s15 =	rddreg [dreg:$0xe];
	[sflag:s31] =	ssyncadd.s32 $0xFFFFF800  }
0x1cc: {  	[tilespmem:s14], [sflag:$0x3] =	stream.linear.gather [hbm4b:s15+s14], $0x800, $0x38;
	[tilespmem:$0xE000] =	vst v63  }
0x1cd: {  	_ =	swait.ge [sflag:s31], $0x800  }
0x1ce: {  	[sflag:s31] =	ssyncset.done $0x0  }
0x1cf: {  	[sflag:s31] =	ssyncadd.s32 $0xFFFFF800  }
0x1d0: {  	[tilespmem:s0], [sflag:$0x1] =	stream.indirect.gather [hbm4b:s6+s0], $0x10, s14, s0, $0xb8;
	[tilespmem:$0xE000] =	vst v63  }
0x1d1: {  	_ = 	snop  }
0x1d2: {  	[tilespmem:s4], [sflag:$0x2] =	stream.indirect.gather [hbm4b:s7+s0], $0x8, s14, s0, $0xb8;
	[tilespmem:$0xE000] =	vst v63  }
0x1d3: {  	_ =	swait.ge [sflag:s5], $0x8000  }
0x1d4: {  	s15 =	sld [smem:$0x7EE]  }
0x1d5: {  	[sflag:s5] =	ssyncset.done $0x0  }
0x1d6: {  	[sflag:s5] =	ssyncadd.s32 $0xFFFF8000  }
0x1d7: {  	v1 =	vmov s14;
	[hbm4b:s15+s14] =	stream.linear.scatter [tilespmem:s0], [sflag:$0x3], $0x8000, $0x38;
	[tilespmem:$0xE000] =	vst v63  }
0x1d8: {  	v1 =	vshll.u32 v1, $0x3;
	_ =	swait.ge [sflag:s31], $0x8000  }
0x1d9: {  	v1 =	vor.u32 v0, v1;
	[sflag:s31] =	ssyncset.done $0x0  }
0x1da: {  	[sflag:s31] =	ssyncadd.s32 $0xFFFF8000  }
0x1db: {  	_ =	swait.ge [sflag:s8], $0x4000  }
0x1dc: {  	[sflag:s8] =	ssyncset.done $0x0  }
0x1dd: {  	[sflag:s8] =	ssyncadd.s32 $0xFFFFC000  }
0x1de: {  	v2 =	vld.idx.msk [tilespmem:v1+s4+$0x0], $0xffff  }
0x1df: {  	v3 =	vor.u32 $0x1, v1;
	_ =	sdelay $0x3  }
0x1e0: {  	[tilespmem:s13+$0xFFFFF000] =	vst v2  }
0x1e1: {  	v2 =	vld.idx.msk [tilespmem:v3+s4+$0x0], $0xffff  }
0x1e2: {  	v1 =	vor.u32 $0x2, v1;
	_ =	sdelay $0x3  }
0x1e3: {  	s15 =	simm.s32 $0x10;
	[tilespmem:s13+$0xFFFFF800] =	vst v2  }
0x1e4: {  	s14 =	simm.s32 $0x20;
	v2 =	vmov s15;
	v1 =	vld.idx.msk [tilespmem:v1+s4+$0x0], $0xffff  }
.LBB2_14:
0x1e5: {  	p0 =	sne.s32 s14, $0x7F0;
	v2 =	vshll.u32 v2, $0x3  }
0x1e6: {  	v2 =	vor.u32 v0, v2;
	_ =	sdelay $0x3  }
0x1e7: {  	[tilespmem:s13+$0x0] =	vst v1  }
0x1e8: {  	v1 =	vld.idx.msk [tilespmem:v2+s4+$0x0], $0xffff;
	_ =	sdelay $0x1  }
0x1e9: {  	v3 =	vor.u32 $0x1, v2;
	_ =	sdelay $0x2  }
0x1ea: {  	s13 =	sadd.s32 $0x10, s13  }
0x1eb: {  	[tilespmem:s13+$0xFFFFF000] =	vst v1  }
0x1ec: {  	v1 =	vld.idx.msk [tilespmem:v3+s4+$0x0], $0xffff;
	_ =	sdelay $0x1  }
0x1ed: {  	v3 =	vor.u32 $0x2, v2  }
.Ltmp6:
0x1ee: {  	(pc) =	sbr.rel @p0 .LBB2_14-.Ltmp6, $3  }
0x1ef: {  	_ =	sdelay $0x1  }
0x1f0: {  	[tilespmem:s13+$0xFFFFF800] =	vst v1  }
0x1f1: {  	v2 =	vmov s14;
	s14 =	sadd.s32 $0x10, s14;
	v1 =	vld.idx.msk [tilespmem:v3+s4+$0x0], $0xffff  }
0x1f2: {  	v2 =	vshll.u32 v2, $0x3  }
0x1f3: {  	v2 =	vor.u32 v0, v2;
	_ =	sdelay $0x3  }
0x1f4: {  	[tilespmem:s13+$0x0] =	vst v1  }
0x1f5: {  	v1 =	vld.idx.msk [tilespmem:v2+s4+$0x0], $0xffff  }
0x1f6: {  	v3 =	vor.u32 $0x1, v2;
	_ =	sdelay $0x2  }
0x1f7: {  	s14 =	sadd.s32 $0x10, s13  }
0x1f8: {  	[tilespmem:s14+$0xFFFFF000] =	vst v1  }
0x1f9: {  	v1 =	vld.idx.msk [tilespmem:v3+s4+$0x0], $0xffff  }
0x1fa: {  	v2 =	vor.u32 $0x2, v2;
	_ =	sdelay $0x3  }
0x1fb: {  	[tilespmem:s14+$0xFFFFF800] =	vst v1  }
0x1fc: {  	v1 =	vld.idx.msk [tilespmem:v2+s4+$0x0], $0xffff;
	_ =	sdelay $0x4  }
0x1fd: {  	s15 =	rddreg [dreg:$0xf];
	[tilespmem:s14+$0x0] =	vst v1;
	s14 =	simm.s32 $0x0  }
0x1fe: {  	[hbm4b:s15+s14] =	stream.linear.scatter [tilespmem:s9], [sflag:$0x3], $0x800, $0x38;
	[tilespmem:$0xE000] =	vst v63  }
0x1ff: {  	_ =	swait.ge [sflag:s31], $0x800  }
0x200: {  	s15 =	sld [smem:$0x7EF]  }
0x201: {  	[sflag:s31] =	ssyncset.done $0x0  }
0x202: {  	[sflag:s31] =	ssyncadd.s32 $0xFFFFF800  }
0x203: {  	[hbm4b:s15+s14] =	stream.linear.scatter [tilespmem:s10], [sflag:$0x3], $0x800, $0x38;
	[tilespmem:$0xE000] =	vst v63  }
0x204: {  	_ =	swait.ge [sflag:s31], $0x800  }
0x205: {  	s15 =	sld [smem:$0x7F0]  }
0x206: {  	[sflag:s31] =	ssyncset.done $0x0  }
0x207: {  	s13 =	simm.s32 $0xD800;
	[sflag:s31] =	ssyncadd.s32 $0xFFFFF800  }
0x208: {  	[hbm4b:s15+s14] =	stream.linear.scatter [tilespmem:s13], [sflag:$0x3], $0x800, $0x38;
	[tilespmem:$0xE000] =	vst v63  }
0x209: {  	_ =	swait.ge [sflag:s31], $0x800  }
0x20a: {  	[sflag:s31] =	ssyncset.done $0x0  }
0x20b: {  	s15 =	rddreg [dreg:$0x10];
	[sflag:s31] =	ssyncadd.s32 $0xFFFFF800  }
0x20c: {  	[tilespmem:s14], [sflag:$0x3] =	stream.linear.gather [hbm4b:s15+s14], $0x800, $0x38;
	[tilespmem:$0xE000] =	vst v63  }
0x20d: {  	_ =	swait.ge [sflag:s31], $0x800  }
0x20e: {  	[sflag:s31] =	ssyncset.done $0x0  }
0x20f: {  	[sflag:s31] =	ssyncadd.s32 $0xFFFFF800  }
0x210: {  	[tilespmem:s0], [sflag:$0x1] =	stream.indirect.gather [hbm4b:s6+s0], $0x10, s14, s0, $0xb8;
	[tilespmem:$0xE000] =	vst v63  }
0x211: {  	_ = 	snop  }
0x212: {  	[tilespmem:s4], [sflag:$0x2] =	stream.indirect.gather [hbm4b:s7+s0], $0x8, s14, s0, $0xb8;
	[tilespmem:$0xE000] =	vst v63  }
0x213: {  	_ =	swait.ge [sflag:s5], $0x8000  }
0x214: {  	s15 =	sld [smem:$0x7F1]  }
0x215: {  	[sflag:s5] =	ssyncset.done $0x0  }
0x216: {  	[sflag:s5] =	ssyncadd.s32 $0xFFFF8000  }
0x217: {  	v1 =	vmov s14;
	[hbm4b:s15+s14] =	stream.linear.scatter [tilespmem:s0], [sflag:$0x3], $0x8000, $0x38;
	[tilespmem:$0xE000] =	vst v63  }
0x218: {  	v1 =	vshll.u32 v1, $0x3;
	_ =	swait.ge [sflag:s31], $0x8000  }
0x219: {  	v1 =	vor.u32 v0, v1;
	[sflag:s31] =	ssyncset.done $0x0  }
0x21a: {  	[sflag:s31] =	ssyncadd.s32 $0xFFFF8000  }
0x21b: {  	_ =	swait.ge [sflag:s8], $0x4000  }
0x21c: {  	[sflag:s8] =	ssyncset.done $0x0  }
0x21d: {  	[sflag:s8] =	ssyncadd.s32 $0xFFFFC000  }
0x21e: {  	v2 =	vld.idx.msk [tilespmem:v1+s4+$0x0], $0xffff  }
0x21f: {  	v3 =	vor.u32 $0x1, v1;
	_ =	sdelay $0x3  }
0x220: {  	[tilespmem:s13+$0xFFFFF000] =	vst v2  }
0x221: {  	v2 =	vld.idx.msk [tilespmem:v3+s4+$0x0], $0xffff  }
0x222: {  	v1 =	vor.u32 $0x2, v1;
	_ =	sdelay $0x3  }
0x223: {  	s15 =	simm.s32 $0x10;
	[tilespmem:s13+$0xFFFFF800] =	vst v2  }
0x224: {  	s14 =	simm.s32 $0x20;
	v2 =	vmov s15;
	v1 =	vld.idx.msk [tilespmem:v1+s4+$0x0], $0xffff  }
.LBB2_16:
0x225: {  	p0 =	sne.s32 s14, $0x7F0;
	v2 =	vshll.u32 v2, $0x3  }
0x226: {  	v2 =	vor.u32 v0, v2;
	_ =	sdelay $0x3  }
0x227: {  	[tilespmem:s13+$0x0] =	vst v1  }
0x228: {  	v1 =	vld.idx.msk [tilespmem:v2+s4+$0x0], $0xffff;
	_ =	sdelay $0x1  }
0x229: {  	v3 =	vor.u32 $0x1, v2;
	_ =	sdelay $0x2  }
0x22a: {  	s13 =	sadd.s32 $0x10, s13  }
0x22b: {  	[tilespmem:s13+$0xFFFFF000] =	vst v1  }
0x22c: {  	v1 =	vld.idx.msk [tilespmem:v3+s4+$0x0], $0xffff;
	_ =	sdelay $0x1  }
0x22d: {  	v3 =	vor.u32 $0x2, v2  }
.Ltmp7:
0x22e: {  	(pc) =	sbr.rel @p0 .LBB2_16-.Ltmp7, $3  }
0x22f: {  	_ =	sdelay $0x1  }
0x230: {  	[tilespmem:s13+$0xFFFFF800] =	vst v1  }
0x231: {  	v2 =	vmov s14;
	s14 =	sadd.s32 $0x10, s14;
	v1 =	vld.idx.msk [tilespmem:v3+s4+$0x0], $0xffff  }
0x232: {  	v2 =	vshll.u32 v2, $0x3  }
0x233: {  	v2 =	vor.u32 v0, v2;
	_ =	sdelay $0x3  }
0x234: {  	[tilespmem:s13+$0x0] =	vst v1  }
0x235: {  	v1 =	vld.idx.msk [tilespmem:v2+s4+$0x0], $0xffff  }
0x236: {  	v3 =	vor.u32 $0x1, v2;
	_ =	sdelay $0x2  }
0x237: {  	s14 =	sadd.s32 $0x10, s13  }
0x238: {  	[tilespmem:s14+$0xFFFFF000] =	vst v1  }
0x239: {  	v1 =	vld.idx.msk [tilespmem:v3+s4+$0x0], $0xffff  }
0x23a: {  	v2 =	vor.u32 $0x2, v2;
	_ =	sdelay $0x3  }
0x23b: {  	[tilespmem:s14+$0xFFFFF800] =	vst v1  }
0x23c: {  	v1 =	vld.idx.msk [tilespmem:v2+s4+$0x0], $0xffff;
	_ =	sdelay $0x4  }
0x23d: {  	s15 =	rddreg [dreg:$0x11];
	[tilespmem:s14+$0x0] =	vst v1;
	s14 =	simm.s32 $0x0  }
0x23e: {  	[hbm4b:s15+s14] =	stream.linear.scatter [tilespmem:s9], [sflag:$0x3], $0x800, $0x38;
	[tilespmem:$0xE000] =	vst v63  }
0x23f: {  	_ =	swait.ge [sflag:s31], $0x800  }
0x240: {  	s15 =	sld [smem:$0x7F2]  }
0x241: {  	[sflag:s31] =	ssyncset.done $0x0  }
0x242: {  	[sflag:s31] =	ssyncadd.s32 $0xFFFFF800  }
0x243: {  	[hbm4b:s15+s14] =	stream.linear.scatter [tilespmem:s10], [sflag:$0x3], $0x800, $0x38;
	[tilespmem:$0xE000] =	vst v63  }
0x244: {  	_ =	swait.ge [sflag:s31], $0x800  }
0x245: {  	s15 =	sld [smem:$0x7F3]  }
0x246: {  	[sflag:s31] =	ssyncset.done $0x0  }
0x247: {  	s13 =	simm.s32 $0xD800;
	[sflag:s31] =	ssyncadd.s32 $0xFFFFF800  }
0x248: {  	[hbm4b:s15+s14] =	stream.linear.scatter [tilespmem:s13], [sflag:$0x3], $0x800, $0x38;
	[tilespmem:$0xE000] =	vst v63  }
0x249: {  	_ =	swait.ge [sflag:s31], $0x800  }
0x24a: {  	[sflag:s31] =	ssyncset.done $0x0  }
0x24b: {  	s15 =	rddreg [dreg:$0x12];
	[sflag:s31] =	ssyncadd.s32 $0xFFFFF800  }
0x24c: {  	[tilespmem:s14], [sflag:$0x3] =	stream.linear.gather [hbm4b:s15+s14], $0x800, $0x38;
	[tilespmem:$0xE000] =	vst v63  }
0x24d: {  	_ =	swait.ge [sflag:s31], $0x800  }
0x24e: {  	[sflag:s31] =	ssyncset.done $0x0  }
0x24f: {  	[sflag:s31] =	ssyncadd.s32 $0xFFFFF800  }
0x250: {  	[tilespmem:s0], [sflag:$0x1] =	stream.indirect.gather [hbm4b:s6+s0], $0x10, s14, s0, $0xb8;
	[tilespmem:$0xE000] =	vst v63  }
0x251: {  	_ = 	snop  }
0x252: {  	[tilespmem:s4], [sflag:$0x2] =	stream.indirect.gather [hbm4b:s7+s0], $0x8, s14, s0, $0xb8;
	[tilespmem:$0xE000] =	vst v63  }
0x253: {  	_ =	swait.ge [sflag:s5], $0x8000  }
0x254: {  	s15 =	sld [smem:$0x7F4]  }
0x255: {  	[sflag:s5] =	ssyncset.done $0x0  }
0x256: {  	[sflag:s5] =	ssyncadd.s32 $0xFFFF8000  }
0x257: {  	v1 =	vmov s14;
	[hbm4b:s15+s14] =	stream.linear.scatter [tilespmem:s0], [sflag:$0x3], $0x8000, $0x38;
	[tilespmem:$0xE000] =	vst v63  }
0x258: {  	v1 =	vshll.u32 v1, $0x3;
	_ =	swait.ge [sflag:s31], $0x8000  }
0x259: {  	v1 =	vor.u32 v0, v1;
	[sflag:s31] =	ssyncset.done $0x0  }
0x25a: {  	[sflag:s31] =	ssyncadd.s32 $0xFFFF8000  }
0x25b: {  	_ =	swait.ge [sflag:s8], $0x4000  }
0x25c: {  	[sflag:s8] =	ssyncset.done $0x0  }
0x25d: {  	[sflag:s8] =	ssyncadd.s32 $0xFFFFC000  }
0x25e: {  	v2 =	vld.idx.msk [tilespmem:v1+s4+$0x0], $0xffff  }
0x25f: {  	v3 =	vor.u32 $0x1, v1;
	_ =	sdelay $0x3  }
0x260: {  	[tilespmem:s13+$0xFFFFF000] =	vst v2  }
0x261: {  	v2 =	vld.idx.msk [tilespmem:v3+s4+$0x0], $0xffff  }
0x262: {  	v1 =	vor.u32 $0x2, v1;
	_ =	sdelay $0x3  }
0x263: {  	s15 =	simm.s32 $0x10;
	[tilespmem:s13+$0xFFFFF800] =	vst v2  }
0x264: {  	s14 =	simm.s32 $0x20;
	v2 =	vmov s15;
	v1 =	vld.idx.msk [tilespmem:v1+s4+$0x0], $0xffff  }
.LBB2_18:
0x265: {  	p0 =	sne.s32 s14, $0x7F0;
	v2 =	vshll.u32 v2, $0x3  }
0x266: {  	v2 =	vor.u32 v0, v2;
	_ =	sdelay $0x3  }
0x267: {  	[tilespmem:s13+$0x0] =	vst v1  }
0x268: {  	v1 =	vld.idx.msk [tilespmem:v2+s4+$0x0], $0xffff;
	_ =	sdelay $0x1  }
0x269: {  	v3 =	vor.u32 $0x1, v2;
	_ =	sdelay $0x2  }
0x26a: {  	s13 =	sadd.s32 $0x10, s13  }
0x26b: {  	[tilespmem:s13+$0xFFFFF000] =	vst v1  }
0x26c: {  	v1 =	vld.idx.msk [tilespmem:v3+s4+$0x0], $0xffff;
	_ =	sdelay $0x1  }
0x26d: {  	v3 =	vor.u32 $0x2, v2  }
.Ltmp8:
0x26e: {  	(pc) =	sbr.rel @p0 .LBB2_18-.Ltmp8, $3  }
0x26f: {  	_ =	sdelay $0x1  }
0x270: {  	[tilespmem:s13+$0xFFFFF800] =	vst v1  }
0x271: {  	v2 =	vmov s14;
	s14 =	sadd.s32 $0x10, s14;
	v1 =	vld.idx.msk [tilespmem:v3+s4+$0x0], $0xffff  }
0x272: {  	v2 =	vshll.u32 v2, $0x3  }
0x273: {  	v2 =	vor.u32 v0, v2;
	_ =	sdelay $0x3  }
0x274: {  	[tilespmem:s13+$0x0] =	vst v1  }
0x275: {  	v1 =	vld.idx.msk [tilespmem:v2+s4+$0x0], $0xffff  }
0x276: {  	v3 =	vor.u32 $0x1, v2;
	_ =	sdelay $0x2  }
0x277: {  	s14 =	sadd.s32 $0x10, s13  }
0x278: {  	[tilespmem:s14+$0xFFFFF000] =	vst v1  }
0x279: {  	v1 =	vld.idx.msk [tilespmem:v3+s4+$0x0], $0xffff  }
0x27a: {  	v2 =	vor.u32 $0x2, v2;
	_ =	sdelay $0x3  }
0x27b: {  	[tilespmem:s14+$0xFFFFF800] =	vst v1  }
0x27c: {  	v1 =	vld.idx.msk [tilespmem:v2+s4+$0x0], $0xffff;
	_ =	sdelay $0x4  }
0x27d: {  	s15 =	rddreg [dreg:$0x13];
	[tilespmem:s14+$0x0] =	vst v1;
	s14 =	simm.s32 $0x0  }
0x27e: {  	[hbm4b:s15+s14] =	stream.linear.scatter [tilespmem:s9], [sflag:$0x3], $0x800, $0x38;
	[tilespmem:$0xE000] =	vst v63  }
0x27f: {  	_ =	swait.ge [sflag:s31], $0x800  }
0x280: {  	s15 =	sld [smem:$0x7F5]  }
0x281: {  	[sflag:s31] =	ssyncset.done $0x0  }
0x282: {  	[sflag:s31] =	ssyncadd.s32 $0xFFFFF800  }
0x283: {  	[hbm4b:s15+s14] =	stream.linear.scatter [tilespmem:s10], [sflag:$0x3], $0x800, $0x38;
	[tilespmem:$0xE000] =	vst v63  }
0x284: {  	_ =	swait.ge [sflag:s31], $0x800  }
0x285: {  	s15 =	sld [smem:$0x7F6]  }
0x286: {  	[sflag:s31] =	ssyncset.done $0x0  }
0x287: {  	s13 =	simm.s32 $0xD800;
	[sflag:s31] =	ssyncadd.s32 $0xFFFFF800  }
0x288: {  	[hbm4b:s15+s14] =	stream.linear.scatter [tilespmem:s13], [sflag:$0x3], $0x800, $0x38;
	[tilespmem:$0xE000] =	vst v63  }
0x289: {  	_ =	swait.ge [sflag:s31], $0x800  }
0x28a: {  	[sflag:s31] =	ssyncset.done $0x0  }
0x28b: {  	s15 =	rddreg [dreg:$0x14];
	[sflag:s31] =	ssyncadd.s32 $0xFFFFF800  }
0x28c: {  	[tilespmem:s14], [sflag:$0x3] =	stream.linear.gather [hbm4b:s15+s14], $0x800, $0x38;
	[tilespmem:$0xE000] =	vst v63  }
0x28d: {  	_ =	swait.ge [sflag:s31], $0x800  }
0x28e: {  	[sflag:s31] =	ssyncset.done $0x0  }
0x28f: {  	[sflag:s31] =	ssyncadd.s32 $0xFFFFF800  }
0x290: {  	[tilespmem:s0], [sflag:$0x1] =	stream.indirect.gather [hbm4b:s6+s0], $0x10, s14, s0, $0xb8;
	[tilespmem:$0xE000] =	vst v63  }
0x291: {  	_ = 	snop  }
0x292: {  	[tilespmem:s4], [sflag:$0x2] =	stream.indirect.gather [hbm4b:s7+s0], $0x8, s14, s0, $0xb8;
	[tilespmem:$0xE000] =	vst v63  }
0x293: {  	_ =	swait.ge [sflag:s5], $0x8000  }
0x294: {  	s15 =	sld [smem:$0x7F7]  }
0x295: {  	[sflag:s5] =	ssyncset.done $0x0  }
0x296: {  	[sflag:s5] =	ssyncadd.s32 $0xFFFF8000  }
0x297: {  	v1 =	vmov s14;
	[hbm4b:s15+s14] =	stream.linear.scatter [tilespmem:s0], [sflag:$0x3], $0x8000, $0x38;
	[tilespmem:$0xE000] =	vst v63  }
0x298: {  	v1 =	vshll.u32 v1, $0x3;
	_ =	swait.ge [sflag:s31], $0x8000  }
0x299: {  	v1 =	vor.u32 v0, v1;
	[sflag:s31] =	ssyncset.done $0x0  }
0x29a: {  	[sflag:s31] =	ssyncadd.s32 $0xFFFF8000  }
0x29b: {  	_ =	swait.ge [sflag:s8], $0x4000  }
0x29c: {  	[sflag:s8] =	ssyncset.done $0x0  }
0x29d: {  	[sflag:s8] =	ssyncadd.s32 $0xFFFFC000  }
0x29e: {  	v2 =	vld.idx.msk [tilespmem:v1+s4+$0x0], $0xffff  }
0x29f: {  	v3 =	vor.u32 $0x1, v1;
	_ =	sdelay $0x3  }
0x2a0: {  	[tilespmem:s13+$0xFFFFF000] =	vst v2  }
0x2a1: {  	v2 =	vld.idx.msk [tilespmem:v3+s4+$0x0], $0xffff  }
0x2a2: {  	v1 =	vor.u32 $0x2, v1;
	_ =	sdelay $0x3  }
0x2a3: {  	s15 =	simm.s32 $0x10;
	[tilespmem:s13+$0xFFFFF800] =	vst v2  }
0x2a4: {  	s14 =	simm.s32 $0x20;
	v2 =	vmov s15;
	v1 =	vld.idx.msk [tilespmem:v1+s4+$0x0], $0xffff  }
.LBB2_20:
0x2a5: {  	p0 =	sne.s32 s14, $0x7F0;
	v2 =	vshll.u32 v2, $0x3  }
0x2a6: {  	v2 =	vor.u32 v0, v2;
	_ =	sdelay $0x3  }
0x2a7: {  	[tilespmem:s13+$0x0] =	vst v1  }
0x2a8: {  	v1 =	vld.idx.msk [tilespmem:v2+s4+$0x0], $0xffff;
	_ =	sdelay $0x1  }
0x2a9: {  	v3 =	vor.u32 $0x1, v2;
	_ =	sdelay $0x2  }
0x2aa: {  	s13 =	sadd.s32 $0x10, s13  }
0x2ab: {  	[tilespmem:s13+$0xFFFFF000] =	vst v1  }
0x2ac: {  	v1 =	vld.idx.msk [tilespmem:v3+s4+$0x0], $0xffff;
	_ =	sdelay $0x1  }
0x2ad: {  	v3 =	vor.u32 $0x2, v2  }
.Ltmp9:
0x2ae: {  	(pc) =	sbr.rel @p0 .LBB2_20-.Ltmp9, $3  }
0x2af: {  	_ =	sdelay $0x1  }
0x2b0: {  	[tilespmem:s13+$0xFFFFF800] =	vst v1  }
0x2b1: {  	v2 =	vmov s14;
	s14 =	sadd.s32 $0x10, s14;
	v1 =	vld.idx.msk [tilespmem:v3+s4+$0x0], $0xffff  }
0x2b2: {  	v2 =	vshll.u32 v2, $0x3  }
0x2b3: {  	v2 =	vor.u32 v0, v2;
	_ =	sdelay $0x3  }
0x2b4: {  	[tilespmem:s13+$0x0] =	vst v1  }
0x2b5: {  	v1 =	vld.idx.msk [tilespmem:v2+s4+$0x0], $0xffff  }
0x2b6: {  	v3 =	vor.u32 $0x1, v2;
	_ =	sdelay $0x2  }
0x2b7: {  	s14 =	sadd.s32 $0x10, s13  }
0x2b8: {  	[tilespmem:s14+$0xFFFFF000] =	vst v1  }
0x2b9: {  	v1 =	vld.idx.msk [tilespmem:v3+s4+$0x0], $0xffff  }
0x2ba: {  	v2 =	vor.u32 $0x2, v2;
	_ =	sdelay $0x3  }
0x2bb: {  	[tilespmem:s14+$0xFFFFF800] =	vst v1  }
0x2bc: {  	v1 =	vld.idx.msk [tilespmem:v2+s4+$0x0], $0xffff;
	_ =	sdelay $0x4  }
0x2bd: {  	s15 =	rddreg [dreg:$0x15];
	[tilespmem:s14+$0x0] =	vst v1;
	s14 =	simm.s32 $0x0  }
0x2be: {  	[hbm4b:s15+s14] =	stream.linear.scatter [tilespmem:s9], [sflag:$0x3], $0x800, $0x38;
	[tilespmem:$0xE000] =	vst v63  }
0x2bf: {  	_ =	swait.ge [sflag:s31], $0x800  }
0x2c0: {  	s15 =	sld [smem:$0x7F8]  }
0x2c1: {  	[sflag:s31] =	ssyncset.done $0x0  }
0x2c2: {  	[sflag:s31] =	ssyncadd.s32 $0xFFFFF800  }
0x2c3: {  	[hbm4b:s15+s14] =	stream.linear.scatter [tilespmem:s10], [sflag:$0x3], $0x800, $0x38;
	[tilespmem:$0xE000] =	vst v63  }
0x2c4: {  	_ =	swait.ge [sflag:s31], $0x800  }
0x2c5: {  	s15 =	sld [smem:$0x7F9]  }
0x2c6: {  	[sflag:s31] =	ssyncset.done $0x0  }
0x2c7: {  	s13 =	simm.s32 $0xD800;
	[sflag:s31] =	ssyncadd.s32 $0xFFFFF800  }
0x2c8: {  	[hbm4b:s15+s14] =	stream.linear.scatter [tilespmem:s13], [sflag:$0x3], $0x800, $0x38;
	[tilespmem:$0xE000] =	vst v63  }
0x2c9: {  	_ =	swait.ge [sflag:s31], $0x800  }
0x2ca: {  	[sflag:s31] =	ssyncset.done $0x0  }
0x2cb: {  	s15 =	rddreg [dreg:$0x16];
	[sflag:s31] =	ssyncadd.s32 $0xFFFFF800  }
0x2cc: {  	[tilespmem:s14], [sflag:$0x3] =	stream.linear.gather [hbm4b:s15+s14], $0x800, $0x38;
	[tilespmem:$0xE000] =	vst v63  }
0x2cd: {  	_ =	swait.ge [sflag:s31], $0x800  }
0x2ce: {  	[sflag:s31] =	ssyncset.done $0x0  }
0x2cf: {  	[sflag:s31] =	ssyncadd.s32 $0xFFFFF800  }
0x2d0: {  	[tilespmem:s0], [sflag:$0x1] =	stream.indirect.gather [hbm4b:s6+s0], $0x10, s14, s0, $0xb8;
	[tilespmem:$0xE000] =	vst v63  }
0x2d1: {  	_ = 	snop  }
0x2d2: {  	[tilespmem:s4], [sflag:$0x2] =	stream.indirect.gather [hbm4b:s7+s0], $0x8, s14, s0, $0xb8;
	[tilespmem:$0xE000] =	vst v63  }
0x2d3: {  	_ =	swait.ge [sflag:s5], $0x8000  }
0x2d4: {  	s15 =	sld [smem:$0x7FA]  }
0x2d5: {  	[sflag:s5] =	ssyncset.done $0x0  }
0x2d6: {  	[sflag:s5] =	ssyncadd.s32 $0xFFFF8000  }
0x2d7: {  	v1 =	vmov s14;
	[hbm4b:s15+s14] =	stream.linear.scatter [tilespmem:s0], [sflag:$0x3], $0x8000, $0x38;
	[tilespmem:$0xE000] =	vst v63  }
0x2d8: {  	v1 =	vshll.u32 v1, $0x3;
	_ =	swait.ge [sflag:s31], $0x8000  }
0x2d9: {  	v1 =	vor.u32 v0, v1;
	[sflag:s31] =	ssyncset.done $0x0  }
0x2da: {  	[sflag:s31] =	ssyncadd.s32 $0xFFFF8000  }
0x2db: {  	_ =	swait.ge [sflag:s8], $0x4000  }
0x2dc: {  	[sflag:s8] =	ssyncset.done $0x0  }
0x2dd: {  	[sflag:s8] =	ssyncadd.s32 $0xFFFFC000  }
0x2de: {  	v2 =	vld.idx.msk [tilespmem:v1+s4+$0x0], $0xffff  }
0x2df: {  	v3 =	vor.u32 $0x1, v1;
	_ =	sdelay $0x3  }
0x2e0: {  	[tilespmem:s13+$0xFFFFF000] =	vst v2  }
0x2e1: {  	v2 =	vld.idx.msk [tilespmem:v3+s4+$0x0], $0xffff  }
0x2e2: {  	v1 =	vor.u32 $0x2, v1;
	_ =	sdelay $0x3  }
0x2e3: {  	s15 =	simm.s32 $0x10;
	[tilespmem:s13+$0xFFFFF800] =	vst v2  }
0x2e4: {  	s14 =	simm.s32 $0x20;
	v2 =	vmov s15;
	v1 =	vld.idx.msk [tilespmem:v1+s4+$0x0], $0xffff  }
.LBB2_22:
0x2e5: {  	p0 =	sne.s32 s14, $0x7F0;
	v2 =	vshll.u32 v2, $0x3  }
0x2e6: {  	v2 =	vor.u32 v0, v2;
	_ =	sdelay $0x3  }
0x2e7: {  	[tilespmem:s13+$0x0] =	vst v1  }
0x2e8: {  	v1 =	vld.idx.msk [tilespmem:v2+s4+$0x0], $0xffff;
	_ =	sdelay $0x1  }
0x2e9: {  	v3 =	vor.u32 $0x1, v2;
	_ =	sdelay $0x2  }
0x2ea: {  	s13 =	sadd.s32 $0x10, s13  }
0x2eb: {  	[tilespmem:s13+$0xFFFFF000] =	vst v1  }
0x2ec: {  	v1 =	vld.idx.msk [tilespmem:v3+s4+$0x0], $0xffff;
	_ =	sdelay $0x1  }
0x2ed: {  	v3 =	vor.u32 $0x2, v2  }
.Ltmp10:
0x2ee: {  	(pc) =	sbr.rel @p0 .LBB2_22-.Ltmp10, $3  }
0x2ef: {  	_ =	sdelay $0x1  }
0x2f0: {  	[tilespmem:s13+$0xFFFFF800] =	vst v1  }
0x2f1: {  	v2 =	vmov s14;
	s14 =	sadd.s32 $0x10, s14;
	v1 =	vld.idx.msk [tilespmem:v3+s4+$0x0], $0xffff  }
0x2f2: {  	v2 =	vshll.u32 v2, $0x3  }
0x2f3: {  	v2 =	vor.u32 v0, v2;
	_ =	sdelay $0x3  }
0x2f4: {  	[tilespmem:s13+$0x0] =	vst v1  }
0x2f5: {  	v1 =	vld.idx.msk [tilespmem:v2+s4+$0x0], $0xffff  }
0x2f6: {  	v3 =	vor.u32 $0x1, v2;
	_ =	sdelay $0x2  }
0x2f7: {  	s14 =	sadd.s32 $0x10, s13  }
0x2f8: {  	[tilespmem:s14+$0xFFFFF000] =	vst v1  }
0x2f9: {  	v1 =	vld.idx.msk [tilespmem:v3+s4+$0x0], $0xffff  }
0x2fa: {  	v2 =	vor.u32 $0x2, v2;
	_ =	sdelay $0x3  }
0x2fb: {  	[tilespmem:s14+$0xFFFFF800] =	vst v1  }
0x2fc: {  	v1 =	vld.idx.msk [tilespmem:v2+s4+$0x0], $0xffff;
	_ =	sdelay $0x4  }
0x2fd: {  	s15 =	rddreg [dreg:$0x17];
	[tilespmem:s14+$0x0] =	vst v1;
	s14 =	simm.s32 $0x0  }
0x2fe: {  	[hbm4b:s15+s14] =	stream.linear.scatter [tilespmem:s9], [sflag:$0x3], $0x800, $0x38;
	[tilespmem:$0xE000] =	vst v63  }
0x2ff: {  	_ =	swait.ge [sflag:s31], $0x800  }
0x300: {  	s15 =	sld [smem:$0x7FB]  }
0x301: {  	[sflag:s31] =	ssyncset.done $0x0  }
0x302: {  	[sflag:s31] =	ssyncadd.s32 $0xFFFFF800  }
0x303: {  	[hbm4b:s15+s14] =	stream.linear.scatter [tilespmem:s10], [sflag:$0x3], $0x800, $0x38;
	[tilespmem:$0xE000] =	vst v63  }
0x304: {  	_ =	swait.ge [sflag:s31], $0x800  }
0x305: {  	s15 =	sld [smem:$0x7FC]  }
0x306: {  	[sflag:s31] =	ssyncset.done $0x0  }
0x307: {  	s13 =	simm.s32 $0xD800;
	[sflag:s31] =	ssyncadd.s32 $0xFFFFF800  }
0x308: {  	[hbm4b:s15+s14] =	stream.linear.scatter [tilespmem:s13], [sflag:$0x3], $0x800, $0x38;
	[tilespmem:$0xE000] =	vst v63  }
0x309: {  	_ =	swait.ge [sflag:s31], $0x800  }
0x30a: {  	[sflag:s31] =	ssyncset.done $0x0  }
0x30b: {  	s15 =	rddreg [dreg:$0x18];
	[sflag:s31] =	ssyncadd.s32 $0xFFFFF800  }
0x30c: {  	[tilespmem:s14], [sflag:$0x3] =	stream.linear.gather [hbm4b:s15+s14], $0x800, $0x38;
	[tilespmem:$0xE000] =	vst v63  }
0x30d: {  	_ =	swait.ge [sflag:s31], $0x800  }
0x30e: {  	[sflag:s31] =	ssyncset.done $0x0  }
0x30f: {  	[sflag:s31] =	ssyncadd.s32 $0xFFFFF800  }
0x310: {  	[tilespmem:s0], [sflag:$0x1] =	stream.indirect.gather [hbm4b:s6+s0], $0x10, s14, s0, $0xb8;
	[tilespmem:$0xE000] =	vst v63  }
0x311: {  	_ = 	snop  }
0x312: {  	[tilespmem:s4], [sflag:$0x2] =	stream.indirect.gather [hbm4b:s7+s0], $0x8, s14, s0, $0xb8;
	[tilespmem:$0xE000] =	vst v63  }
0x313: {  	_ =	swait.ge [sflag:s5], $0x8000  }
0x314: {  	s15 =	sld [smem:$0x7FD]  }
0x315: {  	[sflag:s5] =	ssyncset.done $0x0  }
0x316: {  	[sflag:s5] =	ssyncadd.s32 $0xFFFF8000  }
0x317: {  	v1 =	vmov s14;
	[hbm4b:s15+s14] =	stream.linear.scatter [tilespmem:s0], [sflag:$0x3], $0x8000, $0x38;
	[tilespmem:$0xE000] =	vst v63  }
0x318: {  	v1 =	vshll.u32 v1, $0x3;
	_ =	swait.ge [sflag:s31], $0x8000  }
0x319: {  	v1 =	vor.u32 v0, v1;
	[sflag:s31] =	ssyncset.done $0x0  }
0x31a: {  	[sflag:s31] =	ssyncadd.s32 $0xFFFF8000  }
0x31b: {  	_ =	swait.ge [sflag:s8], $0x4000  }
0x31c: {  	[sflag:s8] =	ssyncset.done $0x0  }
0x31d: {  	[sflag:s8] =	ssyncadd.s32 $0xFFFFC000  }
0x31e: {  	v2 =	vld.idx.msk [tilespmem:v1+s4+$0x0], $0xffff  }
0x31f: {  	v3 =	vor.u32 $0x1, v1;
	_ =	sdelay $0x3  }
0x320: {  	[tilespmem:s13+$0xFFFFF000] =	vst v2  }
0x321: {  	v2 =	vld.idx.msk [tilespmem:v3+s4+$0x0], $0xffff  }
0x322: {  	v1 =	vor.u32 $0x2, v1;
	_ =	sdelay $0x3  }
0x323: {  	s15 =	simm.s32 $0x10;
	[tilespmem:s13+$0xFFFFF800] =	vst v2  }
0x324: {  	s14 =	simm.s32 $0x20;
	v2 =	vmov s15;
	v1 =	vld.idx.msk [tilespmem:v1+s4+$0x0], $0xffff  }
.LBB2_24:
0x325: {  	p0 =	sne.s32 s14, $0x7F0;
	v2 =	vshll.u32 v2, $0x3  }
0x326: {  	v2 =	vor.u32 v0, v2;
	_ =	sdelay $0x3  }
0x327: {  	[tilespmem:s13+$0x0] =	vst v1  }
0x328: {  	v1 =	vld.idx.msk [tilespmem:v2+s4+$0x0], $0xffff;
	_ =	sdelay $0x1  }
0x329: {  	v3 =	vor.u32 $0x1, v2;
	_ =	sdelay $0x2  }
0x32a: {  	s13 =	sadd.s32 $0x10, s13  }
0x32b: {  	[tilespmem:s13+$0xFFFFF000] =	vst v1  }
0x32c: {  	v1 =	vld.idx.msk [tilespmem:v3+s4+$0x0], $0xffff;
	_ =	sdelay $0x1  }
0x32d: {  	v3 =	vor.u32 $0x2, v2  }
.Ltmp11:
0x32e: {  	(pc) =	sbr.rel @p0 .LBB2_24-.Ltmp11, $3  }
0x32f: {  	_ =	sdelay $0x1  }
0x330: {  	[tilespmem:s13+$0xFFFFF800] =	vst v1  }
0x331: {  	v2 =	vmov s14;
	s14 =	sadd.s32 $0x10, s14;
	v1 =	vld.idx.msk [tilespmem:v3+s4+$0x0], $0xffff  }
0x332: {  	v2 =	vshll.u32 v2, $0x3  }
0x333: {  	v2 =	vor.u32 v0, v2;
	_ =	sdelay $0x3  }
0x334: {  	[tilespmem:s13+$0x0] =	vst v1  }
0x335: {  	v1 =	vld.idx.msk [tilespmem:v2+s4+$0x0], $0xffff  }
0x336: {  	v3 =	vor.u32 $0x1, v2;
	_ =	sdelay $0x2  }
0x337: {  	s14 =	sadd.s32 $0x10, s13  }
0x338: {  	[tilespmem:s14+$0xFFFFF000] =	vst v1  }
0x339: {  	v1 =	vld.idx.msk [tilespmem:v3+s4+$0x0], $0xffff  }
0x33a: {  	v2 =	vor.u32 $0x2, v2;
	_ =	sdelay $0x3  }
0x33b: {  	[tilespmem:s14+$0xFFFFF800] =	vst v1  }
0x33c: {  	v1 =	vld.idx.msk [tilespmem:v2+s4+$0x0], $0xffff;
	_ =	sdelay $0x4  }
0x33d: {  	s15 =	rddreg [dreg:$0x19];
	[tilespmem:s14+$0x0] =	vst v1;
	s14 =	simm.s32 $0x0  }
0x33e: {  	[hbm4b:s15+s14] =	stream.linear.scatter [tilespmem:s9], [sflag:$0x3], $0x800, $0x38;
	[tilespmem:$0xE000] =	vst v63  }
0x33f: {  	_ =	swait.ge [sflag:s31], $0x800  }
0x340: {  	[sflag:s31] =	ssyncset.done $0x0  }
0x341: {  	[sflag:s31] =	ssyncadd.s32 $0xFFFFF800  }
0x342: {  	[hbm4b:s16+s14] =	stream.linear.scatter [tilespmem:s10], [sflag:$0x3], $0x800, $0x38;
	[tilespmem:$0xE000] =	vst v63  }
0x343: {  	_ =	swait.ge [sflag:s31], $0x800  }
0x344: {  	[sflag:s31] =	ssyncset.done $0x0  }
0x345: {  	s13 =	simm.s32 $0xD800;
	[sflag:s31] =	ssyncadd.s32 $0xFFFFF800  }
0x346: {  	[hbm4b:s17+s14] =	stream.linear.scatter [tilespmem:s13], [sflag:$0x3], $0x800, $0x38;
	[tilespmem:$0xE000] =	vst v63  }
0x347: {  	_ =	swait.ge [sflag:s31], $0x800  }
0x348: {  	[sflag:s31] =	ssyncset.done $0x0  }
0x349: {  	s15 =	rddreg [dreg:$0x1a];
	[sflag:s31] =	ssyncadd.s32 $0xFFFFF800  }
0x34a: {  	[tilespmem:s14], [sflag:$0x3] =	stream.linear.gather [hbm4b:s15+s14], $0x800, $0x38;
	[tilespmem:$0xE000] =	vst v63  }
0x34b: {  	_ =	swait.ge [sflag:s31], $0x800  }
0x34c: {  	[sflag:s31] =	ssyncset.done $0x0  }
0x34d: {  	[sflag:s31] =	ssyncadd.s32 $0xFFFFF800  }
0x34e: {  	[tilespmem:s0], [sflag:$0x1] =	stream.indirect.gather [hbm4b:s6+s0], $0x10, s14, s0, $0xb8;
	[tilespmem:$0xE000] =	vst v63  }
0x34f: {  	_ = 	snop  }
0x350: {  	[tilespmem:s4], [sflag:$0x2] =	stream.indirect.gather [hbm4b:s7+s0], $0x8, s14, s0, $0xb8;
	[tilespmem:$0xE000] =	vst v63  }
0x351: {  	_ =	swait.ge [sflag:s5], $0x8000  }
0x352: {  	[sflag:s5] =	ssyncset.done $0x0  }
0x353: {  	[sflag:s5] =	ssyncadd.s32 $0xFFFF8000  }
0x354: {  	v1 =	vmov s14;
	[hbm4b:s18+s14] =	stream.linear.scatter [tilespmem:s0], [sflag:$0x3], $0x8000, $0x38;
	[tilespmem:$0xE000] =	vst v63  }
0x355: {  	v1 =	vshll.u32 v1, $0x3;
	_ =	swait.ge [sflag:s31], $0x8000  }
0x356: {  	v1 =	vor.u32 v0, v1;
	[sflag:s31] =	ssyncset.done $0x0  }
0x357: {  	[sflag:s31] =	ssyncadd.s32 $0xFFFF8000  }
0x358: {  	_ =	swait.ge [sflag:s8], $0x4000  }
0x359: {  	[sflag:s8] =	ssyncset.done $0x0  }
0x35a: {  	[sflag:s8] =	ssyncadd.s32 $0xFFFFC000  }
0x35b: {  	v2 =	vld.idx.msk [tilespmem:v1+s4+$0x0], $0xffff  }
0x35c: {  	v3 =	vor.u32 $0x1, v1;
	_ =	sdelay $0x3  }
0x35d: {  	[tilespmem:s13+$0xFFFFF000] =	vst v2  }
0x35e: {  	v2 =	vld.idx.msk [tilespmem:v3+s4+$0x0], $0xffff  }
0x35f: {  	v1 =	vor.u32 $0x2, v1;
	_ =	sdelay $0x3  }
0x360: {  	s15 =	simm.s32 $0x10;
	[tilespmem:s13+$0xFFFFF800] =	vst v2  }
0x361: {  	s14 =	simm.s32 $0x20;
	v2 =	vmov s15;
	v1 =	vld.idx.msk [tilespmem:v1+s4+$0x0], $0xffff  }
.LBB2_26:
0x362: {  	p0 =	sne.s32 s14, $0x7F0;
	v2 =	vshll.u32 v2, $0x3  }
0x363: {  	v2 =	vor.u32 v0, v2;
	_ =	sdelay $0x3  }
0x364: {  	[tilespmem:s13+$0x0] =	vst v1  }
0x365: {  	v1 =	vld.idx.msk [tilespmem:v2+s4+$0x0], $0xffff;
	_ =	sdelay $0x1  }
0x366: {  	v3 =	vor.u32 $0x1, v2;
	_ =	sdelay $0x2  }
0x367: {  	s13 =	sadd.s32 $0x10, s13  }
0x368: {  	[tilespmem:s13+$0xFFFFF000] =	vst v1  }
0x369: {  	v1 =	vld.idx.msk [tilespmem:v3+s4+$0x0], $0xffff;
	_ =	sdelay $0x1  }
0x36a: {  	v3 =	vor.u32 $0x2, v2  }
.Ltmp12:
0x36b: {  	(pc) =	sbr.rel @p0 .LBB2_26-.Ltmp12, $3  }
0x36c: {  	_ =	sdelay $0x1  }
0x36d: {  	[tilespmem:s13+$0xFFFFF800] =	vst v1  }
0x36e: {  	v2 =	vmov s14;
	s14 =	sadd.s32 $0x10, s14;
	v1 =	vld.idx.msk [tilespmem:v3+s4+$0x0], $0xffff  }
0x36f: {  	v2 =	vshll.u32 v2, $0x3  }
0x370: {  	v2 =	vor.u32 v0, v2;
	_ =	sdelay $0x3  }
0x371: {  	[tilespmem:s13+$0x0] =	vst v1  }
0x372: {  	v1 =	vld.idx.msk [tilespmem:v2+s4+$0x0], $0xffff  }
0x373: {  	v3 =	vor.u32 $0x1, v2;
	_ =	sdelay $0x2  }
0x374: {  	s14 =	sadd.s32 $0x10, s13  }
0x375: {  	[tilespmem:s14+$0xFFFFF000] =	vst v1  }
0x376: {  	v1 =	vld.idx.msk [tilespmem:v3+s4+$0x0], $0xffff  }
0x377: {  	v2 =	vor.u32 $0x2, v2;
	_ =	sdelay $0x3  }
0x378: {  	[tilespmem:s14+$0xFFFFF800] =	vst v1  }
0x379: {  	v1 =	vld.idx.msk [tilespmem:v2+s4+$0x0], $0xffff;
	_ =	sdelay $0x4  }
0x37a: {  	s15 =	rddreg [dreg:$0x1b];
	[tilespmem:s14+$0x0] =	vst v1;
	s14 =	simm.s32 $0x0  }
0x37b: {  	[hbm4b:s15+s14] =	stream.linear.scatter [tilespmem:s9], [sflag:$0x3], $0x800, $0x38;
	[tilespmem:$0xE000] =	vst v63  }
0x37c: {  	_ =	swait.ge [sflag:s31], $0x800  }
0x37d: {  	[sflag:s31] =	ssyncset.done $0x0  }
0x37e: {  	[sflag:s31] =	ssyncadd.s32 $0xFFFFF800  }
0x37f: {  	[hbm4b:s19+s14] =	stream.linear.scatter [tilespmem:s10], [sflag:$0x3], $0x800, $0x38;
	[tilespmem:$0xE000] =	vst v63  }
0x380: {  	_ =	swait.ge [sflag:s31], $0x800  }
0x381: {  	[sflag:s31] =	ssyncset.done $0x0  }
0x382: {  	s13 =	simm.s32 $0xD800;
	[sflag:s31] =	ssyncadd.s32 $0xFFFFF800  }
0x383: {  	[hbm4b:s20+s14] =	stream.linear.scatter [tilespmem:s13], [sflag:$0x3], $0x800, $0x38;
	[tilespmem:$0xE000] =	vst v63  }
0x384: {  	_ =	swait.ge [sflag:s31], $0x800  }
0x385: {  	[sflag:s31] =	ssyncset.done $0x0  }
0x386: {  	s15 =	rddreg [dreg:$0x1c];
	[sflag:s31] =	ssyncadd.s32 $0xFFFFF800  }
0x387: {  	[tilespmem:s14], [sflag:$0x3] =	stream.linear.gather [hbm4b:s15+s14], $0x800, $0x38;
	[tilespmem:$0xE000] =	vst v63  }
0x388: {  	_ =	swait.ge [sflag:s31], $0x800  }
0x389: {  	[sflag:s31] =	ssyncset.done $0x0  }
0x38a: {  	[sflag:s31] =	ssyncadd.s32 $0xFFFFF800  }
0x38b: {  	[tilespmem:s0], [sflag:$0x1] =	stream.indirect.gather [hbm4b:s6+s0], $0x10, s14, s0, $0xb8;
	[tilespmem:$0xE000] =	vst v63  }
0x38c: {  	_ = 	snop  }
0x38d: {  	[tilespmem:s4], [sflag:$0x2] =	stream.indirect.gather [hbm4b:s7+s0], $0x8, s14, s0, $0xb8;
	[tilespmem:$0xE000] =	vst v63  }
0x38e: {  	_ =	swait.ge [sflag:s5], $0x8000  }
0x38f: {  	[sflag:s5] =	ssyncset.done $0x0  }
0x390: {  	[sflag:s5] =	ssyncadd.s32 $0xFFFF8000  }
0x391: {  	v1 =	vmov s14;
	[hbm4b:s21+s14] =	stream.linear.scatter [tilespmem:s0], [sflag:$0x3], $0x8000, $0x38;
	[tilespmem:$0xE000] =	vst v63  }
0x392: {  	v1 =	vshll.u32 v1, $0x3;
	_ =	swait.ge [sflag:s31], $0x8000  }
0x393: {  	v1 =	vor.u32 v0, v1;
	[sflag:s31] =	ssyncset.done $0x0  }
0x394: {  	[sflag:s31] =	ssyncadd.s32 $0xFFFF8000  }
0x395: {  	_ =	swait.ge [sflag:s8], $0x4000  }
0x396: {  	[sflag:s8] =	ssyncset.done $0x0  }
0x397: {  	[sflag:s8] =	ssyncadd.s32 $0xFFFFC000  }
0x398: {  	v2 =	vld.idx.msk [tilespmem:v1+s4+$0x0], $0xffff  }
0x399: {  	v3 =	vor.u32 $0x1, v1;
	_ =	sdelay $0x3  }
0x39a: {  	[tilespmem:s13+$0xFFFFF000] =	vst v2  }
0x39b: {  	v2 =	vld.idx.msk [tilespmem:v3+s4+$0x0], $0xffff  }
0x39c: {  	v1 =	vor.u32 $0x2, v1;
	_ =	sdelay $0x3  }
0x39d: {  	s15 =	simm.s32 $0x10;
	[tilespmem:s13+$0xFFFFF800] =	vst v2  }
0x39e: {  	s14 =	simm.s32 $0x20;
	v2 =	vmov s15;
	v1 =	vld.idx.msk [tilespmem:v1+s4+$0x0], $0xffff  }
.LBB2_28:
0x39f: {  	p0 =	sne.s32 s14, $0x7F0;
	v2 =	vshll.u32 v2, $0x3  }
0x3a0: {  	v2 =	vor.u32 v0, v2;
	_ =	sdelay $0x3  }
0x3a1: {  	[tilespmem:s13+$0x0] =	vst v1  }
0x3a2: {  	v1 =	vld.idx.msk [tilespmem:v2+s4+$0x0], $0xffff;
	_ =	sdelay $0x1  }
0x3a3: {  	v3 =	vor.u32 $0x1, v2;
	_ =	sdelay $0x2  }
0x3a4: {  	s13 =	sadd.s32 $0x10, s13  }
0x3a5: {  	[tilespmem:s13+$0xFFFFF000] =	vst v1  }
0x3a6: {  	v1 =	vld.idx.msk [tilespmem:v3+s4+$0x0], $0xffff;
	_ =	sdelay $0x1  }
0x3a7: {  	v3 =	vor.u32 $0x2, v2  }
.Ltmp13:
0x3a8: {  	(pc) =	sbr.rel @p0 .LBB2_28-.Ltmp13, $3  }
0x3a9: {  	_ =	sdelay $0x1  }
0x3aa: {  	[tilespmem:s13+$0xFFFFF800] =	vst v1  }
0x3ab: {  	v2 =	vmov s14;
	s14 =	sadd.s32 $0x10, s14;
	v1 =	vld.idx.msk [tilespmem:v3+s4+$0x0], $0xffff  }
0x3ac: {  	v2 =	vshll.u32 v2, $0x3  }
0x3ad: {  	v2 =	vor.u32 v0, v2;
	_ =	sdelay $0x3  }
0x3ae: {  	[tilespmem:s13+$0x0] =	vst v1  }
0x3af: {  	v1 =	vld.idx.msk [tilespmem:v2+s4+$0x0], $0xffff  }
0x3b0: {  	v3 =	vor.u32 $0x1, v2;
	_ =	sdelay $0x2  }
0x3b1: {  	s14 =	sadd.s32 $0x10, s13  }
0x3b2: {  	[tilespmem:s14+$0xFFFFF000] =	vst v1  }
0x3b3: {  	v1 =	vld.idx.msk [tilespmem:v3+s4+$0x0], $0xffff  }
0x3b4: {  	v2 =	vor.u32 $0x2, v2;
	_ =	sdelay $0x3  }
0x3b5: {  	[tilespmem:s14+$0xFFFFF800] =	vst v1  }
0x3b6: {  	v1 =	vld.idx.msk [tilespmem:v2+s4+$0x0], $0xffff;
	_ =	sdelay $0x4  }
0x3b7: {  	s15 =	rddreg [dreg:$0x1d];
	[tilespmem:s14+$0x0] =	vst v1;
	s14 =	simm.s32 $0x0  }
0x3b8: {  	[hbm4b:s15+s14] =	stream.linear.scatter [tilespmem:s9], [sflag:$0x3], $0x800, $0x38;
	[tilespmem:$0xE000] =	vst v63  }
0x3b9: {  	_ =	swait.ge [sflag:s31], $0x800  }
0x3ba: {  	[sflag:s31] =	ssyncset.done $0x0  }
0x3bb: {  	[sflag:s31] =	ssyncadd.s32 $0xFFFFF800  }
0x3bc: {  	[hbm4b:s22+s14] =	stream.linear.scatter [tilespmem:s10], [sflag:$0x3], $0x800, $0x38;
	[tilespmem:$0xE000] =	vst v63  }
0x3bd: {  	_ =	swait.ge [sflag:s31], $0x800  }
0x3be: {  	[sflag:s31] =	ssyncset.done $0x0  }
0x3bf: {  	s13 =	simm.s32 $0xD800;
	[sflag:s31] =	ssyncadd.s32 $0xFFFFF800  }
0x3c0: {  	[hbm4b:s23+s14] =	stream.linear.scatter [tilespmem:s13], [sflag:$0x3], $0x800, $0x38;
	[tilespmem:$0xE000] =	vst v63  }
0x3c1: {  	_ =	swait.ge [sflag:s31], $0x800  }
0x3c2: {  	[sflag:s31] =	ssyncset.done $0x0  }
0x3c3: {  	s15 =	rddreg [dreg:$0x1e];
	[sflag:s31] =	ssyncadd.s32 $0xFFFFF800  }
0x3c4: {  	[tilespmem:s14], [sflag:$0x3] =	stream.linear.gather [hbm4b:s15+s14], $0x800, $0x38;
	[tilespmem:$0xE000] =	vst v63  }
0x3c5: {  	_ =	swait.ge [sflag:s31], $0x800  }
0x3c6: {  	[sflag:s31] =	ssyncset.done $0x0  }
0x3c7: {  	[sflag:s31] =	ssyncadd.s32 $0xFFFFF800  }
0x3c8: {  	[tilespmem:s0], [sflag:$0x1] =	stream.indirect.gather [hbm4b:s6+s0], $0x10, s14, s0, $0xb8;
	[tilespmem:$0xE000] =	vst v63  }
0x3c9: {  	_ = 	snop  }
0x3ca: {  	[tilespmem:s4], [sflag:$0x2] =	stream.indirect.gather [hbm4b:s7+s0], $0x8, s14, s0, $0xb8;
	[tilespmem:$0xE000] =	vst v63  }
0x3cb: {  	_ =	swait.ge [sflag:s5], $0x8000  }
0x3cc: {  	[sflag:s5] =	ssyncset.done $0x0  }
0x3cd: {  	[sflag:s5] =	ssyncadd.s32 $0xFFFF8000  }
0x3ce: {  	v1 =	vmov s14;
	[hbm4b:s24+s14] =	stream.linear.scatter [tilespmem:s0], [sflag:$0x3], $0x8000, $0x38;
	[tilespmem:$0xE000] =	vst v63  }
0x3cf: {  	v1 =	vshll.u32 v1, $0x3;
	_ =	swait.ge [sflag:s31], $0x8000  }
0x3d0: {  	v1 =	vor.u32 v0, v1;
	[sflag:s31] =	ssyncset.done $0x0  }
0x3d1: {  	[sflag:s31] =	ssyncadd.s32 $0xFFFF8000  }
0x3d2: {  	_ =	swait.ge [sflag:s8], $0x4000  }
0x3d3: {  	[sflag:s8] =	ssyncset.done $0x0  }
0x3d4: {  	[sflag:s8] =	ssyncadd.s32 $0xFFFFC000  }
0x3d5: {  	v2 =	vld.idx.msk [tilespmem:v1+s4+$0x0], $0xffff  }
0x3d6: {  	v3 =	vor.u32 $0x1, v1;
	_ =	sdelay $0x3  }
0x3d7: {  	[tilespmem:s13+$0xFFFFF000] =	vst v2  }
0x3d8: {  	v2 =	vld.idx.msk [tilespmem:v3+s4+$0x0], $0xffff  }
0x3d9: {  	v1 =	vor.u32 $0x2, v1;
	_ =	sdelay $0x3  }
0x3da: {  	s15 =	simm.s32 $0x10;
	[tilespmem:s13+$0xFFFFF800] =	vst v2  }
0x3db: {  	s14 =	simm.s32 $0x20;
	v2 =	vmov s15;
	v1 =	vld.idx.msk [tilespmem:v1+s4+$0x0], $0xffff  }
.LBB2_30:
0x3dc: {  	p0 =	sne.s32 s14, $0x7F0;
	v2 =	vshll.u32 v2, $0x3  }
0x3dd: {  	v2 =	vor.u32 v0, v2;
	_ =	sdelay $0x3  }
0x3de: {  	[tilespmem:s13+$0x0] =	vst v1  }
0x3df: {  	v1 =	vld.idx.msk [tilespmem:v2+s4+$0x0], $0xffff;
	_ =	sdelay $0x1  }
0x3e0: {  	v3 =	vor.u32 $0x1, v2;
	_ =	sdelay $0x2  }
0x3e1: {  	s13 =	sadd.s32 $0x10, s13  }
0x3e2: {  	[tilespmem:s13+$0xFFFFF000] =	vst v1  }
0x3e3: {  	v1 =	vld.idx.msk [tilespmem:v3+s4+$0x0], $0xffff;
	_ =	sdelay $0x1  }
0x3e4: {  	v3 =	vor.u32 $0x2, v2  }
.Ltmp14:
0x3e5: {  	(pc) =	sbr.rel @p0 .LBB2_30-.Ltmp14, $3  }
0x3e6: {  	_ =	sdelay $0x1  }
0x3e7: {  	[tilespmem:s13+$0xFFFFF800] =	vst v1  }
0x3e8: {  	v2 =	vmov s14;
	s14 =	sadd.s32 $0x10, s14;
	v1 =	vld.idx.msk [tilespmem:v3+s4+$0x0], $0xffff  }
0x3e9: {  	v2 =	vshll.u32 v2, $0x3  }
0x3ea: {  	v2 =	vor.u32 v0, v2;
	_ =	sdelay $0x3  }
0x3eb: {  	[tilespmem:s13+$0x0] =	vst v1  }
0x3ec: {  	v1 =	vld.idx.msk [tilespmem:v2+s4+$0x0], $0xffff  }
0x3ed: {  	v3 =	vor.u32 $0x1, v2;
	_ =	sdelay $0x2  }
0x3ee: {  	s14 =	sadd.s32 $0x10, s13  }
0x3ef: {  	[tilespmem:s14+$0xFFFFF000] =	vst v1  }
0x3f0: {  	v1 =	vld.idx.msk [tilespmem:v3+s4+$0x0], $0xffff  }
0x3f1: {  	v2 =	vor.u32 $0x2, v2;
	_ =	sdelay $0x3  }
0x3f2: {  	[tilespmem:s14+$0xFFFFF800] =	vst v1  }
0x3f3: {  	v1 =	vld.idx.msk [tilespmem:v2+s4+$0x0], $0xffff;
	_ =	sdelay $0x4  }
0x3f4: {  	s15 =	rddreg [dreg:$0x1f];
	[tilespmem:s14+$0x0] =	vst v1;
	s14 =	simm.s32 $0x0  }
0x3f5: {  	[hbm4b:s15+s14] =	stream.linear.scatter [tilespmem:s9], [sflag:$0x3], $0x800, $0x38;
	[tilespmem:$0xE000] =	vst v63  }
0x3f6: {  	_ =	swait.ge [sflag:s31], $0x800  }
0x3f7: {  	[sflag:s31] =	ssyncset.done $0x0  }
0x3f8: {  	[sflag:s31] =	ssyncadd.s32 $0xFFFFF800  }
0x3f9: {  	[hbm4b:s25+s14] =	stream.linear.scatter [tilespmem:s10], [sflag:$0x3], $0x800, $0x38;
	[tilespmem:$0xE000] =	vst v63  }
0x3fa: {  	_ =	swait.ge [sflag:s31], $0x800  }
0x3fb: {  	[sflag:s31] =	ssyncset.done $0x0  }
0x3fc: {  	s13 =	simm.s32 $0xD800;
	[sflag:s31] =	ssyncadd.s32 $0xFFFFF800  }
0x3fd: {  	[hbm4b:s26+s14] =	stream.linear.scatter [tilespmem:s13], [sflag:$0x3], $0x800, $0x38;
	[tilespmem:$0xE000] =	vst v63  }
0x3fe: {  	_ =	swait.ge [sflag:s31], $0x800  }
0x3ff: {  	s15 =	sld [smem:$0x7DA]  }
0x400: {  	[sflag:s31] =	ssyncset.done $0x0  }
0x401: {  	[sflag:s31] =	ssyncadd.s32 $0xFFFFF800  }
0x402: {  	[tilespmem:s14], [sflag:$0x3] =	stream.linear.gather [hbm4b:s15+s14], $0x800, $0x38;
	[tilespmem:$0xE000] =	vst v63  }
0x403: {  	_ =	swait.ge [sflag:s31], $0x800  }
0x404: {  	[sflag:s31] =	ssyncset.done $0x0  }
0x405: {  	[sflag:s31] =	ssyncadd.s32 $0xFFFFF800  }
0x406: {  	[tilespmem:s0], [sflag:$0x1] =	stream.indirect.gather [hbm4b:s6+s0], $0x10, s14, s0, $0xb8;
	[tilespmem:$0xE000] =	vst v63  }
0x407: {  	_ = 	snop  }
0x408: {  	[tilespmem:s4], [sflag:$0x2] =	stream.indirect.gather [hbm4b:s7+s0], $0x8, s14, s0, $0xb8;
	[tilespmem:$0xE000] =	vst v63  }
0x409: {  	_ =	swait.ge [sflag:s5], $0x8000  }
0x40a: {  	[sflag:s5] =	ssyncset.done $0x0  }
0x40b: {  	[sflag:s5] =	ssyncadd.s32 $0xFFFF8000  }
0x40c: {  	v1 =	vmov s14;
	[hbm4b:s28+s14] =	stream.linear.scatter [tilespmem:s0], [sflag:$0x3], $0x8000, $0x38;
	[tilespmem:$0xE000] =	vst v63  }
0x40d: {  	v1 =	vshll.u32 v1, $0x3;
	_ =	swait.ge [sflag:s31], $0x8000  }
0x40e: {  	v1 =	vor.u32 v0, v1;
	[sflag:s31] =	ssyncset.done $0x0  }
0x40f: {  	[sflag:s31] =	ssyncadd.s32 $0xFFFF8000  }
0x410: {  	_ =	swait.ge [sflag:s8], $0x4000  }
0x411: {  	[sflag:s8] =	ssyncset.done $0x0  }
0x412: {  	[sflag:s8] =	ssyncadd.s32 $0xFFFFC000  }
0x413: {  	v2 =	vld.idx.msk [tilespmem:v1+s4+$0x0], $0xffff  }
0x414: {  	v3 =	vor.u32 $0x1, v1;
	_ =	sdelay $0x3  }
0x415: {  	[tilespmem:s13+$0xFFFFF000] =	vst v2  }
0x416: {  	v2 =	vld.idx.msk [tilespmem:v3+s4+$0x0], $0xffff  }
0x417: {  	v1 =	vor.u32 $0x2, v1;
	_ =	sdelay $0x3  }
0x418: {  	s15 =	simm.s32 $0x10;
	[tilespmem:s13+$0xFFFFF800] =	vst v2  }
0x419: {  	s14 =	simm.s32 $0x20;
	v2 =	vmov s15;
	v1 =	vld.idx.msk [tilespmem:v1+s4+$0x0], $0xffff  }
.LBB2_32:
0x41a: {  	p0 =	sne.s32 s14, $0x7F0;
	v2 =	vshll.u32 v2, $0x3  }
0x41b: {  	v2 =	vor.u32 v0, v2;
	_ =	sdelay $0x3  }
0x41c: {  	[tilespmem:s13+$0x0] =	vst v1  }
0x41d: {  	v1 =	vld.idx.msk [tilespmem:v2+s4+$0x0], $0xffff;
	_ =	sdelay $0x1  }
0x41e: {  	v3 =	vor.u32 $0x1, v2;
	_ =	sdelay $0x2  }
0x41f: {  	s13 =	sadd.s32 $0x10, s13  }
0x420: {  	[tilespmem:s13+$0xFFFFF000] =	vst v1  }
0x421: {  	v1 =	vld.idx.msk [tilespmem:v3+s4+$0x0], $0xffff;
	_ =	sdelay $0x1  }
0x422: {  	v3 =	vor.u32 $0x2, v2  }
.Ltmp15:
0x423: {  	(pc) =	sbr.rel @p0 .LBB2_32-.Ltmp15, $3  }
0x424: {  	_ =	sdelay $0x1  }
0x425: {  	[tilespmem:s13+$0xFFFFF800] =	vst v1  }
0x426: {  	v2 =	vmov s14;
	s14 =	sadd.s32 $0x10, s14;
	v1 =	vld.idx.msk [tilespmem:v3+s4+$0x0], $0xffff  }
0x427: {  	v2 =	vshll.u32 v2, $0x3  }
0x428: {  	v2 =	vor.u32 v0, v2;
	_ =	sdelay $0x3  }
0x429: {  	[tilespmem:s13+$0x0] =	vst v1  }
0x42a: {  	v1 =	vld.idx.msk [tilespmem:v2+s4+$0x0], $0xffff  }
0x42b: {  	v3 =	vor.u32 $0x1, v2;
	_ =	sdelay $0x2  }
0x42c: {  	s15 =	sadd.s32 $0x10, s13  }
0x42d: {  	[tilespmem:s15+$0xFFFFF000] =	vst v1  }
0x42e: {  	v1 =	vld.idx.msk [tilespmem:v3+s4+$0x0], $0xffff  }
0x42f: {  	v2 =	vor.u32 $0x2, v2;
	_ =	sdelay $0x3  }
0x430: {  	[tilespmem:s15+$0xFFFFF800] =	vst v1  }
0x431: {  	v1 =	vld.idx.msk [tilespmem:v2+s4+$0x0], $0xffff;
	_ =	sdelay $0x2  }
0x432: {  	s14 =	sld [smem:$0x7DB];
	_ =	sdelay $0x1  }
0x433: {  	[tilespmem:s15+$0x0] =	vst v1  }
0x434: {  	[hbm4b:s14+s1] =	stream.linear.scatter [tilespmem:s9], [sflag:$0x3], $0x800, $0x38;
	[tilespmem:$0xE000] =	vst v63  }
0x435: {  	_ =	swait.ge [sflag:s31], $0x800  }
0x436: {  	[sflag:s31] =	ssyncset.done $0x0  }
0x437: {  	[sflag:s31] =	ssyncadd.s32 $0xFFFFF800  }
0x438: {  	[hbm4b:s29+s1] =	stream.linear.scatter [tilespmem:s10], [sflag:$0x3], $0x800, $0x38;
	[tilespmem:$0xE000] =	vst v63  }
0x439: {  	_ =	swait.ge [sflag:s31], $0x800  }
0x43a: {  	[sflag:s31] =	ssyncset.done $0x0  }
0x43b: {  	[sflag:s31] =	ssyncadd.s32 $0xFFFFF800  }
0x43c: {  	[hbm4b:s30+s1] =	stream.linear.scatter [tilespmem:s11], [sflag:$0x3], $0x800, $0x38;
	[tilespmem:$0xE000] =	vst v63  }
0x43d: {  	_ =	swait.ge [sflag:s31], $0x800  }
0x43e: {  	s15 =	sld [smem:$0x7DC];
	_ =	sdelay $0x1  }
0x43f: {  	s12 =	sadd.s32 $0x1, s12  }
0x440: {  	p0 =	sne.s32 s12, s15  }
.Ltmp16:
0x441: {  	_ = 	snop;
	(pc) =	sbr.rel @p0 .LBB2_1-.Ltmp16, $3  }
0x442: {  	_ =	sdelay $0x1  }
0x443: {  	[sflag:s31] =	ssyncset.done $0x0  }
0x444: {  	[sflag:s31] =	ssyncadd.s32 $0xFFFFF800  }
0x445: {  	_ =	sfence.sel $0x180000  }
0x446: {  	[bflag:$0x0] =	sbarrier.arrive $0xFFFF  }
0x447: {  	_ =	strace $0x90000047  }
0x448: {  	s0 =	stileid.u32;
	[bflag:$0x2] =	sbarrier.arrive $0xFFFF  }
0x449: {  	p0 =	sne.s32 s0, $0x0;
	s0 =	rddreg [dreg:$0x3]  }
0x44a: {  	s0 =	sadd.s32 @!p0 $0x100000, s0  }
0x44b: {  	[sflag:s0] =	ssyncadd.tile.s32 @!p0 $0x1;
	_ =	shalt  }
.Lfunc_end2:
_tile_overlayer_lowered:
.L_overlay_start_2:
0x44c: {  	(tag) =	ssettag $0x2  }
0x44d: {  	s0 =	rddreg [dreg:$0x0];
	s2 =	stileid.u32  }
0x44e: {  	s1 =	rddreg [dreg:$0x1];
	p0 =	sne.s32 s2, $0x0  }
0x44f: {  	s3 =	rddreg [dreg:$0x2];
	[bflag:$0x3] =	sbarrier.arrive $0xFFFF;
	s2 =	simm.s32 @!p0 $0x1C03  }
0x450: {  	[timem:s3], [sflag:s2] =	dma.local @!p0 [hbm:s0], s1  }
0x451: {  	s0 =	simm.s32 @!p0 $0x3  }
0x452: {  	_ =	swait.ge @!p0 [sflag:s0], s1  }
0x453: {  	s1 =	ssub.s32 @!p0 $0x0, s1;
	[sflag:s0] =	ssyncset.done @!p0 $0x0  }
0x454: {  	[sflag:s0] =	ssyncadd.s32 @!p0 s1  }
0x455: {  	[bflag:$0x3] =	sbarrier.arrive $0xFFFF  }
0x456: {  	_ =	shalt  }

</sc_bundles>
